<compile_context>
chip_gen: v7x
topology: tpu7x:2x2x1
jax: 0.10.2.dev20260603
libtpu: 0.0.44.dev20260713+nightly
codegen_flags: <defaults>
</compile_context>

<pallas_src>
import jax
import jax.numpy as jnp
import numpy as np
from jax import lax
from jax.experimental import pallas as pl
from jax.experimental.pallas import tpu as pltpu
from jax.experimental.pallas import tpu_sc as plsc

_M = 32
_N = 2
_SUBSET = 8
_B = 128
_D = 528
_L = 45

_NC, _NS = 2, 16
_NW = _NC * _NS
_NRC = 4
_NBC = 8
_RPC = _D // _NRC
_ACC = _L * 16


def _fock_states(m, n):
    if n == 0:
        yield (0,) * m
        return
    if m == 1:
        yield (n,)
        return
    for i in range(n + 1):
        for s in _fock_states(m - 1, n - i):
            yield (i,) + s


def _build_binmap():
    all_states = list(_fock_states(_M, _N))
    reduced = []
    for i in range(max(0, _SUBSET - _M + _N), _N + 1):
        reduced += list(_fock_states(_SUBSET, i))
    return [reduced.index(s[:_SUBSET]) for s in all_states]


_BINMAP = _build_binmap()

_CHUNK_BASES = [16 * k for k in range(8)] + [116]

_GROUPS = []
for _c in range(_NRC):
    g = {}
    for _r in range(_RPC):
        _p = _r if _r < 128 else _r + 12
        g.setdefault(_BINMAP[_c * _RPC + _r], []).append(_p)
    _GROUPS.append(g)


def _sc_body(diag_hbm, out_hbm, vals_v, stage_v, sem):
    wid = lax.axis_index("s") * _NC + lax.axis_index("c")
    rc = wid // _NBC
    bc = wid - rc * _NBC
    boff = pl.multiple_of(bc * 16, 16)

    lane = lax.iota(jnp.int32, 16)
    base = rc * ((_D + 1) * _RPC)
    copies = []
    for k, cb in enumerate(_CHUNK_BASES):
        idx = base + ((_D + 1) * cb + (_D + 1) * lane)
        copies.append(
            pltpu.async_copy(diag_hbm.at[idx],
                             vals_v.at[pl.ds(16 * k, 16)], sem))
    for cp in copies:
        cp.wait()

    zeros = jnp.zeros((16,), jnp.float32)
    for c in range(_NRC):
        @pl.when(rc == c)
        def _(c=c):
            for b in range(_L):
                rows = _GROUPS[c].get(b)
                if rows is None:
                    stage_v[pl.ds(b * 16, 16)] = zeros
                    continue
                accs = []
                for j, p in enumerate(rows):
                    v = jnp.abs(vals_v[p, pl.ds(boff, 16)])
                    if j < 3:
                        accs.append(v)
                    else:
                        accs[j % 3] = accs[j % 3] + v
                tot = accs[0]
                for a in accs[1:]:
                    tot = tot + a
                stage_v[pl.ds(b * 16, 16)] = tot

    pltpu.sync_copy(stage_v, out_hbm.at[pl.ds(wid * _ACC, _ACC)])


@jax.jit
def _partial_measure(diag_tab):
    mesh = plsc.VectorSubcoreMesh(core_axis_name="c", subcore_axis_name="s",
                                  num_cores=_NC, num_subcores=_NS)
    parts = pl.kernel(
        _sc_body,
        out_type=jax.ShapeDtypeStruct((_NW * _ACC,), jnp.float32),
        mesh=mesh,
        compiler_params=pltpu.CompilerParams(needs_layout_passes=False,
                                             use_tc_tiling_on_sc=True),
        scratch_types=[
            pltpu.VMEM((144, _B), jnp.float32),
            pltpu.VMEM((_ACC,), jnp.float32),
            pltpu.SemaphoreType.DMA,
        ],
    )(diag_tab)
    p = parts.reshape(_NRC, _NBC, _L, 16).sum(0)
    return p.transpose(0, 2, 1).reshape(_B, _L)


def kernel(rho):
    diag_tab = jnp.transpose(rho, (1, 2, 0)).reshape(_D * _D, _B)
    return _partial_measure(diag_tab)

# --- scband reference (transcript-rebuilt; emitter-appended) ---
"""Pipeline reference for scband-measure-24111946399872 (READ-ONLY COPY).

The authoritative reference and input builder live on the scoring server;
editing this copy changes nothing except your own understanding.
"""

import jax, jax.numpy as jnp
import numpy as np

M = 32
N = 2
SUBSET = 8
BATCH = 128


def generate_all_fock_states(m, n):
    if n == 0:
        yield (0,) * m
        return
    if m == 1:
        yield (n,)
        return
    for i in range(n + 1):
        for state in generate_all_fock_states(m - 1, n - i):
            yield (i,) + state


def _build_indices():
    all_states = list(generate_all_fock_states(M, 2))
    reduced_states = []
    for i in range(max(0, SUBSET - M + N), N + 1):
        reduced_states += list(generate_all_fock_states(SUBSET, i))
    L = len(reduced_states)
    if M == 6:
        idx = [reduced_states.index(s[2:2 + SUBSET]) for s in all_states]
    else:
        idx = [reduced_states.index(s[:SUBSET]) for s in all_states]
    return np.array(idx, dtype=np.int32), L


INDICES_NP, REDUCED_LEN = _build_indices()


def setup_inputs(seed: int = 0) -> dict:
    key = jax.random.key(seed)
    D = M * (M + 1) // 2  # number of Fock states for n=2 photons in M modes = 528
    rho = jax.random.normal(key, (BATCH, D, D), dtype=jnp.float32)
    return {"rho": rho}


def reference(rho):
    b = rho.shape[0]
    # extract diagonal of each density matrix and take abs -> probabilities
    probs = jnp.abs(jnp.diagonal(rho, axis1=1, axis2=2))  # [b, D]
    indices = jnp.asarray(INDICES_NP)  # [D] constant map full-state -> reduced-state bin
    # scatter-add probabilities into reduced-state bins (partial measurement)
    probs_output = jnp.zeros((b, REDUCED_LEN), dtype=probs.dtype).at[:, indices].add(probs)
    return probs_output

if __name__ == "__main__":
    import jax
    _d = setup_inputs()
    print(jax.jit(kernel)(*tuple(_d.values())))

</pallas_src>

<mosaic_0001>
#map = affine_map<(d0, d1) -> (0, 0)>
#map1 = affine_map<(d0, d1) -> (0)>
module attributes {stable_mosaic.version = 14 : i64} {
  func.func @_sc_body(%arg0: i32, %arg1: i32, %arg2: memref<278784x128xf32, #tpu.memory_space<hbm>>, %arg3: memref<23040xf32, #tpu.memory_space<hbm>>, %arg4: memref<144x128xf32, #tpu.memory_space<vmem>>, %arg5: memref<720xf32, #tpu.memory_space<vmem>>, %arg6: memref<!tpu.dma_semaphore, #tpu.memory_space<semaphore_mem>>) attributes {dimension_semantics = [#tpu.dimension_semantics<core_parallel>, #tpu.dimension_semantics<subcore_parallel>], iteration_bounds = array<i64: 2, 16>, scalar_prefetch = 0 : i64, scratch_operands = 3 : i64, tpu.core_type = #tpu.core_type<sc_vector_subcore>, window_params = [{transform_indices = #map}, {transform_indices = #map1}]} {
    %mul3A = arith.constant 2 : i32
    %mul3A_0 = arith.muli %arg1, %mul3A : i32
    %add3A = arith.addi %mul3A_0, %arg0 : i32
    %jit3A = arith.constant 8 : i32
    %div3A = arith.divsi %add3A, %jit3A : i32
    %sign3A = arith.constant 0 : i32
    %sign3A_1 = arith.cmpi sgt, %add3A, %sign3A : i32
    %sign3A_2 = arith.extui %sign3A_1 : i1 to i32
    %sign3A_3 = arith.constant 0 : i32
    %sign3A_4 = arith.cmpi slt, %add3A, %sign3A_3 : i32
    %sign3A_5 = arith.extui %sign3A_4 : i1 to i32
    %sign3A_6 = arith.subi %sign3A_2, %sign3A_5 : i32
    %sign3A_7 = arith.constant 0 : i32
    %sign3A_8 = arith.cmpi sgt, %jit3A, %sign3A_7 : i32
    %sign3A_9 = arith.extui %sign3A_8 : i1 to i32
    %sign3A_10 = arith.constant 0 : i32
    %sign3A_11 = arith.cmpi slt, %jit3A, %sign3A_10 : i32
    %sign3A_12 = arith.extui %sign3A_11 : i1 to i32
    %sign3A_13 = arith.subi %sign3A_9, %sign3A_12 : i32
    %ne3A = arith.cmpi ne, %sign3A_6, %sign3A_13 : i32
    %rem3A = arith.remsi %add3A, %jit3A : i32
    %ne3A_14 = arith.constant 0 : i32
    %ne3A_15 = arith.cmpi ne, %rem3A, %ne3A_14 : i32
    %and3A = arith.andi %ne3A, %ne3A_15 : i1
    %sub3A = arith.constant 1 : i32
    %sub3A_16 = arith.subi %div3A, %sub3A : i32
    %select_n3A = arith.select %and3A, %sub3A_16, %div3A : i32
    %mul3A_17 = arith.constant 8 : i32
    %mul3A_18 = arith.muli %select_n3A, %mul3A_17 : i32
    %sub3A_19 = arith.subi %add3A, %mul3A_18 : i32
    %mul3A_20 = arith.constant 16 : i32
    %mul3A_21 = arith.muli %sub3A_19, %mul3A_20 : i32
    %multiple_of3A = tpu.assume_multiple %mul3A_21, 16 : i32
    %iota3A = tpu.iota {dimensions = array<i32: 0>} : vector<16xi32>
    %mul3A_22 = arith.constant 69828 : i32
    %mul3A_23 = arith.muli %select_n3A, %mul3A_22 : i32
    %mul3A_24 = arith.constant 529 : i32
    %mul3A_25 = vector.broadcast %mul3A_24 : i32 to vector<16xi32>
    %mul3A_26 = arith.muli %mul3A_25, %iota3A : vector<16xi32>
    %add3A_27 = arith.constant 0 : i32
    %add3A_28 = vector.broadcast %add3A_27 : i32 to vector<16xi32>
    %add3A_29 = arith.addi %add3A_28, %mul3A_26 : vector<16xi32>
    %add3A_30 = vector.broadcast %mul3A_23 : i32 to vector<16xi32>
    %add3A_31 = arith.addi %add3A_30, %add3A_29 : vector<16xi32>
    %dma_start3A = arith.constant 0 : i32
    %dma_start3A_32 = arith.constant 0 : i32
    %dma_start3A_33 = tpu.memref_slice %arg4[%dma_start3A, %dma_start3A_32] : memref<144x128xf32, #tpu.memory_space<vmem>> -> memref<16x128xf32, #tpu.memory_space<vmem>>
    %dma_start3A_34 = arith.constant 0 : i32
    %dma_start3A_35 = arith.constant 0 : i32
    %dma_start3A_36 = tpu.memref_slice %arg2[%dma_start3A_34, %dma_start3A_35] : memref<278784x128xf32, #tpu.memory_space<hbm>> -> memref<278784x128xf32, #tpu.memory_space<hbm>>
    tpu.enqueue_indirect_dma source(%dma_start3A_36 : memref<278784x128xf32, #tpu.memory_space<hbm>>) target(%dma_start3A_33 : memref<16x128xf32, #tpu.memory_space<vmem>>) offsets(%add3A_31 : vector<16xi32>) semaphore(%arg6 : memref<!tpu.dma_semaphore, #tpu.memory_space<semaphore_mem>>)
    %mul3A_37 = arith.constant 529 : i32
    %mul3A_38 = vector.broadcast %mul3A_37 : i32 to vector<16xi32>
    %mul3A_39 = arith.muli %mul3A_38, %iota3A : vector<16xi32>
    %add3A_40 = arith.constant 8464 : i32
    %add3A_41 = vector.broadcast %add3A_40 : i32 to vector<16xi32>
    %add3A_42 = arith.addi %add3A_41, %mul3A_39 : vector<16xi32>
    %add3A_43 = vector.broadcast %mul3A_23 : i32 to vector<16xi32>
    %add3A_44 = arith.addi %add3A_43, %add3A_42 : vector<16xi32>
    %dma_start3A_45 = arith.constant 16 : i32
    %dma_start3A_46 = arith.constant 0 : i32
    %dma_start3A_47 = tpu.memref_slice %arg4[%dma_start3A_45, %dma_start3A_46] : memref<144x128xf32, #tpu.memory_space<vmem>> -> memref<16x128xf32, #tpu.memory_space<vmem>>
    %dma_start3A_48 = arith.constant 0 : i32
    %dma_start3A_49 = arith.constant 0 : i32
    %dma_start3A_50 = tpu.memref_slice %arg2[%dma_start3A_48, %dma_start3A_49] : memref<278784x128xf32, #tpu.memory_space<hbm>> -> memref<278784x128xf32, #tpu.memory_space<hbm>>
    tpu.enqueue_indirect_dma source(%dma_start3A_50 : memref<278784x128xf32, #tpu.memory_space<hbm>>) target(%dma_start3A_47 : memref<16x128xf32, #tpu.memory_space<vmem>>) offsets(%add3A_44 : vector<16xi32>) semaphore(%arg6 : memref<!tpu.dma_semaphore, #tpu.memory_space<semaphore_mem>>)
    %mul3A_51 = arith.constant 529 : i32
    %mul3A_52 = vector.broadcast %mul3A_51 : i32 to vector<16xi32>
    %mul3A_53 = arith.muli %mul3A_52, %iota3A : vector<16xi32>
    %add3A_54 = arith.constant 16928 : i32
    %add3A_55 = vector.broadcast %add3A_54 : i32 to vector<16xi32>
    %add3A_56 = arith.addi %add3A_55, %mul3A_53 : vector<16xi32>
    %add3A_57 = vector.broadcast %mul3A_23 : i32 to vector<16xi32>
    %add3A_58 = arith.addi %add3A_57, %add3A_56 : vector<16xi32>
    %dma_start3A_59 = arith.constant 32 : i32
    %dma_start3A_60 = arith.constant 0 : i32
    %dma_start3A_61 = tpu.memref_slice %arg4[%dma_start3A_59, %dma_start3A_60] : memref<144x128xf32, #tpu.memory_space<vmem>> -> memref<16x128xf32, #tpu.memory_space<vmem>>
    %dma_start3A_62 = arith.constant 0 : i32
    %dma_start3A_63 = arith.constant 0 : i32
    %dma_start3A_64 = tpu.memref_slice %arg2[%dma_start3A_62, %dma_start3A_63] : memref<278784x128xf32, #tpu.memory_space<hbm>> -> memref<278784x128xf32, #tpu.memory_space<hbm>>
    tpu.enqueue_indirect_dma source(%dma_start3A_64 : memref<278784x128xf32, #tpu.memory_space<hbm>>) target(%dma_start3A_61 : memref<16x128xf32, #tpu.memory_space<vmem>>) offsets(%add3A_58 : vector<16xi32>) semaphore(%arg6 : memref<!tpu.dma_semaphore, #tpu.memory_space<semaphore_mem>>)
    %mul3A_65 = arith.constant 529 : i32
    %mul3A_66 = vector.broadcast %mul3A_65 : i32 to vector<16xi32>
    %mul3A_67 = arith.muli %mul3A_66, %iota3A : vector<16xi32>
    %add3A_68 = arith.constant 25392 : i32
    %add3A_69 = vector.broadcast %add3A_68 : i32 to vector<16xi32>
    %add3A_70 = arith.addi %add3A_69, %mul3A_67 : vector<16xi32>
    %add3A_71 = vector.broadcast %mul3A_23 : i32 to vector<16xi32>
    %add3A_72 = arith.addi %add3A_71, %add3A_70 : vector<16xi32>
    %dma_start3A_73 = arith.constant 48 : i32
    %dma_start3A_74 = arith.constant 0 : i32
    %dma_start3A_75 = tpu.memref_slice %arg4[%dma_start3A_73, %dma_start3A_74] : memref<144x128xf32, #tpu.memory_space<vmem>> -> memref<16x128xf32, #tpu.memory_space<vmem>>
    %dma_start3A_76 = arith.constant 0 : i32
    %dma_start3A_77 = arith.constant 0 : i32
    %dma_start3A_78 = tpu.memref_slice %arg2[%dma_start3A_76, %dma_start3A_77] : memref<278784x128xf32, #tpu.memory_space<hbm>> -> memref<278784x128xf32, #tpu.memory_space<hbm>>
    tpu.enqueue_indirect_dma source(%dma_start3A_78 : memref<278784x128xf32, #tpu.memory_space<hbm>>) target(%dma_start3A_75 : memref<16x128xf32, #tpu.memory_space<vmem>>) offsets(%add3A_72 : vector<16xi32>) semaphore(%arg6 : memref<!tpu.dma_semaphore, #tpu.memory_space<semaphore_mem>>)
    %mul3A_79 = arith.constant 529 : i32
    %mul3A_80 = vector.broadcast %mul3A_79 : i32 to vector<16xi32>
    %mul3A_81 = arith.muli %mul3A_80, %iota3A : vector<16xi32>
    %add3A_82 = arith.constant 33856 : i32
    %add3A_83 = vector.broadcast %add3A_82 : i32 to vector<16xi32>
    %add3A_84 = arith.addi %add3A_83, %mul3A_81 : vector<16xi32>
    %add3A_85 = vector.broadcast %mul3A_23 : i32 to vector<16xi32>
    %add3A_86 = arith.addi %add3A_85, %add3A_84 : vector<16xi32>
    %dma_start3A_87 = arith.constant 64 : i32
    %dma_start3A_88 = arith.constant 0 : i32
    %dma_start3A_89 = tpu.memref_slice %arg4[%dma_start3A_87, %dma_start3A_88] : memref<144x128xf32, #tpu.memory_space<vmem>> -> memref<16x128xf32, #tpu.memory_space<vmem>>
    %dma_start3A_90 = arith.constant 0 : i32
    %dma_start3A_91 = arith.constant 0 : i32
    %dma_start3A_92 = tpu.memref_slice %arg2[%dma_start3A_90, %dma_start3A_91] : memref<278784x128xf32, #tpu.memory_space<hbm>> -> memref<278784x128xf32, #tpu.memory_space<hbm>>
    tpu.enqueue_indirect_dma source(%dma_start3A_92 : memref<278784x128xf32, #tpu.memory_space<hbm>>) target(%dma_start3A_89 : memref<16x128xf32, #tpu.memory_space<vmem>>) offsets(%add3A_86 : vector<16xi32>) semaphore(%arg6 : memref<!tpu.dma_semaphore, #tpu.memory_space<semaphore_mem>>)
    %mul3A_93 = arith.constant 529 : i32
    %mul3A_94 = vector.broadcast %mul3A_93 : i32 to vector<16xi32>
    %mul3A_95 = arith.muli %mul3A_94, %iota3A : vector<16xi32>
    %add3A_96 = arith.constant 42320 : i32
    %add3A_97 = vector.broadcast %add3A_96 : i32 to vector<16xi32>
    %add3A_98 = arith.addi %add3A_97, %mul3A_95 : vector<16xi32>
    %add3A_99 = vector.broadcast %mul3A_23 : i32 to vector<16xi32>
    %add3A_100 = arith.addi %add3A_99, %add3A_98 : vector<16xi32>
    %dma_start3A_101 = arith.constant 80 : i32
    %dma_start3A_102 = arith.constant 0 : i32
    %dma_start3A_103 = tpu.memref_slice %arg4[%dma_start3A_101, %dma_start3A_102] : memref<144x128xf32, #tpu.memory_space<vmem>> -> memref<16x128xf32, #tpu.memory_space<vmem>>
    %dma_start3A_104 = arith.constant 0 : i32
    %dma_start3A_105 = arith.constant 0 : i32
    %dma_start3A_106 = tpu.memref_slice %arg2[%dma_start3A_104, %dma_start3A_105] : memref<278784x128xf32, #tpu.memory_space<hbm>> -> memref<278784x128xf32, #tpu.memory_space<hbm>>
    tpu.enqueue_indirect_dma source(%dma_start3A_106 : memref<278784x128xf32, #tpu.memory_space<hbm>>) target(%dma_start3A_103 : memref<16x128xf32, #tpu.memory_space<vmem>>) offsets(%add3A_100 : vector<16xi32>) semaphore(%arg6 : memref<!tpu.dma_semaphore, #tpu.memory_space<semaphore_mem>>)
    %mul3A_107 = arith.constant 529 : i32
    %mul3A_108 = vector.broadcast %mul3A_107 : i32 to vector<16xi32>
    %mul3A_109 = arith.muli %mul3A_108, %iota3A : vector<16xi32>
    %add3A_110 = arith.constant 50784 : i32
    %add3A_111 = vector.broadcast %add3A_110 : i32 to vector<16xi32>
    %add3A_112 = arith.addi %add3A_111, %mul3A_109 : vector<16xi32>
    %add3A_113 = vector.broadcast %mul3A_23 : i32 to vector<16xi32>
    %add3A_114 = arith.addi %add3A_113, %add3A_112 : vector<16xi32>
    %dma_start3A_115 = arith.constant 96 : i32
    %dma_start3A_116 = arith.constant 0 : i32
    %dma_start3A_117 = tpu.memref_slice %arg4[%dma_start3A_115, %dma_start3A_116] : memref<144x128xf32, #tpu.memory_space<vmem>> -> memref<16x128xf32, #tpu.memory_space<vmem>>
    %dma_start3A_118 = arith.constant 0 : i32
    %dma_start3A_119 = arith.constant 0 : i32
    %dma_start3A_120 = tpu.memref_slice %arg2[%dma_start3A_118, %dma_start3A_119] : memref<278784x128xf32, #tpu.memory_space<hbm>> -> memref<278784x128xf32, #tpu.memory_space<hbm>>
    tpu.enqueue_indirect_dma source(%dma_start3A_120 : memref<278784x128xf32, #tpu.memory_space<hbm>>) target(%dma_start3A_117 : memref<16x128xf32, #tpu.memory_space<vmem>>) offsets(%add3A_114 : vector<16xi32>) semaphore(%arg6 : memref<!tpu.dma_semaphore, #tpu.memory_space<semaphore_mem>>)
    %mul3A_121 = arith.constant 529 : i32
    %mul3A_122 = vector.broadcast %mul3A_121 : i32 to vector<16xi32>
    %mul3A_123 = arith.muli %mul3A_122, %iota3A : vector<16xi32>
    %add3A_124 = arith.constant 59248 : i32
    %add3A_125 = vector.broadcast %add3A_124 : i32 to vector<16xi32>
    %add3A_126 = arith.addi %add3A_125, %mul3A_123 : vector<16xi32>
    %add3A_127 = vector.broadcast %mul3A_23 : i32 to vector<16xi32>
    %add3A_128 = arith.addi %add3A_127, %add3A_126 : vector<16xi32>
    %dma_start3A_129 = arith.constant 112 : i32
    %dma_start3A_130 = arith.constant 0 : i32
    %dma_start3A_131 = tpu.memref_slice %arg4[%dma_start3A_129, %dma_start3A_130] : memref<144x128xf32, #tpu.memory_space<vmem>> -> memref<16x128xf32, #tpu.memory_space<vmem>>
    %dma_start3A_132 = arith.constant 0 : i32
    %dma_start3A_133 = arith.constant 0 : i32
    %dma_start3A_134 = tpu.memref_slice %arg2[%dma_start3A_132, %dma_start3A_133] : memref<278784x128xf32, #tpu.memory_space<hbm>> -> memref<278784x128xf32, #tpu.memory_space<hbm>>
    tpu.enqueue_indirect_dma source(%dma_start3A_134 : memref<278784x128xf32, #tpu.memory_space<hbm>>) target(%dma_start3A_131 : memref<16x128xf32, #tpu.memory_space<vmem>>) offsets(%add3A_128 : vector<16xi32>) semaphore(%arg6 : memref<!tpu.dma_semaphore, #tpu.memory_space<semaphore_mem>>)
    %mul3A_135 = arith.constant 529 : i32
    %mul3A_136 = vector.broadcast %mul3A_135 : i32 to vector<16xi32>
    %mul3A_137 = arith.muli %mul3A_136, %iota3A : vector<16xi32>
    %add3A_138 = arith.constant 61364 : i32
    %add3A_139 = vector.broadcast %add3A_138 : i32 to vector<16xi32>
    %add3A_140 = arith.addi %add3A_139, %mul3A_137 : vector<16xi32>
    %add3A_141 = vector.broadcast %mul3A_23 : i32 to vector<16xi32>
    %add3A_142 = arith.addi %add3A_141, %add3A_140 : vector<16xi32>
    %dma_start3A_143 = arith.constant 128 : i32
    %dma_start3A_144 = arith.constant 0 : i32
    %dma_start3A_145 = tpu.memref_slice %arg4[%dma_start3A_143, %dma_start3A_144] : memref<144x128xf32, #tpu.memory_space<vmem>> -> memref<16x128xf32, #tpu.memory_space<vmem>>
    %dma_start3A_146 = arith.constant 0 : i32
    %dma_start3A_147 = arith.constant 0 : i32
    %dma_start3A_148 = tpu.memref_slice %arg2[%dma_start3A_146, %dma_start3A_147] : memref<278784x128xf32, #tpu.memory_space<hbm>> -> memref<278784x128xf32, #tpu.memory_space<hbm>>
    tpu.enqueue_indirect_dma source(%dma_start3A_148 : memref<278784x128xf32, #tpu.memory_space<hbm>>) target(%dma_start3A_145 : memref<16x128xf32, #tpu.memory_space<vmem>>) offsets(%add3A_142 : vector<16xi32>) semaphore(%arg6 : memref<!tpu.dma_semaphore, #tpu.memory_space<semaphore_mem>>)
    %dma_wait3A = arith.constant 0 : i32
    %dma_wait3A_149 = arith.constant 0 : i32
    %dma_wait3A_150 = tpu.memref_slice %arg4[%dma_wait3A, %dma_wait3A_149] : memref<144x128xf32, #tpu.memory_space<vmem>> -> memref<16x128xf32, #tpu.memory_space<vmem>>
    %dma_wait3A_151 = arith.constant 0 : i32
    %dma_wait3A_152 = arith.constant 0 : i32
    %dma_wait3A_153 = tpu.memref_slice %arg2[%dma_wait3A_151, %dma_wait3A_152] : memref<278784x128xf32, #tpu.memory_space<hbm>> -> memref<278784x128xf32, #tpu.memory_space<hbm>>
    tpu.wait_indirect_dma semaphore(%arg6 : memref<!tpu.dma_semaphore, #tpu.memory_space<semaphore_mem>>) src(%dma_wait3A_153 : memref<278784x128xf32, #tpu.memory_space<hbm>>) dst(%dma_wait3A_150 : memref<16x128xf32, #tpu.memory_space<vmem>>)
    %dma_wait3A_154 = arith.constant 16 : i32
    %dma_wait3A_155 = arith.constant 0 : i32
    %dma_wait3A_156 = tpu.memref_slice %arg4[%dma_wait3A_154, %dma_wait3A_155] : memref<144x128xf32, #tpu.memory_space<vmem>> -> memref<16x128xf32, #tpu.memory_space<vmem>>
    %dma_wait3A_157 = arith.constant 0 : i32
    %dma_wait3A_158 = arith.constant 0 : i32
    %dma_wait3A_159 = tpu.memref_slice %arg2[%dma_wait3A_157, %dma_wait3A_158] : memref<278784x128xf32, #tpu.memory_space<hbm>> -> memref<278784x128xf32, #tpu.memory_space<hbm>>
    tpu.wait_indirect_dma semaphore(%arg6 : memref<!tpu.dma_semaphore, #tpu.memory_space<semaphore_mem>>) src(%dma_wait3A_159 : memref<278784x128xf32, #tpu.memory_space<hbm>>) dst(%dma_wait3A_156 : memref<16x128xf32, #tpu.memory_space<vmem>>)
    %dma_wait3A_160 = arith.constant 32 : i32
    %dma_wait3A_161 = arith.constant 0 : i32
    %dma_wait3A_162 = tpu.memref_slice %arg4[%dma_wait3A_160, %dma_wait3A_161] : memref<144x128xf32, #tpu.memory_space<vmem>> -> memref<16x128xf32, #tpu.memory_space<vmem>>
    %dma_wait3A_163 = arith.constant 0 : i32
    %dma_wait3A_164 = arith.constant 0 : i32
    %dma_wait3A_165 = tpu.memref_slice %arg2[%dma_wait3A_163, %dma_wait3A_164] : memref<278784x128xf32, #tpu.memory_space<hbm>> -> memref<278784x128xf32, #tpu.memory_space<hbm>>
    tpu.wait_indirect_dma semaphore(%arg6 : memref<!tpu.dma_semaphore, #tpu.memory_space<semaphore_mem>>) src(%dma_wait3A_165 : memref<278784x128xf32, #tpu.memory_space<hbm>>) dst(%dma_wait3A_162 : memref<16x128xf32, #tpu.memory_space<vmem>>)
    %dma_wait3A_166 = arith.constant 48 : i32
    %dma_wait3A_167 = arith.constant 0 : i32
    %dma_wait3A_168 = tpu.memref_slice %arg4[%dma_wait3A_166, %dma_wait3A_167] : memref<144x128xf32, #tpu.memory_space<vmem>> -> memref<16x128xf32, #tpu.memory_space<vmem>>
    %dma_wait3A_169 = arith.constant 0 : i32
    %dma_wait3A_170 = arith.constant 0 : i32
    %dma_wait3A_171 = tpu.memref_slice %arg2[%dma_wait3A_169, %dma_wait3A_170] : memref<278784x128xf32, #tpu.memory_space<hbm>> -> memref<278784x128xf32, #tpu.memory_space<hbm>>
    tpu.wait_indirect_dma semaphore(%arg6 : memref<!tpu.dma_semaphore, #tpu.memory_space<semaphore_mem>>) src(%dma_wait3A_171 : memref<278784x128xf32, #tpu.memory_space<hbm>>) dst(%dma_wait3A_168 : memref<16x128xf32, #tpu.memory_space<vmem>>)
    %dma_wait3A_172 = arith.constant 64 : i32
    %dma_wait3A_173 = arith.constant 0 : i32
    %dma_wait3A_174 = tpu.memref_slice %arg4[%dma_wait3A_172, %dma_wait3A_173] : memref<144x128xf32, #tpu.memory_space<vmem>> -> memref<16x128xf32, #tpu.memory_space<vmem>>
    %dma_wait3A_175 = arith.constant 0 : i32
    %dma_wait3A_176 = arith.constant 0 : i32
    %dma_wait3A_177 = tpu.memref_slice %arg2[%dma_wait3A_175, %dma_wait3A_176] : memref<278784x128xf32, #tpu.memory_space<hbm>> -> memref<278784x128xf32, #tpu.memory_space<hbm>>
    tpu.wait_indirect_dma semaphore(%arg6 : memref<!tpu.dma_semaphore, #tpu.memory_space<semaphore_mem>>) src(%dma_wait3A_177 : memref<278784x128xf32, #tpu.memory_space<hbm>>) dst(%dma_wait3A_174 : memref<16x128xf32, #tpu.memory_space<vmem>>)
    %dma_wait3A_178 = arith.constant 80 : i32
    %dma_wait3A_179 = arith.constant 0 : i32
    %dma_wait3A_180 = tpu.memref_slice %arg4[%dma_wait3A_178, %dma_wait3A_179] : memref<144x128xf32, #tpu.memory_space<vmem>> -> memref<16x128xf32, #tpu.memory_space<vmem>>
    %dma_wait3A_181 = arith.constant 0 : i32
    %dma_wait3A_182 = arith.constant 0 : i32
    %dma_wait3A_183 = tpu.memref_slice %arg2[%dma_wait3A_181, %dma_wait3A_182] : memref<278784x128xf32, #tpu.memory_space<hbm>> -> memref<278784x128xf32, #tpu.memory_space<hbm>>
    tpu.wait_indirect_dma semaphore(%arg6 : memref<!tpu.dma_semaphore, #tpu.memory_space<semaphore_mem>>) src(%dma_wait3A_183 : memref<278784x128xf32, #tpu.memory_space<hbm>>) dst(%dma_wait3A_180 : memref<16x128xf32, #tpu.memory_space<vmem>>)
    %dma_wait3A_184 = arith.constant 96 : i32
    %dma_wait3A_185 = arith.constant 0 : i32
    %dma_wait3A_186 = tpu.memref_slice %arg4[%dma_wait3A_184, %dma_wait3A_185] : memref<144x128xf32, #tpu.memory_space<vmem>> -> memref<16x128xf32, #tpu.memory_space<vmem>>
    %dma_wait3A_187 = arith.constant 0 : i32
    %dma_wait3A_188 = arith.constant 0 : i32
    %dma_wait3A_189 = tpu.memref_slice %arg2[%dma_wait3A_187, %dma_wait3A_188] : memref<278784x128xf32, #tpu.memory_space<hbm>> -> memref<278784x128xf32, #tpu.memory_space<hbm>>
    tpu.wait_indirect_dma semaphore(%arg6 : memref<!tpu.dma_semaphore, #tpu.memory_space<semaphore_mem>>) src(%dma_wait3A_189 : memref<278784x128xf32, #tpu.memory_space<hbm>>) dst(%dma_wait3A_186 : memref<16x128xf32, #tpu.memory_space<vmem>>)
    %dma_wait3A_190 = arith.constant 112 : i32
    %dma_wait3A_191 = arith.constant 0 : i32
    %dma_wait3A_192 = tpu.memref_slice %arg4[%dma_wait3A_190, %dma_wait3A_191] : memref<144x128xf32, #tpu.memory_space<vmem>> -> memref<16x128xf32, #tpu.memory_space<vmem>>
    %dma_wait3A_193 = arith.constant 0 : i32
    %dma_wait3A_194 = arith.constant 0 : i32
    %dma_wait3A_195 = tpu.memref_slice %arg2[%dma_wait3A_193, %dma_wait3A_194] : memref<278784x128xf32, #tpu.memory_space<hbm>> -> memref<278784x128xf32, #tpu.memory_space<hbm>>
    tpu.wait_indirect_dma semaphore(%arg6 : memref<!tpu.dma_semaphore, #tpu.memory_space<semaphore_mem>>) src(%dma_wait3A_195 : memref<278784x128xf32, #tpu.memory_space<hbm>>) dst(%dma_wait3A_192 : memref<16x128xf32, #tpu.memory_space<vmem>>)
    %dma_wait3A_196 = arith.constant 128 : i32
    %dma_wait3A_197 = arith.constant 0 : i32
    %dma_wait3A_198 = tpu.memref_slice %arg4[%dma_wait3A_196, %dma_wait3A_197] : memref<144x128xf32, #tpu.memory_space<vmem>> -> memref<16x128xf32, #tpu.memory_space<vmem>>
    %dma_wait3A_199 = arith.constant 0 : i32
    %dma_wait3A_200 = arith.constant 0 : i32
    %dma_wait3A_201 = tpu.memref_slice %arg2[%dma_wait3A_199, %dma_wait3A_200] : memref<278784x128xf32, #tpu.memory_space<hbm>> -> memref<278784x128xf32, #tpu.memory_space<hbm>>
    tpu.wait_indirect_dma semaphore(%arg6 : memref<!tpu.dma_semaphore, #tpu.memory_space<semaphore_mem>>) src(%dma_wait3A_201 : memref<278784x128xf32, #tpu.memory_space<hbm>>) dst(%dma_wait3A_198 : memref<16x128xf32, #tpu.memory_space<vmem>>)
    %broadcast_in_dim3A = arith.constant 0.000000e+00 : f32
    %broadcast_in_dim3A_202 = vector.broadcast %broadcast_in_dim3A : f32 to vector<16xf32>
    %eq3A = arith.constant 0 : i32
    %eq3A_203 = arith.cmpi eq, %select_n3A, %eq3A : i32
    %convert_element_type3A = arith.extui %eq3A_203 : i1 to i32
    %cond3A = arith.constant 0 : i32
    %cond3A_204 = arith.cmpi ne, %convert_element_type3A, %cond3A : i32
    scf.if %cond3A_204 {
      %get3A = arith.constant 0 : i32
      %get3A_222 = arith.index_cast %get3A : i32 to index
      %get3A_223 = arith.index_cast %multiple_of3A : i32 to index
      %get3A_224 = tpu.vector_load %arg4[%get3A_222, %get3A_223] {strides = array<i32>} : memref<144x128xf32, #tpu.memory_space<vmem>>, vector<16xf32>,
      %abs3A = math.absf %get3A_224 : vector<16xf32>
      %get3A_225 = arith.constant 1 : i32
      %get3A_226 = arith.index_cast %get3A_225 : i32 to index
      %get3A_227 = arith.index_cast %multiple_of3A : i32 to index
      %get3A_228 = tpu.vector_load %arg4[%get3A_226, %get3A_227] {strides = array<i32>} : memref<144x128xf32, #tpu.memory_space<vmem>>, vector<16xf32>,
      %abs3A_229 = math.absf %get3A_228 : vector<16xf32>
      %get3A_230 = arith.constant 2 : i32
      %get3A_231 = arith.index_cast %get3A_230 : i32 to index
      %get3A_232 = arith.index_cast %multiple_of3A : i32 to index
      %get3A_233 = tpu.vector_load %arg4[%get3A_231, %get3A_232] {strides = array<i32>} : memref<144x128xf32, #tpu.memory_space<vmem>>, vector<16xf32>,
      %abs3A_234 = math.absf %get3A_233 : vector<16xf32>
      %get3A_235 = arith.constant 3 : i32
      %get3A_236 = arith.index_cast %get3A_235 : i32 to index
      %get3A_237 = arith.index_cast %multiple_of3A : i32 to index
      %get3A_238 = tpu.vector_load %arg4[%get3A_236, %get3A_237] {strides = array<i32>} : memref<144x128xf32, #tpu.memory_space<vmem>>, vector<16xf32>,
      %abs3A_239 = math.absf %get3A_238 : vector<16xf32>
      %add3A_240 = arith.addf %abs3A, %abs3A_239 : vector<16xf32>
      %get3A_241 = arith.constant 4 : i32
      %get3A_242 = arith.index_cast %get3A_241 : i32 to index
      %get3A_243 = arith.index_cast %multiple_of3A : i32 to index
      %get3A_244 = tpu.vector_load %arg4[%get3A_242, %get3A_243] {strides = array<i32>} : memref<144x128xf32, #tpu.memory_space<vmem>>, vector<16xf32>,
      %abs3A_245 = math.absf %get3A_244 : vector<16xf32>
      %add3A_246 = arith.addf %abs3A_229, %abs3A_245 : vector<16xf32>
      %get3A_247 = arith.constant 5 : i32
      %get3A_248 = arith.index_cast %get3A_247 : i32 to index
      %get3A_249 = arith.index_cast %multiple_of3A : i32 to index
      %get3A_250 = tpu.vector_load %arg4[%get3A_248, %get3A_249] {strides = array<i32>} : memref<144x128xf32, #tpu.memory_space<vmem>>, vector<16xf32>,
      %abs3A_251 = math.absf %get3A_250 : vector<16xf32>
      %add3A_252 = arith.addf %abs3A_234, %abs3A_251 : vector<16xf32>
      %get3A_253 = arith.constant 6 : i32
      %get3A_254 = arith.index_cast %get3A_253 : i32 to index
      %get3A_255 = arith.index_cast %multiple_of3A : i32 to index
      %get3A_256 = tpu.vector_load %arg4[%get3A_254, %get3A_255] {strides = array<i32>} : memref<144x128xf32, #tpu.memory_space<vmem>>, vector<16xf32>,
      %abs3A_257 = math.absf %get3A_256 : vector<16xf32>
      %add3A_258 = arith.addf %add3A_240, %abs3A_257 : vector<16xf32>
      %get3A_259 = arith.constant 7 : i32
      %get3A_260 = arith.index_cast %get3A_259 : i32 to index
      %get3A_261 = arith.index_cast %multiple_of3A : i32 to index
      %get3A_262 = tpu.vector_load %arg4[%get3A_260, %get3A_261] {strides = array<i32>} : memref<144x128xf32, #tpu.memory_space<vmem>>, vector<16xf32>,
      %abs3A_263 = math.absf %get3A_262 : vector<16xf32>
      %add3A_264 = arith.addf %add3A_246, %abs3A_263 : vector<16xf32>
      %get3A_265 = arith.constant 8 : i32
      %get3A_266 = arith.index_cast %get3A_265 : i32 to index
      %get3A_267 = arith.index_cast %multiple_of3A : i32 to index
      %get3A_268 = tpu.vector_load %arg4[%get3A_266, %get3A_267] {strides = array<i32>} : memref<144x128xf32, #tpu.memory_space<vmem>>, vector<16xf32>,
      %abs3A_269 = math.absf %get3A_268 : vector<16xf32>
      %add3A_270 = arith.addf %add3A_252, %abs3A_269 : vector<16xf32>
      %get3A_271 = arith.constant 9 : i32
      %get3A_272 = arith.index_cast %get3A_271 : i32 to index
      %get3A_273 = arith.index_cast %multiple_of3A : i32 to index
      %get3A_274 = tpu.vector_load %arg4[%get3A_272, %get3A_273] {strides = array<i32>} : memref<144x128xf32, #tpu.memory_space<vmem>>, vector<16xf32>,
      %abs3A_275 = math.absf %get3A_274 : vector<16xf32>
      %add3A_276 = arith.addf %add3A_258, %abs3A_275 : vector<16xf32>
      %get3A_277 = arith.constant 10 : i32
      %get3A_278 = arith.index_cast %get3A_277 : i32 to index
      %get3A_279 = arith.index_cast %multiple_of3A : i32 to index
      %get3A_280 = tpu.vector_load %arg4[%get3A_278, %get3A_279] {strides = array<i32>} : memref<144x128xf32, #tpu.memory_space<vmem>>, vector<16xf32>,
      %abs3A_281 = math.absf %get3A_280 : vector<16xf32>
      %add3A_282 = arith.addf %add3A_264, %abs3A_281 : vector<16xf32>
      %get3A_283 = arith.constant 11 : i32
      %get3A_284 = arith.index_cast %get3A_283 : i32 to index
      %get3A_285 = arith.index_cast %multiple_of3A : i32 to index
      %get3A_286 = tpu.vector_load %arg4[%get3A_284, %get3A_285] {strides = array<i32>} : memref<144x128xf32, #tpu.memory_space<vmem>>, vector<16xf32>,
      %abs3A_287 = math.absf %get3A_286 : vector<16xf32>
      %add3A_288 = arith.addf %add3A_270, %abs3A_287 : vector<16xf32>
      %get3A_289 = arith.constant 12 : i32
      %get3A_290 = arith.index_cast %get3A_289 : i32 to index
      %get3A_291 = arith.index_cast %multiple_of3A : i32 to index
      %get3A_292 = tpu.vector_load %arg4[%get3A_290, %get3A_291] {strides = array<i32>} : memref<144x128xf32, #tpu.memory_space<vmem>>, vector<16xf32>,
      %abs3A_293 = math.absf %get3A_292 : vector<16xf32>
      %add3A_294 = arith.addf %add3A_276, %abs3A_293 : vector<16xf32>
      %get3A_295 = arith.constant 13 : i32
      %get3A_296 = arith.index_cast %get3A_295 : i32 to index
      %get3A_297 = arith.index_cast %multiple_of3A : i32 to index
      %get3A_298 = tpu.vector_load %arg4[%get3A_296, %get3A_297] {strides = array<i32>} : memref<144x128xf32, #tpu.memory_space<vmem>>, vector<16xf32>,
      %abs3A_299 = math.absf %get3A_298 : vector<16xf32>
      %add3A_300 = arith.addf %add3A_282, %abs3A_299 : vector<16xf32>
      %get3A_301 = arith.constant 14 : i32
      %get3A_302 = arith.index_cast %get3A_301 : i32 to index
      %get3A_303 = arith.index_cast %multiple_of3A : i32 to index
      %get3A_304 = tpu.vector_load %arg4[%get3A_302, %get3A_303] {strides = array<i32>} : memref<144x128xf32, #tpu.memory_space<vmem>>, vector<16xf32>,
      %abs3A_305 = math.absf %get3A_304 : vector<16xf32>
      %add3A_306 = arith.addf %add3A_288, %abs3A_305 : vector<16xf32>
      %get3A_307 = arith.constant 15 : i32
      %get3A_308 = arith.index_cast %get3A_307 : i32 to index
      %get3A_309 = arith.index_cast %multiple_of3A : i32 to index
      %get3A_310 = tpu.vector_load %arg4[%get3A_308, %get3A_309] {strides = array<i32>} : memref<144x128xf32, #tpu.memory_space<vmem>>, vector<16xf32>,
      %abs3A_311 = math.absf %get3A_310 : vector<16xf32>
      %add3A_312 = arith.addf %add3A_294, %abs3A_311 : vector<16xf32>
      %get3A_313 = arith.constant 16 : i32
      %get3A_314 = arith.index_cast %get3A_313 : i32 to index
      %get3A_315 = arith.index_cast %multiple_of3A : i32 to index
      %get3A_316 = tpu.vector_load %arg4[%get3A_314, %get3A_315] {strides = array<i32>} : memref<144x128xf32, #tpu.memory_space<vmem>>, vector<16xf32>,
      %abs3A_317 = math.absf %get3A_316 : vector<16xf32>
      %add3A_318 = arith.addf %add3A_300, %abs3A_317 : vector<16xf32>
      %get3A_319 = arith.constant 17 : i32
      %get3A_320 = arith.index_cast %get3A_319 : i32 to index
      %get3A_321 = arith.index_cast %multiple_of3A : i32 to index
      %get3A_322 = tpu.vector_load %arg4[%get3A_320, %get3A_321] {strides = array<i32>} : memref<144x128xf32, #tpu.memory_space<vmem>>, vector<16xf32>,
      %abs3A_323 = math.absf %get3A_322 : vector<16xf32>
      %add3A_324 = arith.addf %add3A_306, %abs3A_323 : vector<16xf32>
      %get3A_325 = arith.constant 18 : i32
      %get3A_326 = arith.index_cast %get3A_325 : i32 to index
      %get3A_327 = arith.index_cast %multiple_of3A : i32 to index
      %get3A_328 = tpu.vector_load %arg4[%get3A_326, %get3A_327] {strides = array<i32>} : memref<144x128xf32, #tpu.memory_space<vmem>>, vector<16xf32>,
      %abs3A_329 = math.absf %get3A_328 : vector<16xf32>
      %add3A_330 = arith.addf %add3A_312, %abs3A_329 : vector<16xf32>
      %get3A_331 = arith.constant 19 : i32
      %get3A_332 = arith.index_cast %get3A_331 : i32 to index
      %get3A_333 = arith.index_cast %multiple_of3A : i32 to index
      %get3A_334 = tpu.vector_load %arg4[%get3A_332, %get3A_333] {strides = array<i32>} : memref<144x128xf32, #tpu.memory_space<vmem>>, vector<16xf32>,
      %abs3A_335 = math.absf %get3A_334 : vector<16xf32>
      %add3A_336 = arith.addf %add3A_318, %abs3A_335 : vector<16xf32>
      %get3A_337 = arith.constant 20 : i32
      %get3A_338 = arith.index_cast %get3A_337 : i32 to index
      %get3A_339 = arith.index_cast %multiple_of3A : i32 to index
      %get3A_340 = tpu.vector_load %arg4[%get3A_338, %get3A_339] {strides = array<i32>} : memref<144x128xf32, #tpu.memory_space<vmem>>, vector<16xf32>,
      %abs3A_341 = math.absf %get3A_340 : vector<16xf32>
      %add3A_342 = arith.addf %add3A_324, %abs3A_341 : vector<16xf32>
      %get3A_343 = arith.constant 21 : i32
      %get3A_344 = arith.index_cast %get3A_343 : i32 to index
      %get3A_345 = arith.index_cast %multiple_of3A : i32 to index
      %get3A_346 = tpu.vector_load %arg4[%get3A_344, %get3A_345] {strides = array<i32>} : memref<144x128xf32, #tpu.memory_space<vmem>>, vector<16xf32>,
      %abs3A_347 = math.absf %get3A_346 : vector<16xf32>
      %add3A_348 = arith.addf %add3A_330, %abs3A_347 : vector<16xf32>
      %get3A_349 = arith.constant 22 : i32
      %get3A_350 = arith.index_cast %get3A_349 : i32 to index
      %get3A_351 = arith.index_cast %multiple_of3A : i32 to index
      %get3A_352 = tpu.vector_load %arg4[%get3A_350, %get3A_351] {strides = array<i32>} : memref<144x128xf32, #tpu.memory_space<vmem>>, vector<16xf32>,
      %abs3A_353 = math.absf %get3A_352 : vector<16xf32>
      %add3A_354 = arith.addf %add3A_336, %abs3A_353 : vector<16xf32>
      %get3A_355 = arith.constant 23 : i32
      %get3A_356 = arith.index_cast %get3A_355 : i32 to index
      %get3A_357 = arith.index_cast %multiple_of3A : i32 to index
      %get3A_358 = tpu.vector_load %arg4[%get3A_356, %get3A_357] {strides = array<i32>} : memref<144x128xf32, #tpu.memory_space<vmem>>, vector<16xf32>,
      %abs3A_359 = math.absf %get3A_358 : vector<16xf32>
      %add3A_360 = arith.addf %add3A_342, %abs3A_359 : vector<16xf32>
      %get3A_361 = arith.constant 24 : i32
      %get3A_362 = arith.index_cast %get3A_361 : i32 to index
      %get3A_363 = arith.index_cast %multiple_of3A : i32 to index
      %get3A_364 = tpu.vector_load %arg4[%get3A_362, %get3A_363] {strides = array<i32>} : memref<144x128xf32, #tpu.memory_space<vmem>>, vector<16xf32>,
      %abs3A_365 = math.absf %get3A_364 : vector<16xf32>
      %add3A_366 = arith.addf %add3A_348, %abs3A_365 : vector<16xf32>
      %get3A_367 = arith.constant 25 : i32
      %get3A_368 = arith.index_cast %get3A_367 : i32 to index
      %get3A_369 = arith.index_cast %multiple_of3A : i32 to index
      %get3A_370 = tpu.vector_load %arg4[%get3A_368, %get3A_369] {strides = array<i32>} : memref<144x128xf32, #tpu.memory_space<vmem>>, vector<16xf32>,
      %abs3A_371 = math.absf %get3A_370 : vector<16xf32>
      %add3A_372 = arith.addf %add3A_354, %abs3A_371 : vector<16xf32>
      %get3A_373 = arith.constant 26 : i32
      %get3A_374 = arith.index_cast %get3A_373 : i32 to index
      %get3A_375 = arith.index_cast %multiple_of3A : i32 to index
      %get3A_376 = tpu.vector_load %arg4[%get3A_374, %get3A_375] {strides = array<i32>} : memref<144x128xf32, #tpu.memory_space<vmem>>, vector<16xf32>,
      %abs3A_377 = math.absf %get3A_376 : vector<16xf32>
      %add3A_378 = arith.addf %add3A_360, %abs3A_377 : vector<16xf32>
      %get3A_379 = arith.constant 27 : i32
      %get3A_380 = arith.index_cast %get3A_379 : i32 to index
      %get3A_381 = arith.index_cast %multiple_of3A : i32 to index
      %get3A_382 = tpu.vector_load %arg4[%get3A_380, %get3A_381] {strides = array<i32>} : memref<144x128xf32, #tpu.memory_space<vmem>>, vector<16xf32>,
      %abs3A_383 = math.absf %get3A_382 : vector<16xf32>
      %add3A_384 = arith.addf %add3A_366, %abs3A_383 : vector<16xf32>
      %get3A_385 = arith.constant 28 : i32
      %get3A_386 = arith.index_cast %get3A_385 : i32 to index
      %get3A_387 = arith.index_cast %multiple_of3A : i32 to index
      %get3A_388 = tpu.vector_load %arg4[%get3A_386, %get3A_387] {strides = array<i32>} : memref<144x128xf32, #tpu.memory_space<vmem>>, vector<16xf32>,
      %abs3A_389 = math.absf %get3A_388 : vector<16xf32>
      %add3A_390 = arith.addf %add3A_372, %abs3A_389 : vector<16xf32>
      %get3A_391 = arith.constant 29 : i32
      %get3A_392 = arith.index_cast %get3A_391 : i32 to index
      %get3A_393 = arith.index_cast %multiple_of3A : i32 to index
      %get3A_394 = tpu.vector_load %arg4[%get3A_392, %get3A_393] {strides = array<i32>} : memref<144x128xf32, #tpu.memory_space<vmem>>, vector<16xf32>,
      %abs3A_395 = math.absf %get3A_394 : vector<16xf32>
      %add3A_396 = arith.addf %add3A_378, %abs3A_395 : vector<16xf32>
      %get3A_397 = arith.constant 30 : i32
      %get3A_398 = arith.index_cast %get3A_397 : i32 to index
      %get3A_399 = arith.index_cast %multiple_of3A : i32 to index
      %get3A_400 = tpu.vector_load %arg4[%get3A_398, %get3A_399] {strides = array<i32>} : memref<144x128xf32, #tpu.memory_space<vmem>>, vector<16xf32>,
      %abs3A_401 = math.absf %get3A_400 : vector<16xf32>
      %add3A_402 = arith.addf %add3A_384, %abs3A_401 : vector<16xf32>
      %get3A_403 = arith.constant 31 : i32
      %get3A_404 = arith.index_cast %get3A_403 : i32 to index
      %get3A_405 = arith.index_cast %multiple_of3A : i32 to index
      %get3A_406 = tpu.vector_load %arg4[%get3A_404, %get3A_405] {strides = array<i32>} : memref<144x128xf32, #tpu.memory_space<vmem>>, vector<16xf32>,
      %abs3A_407 = math.absf %get3A_406 : vector<16xf32>
      %add3A_408 = arith.addf %add3A_390, %abs3A_407 : vector<16xf32>
      %get3A_409 = arith.constant 32 : i32
      %get3A_410 = arith.index_cast %get3A_409 : i32 to index
      %get3A_411 = arith.index_cast %multiple_of3A : i32 to index
      %get3A_412 = tpu.vector_load %arg4[%get3A_410, %get3A_411] {strides = array<i32>} : memref<144x128xf32, #tpu.memory_space<vmem>>, vector<16xf32>,
      %abs3A_413 = math.absf %get3A_412 : vector<16xf32>
      %add3A_414 = arith.addf %add3A_396, %abs3A_413 : vector<16xf32>
      %get3A_415 = arith.constant 33 : i32
      %get3A_416 = arith.index_cast %get3A_415 : i32 to index
      %get3A_417 = arith.index_cast %multiple_of3A : i32 to index
      %get3A_418 = tpu.vector_load %arg4[%get3A_416, %get3A_417] {strides = array<i32>} : memref<144x128xf32, #tpu.memory_space<vmem>>, vector<16xf32>,
      %abs3A_419 = math.absf %get3A_418 : vector<16xf32>
      %add3A_420 = arith.addf %add3A_402, %abs3A_419 : vector<16xf32>
      %get3A_421 = arith.constant 34 : i32
      %get3A_422 = arith.index_cast %get3A_421 : i32 to index
      %get3A_423 = arith.index_cast %multiple_of3A : i32 to index
      %get3A_424 = tpu.vector_load %arg4[%get3A_422, %get3A_423] {strides = array<i32>} : memref<144x128xf32, #tpu.memory_space<vmem>>, vector<16xf32>,
      %abs3A_425 = math.absf %get3A_424 : vector<16xf32>
      %add3A_426 = arith.addf %add3A_408, %abs3A_425 : vector<16xf32>
      %get3A_427 = arith.constant 35 : i32
      %get3A_428 = arith.index_cast %get3A_427 : i32 to index
      %get3A_429 = arith.index_cast %multiple_of3A : i32 to index
      %get3A_430 = tpu.vector_load %arg4[%get3A_428, %get3A_429] {strides = array<i32>} : memref<144x128xf32, #tpu.memory_space<vmem>>, vector<16xf32>,
      %abs3A_431 = math.absf %get3A_430 : vector<16xf32>
      %add3A_432 = arith.addf %add3A_414, %abs3A_431 : vector<16xf32>
      %get3A_433 = arith.constant 36 : i32
      %get3A_434 = arith.index_cast %get3A_433 : i32 to index
      %get3A_435 = arith.index_cast %multiple_of3A : i32 to index
      %get3A_436 = tpu.vector_load %arg4[%get3A_434, %get3A_435] {strides = array<i32>} : memref<144x128xf32, #tpu.memory_space<vmem>>, vector<16xf32>,
      %abs3A_437 = math.absf %get3A_436 : vector<16xf32>
      %add3A_438 = arith.addf %add3A_420, %abs3A_437 : vector<16xf32>
      %get3A_439 = arith.constant 37 : i32
      %get3A_440 = arith.index_cast %get3A_439 : i32 to index
      %get3A_441 = arith.index_cast %multiple_of3A : i32 to index
      %get3A_442 = tpu.vector_load %arg4[%get3A_440, %get3A_441] {strides = array<i32>} : memref<144x128xf32, #tpu.memory_space<vmem>>, vector<16xf32>,
      %abs3A_443 = math.absf %get3A_442 : vector<16xf32>
      %add3A_444 = arith.addf %add3A_426, %abs3A_443 : vector<16xf32>
      %get3A_445 = arith.constant 38 : i32
      %get3A_446 = arith.index_cast %get3A_445 : i32 to index
      %get3A_447 = arith.index_cast %multiple_of3A : i32 to index
      %get3A_448 = tpu.vector_load %arg4[%get3A_446, %get3A_447] {strides = array<i32>} : memref<144x128xf32, #tpu.memory_space<vmem>>, vector<16xf32>,
      %abs3A_449 = math.absf %get3A_448 : vector<16xf32>
      %add3A_450 = arith.addf %add3A_432, %abs3A_449 : vector<16xf32>
      %get3A_451 = arith.constant 39 : i32
      %get3A_452 = arith.index_cast %get3A_451 : i32 to index
      %get3A_453 = arith.index_cast %multiple_of3A : i32 to index
      %get3A_454 = tpu.vector_load %arg4[%get3A_452, %get3A_453] {strides = array<i32>} : memref<144x128xf32, #tpu.memory_space<vmem>>, vector<16xf32>,
      %abs3A_455 = math.absf %get3A_454 : vector<16xf32>
      %add3A_456 = arith.addf %add3A_438, %abs3A_455 : vector<16xf32>
      %get3A_457 = arith.constant 40 : i32
      %get3A_458 = arith.index_cast %get3A_457 : i32 to index
      %get3A_459 = arith.index_cast %multiple_of3A : i32 to index
      %get3A_460 = tpu.vector_load %arg4[%get3A_458, %get3A_459] {strides = array<i32>} : memref<144x128xf32, #tpu.memory_space<vmem>>, vector<16xf32>,
      %abs3A_461 = math.absf %get3A_460 : vector<16xf32>
      %add3A_462 = arith.addf %add3A_444, %abs3A_461 : vector<16xf32>
      %get3A_463 = arith.constant 41 : i32
      %get3A_464 = arith.index_cast %get3A_463 : i32 to index
      %get3A_465 = arith.index_cast %multiple_of3A : i32 to index
      %get3A_466 = tpu.vector_load %arg4[%get3A_464, %get3A_465] {strides = array<i32>} : memref<144x128xf32, #tpu.memory_space<vmem>>, vector<16xf32>,
      %abs3A_467 = math.absf %get3A_466 : vector<16xf32>
      %add3A_468 = arith.addf %add3A_450, %abs3A_467 : vector<16xf32>
      %get3A_469 = arith.constant 42 : i32
      %get3A_470 = arith.index_cast %get3A_469 : i32 to index
      %get3A_471 = arith.index_cast %multiple_of3A : i32 to index
      %get3A_472 = tpu.vector_load %arg4[%get3A_470, %get3A_471] {strides = array<i32>} : memref<144x128xf32, #tpu.memory_space<vmem>>, vector<16xf32>,
      %abs3A_473 = math.absf %get3A_472 : vector<16xf32>
      %add3A_474 = arith.addf %add3A_456, %abs3A_473 : vector<16xf32>
      %get3A_475 = arith.constant 43 : i32
      %get3A_476 = arith.index_cast %get3A_475 : i32 to index
      %get3A_477 = arith.index_cast %multiple_of3A : i32 to index
      %get3A_478 = tpu.vector_load %arg4[%get3A_476, %get3A_477] {strides = array<i32>} : memref<144x128xf32, #tpu.memory_space<vmem>>, vector<16xf32>,
      %abs3A_479 = math.absf %get3A_478 : vector<16xf32>
      %add3A_480 = arith.addf %add3A_462, %abs3A_479 : vector<16xf32>
      %get3A_481 = arith.constant 44 : i32
      %get3A_482 = arith.index_cast %get3A_481 : i32 to index
      %get3A_483 = arith.index_cast %multiple_of3A : i32 to index
      %get3A_484 = tpu.vector_load %arg4[%get3A_482, %get3A_483] {strides = array<i32>} : memref<144x128xf32, #tpu.memory_space<vmem>>, vector<16xf32>,
      %abs3A_485 = math.absf %get3A_484 : vector<16xf32>
      %add3A_486 = arith.addf %add3A_468, %abs3A_485 : vector<16xf32>
      %get3A_487 = arith.constant 45 : i32
      %get3A_488 = arith.index_cast %get3A_487 : i32 to index
      %get3A_489 = arith.index_cast %multiple_of3A : i32 to index
      %get3A_490 = tpu.vector_load %arg4[%get3A_488, %get3A_489] {strides = array<i32>} : memref<144x128xf32, #tpu.memory_space<vmem>>, vector<16xf32>,
      %abs3A_491 = math.absf %get3A_490 : vector<16xf32>
      %add3A_492 = arith.addf %add3A_474, %abs3A_491 : vector<16xf32>
      %get3A_493 = arith.constant 46 : i32
      %get3A_494 = arith.index_cast %get3A_493 : i32 to index
      %get3A_495 = arith.index_cast %multiple_of3A : i32 to index
      %get3A_496 = tpu.vector_load %arg4[%get3A_494, %get3A_495] {strides = array<i32>} : memref<144x128xf32, #tpu.memory_space<vmem>>, vector<16xf32>,
      %abs3A_497 = math.absf %get3A_496 : vector<16xf32>
      %add3A_498 = arith.addf %add3A_480, %abs3A_497 : vector<16xf32>
      %get3A_499 = arith.constant 47 : i32
      %get3A_500 = arith.index_cast %get3A_499 : i32 to index
      %get3A_501 = arith.index_cast %multiple_of3A : i32 to index
      %get3A_502 = tpu.vector_load %arg4[%get3A_500, %get3A_501] {strides = array<i32>} : memref<144x128xf32, #tpu.memory_space<vmem>>, vector<16xf32>,
      %abs3A_503 = math.absf %get3A_502 : vector<16xf32>
      %add3A_504 = arith.addf %add3A_486, %abs3A_503 : vector<16xf32>
      %get3A_505 = arith.constant 48 : i32
      %get3A_506 = arith.index_cast %get3A_505 : i32 to index
      %get3A_507 = arith.index_cast %multiple_of3A : i32 to index
      %get3A_508 = tpu.vector_load %arg4[%get3A_506, %get3A_507] {strides = array<i32>} : memref<144x128xf32, #tpu.memory_space<vmem>>, vector<16xf32>,
      %abs3A_509 = math.absf %get3A_508 : vector<16xf32>
      %add3A_510 = arith.addf %add3A_492, %abs3A_509 : vector<16xf32>
      %get3A_511 = arith.constant 49 : i32
      %get3A_512 = arith.index_cast %get3A_511 : i32 to index
      %get3A_513 = arith.index_cast %multiple_of3A : i32 to index
      %get3A_514 = tpu.vector_load %arg4[%get3A_512, %get3A_513] {strides = array<i32>} : memref<144x128xf32, #tpu.memory_space<vmem>>, vector<16xf32>,
      %abs3A_515 = math.absf %get3A_514 : vector<16xf32>
      %add3A_516 = arith.addf %add3A_498, %abs3A_515 : vector<16xf32>
      %get3A_517 = arith.constant 50 : i32
      %get3A_518 = arith.index_cast %get3A_517 : i32 to index
      %get3A_519 = arith.index_cast %multiple_of3A : i32 to index
      %get3A_520 = tpu.vector_load %arg4[%get3A_518, %get3A_519] {strides = array<i32>} : memref<144x128xf32, #tpu.memory_space<vmem>>, vector<16xf32>,
      %abs3A_521 = math.absf %get3A_520 : vector<16xf32>
      %add3A_522 = arith.addf %add3A_504, %abs3A_521 : vector<16xf32>
      %get3A_523 = arith.constant 51 : i32
      %get3A_524 = arith.index_cast %get3A_523 : i32 to index
      %get3A_525 = arith.index_cast %multiple_of3A : i32 to index
      %get3A_526 = tpu.vector_load %arg4[%get3A_524, %get3A_525] {strides = array<i32>} : memref<144x128xf32, #tpu.memory_space<vmem>>, vector<16xf32>,
      %abs3A_527 = math.absf %get3A_526 : vector<16xf32>
      %add3A_528 = arith.addf %add3A_510, %abs3A_527 : vector<16xf32>
      %get3A_529 = arith.constant 52 : i32
      %get3A_530 = arith.index_cast %get3A_529 : i32 to index
      %get3A_531 = arith.index_cast %multiple_of3A : i32 to index
      %get3A_532 = tpu.vector_load %arg4[%get3A_530, %get3A_531] {strides = array<i32>} : memref<144x128xf32, #tpu.memory_space<vmem>>, vector<16xf32>,
      %abs3A_533 = math.absf %get3A_532 : vector<16xf32>
      %add3A_534 = arith.addf %add3A_516, %abs3A_533 : vector<16xf32>
      %get3A_535 = arith.constant 53 : i32
      %get3A_536 = arith.index_cast %get3A_535 : i32 to index
      %get3A_537 = arith.index_cast %multiple_of3A : i32 to index
      %get3A_538 = tpu.vector_load %arg4[%get3A_536, %get3A_537] {strides = array<i32>} : memref<144x128xf32, #tpu.memory_space<vmem>>, vector<16xf32>,
      %abs3A_539 = math.absf %get3A_538 : vector<16xf32>
      %add3A_540 = arith.addf %add3A_522, %abs3A_539 : vector<16xf32>
      %get3A_541 = arith.constant 54 : i32
      %get3A_542 = arith.index_cast %get3A_541 : i32 to index
      %get3A_543 = arith.index_cast %multiple_of3A : i32 to index
      %get3A_544 = tpu.vector_load %arg4[%get3A_542, %get3A_543] {strides = array<i32>} : memref<144x128xf32, #tpu.memory_space<vmem>>, vector<16xf32>,
      %abs3A_545 = math.absf %get3A_544 : vector<16xf32>
      %add3A_546 = arith.addf %add3A_528, %abs3A_545 : vector<16xf32>
      %get3A_547 = arith.constant 55 : i32
      %get3A_548 = arith.index_cast %get3A_547 : i32 to index
      %get3A_549 = arith.index_cast %multiple_of3A : i32 to index
      %get3A_550 = tpu.vector_load %arg4[%get3A_548, %get3A_549] {strides = array<i32>} : memref<144x128xf32, #tpu.memory_space<vmem>>, vector<16xf32>,
      %abs3A_551 = math.absf %get3A_550 : vector<16xf32>
      %add3A_552 = arith.addf %add3A_534, %abs3A_551 : vector<16xf32>
      %get3A_553 = arith.constant 56 : i32
      %get3A_554 = arith.index_cast %get3A_553 : i32 to index
      %get3A_555 = arith.index_cast %multiple_of3A : i32 to index
      %get3A_556 = tpu.vector_load %arg4[%get3A_554, %get3A_555] {strides = array<i32>} : memref<144x128xf32, #tpu.memory_space<vmem>>, vector<16xf32>,
      %abs3A_557 = math.absf %get3A_556 : vector<16xf32>
      %add3A_558 = arith.addf %add3A_540, %abs3A_557 : vector<16xf32>
      %get3A_559 = arith.constant 57 : i32
      %get3A_560 = arith.index_cast %get3A_559 : i32 to index
      %get3A_561 = arith.index_cast %multiple_of3A : i32 to index
      %get3A_562 = tpu.vector_load %arg4[%get3A_560, %get3A_561] {strides = array<i32>} : memref<144x128xf32, #tpu.memory_space<vmem>>, vector<16xf32>,
      %abs3A_563 = math.absf %get3A_562 : vector<16xf32>
      %add3A_564 = arith.addf %add3A_546, %abs3A_563 : vector<16xf32>
      %get3A_565 = arith.constant 58 : i32
      %get3A_566 = arith.index_cast %get3A_565 : i32 to index
      %get3A_567 = arith.index_cast %multiple_of3A : i32 to index
      %get3A_568 = tpu.vector_load %arg4[%get3A_566, %get3A_567] {strides = array<i32>} : memref<144x128xf32, #tpu.memory_space<vmem>>, vector<16xf32>,
      %abs3A_569 = math.absf %get3A_568 : vector<16xf32>
      %add3A_570 = arith.addf %add3A_552, %abs3A_569 : vector<16xf32>
      %get3A_571 = arith.constant 59 : i32
      %get3A_572 = arith.index_cast %get3A_571 : i32 to index
      %get3A_573 = arith.index_cast %multiple_of3A : i32 to index
      %get3A_574 = tpu.vector_load %arg4[%get3A_572, %get3A_573] {strides = array<i32>} : memref<144x128xf32, #tpu.memory_space<vmem>>, vector<16xf32>,
      %abs3A_575 = math.absf %get3A_574 : vector<16xf32>
      %add3A_576 = arith.addf %add3A_558, %abs3A_575 : vector<16xf32>
      %get3A_577 = arith.constant 60 : i32
      %get3A_578 = arith.index_cast %get3A_577 : i32 to index
      %get3A_579 = arith.index_cast %multiple_of3A : i32 to index
      %get3A_580 = tpu.vector_load %arg4[%get3A_578, %get3A_579] {strides = array<i32>} : memref<144x128xf32, #tpu.memory_space<vmem>>, vector<16xf32>,
      %abs3A_581 = math.absf %get3A_580 : vector<16xf32>
      %add3A_582 = arith.addf %add3A_564, %abs3A_581 : vector<16xf32>
      %get3A_583 = arith.constant 61 : i32
      %get3A_584 = arith.index_cast %get3A_583 : i32 to index
      %get3A_585 = arith.index_cast %multiple_of3A : i32 to index
      %get3A_586 = tpu.vector_load %arg4[%get3A_584, %get3A_585] {strides = array<i32>} : memref<144x128xf32, #tpu.memory_space<vmem>>, vector<16xf32>,
      %abs3A_587 = math.absf %get3A_586 : vector<16xf32>
      %add3A_588 = arith.addf %add3A_570, %abs3A_587 : vector<16xf32>
      %get3A_589 = arith.constant 62 : i32
      %get3A_590 = arith.index_cast %get3A_589 : i32 to index
      %get3A_591 = arith.index_cast %multiple_of3A : i32 to index
      %get3A_592 = tpu.vector_load %arg4[%get3A_590, %get3A_591] {strides = array<i32>} : memref<144x128xf32, #tpu.memory_space<vmem>>, vector<16xf32>,
      %abs3A_593 = math.absf %get3A_592 : vector<16xf32>
      %add3A_594 = arith.addf %add3A_576, %abs3A_593 : vector<16xf32>
      %get3A_595 = arith.constant 63 : i32
      %get3A_596 = arith.index_cast %get3A_595 : i32 to index
      %get3A_597 = arith.index_cast %multiple_of3A : i32 to index
      %get3A_598 = tpu.vector_load %arg4[%get3A_596, %get3A_597] {strides = array<i32>} : memref<144x128xf32, #tpu.memory_space<vmem>>, vector<16xf32>,
      %abs3A_599 = math.absf %get3A_598 : vector<16xf32>
      %add3A_600 = arith.addf %add3A_582, %abs3A_599 : vector<16xf32>
      %get3A_601 = arith.constant 64 : i32
      %get3A_602 = arith.index_cast %get3A_601 : i32 to index
      %get3A_603 = arith.index_cast %multiple_of3A : i32 to index
      %get3A_604 = tpu.vector_load %arg4[%get3A_602, %get3A_603] {strides = array<i32>} : memref<144x128xf32, #tpu.memory_space<vmem>>, vector<16xf32>,
      %abs3A_605 = math.absf %get3A_604 : vector<16xf32>
      %add3A_606 = arith.addf %add3A_588, %abs3A_605 : vector<16xf32>
      %get3A_607 = arith.constant 65 : i32
      %get3A_608 = arith.index_cast %get3A_607 : i32 to index
      %get3A_609 = arith.index_cast %multiple_of3A : i32 to index
      %get3A_610 = tpu.vector_load %arg4[%get3A_608, %get3A_609] {strides = array<i32>} : memref<144x128xf32, #tpu.memory_space<vmem>>, vector<16xf32>,
      %abs3A_611 = math.absf %get3A_610 : vector<16xf32>
      %add3A_612 = arith.addf %add3A_594, %abs3A_611 : vector<16xf32>
      %get3A_613 = arith.constant 66 : i32
      %get3A_614 = arith.index_cast %get3A_613 : i32 to index
      %get3A_615 = arith.index_cast %multiple_of3A : i32 to index
      %get3A_616 = tpu.vector_load %arg4[%get3A_614, %get3A_615] {strides = array<i32>} : memref<144x128xf32, #tpu.memory_space<vmem>>, vector<16xf32>,
      %abs3A_617 = math.absf %get3A_616 : vector<16xf32>
      %add3A_618 = arith.addf %add3A_600, %abs3A_617 : vector<16xf32>
      %get3A_619 = arith.constant 67 : i32
      %get3A_620 = arith.index_cast %get3A_619 : i32 to index
      %get3A_621 = arith.index_cast %multiple_of3A : i32 to index
      %get3A_622 = tpu.vector_load %arg4[%get3A_620, %get3A_621] {strides = array<i32>} : memref<144x128xf32, #tpu.memory_space<vmem>>, vector<16xf32>,
      %abs3A_623 = math.absf %get3A_622 : vector<16xf32>
      %add3A_624 = arith.addf %add3A_606, %abs3A_623 : vector<16xf32>
      %get3A_625 = arith.constant 68 : i32
      %get3A_626 = arith.index_cast %get3A_625 : i32 to index
      %get3A_627 = arith.index_cast %multiple_of3A : i32 to index
      %get3A_628 = tpu.vector_load %arg4[%get3A_626, %get3A_627] {strides = array<i32>} : memref<144x128xf32, #tpu.memory_space<vmem>>, vector<16xf32>,
      %abs3A_629 = math.absf %get3A_628 : vector<16xf32>
      %add3A_630 = arith.addf %add3A_612, %abs3A_629 : vector<16xf32>
      %get3A_631 = arith.constant 69 : i32
      %get3A_632 = arith.index_cast %get3A_631 : i32 to index
      %get3A_633 = arith.index_cast %multiple_of3A : i32 to index
      %get3A_634 = tpu.vector_load %arg4[%get3A_632, %get3A_633] {strides = array<i32>} : memref<144x128xf32, #tpu.memory_space<vmem>>, vector<16xf32>,
      %abs3A_635 = math.absf %get3A_634 : vector<16xf32>
      %add3A_636 = arith.addf %add3A_618, %abs3A_635 : vector<16xf32>
      %get3A_637 = arith.constant 70 : i32
      %get3A_638 = arith.index_cast %get3A_637 : i32 to index
      %get3A_639 = arith.index_cast %multiple_of3A : i32 to index
      %get3A_640 = tpu.vector_load %arg4[%get3A_638, %get3A_639] {strides = array<i32>} : memref<144x128xf32, #tpu.memory_space<vmem>>, vector<16xf32>,
      %abs3A_641 = math.absf %get3A_640 : vector<16xf32>
      %add3A_642 = arith.addf %add3A_624, %abs3A_641 : vector<16xf32>
      %get3A_643 = arith.constant 71 : i32
      %get3A_644 = arith.index_cast %get3A_643 : i32 to index
      %get3A_645 = arith.index_cast %multiple_of3A : i32 to index
      %get3A_646 = tpu.vector_load %arg4[%get3A_644, %get3A_645] {strides = array<i32>} : memref<144x128xf32, #tpu.memory_space<vmem>>, vector<16xf32>,
      %abs3A_647 = math.absf %get3A_646 : vector<16xf32>
      %add3A_648 = arith.addf %add3A_630, %abs3A_647 : vector<16xf32>
      %get3A_649 = arith.constant 72 : i32
      %get3A_650 = arith.index_cast %get3A_649 : i32 to index
      %get3A_651 = arith.index_cast %multiple_of3A : i32 to index
      %get3A_652 = tpu.vector_load %arg4[%get3A_650, %get3A_651] {strides = array<i32>} : memref<144x128xf32, #tpu.memory_space<vmem>>, vector<16xf32>,
      %abs3A_653 = math.absf %get3A_652 : vector<16xf32>
      %add3A_654 = arith.addf %add3A_636, %abs3A_653 : vector<16xf32>
      %get3A_655 = arith.constant 73 : i32
      %get3A_656 = arith.index_cast %get3A_655 : i32 to index
      %get3A_657 = arith.index_cast %multiple_of3A : i32 to index
      %get3A_658 = tpu.vector_load %arg4[%get3A_656, %get3A_657] {strides = array<i32>} : memref<144x128xf32, #tpu.memory_space<vmem>>, vector<16xf32>,
      %abs3A_659 = math.absf %get3A_658 : vector<16xf32>
      %add3A_660 = arith.addf %add3A_642, %abs3A_659 : vector<16xf32>
      %get3A_661 = arith.constant 74 : i32
      %get3A_662 = arith.index_cast %get3A_661 : i32 to index
      %get3A_663 = arith.index_cast %multiple_of3A : i32 to index
      %get3A_664 = tpu.vector_load %arg4[%get3A_662, %get3A_663] {strides = array<i32>} : memref<144x128xf32, #tpu.memory_space<vmem>>, vector<16xf32>,
      %abs3A_665 = math.absf %get3A_664 : vector<16xf32>
      %add3A_666 = arith.addf %add3A_648, %abs3A_665 : vector<16xf32>
      %get3A_667 = arith.constant 75 : i32
      %get3A_668 = arith.index_cast %get3A_667 : i32 to index
      %get3A_669 = arith.index_cast %multiple_of3A : i32 to index
      %get3A_670 = tpu.vector_load %arg4[%get3A_668, %get3A_669] {strides = array<i32>} : memref<144x128xf32, #tpu.memory_space<vmem>>, vector<16xf32>,
      %abs3A_671 = math.absf %get3A_670 : vector<16xf32>
      %add3A_672 = arith.addf %add3A_654, %abs3A_671 : vector<16xf32>
      %get3A_673 = arith.constant 76 : i32
      %get3A_674 = arith.index_cast %get3A_673 : i32 to index
      %get3A_675 = arith.index_cast %multiple_of3A : i32 to index
      %get3A_676 = tpu.vector_load %arg4[%get3A_674, %get3A_675] {strides = array<i32>} : memref<144x128xf32, #tpu.memory_space<vmem>>, vector<16xf32>,
      %abs3A_677 = math.absf %get3A_676 : vector<16xf32>
      %add3A_678 = arith.addf %add3A_660, %abs3A_677 : vector<16xf32>
      %get3A_679 = arith.constant 77 : i32
      %get3A_680 = arith.index_cast %get3A_679 : i32 to index
      %get3A_681 = arith.index_cast %multiple_of3A : i32 to index
      %get3A_682 = tpu.vector_load %arg4[%get3A_680, %get3A_681] {strides = array<i32>} : memref<144x128xf32, #tpu.memory_space<vmem>>, vector<16xf32>,
      %abs3A_683 = math.absf %get3A_682 : vector<16xf32>
      %add3A_684 = arith.addf %add3A_666, %abs3A_683 : vector<16xf32>
      %get3A_685 = arith.constant 78 : i32
      %get3A_686 = arith.index_cast %get3A_685 : i32 to index
      %get3A_687 = arith.index_cast %multiple_of3A : i32 to index
      %get3A_688 = tpu.vector_load %arg4[%get3A_686, %get3A_687] {strides = array<i32>} : memref<144x128xf32, #tpu.memory_space<vmem>>, vector<16xf32>,
      %abs3A_689 = math.absf %get3A_688 : vector<16xf32>
      %add3A_690 = arith.addf %add3A_672, %abs3A_689 : vector<16xf32>
      %get3A_691 = arith.constant 79 : i32
      %get3A_692 = arith.index_cast %get3A_691 : i32 to index
      %get3A_693 = arith.index_cast %multiple_of3A : i32 to index
      %get3A_694 = tpu.vector_load %arg4[%get3A_692, %get3A_693] {strides = array<i32>} : memref<144x128xf32, #tpu.memory_space<vmem>>, vector<16xf32>,
      %abs3A_695 = math.absf %get3A_694 : vector<16xf32>
      %add3A_696 = arith.addf %add3A_678, %abs3A_695 : vector<16xf32>
      %get3A_697 = arith.constant 80 : i32
      %get3A_698 = arith.index_cast %get3A_697 : i32 to index
      %get3A_699 = arith.index_cast %multiple_of3A : i32 to index
      %get3A_700 = tpu.vector_load %arg4[%get3A_698, %get3A_699] {strides = array<i32>} : memref<144x128xf32, #tpu.memory_space<vmem>>, vector<16xf32>,
      %abs3A_701 = math.absf %get3A_700 : vector<16xf32>
      %add3A_702 = arith.addf %add3A_684, %abs3A_701 : vector<16xf32>
      %get3A_703 = arith.constant 81 : i32
      %get3A_704 = arith.index_cast %get3A_703 : i32 to index
      %get3A_705 = arith.index_cast %multiple_of3A : i32 to index
      %get3A_706 = tpu.vector_load %arg4[%get3A_704, %get3A_705] {strides = array<i32>} : memref<144x128xf32, #tpu.memory_space<vmem>>, vector<16xf32>,
      %abs3A_707 = math.absf %get3A_706 : vector<16xf32>
      %add3A_708 = arith.addf %add3A_690, %abs3A_707 : vector<16xf32>
      %get3A_709 = arith.constant 82 : i32
      %get3A_710 = arith.index_cast %get3A_709 : i32 to index
      %get3A_711 = arith.index_cast %multiple_of3A : i32 to index
      %get3A_712 = tpu.vector_load %arg4[%get3A_710, %get3A_711] {strides = array<i32>} : memref<144x128xf32, #tpu.memory_space<vmem>>, vector<16xf32>,
      %abs3A_713 = math.absf %get3A_712 : vector<16xf32>
      %add3A_714 = arith.addf %add3A_696, %abs3A_713 : vector<16xf32>
      %get3A_715 = arith.constant 83 : i32
      %get3A_716 = arith.index_cast %get3A_715 : i32 to index
      %get3A_717 = arith.index_cast %multiple_of3A : i32 to index
      %get3A_718 = tpu.vector_load %arg4[%get3A_716, %get3A_717] {strides = array<i32>} : memref<144x128xf32, #tpu.memory_space<vmem>>, vector<16xf32>,
      %abs3A_719 = math.absf %get3A_718 : vector<16xf32>
      %add3A_720 = arith.addf %add3A_702, %abs3A_719 : vector<16xf32>
      %get3A_721 = arith.constant 84 : i32
      %get3A_722 = arith.index_cast %get3A_721 : i32 to index
      %get3A_723 = arith.index_cast %multiple_of3A : i32 to index
      %get3A_724 = tpu.vector_load %arg4[%get3A_722, %get3A_723] {strides = array<i32>} : memref<144x128xf32, #tpu.memory_space<vmem>>, vector<16xf32>,
      %abs3A_725 = math.absf %get3A_724 : vector<16xf32>
      %add3A_726 = arith.addf %add3A_708, %abs3A_725 : vector<16xf32>
      %get3A_727 = arith.constant 85 : i32
      %get3A_728 = arith.index_cast %get3A_727 : i32 to index
      %get3A_729 = arith.index_cast %multiple_of3A : i32 to index
      %get3A_730 = tpu.vector_load %arg4[%get3A_728, %get3A_729] {strides = array<i32>} : memref<144x128xf32, #tpu.memory_space<vmem>>, vector<16xf32>,
      %abs3A_731 = math.absf %get3A_730 : vector<16xf32>
      %add3A_732 = arith.addf %add3A_714, %abs3A_731 : vector<16xf32>
      %get3A_733 = arith.constant 86 : i32
      %get3A_734 = arith.index_cast %get3A_733 : i32 to index
      %get3A_735 = arith.index_cast %multiple_of3A : i32 to index
      %get3A_736 = tpu.vector_load %arg4[%get3A_734, %get3A_735] {strides = array<i32>} : memref<144x128xf32, #tpu.memory_space<vmem>>, vector<16xf32>,
      %abs3A_737 = math.absf %get3A_736 : vector<16xf32>
      %add3A_738 = arith.addf %add3A_720, %abs3A_737 : vector<16xf32>
      %get3A_739 = arith.constant 87 : i32
      %get3A_740 = arith.index_cast %get3A_739 : i32 to index
      %get3A_741 = arith.index_cast %multiple_of3A : i32 to index
      %get3A_742 = tpu.vector_load %arg4[%get3A_740, %get3A_741] {strides = array<i32>} : memref<144x128xf32, #tpu.memory_space<vmem>>, vector<16xf32>,
      %abs3A_743 = math.absf %get3A_742 : vector<16xf32>
      %add3A_744 = arith.addf %add3A_726, %abs3A_743 : vector<16xf32>
      %get3A_745 = arith.constant 88 : i32
      %get3A_746 = arith.index_cast %get3A_745 : i32 to index
      %get3A_747 = arith.index_cast %multiple_of3A : i32 to index
      %get3A_748 = tpu.vector_load %arg4[%get3A_746, %get3A_747] {strides = array<i32>} : memref<144x128xf32, #tpu.memory_space<vmem>>, vector<16xf32>,
      %abs3A_749 = math.absf %get3A_748 : vector<16xf32>
      %add3A_750 = arith.addf %add3A_732, %abs3A_749 : vector<16xf32>
      %get3A_751 = arith.constant 89 : i32
      %get3A_752 = arith.index_cast %get3A_751 : i32 to index
      %get3A_753 = arith.index_cast %multiple_of3A : i32 to index
      %get3A_754 = tpu.vector_load %arg4[%get3A_752, %get3A_753] {strides = array<i32>} : memref<144x128xf32, #tpu.memory_space<vmem>>, vector<16xf32>,
      %abs3A_755 = math.absf %get3A_754 : vector<16xf32>
      %add3A_756 = arith.addf %add3A_738, %abs3A_755 : vector<16xf32>
      %get3A_757 = arith.constant 90 : i32
      %get3A_758 = arith.index_cast %get3A_757 : i32 to index
      %get3A_759 = arith.index_cast %multiple_of3A : i32 to index
      %get3A_760 = tpu.vector_load %arg4[%get3A_758, %get3A_759] {strides = array<i32>} : memref<144x128xf32, #tpu.memory_space<vmem>>, vector<16xf32>,
      %abs3A_761 = math.absf %get3A_760 : vector<16xf32>
      %add3A_762 = arith.addf %add3A_744, %abs3A_761 : vector<16xf32>
      %get3A_763 = arith.constant 91 : i32
      %get3A_764 = arith.index_cast %get3A_763 : i32 to index
      %get3A_765 = arith.index_cast %multiple_of3A : i32 to index
      %get3A_766 = tpu.vector_load %arg4[%get3A_764, %get3A_765] {strides = array<i32>} : memref<144x128xf32, #tpu.memory_space<vmem>>, vector<16xf32>,
      %abs3A_767 = math.absf %get3A_766 : vector<16xf32>
      %add3A_768 = arith.addf %add3A_750, %abs3A_767 : vector<16xf32>
      %get3A_769 = arith.constant 92 : i32
      %get3A_770 = arith.index_cast %get3A_769 : i32 to index
      %get3A_771 = arith.index_cast %multiple_of3A : i32 to index
      %get3A_772 = tpu.vector_load %arg4[%get3A_770, %get3A_771] {strides = array<i32>} : memref<144x128xf32, #tpu.memory_space<vmem>>, vector<16xf32>,
      %abs3A_773 = math.absf %get3A_772 : vector<16xf32>
      %add3A_774 = arith.addf %add3A_756, %abs3A_773 : vector<16xf32>
      %get3A_775 = arith.constant 93 : i32
      %get3A_776 = arith.index_cast %get3A_775 : i32 to index
      %get3A_777 = arith.index_cast %multiple_of3A : i32 to index
      %get3A_778 = tpu.vector_load %arg4[%get3A_776, %get3A_777] {strides = array<i32>} : memref<144x128xf32, #tpu.memory_space<vmem>>, vector<16xf32>,
      %abs3A_779 = math.absf %get3A_778 : vector<16xf32>
      %add3A_780 = arith.addf %add3A_762, %abs3A_779 : vector<16xf32>
      %get3A_781 = arith.constant 94 : i32
      %get3A_782 = arith.index_cast %get3A_781 : i32 to index
      %get3A_783 = arith.index_cast %multiple_of3A : i32 to index
      %get3A_784 = tpu.vector_load %arg4[%get3A_782, %get3A_783] {strides = array<i32>} : memref<144x128xf32, #tpu.memory_space<vmem>>, vector<16xf32>,
      %abs3A_785 = math.absf %get3A_784 : vector<16xf32>
      %add3A_786 = arith.addf %add3A_768, %abs3A_785 : vector<16xf32>
      %get3A_787 = arith.constant 95 : i32
      %get3A_788 = arith.index_cast %get3A_787 : i32 to index
      %get3A_789 = arith.index_cast %multiple_of3A : i32 to index
      %get3A_790 = tpu.vector_load %arg4[%get3A_788, %get3A_789] {strides = array<i32>} : memref<144x128xf32, #tpu.memory_space<vmem>>, vector<16xf32>,
      %abs3A_791 = math.absf %get3A_790 : vector<16xf32>
      %add3A_792 = arith.addf %add3A_774, %abs3A_791 : vector<16xf32>
      %get3A_793 = arith.constant 96 : i32
      %get3A_794 = arith.index_cast %get3A_793 : i32 to index
      %get3A_795 = arith.index_cast %multiple_of3A : i32 to index
      %get3A_796 = tpu.vector_load %arg4[%get3A_794, %get3A_795] {strides = array<i32>} : memref<144x128xf32, #tpu.memory_space<vmem>>, vector<16xf32>,
      %abs3A_797 = math.absf %get3A_796 : vector<16xf32>
      %add3A_798 = arith.addf %add3A_780, %abs3A_797 : vector<16xf32>
      %get3A_799 = arith.constant 97 : i32
      %get3A_800 = arith.index_cast %get3A_799 : i32 to index
      %get3A_801 = arith.index_cast %multiple_of3A : i32 to index
      %get3A_802 = tpu.vector_load %arg4[%get3A_800, %get3A_801] {strides = array<i32>} : memref<144x128xf32, #tpu.memory_space<vmem>>, vector<16xf32>,
      %abs3A_803 = math.absf %get3A_802 : vector<16xf32>
      %add3A_804 = arith.addf %add3A_786, %abs3A_803 : vector<16xf32>
      %get3A_805 = arith.constant 98 : i32
      %get3A_806 = arith.index_cast %get3A_805 : i32 to index
      %get3A_807 = arith.index_cast %multiple_of3A : i32 to index
      %get3A_808 = tpu.vector_load %arg4[%get3A_806, %get3A_807] {strides = array<i32>} : memref<144x128xf32, #tpu.memory_space<vmem>>, vector<16xf32>,
      %abs3A_809 = math.absf %get3A_808 : vector<16xf32>
      %add3A_810 = arith.addf %add3A_792, %abs3A_809 : vector<16xf32>
      %get3A_811 = arith.constant 99 : i32
      %get3A_812 = arith.index_cast %get3A_811 : i32 to index
      %get3A_813 = arith.index_cast %multiple_of3A : i32 to index
      %get3A_814 = tpu.vector_load %arg4[%get3A_812, %get3A_813] {strides = array<i32>} : memref<144x128xf32, #tpu.memory_space<vmem>>, vector<16xf32>,
      %abs3A_815 = math.absf %get3A_814 : vector<16xf32>
      %add3A_816 = arith.addf %add3A_798, %abs3A_815 : vector<16xf32>
      %get3A_817 = arith.constant 100 : i32
      %get3A_818 = arith.index_cast %get3A_817 : i32 to index
      %get3A_819 = arith.index_cast %multiple_of3A : i32 to index
      %get3A_820 = tpu.vector_load %arg4[%get3A_818, %get3A_819] {strides = array<i32>} : memref<144x128xf32, #tpu.memory_space<vmem>>, vector<16xf32>,
      %abs3A_821 = math.absf %get3A_820 : vector<16xf32>
      %add3A_822 = arith.addf %add3A_804, %abs3A_821 : vector<16xf32>
      %get3A_823 = arith.constant 101 : i32
      %get3A_824 = arith.index_cast %get3A_823 : i32 to index
      %get3A_825 = arith.index_cast %multiple_of3A : i32 to index
      %get3A_826 = tpu.vector_load %arg4[%get3A_824, %get3A_825] {strides = array<i32>} : memref<144x128xf32, #tpu.memory_space<vmem>>, vector<16xf32>,
      %abs3A_827 = math.absf %get3A_826 : vector<16xf32>
      %add3A_828 = arith.addf %add3A_810, %abs3A_827 : vector<16xf32>
      %get3A_829 = arith.constant 102 : i32
      %get3A_830 = arith.index_cast %get3A_829 : i32 to index
      %get3A_831 = arith.index_cast %multiple_of3A : i32 to index
      %get3A_832 = tpu.vector_load %arg4[%get3A_830, %get3A_831] {strides = array<i32>} : memref<144x128xf32, #tpu.memory_space<vmem>>, vector<16xf32>,
      %abs3A_833 = math.absf %get3A_832 : vector<16xf32>
      %add3A_834 = arith.addf %add3A_816, %abs3A_833 : vector<16xf32>
      %get3A_835 = arith.constant 103 : i32
      %get3A_836 = arith.index_cast %get3A_835 : i32 to index
      %get3A_837 = arith.index_cast %multiple_of3A : i32 to index
      %get3A_838 = tpu.vector_load %arg4[%get3A_836, %get3A_837] {strides = array<i32>} : memref<144x128xf32, #tpu.memory_space<vmem>>, vector<16xf32>,
      %abs3A_839 = math.absf %get3A_838 : vector<16xf32>
      %add3A_840 = arith.addf %add3A_822, %abs3A_839 : vector<16xf32>
      %get3A_841 = arith.constant 104 : i32
      %get3A_842 = arith.index_cast %get3A_841 : i32 to index
      %get3A_843 = arith.index_cast %multiple_of3A : i32 to index
      %get3A_844 = tpu.vector_load %arg4[%get3A_842, %get3A_843] {strides = array<i32>} : memref<144x128xf32, #tpu.memory_space<vmem>>, vector<16xf32>,
      %abs3A_845 = math.absf %get3A_844 : vector<16xf32>
      %add3A_846 = arith.addf %add3A_828, %abs3A_845 : vector<16xf32>
      %get3A_847 = arith.constant 105 : i32
      %get3A_848 = arith.index_cast %get3A_847 : i32 to index
      %get3A_849 = arith.index_cast %multiple_of3A : i32 to index
      %get3A_850 = tpu.vector_load %arg4[%get3A_848, %get3A_849] {strides = array<i32>} : memref<144x128xf32, #tpu.memory_space<vmem>>, vector<16xf32>,
      %abs3A_851 = math.absf %get3A_850 : vector<16xf32>
      %add3A_852 = arith.addf %add3A_834, %abs3A_851 : vector<16xf32>
      %get3A_853 = arith.constant 106 : i32
      %get3A_854 = arith.index_cast %get3A_853 : i32 to index
      %get3A_855 = arith.index_cast %multiple_of3A : i32 to index
      %get3A_856 = tpu.vector_load %arg4[%get3A_854, %get3A_855] {strides = array<i32>} : memref<144x128xf32, #tpu.memory_space<vmem>>, vector<16xf32>,
      %abs3A_857 = math.absf %get3A_856 : vector<16xf32>
      %add3A_858 = arith.addf %add3A_840, %abs3A_857 : vector<16xf32>
      %get3A_859 = arith.constant 107 : i32
      %get3A_860 = arith.index_cast %get3A_859 : i32 to index
      %get3A_861 = arith.index_cast %multiple_of3A : i32 to index
      %get3A_862 = tpu.vector_load %arg4[%get3A_860, %get3A_861] {strides = array<i32>} : memref<144x128xf32, #tpu.memory_space<vmem>>, vector<16xf32>,
      %abs3A_863 = math.absf %get3A_862 : vector<16xf32>
      %add3A_864 = arith.addf %add3A_846, %abs3A_863 : vector<16xf32>
      %get3A_865 = arith.constant 108 : i32
      %get3A_866 = arith.index_cast %get3A_865 : i32 to index
      %get3A_867 = arith.index_cast %multiple_of3A : i32 to index
      %get3A_868 = tpu.vector_load %arg4[%get3A_866, %get3A_867] {strides = array<i32>} : memref<144x128xf32, #tpu.memory_space<vmem>>, vector<16xf32>,
      %abs3A_869 = math.absf %get3A_868 : vector<16xf32>
      %add3A_870 = arith.addf %add3A_852, %abs3A_869 : vector<16xf32>
      %get3A_871 = arith.constant 109 : i32
      %get3A_872 = arith.index_cast %get3A_871 : i32 to index
      %get3A_873 = arith.index_cast %multiple_of3A : i32 to index
      %get3A_874 = tpu.vector_load %arg4[%get3A_872, %get3A_873] {strides = array<i32>} : memref<144x128xf32, #tpu.memory_space<vmem>>, vector<16xf32>,
      %abs3A_875 = math.absf %get3A_874 : vector<16xf32>
      %add3A_876 = arith.addf %add3A_858, %abs3A_875 : vector<16xf32>
      %get3A_877 = arith.constant 110 : i32
      %get3A_878 = arith.index_cast %get3A_877 : i32 to index
      %get3A_879 = arith.index_cast %multiple_of3A : i32 to index
      %get3A_880 = tpu.vector_load %arg4[%get3A_878, %get3A_879] {strides = array<i32>} : memref<144x128xf32, #tpu.memory_space<vmem>>, vector<16xf32>,
      %abs3A_881 = math.absf %get3A_880 : vector<16xf32>
      %add3A_882 = arith.addf %add3A_864, %abs3A_881 : vector<16xf32>
      %get3A_883 = arith.constant 111 : i32
      %get3A_884 = arith.index_cast %get3A_883 : i32 to index
      %get3A_885 = arith.index_cast %multiple_of3A : i32 to index
      %get3A_886 = tpu.vector_load %arg4[%get3A_884, %get3A_885] {strides = array<i32>} : memref<144x128xf32, #tpu.memory_space<vmem>>, vector<16xf32>,
      %abs3A_887 = math.absf %get3A_886 : vector<16xf32>
      %add3A_888 = arith.addf %add3A_870, %abs3A_887 : vector<16xf32>
      %get3A_889 = arith.constant 112 : i32
      %get3A_890 = arith.index_cast %get3A_889 : i32 to index
      %get3A_891 = arith.index_cast %multiple_of3A : i32 to index
      %get3A_892 = tpu.vector_load %arg4[%get3A_890, %get3A_891] {strides = array<i32>} : memref<144x128xf32, #tpu.memory_space<vmem>>, vector<16xf32>,
      %abs3A_893 = math.absf %get3A_892 : vector<16xf32>
      %add3A_894 = arith.addf %add3A_876, %abs3A_893 : vector<16xf32>
      %get3A_895 = arith.constant 113 : i32
      %get3A_896 = arith.index_cast %get3A_895 : i32 to index
      %get3A_897 = arith.index_cast %multiple_of3A : i32 to index
      %get3A_898 = tpu.vector_load %arg4[%get3A_896, %get3A_897] {strides = array<i32>} : memref<144x128xf32, #tpu.memory_space<vmem>>, vector<16xf32>,
      %abs3A_899 = math.absf %get3A_898 : vector<16xf32>
      %add3A_900 = arith.addf %add3A_882, %abs3A_899 : vector<16xf32>
      %get3A_901 = arith.constant 114 : i32
      %get3A_902 = arith.index_cast %get3A_901 : i32 to index
      %get3A_903 = arith.index_cast %multiple_of3A : i32 to index
      %get3A_904 = tpu.vector_load %arg4[%get3A_902, %get3A_903] {strides = array<i32>} : memref<144x128xf32, #tpu.memory_space<vmem>>, vector<16xf32>,
      %abs3A_905 = math.absf %get3A_904 : vector<16xf32>
      %add3A_906 = arith.addf %add3A_888, %abs3A_905 : vector<16xf32>
      %get3A_907 = arith.constant 115 : i32
      %get3A_908 = arith.index_cast %get3A_907 : i32 to index
      %get3A_909 = arith.index_cast %multiple_of3A : i32 to index
      %get3A_910 = tpu.vector_load %arg4[%get3A_908, %get3A_909] {strides = array<i32>} : memref<144x128xf32, #tpu.memory_space<vmem>>, vector<16xf32>,
      %abs3A_911 = math.absf %get3A_910 : vector<16xf32>
      %add3A_912 = arith.addf %add3A_894, %abs3A_911 : vector<16xf32>
      %get3A_913 = arith.constant 116 : i32
      %get3A_914 = arith.index_cast %get3A_913 : i32 to index
      %get3A_915 = arith.index_cast %multiple_of3A : i32 to index
      %get3A_916 = tpu.vector_load %arg4[%get3A_914, %get3A_915] {strides = array<i32>} : memref<144x128xf32, #tpu.memory_space<vmem>>, vector<16xf32>,
      %abs3A_917 = math.absf %get3A_916 : vector<16xf32>
      %add3A_918 = arith.addf %add3A_900, %abs3A_917 : vector<16xf32>
      %get3A_919 = arith.constant 117 : i32
      %get3A_920 = arith.index_cast %get3A_919 : i32 to index
      %get3A_921 = arith.index_cast %multiple_of3A : i32 to index
      %get3A_922 = tpu.vector_load %arg4[%get3A_920, %get3A_921] {strides = array<i32>} : memref<144x128xf32, #tpu.memory_space<vmem>>, vector<16xf32>,
      %abs3A_923 = math.absf %get3A_922 : vector<16xf32>
      %add3A_924 = arith.addf %add3A_906, %abs3A_923 : vector<16xf32>
      %get3A_925 = arith.constant 118 : i32
      %get3A_926 = arith.index_cast %get3A_925 : i32 to index
      %get3A_927 = arith.index_cast %multiple_of3A : i32 to index
      %get3A_928 = tpu.vector_load %arg4[%get3A_926, %get3A_927] {strides = array<i32>} : memref<144x128xf32, #tpu.memory_space<vmem>>, vector<16xf32>,
      %abs3A_929 = math.absf %get3A_928 : vector<16xf32>
      %add3A_930 = arith.addf %add3A_912, %abs3A_929 : vector<16xf32>
      %get3A_931 = arith.constant 119 : i32
      %get3A_932 = arith.index_cast %get3A_931 : i32 to index
      %get3A_933 = arith.index_cast %multiple_of3A : i32 to index
      %get3A_934 = tpu.vector_load %arg4[%get3A_932, %get3A_933] {strides = array<i32>} : memref<144x128xf32, #tpu.memory_space<vmem>>, vector<16xf32>,
      %abs3A_935 = math.absf %get3A_934 : vector<16xf32>
      %add3A_936 = arith.addf %add3A_918, %abs3A_935 : vector<16xf32>
      %get3A_937 = arith.constant 120 : i32
      %get3A_938 = arith.index_cast %get3A_937 : i32 to index
      %get3A_939 = arith.index_cast %multiple_of3A : i32 to index
      %get3A_940 = tpu.vector_load %arg4[%get3A_938, %get3A_939] {strides = array<i32>} : memref<144x128xf32, #tpu.memory_space<vmem>>, vector<16xf32>,
      %abs3A_941 = math.absf %get3A_940 : vector<16xf32>
      %add3A_942 = arith.addf %add3A_924, %abs3A_941 : vector<16xf32>
      %get3A_943 = arith.constant 121 : i32
      %get3A_944 = arith.index_cast %get3A_943 : i32 to index
      %get3A_945 = arith.index_cast %multiple_of3A : i32 to index
      %get3A_946 = tpu.vector_load %arg4[%get3A_944, %get3A_945] {strides = array<i32>} : memref<144x128xf32, #tpu.memory_space<vmem>>, vector<16xf32>,
      %abs3A_947 = math.absf %get3A_946 : vector<16xf32>
      %add3A_948 = arith.addf %add3A_930, %abs3A_947 : vector<16xf32>
      %get3A_949 = arith.constant 122 : i32
      %get3A_950 = arith.index_cast %get3A_949 : i32 to index
      %get3A_951 = arith.index_cast %multiple_of3A : i32 to index
      %get3A_952 = tpu.vector_load %arg4[%get3A_950, %get3A_951] {strides = array<i32>} : memref<144x128xf32, #tpu.memory_space<vmem>>, vector<16xf32>,
      %abs3A_953 = math.absf %get3A_952 : vector<16xf32>
      %add3A_954 = arith.addf %add3A_936, %abs3A_953 : vector<16xf32>
      %get3A_955 = arith.constant 123 : i32
      %get3A_956 = arith.index_cast %get3A_955 : i32 to index
      %get3A_957 = arith.index_cast %multiple_of3A : i32 to index
      %get3A_958 = tpu.vector_load %arg4[%get3A_956, %get3A_957] {strides = array<i32>} : memref<144x128xf32, #tpu.memory_space<vmem>>, vector<16xf32>,
      %abs3A_959 = math.absf %get3A_958 : vector<16xf32>
      %add3A_960 = arith.addf %add3A_942, %abs3A_959 : vector<16xf32>
      %get3A_961 = arith.constant 124 : i32
      %get3A_962 = arith.index_cast %get3A_961 : i32 to index
      %get3A_963 = arith.index_cast %multiple_of3A : i32 to index
      %get3A_964 = tpu.vector_load %arg4[%get3A_962, %get3A_963] {strides = array<i32>} : memref<144x128xf32, #tpu.memory_space<vmem>>, vector<16xf32>,
      %abs3A_965 = math.absf %get3A_964 : vector<16xf32>
      %add3A_966 = arith.addf %add3A_948, %abs3A_965 : vector<16xf32>
      %get3A_967 = arith.constant 125 : i32
      %get3A_968 = arith.index_cast %get3A_967 : i32 to index
      %get3A_969 = arith.index_cast %multiple_of3A : i32 to index
      %get3A_970 = tpu.vector_load %arg4[%get3A_968, %get3A_969] {strides = array<i32>} : memref<144x128xf32, #tpu.memory_space<vmem>>, vector<16xf32>,
      %abs3A_971 = math.absf %get3A_970 : vector<16xf32>
      %add3A_972 = arith.addf %add3A_954, %abs3A_971 : vector<16xf32>
      %get3A_973 = arith.constant 126 : i32
      %get3A_974 = arith.index_cast %get3A_973 : i32 to index
      %get3A_975 = arith.index_cast %multiple_of3A : i32 to index
      %get3A_976 = tpu.vector_load %arg4[%get3A_974, %get3A_975] {strides = array<i32>} : memref<144x128xf32, #tpu.memory_space<vmem>>, vector<16xf32>,
      %abs3A_977 = math.absf %get3A_976 : vector<16xf32>
      %add3A_978 = arith.addf %add3A_960, %abs3A_977 : vector<16xf32>
      %get3A_979 = arith.constant 127 : i32
      %get3A_980 = arith.index_cast %get3A_979 : i32 to index
      %get3A_981 = arith.index_cast %multiple_of3A : i32 to index
      %get3A_982 = tpu.vector_load %arg4[%get3A_980, %get3A_981] {strides = array<i32>} : memref<144x128xf32, #tpu.memory_space<vmem>>, vector<16xf32>,
      %abs3A_983 = math.absf %get3A_982 : vector<16xf32>
      %add3A_984 = arith.addf %add3A_966, %abs3A_983 : vector<16xf32>
      %get3A_985 = arith.constant 140 : i32
      %get3A_986 = arith.index_cast %get3A_985 : i32 to index
      %get3A_987 = arith.index_cast %multiple_of3A : i32 to index
      %get3A_988 = tpu.vector_load %arg4[%get3A_986, %get3A_987] {strides = array<i32>} : memref<144x128xf32, #tpu.memory_space<vmem>>, vector<16xf32>,
      %abs3A_989 = math.absf %get3A_988 : vector<16xf32>
      %add3A_990 = arith.addf %add3A_972, %abs3A_989 : vector<16xf32>
      %get3A_991 = arith.constant 141 : i32
      %get3A_992 = arith.index_cast %get3A_991 : i32 to index
      %get3A_993 = arith.index_cast %multiple_of3A : i32 to index
      %get3A_994 = tpu.vector_load %arg4[%get3A_992, %get3A_993] {strides = array<i32>} : memref<144x128xf32, #tpu.memory_space<vmem>>, vector<16xf32>,
      %abs3A_995 = math.absf %get3A_994 : vector<16xf32>
      %add3A_996 = arith.addf %add3A_978, %abs3A_995 : vector<16xf32>
      %get3A_997 = arith.constant 142 : i32
      %get3A_998 = arith.index_cast %get3A_997 : i32 to index
      %get3A_999 = arith.index_cast %multiple_of3A : i32 to index
      %get3A_1000 = tpu.vector_load %arg4[%get3A_998, %get3A_999] {strides = array<i32>} : memref<144x128xf32, #tpu.memory_space<vmem>>, vector<16xf32>,
      %abs3A_1001 = math.absf %get3A_1000 : vector<16xf32>
      %add3A_1002 = arith.addf %add3A_984, %abs3A_1001 : vector<16xf32>
      %get3A_1003 = arith.constant 143 : i32
      %get3A_1004 = arith.index_cast %get3A_1003 : i32 to index
      %get3A_1005 = arith.index_cast %multiple_of3A : i32 to index
      %get3A_1006 = tpu.vector_load %arg4[%get3A_1004, %get3A_1005] {strides = array<i32>} : memref<144x128xf32, #tpu.memory_space<vmem>>, vector<16xf32>,
      %abs3A_1007 = math.absf %get3A_1006 : vector<16xf32>
      %add3A_1008 = arith.addf %add3A_990, %abs3A_1007 : vector<16xf32>
      %add3A_1009 = arith.addf %add3A_996, %add3A_1002 : vector<16xf32>
      %add3A_1010 = arith.addf %add3A_1009, %add3A_1008 : vector<16xf32>
      %swap3A = arith.constant 0 : index
      %swap3A_1011 = tpu.vector_load %arg5[%swap3A] {strides = array<i32>} : memref<720xf32, #tpu.memory_space<vmem>>, vector<16xf32>,
      tpu.vector_store %arg5[%swap3A], %add3A_1010 {strides = array<i32>} : memref<720xf32, #tpu.memory_space<vmem>>, vector<16xf32>,
      %swap3A_1012 = arith.constant 16 : index
      %swap3A_1013 = tpu.vector_load %arg5[%swap3A_1012] {strides = array<i32>} : memref<720xf32, #tpu.memory_space<vmem>>, vector<16xf32>,
      tpu.vector_store %arg5[%swap3A_1012], %broadcast_in_dim3A_202 {strides = array<i32>} : memref<720xf32, #tpu.memory_space<vmem>>, vector<16xf32>,
      %swap3A_1014 = arith.constant 32 : index
      %swap3A_1015 = tpu.vector_load %arg5[%swap3A_1014] {strides = array<i32>} : memref<720xf32, #tpu.memory_space<vmem>>, vector<16xf32>,
      tpu.vector_store %arg5[%swap3A_1014], %broadcast_in_dim3A_202 {strides = array<i32>} : memref<720xf32, #tpu.memory_space<vmem>>, vector<16xf32>,
      %swap3A_1016 = arith.constant 48 : index
      %swap3A_1017 = tpu.vector_load %arg5[%swap3A_1016] {strides = array<i32>} : memref<720xf32, #tpu.memory_space<vmem>>, vector<16xf32>,
      tpu.vector_store %arg5[%swap3A_1016], %broadcast_in_dim3A_202 {strides = array<i32>} : memref<720xf32, #tpu.memory_space<vmem>>, vector<16xf32>,
      %swap3A_1018 = arith.constant 64 : index
      %swap3A_1019 = tpu.vector_load %arg5[%swap3A_1018] {strides = array<i32>} : memref<720xf32, #tpu.memory_space<vmem>>, vector<16xf32>,
      tpu.vector_store %arg5[%swap3A_1018], %broadcast_in_dim3A_202 {strides = array<i32>} : memref<720xf32, #tpu.memory_space<vmem>>, vector<16xf32>,
      %swap3A_1020 = arith.constant 80 : index
      %swap3A_1021 = tpu.vector_load %arg5[%swap3A_1020] {strides = array<i32>} : memref<720xf32, #tpu.memory_space<vmem>>, vector<16xf32>,
      tpu.vector_store %arg5[%swap3A_1020], %broadcast_in_dim3A_202 {strides = array<i32>} : memref<720xf32, #tpu.memory_space<vmem>>, vector<16xf32>,
      %swap3A_1022 = arith.constant 96 : index
      %swap3A_1023 = tpu.vector_load %arg5[%swap3A_1022] {strides = array<i32>} : memref<720xf32, #tpu.memory_space<vmem>>, vector<16xf32>,
      tpu.vector_store %arg5[%swap3A_1022], %broadcast_in_dim3A_202 {strides = array<i32>} : memref<720xf32, #tpu.memory_space<vmem>>, vector<16xf32>,
      %swap3A_1024 = arith.constant 112 : index
      %swap3A_1025 = tpu.vector_load %arg5[%swap3A_1024] {strides = array<i32>} : memref<720xf32, #tpu.memory_space<vmem>>, vector<16xf32>,
      tpu.vector_store %arg5[%swap3A_1024], %broadcast_in_dim3A_202 {strides = array<i32>} : memref<720xf32, #tpu.memory_space<vmem>>, vector<16xf32>,
      %swap3A_1026 = arith.constant 128 : index
      %swap3A_1027 = tpu.vector_load %arg5[%swap3A_1026] {strides = array<i32>} : memref<720xf32, #tpu.memory_space<vmem>>, vector<16xf32>,
      tpu.vector_store %arg5[%swap3A_1026], %broadcast_in_dim3A_202 {strides = array<i32>} : memref<720xf32, #tpu.memory_space<vmem>>, vector<16xf32>,
      %swap3A_1028 = arith.constant 144 : index
      %swap3A_1029 = tpu.vector_load %arg5[%swap3A_1028] {strides = array<i32>} : memref<720xf32, #tpu.memory_space<vmem>>, vector<16xf32>,
      tpu.vector_store %arg5[%swap3A_1028], %broadcast_in_dim3A_202 {strides = array<i32>} : memref<720xf32, #tpu.memory_space<vmem>>, vector<16xf32>,
      %swap3A_1030 = arith.constant 160 : index
      %swap3A_1031 = tpu.vector_load %arg5[%swap3A_1030] {strides = array<i32>} : memref<720xf32, #tpu.memory_space<vmem>>, vector<16xf32>,
      tpu.vector_store %arg5[%swap3A_1030], %broadcast_in_dim3A_202 {strides = array<i32>} : memref<720xf32, #tpu.memory_space<vmem>>, vector<16xf32>,
      %swap3A_1032 = arith.constant 176 : index
      %swap3A_1033 = tpu.vector_load %arg5[%swap3A_1032] {strides = array<i32>} : memref<720xf32, #tpu.memory_space<vmem>>, vector<16xf32>,
      tpu.vector_store %arg5[%swap3A_1032], %broadcast_in_dim3A_202 {strides = array<i32>} : memref<720xf32, #tpu.memory_space<vmem>>, vector<16xf32>,
      %swap3A_1034 = arith.constant 192 : index
      %swap3A_1035 = tpu.vector_load %arg5[%swap3A_1034] {strides = array<i32>} : memref<720xf32, #tpu.memory_space<vmem>>, vector<16xf32>,
      tpu.vector_store %arg5[%swap3A_1034], %broadcast_in_dim3A_202 {strides = array<i32>} : memref<720xf32, #tpu.memory_space<vmem>>, vector<16xf32>,
      %swap3A_1036 = arith.constant 208 : index
      %swap3A_1037 = tpu.vector_load %arg5[%swap3A_1036] {strides = array<i32>} : memref<720xf32, #tpu.memory_space<vmem>>, vector<16xf32>,
      tpu.vector_store %arg5[%swap3A_1036], %broadcast_in_dim3A_202 {strides = array<i32>} : memref<720xf32, #tpu.memory_space<vmem>>, vector<16xf32>,
      %swap3A_1038 = arith.constant 224 : index
      %swap3A_1039 = tpu.vector_load %arg5[%swap3A_1038] {strides = array<i32>} : memref<720xf32, #tpu.memory_space<vmem>>, vector<16xf32>,
      tpu.vector_store %arg5[%swap3A_1038], %broadcast_in_dim3A_202 {strides = array<i32>} : memref<720xf32, #tpu.memory_space<vmem>>, vector<16xf32>,
      %swap3A_1040 = arith.constant 240 : index
      %swap3A_1041 = tpu.vector_load %arg5[%swap3A_1040] {strides = array<i32>} : memref<720xf32, #tpu.memory_space<vmem>>, vector<16xf32>,
      tpu.vector_store %arg5[%swap3A_1040], %broadcast_in_dim3A_202 {strides = array<i32>} : memref<720xf32, #tpu.memory_space<vmem>>, vector<16xf32>,
      %swap3A_1042 = arith.constant 256 : index
      %swap3A_1043 = tpu.vector_load %arg5[%swap3A_1042] {strides = array<i32>} : memref<720xf32, #tpu.memory_space<vmem>>, vector<16xf32>,
      tpu.vector_store %arg5[%swap3A_1042], %broadcast_in_dim3A_202 {strides = array<i32>} : memref<720xf32, #tpu.memory_space<vmem>>, vector<16xf32>,
      %swap3A_1044 = arith.constant 272 : index
      %swap3A_1045 = tpu.vector_load %arg5[%swap3A_1044] {strides = array<i32>} : memref<720xf32, #tpu.memory_space<vmem>>, vector<16xf32>,
      tpu.vector_store %arg5[%swap3A_1044], %broadcast_in_dim3A_202 {strides = array<i32>} : memref<720xf32, #tpu.memory_space<vmem>>, vector<16xf32>,
      %swap3A_1046 = arith.constant 288 : index
      %swap3A_1047 = tpu.vector_load %arg5[%swap3A_1046] {strides = array<i32>} : memref<720xf32, #tpu.memory_space<vmem>>, vector<16xf32>,
      tpu.vector_store %arg5[%swap3A_1046], %broadcast_in_dim3A_202 {strides = array<i32>} : memref<720xf32, #tpu.memory_space<vmem>>, vector<16xf32>,
      %swap3A_1048 = arith.constant 304 : index
      %swap3A_1049 = tpu.vector_load %arg5[%swap3A_1048] {strides = array<i32>} : memref<720xf32, #tpu.memory_space<vmem>>, vector<16xf32>,
      tpu.vector_store %arg5[%swap3A_1048], %broadcast_in_dim3A_202 {strides = array<i32>} : memref<720xf32, #tpu.memory_space<vmem>>, vector<16xf32>,
      %swap3A_1050 = arith.constant 320 : index
      %swap3A_1051 = tpu.vector_load %arg5[%swap3A_1050] {strides = array<i32>} : memref<720xf32, #tpu.memory_space<vmem>>, vector<16xf32>,
      tpu.vector_store %arg5[%swap3A_1050], %broadcast_in_dim3A_202 {strides = array<i32>} : memref<720xf32, #tpu.memory_space<vmem>>, vector<16xf32>,
      %swap3A_1052 = arith.constant 336 : index
      %swap3A_1053 = tpu.vector_load %arg5[%swap3A_1052] {strides = array<i32>} : memref<720xf32, #tpu.memory_space<vmem>>, vector<16xf32>,
      tpu.vector_store %arg5[%swap3A_1052], %broadcast_in_dim3A_202 {strides = array<i32>} : memref<720xf32, #tpu.memory_space<vmem>>, vector<16xf32>,
      %swap3A_1054 = arith.constant 352 : index
      %swap3A_1055 = tpu.vector_load %arg5[%swap3A_1054] {strides = array<i32>} : memref<720xf32, #tpu.memory_space<vmem>>, vector<16xf32>,
      tpu.vector_store %arg5[%swap3A_1054], %broadcast_in_dim3A_202 {strides = array<i32>} : memref<720xf32, #tpu.memory_space<vmem>>, vector<16xf32>,
      %swap3A_1056 = arith.constant 368 : index
      %swap3A_1057 = tpu.vector_load %arg5[%swap3A_1056] {strides = array<i32>} : memref<720xf32, #tpu.memory_space<vmem>>, vector<16xf32>,
      tpu.vector_store %arg5[%swap3A_1056], %broadcast_in_dim3A_202 {strides = array<i32>} : memref<720xf32, #tpu.memory_space<vmem>>, vector<16xf32>,
      %swap3A_1058 = arith.constant 384 : index
      %swap3A_1059 = tpu.vector_load %arg5[%swap3A_1058] {strides = array<i32>} : memref<720xf32, #tpu.memory_space<vmem>>, vector<16xf32>,
      tpu.vector_store %arg5[%swap3A_1058], %broadcast_in_dim3A_202 {strides = array<i32>} : memref<720xf32, #tpu.memory_space<vmem>>, vector<16xf32>,
      %swap3A_1060 = arith.constant 400 : index
      %swap3A_1061 = tpu.vector_load %arg5[%swap3A_1060] {strides = array<i32>} : memref<720xf32, #tpu.memory_space<vmem>>, vector<16xf32>,
      tpu.vector_store %arg5[%swap3A_1060], %broadcast_in_dim3A_202 {strides = array<i32>} : memref<720xf32, #tpu.memory_space<vmem>>, vector<16xf32>,
      %swap3A_1062 = arith.constant 416 : index
      %swap3A_1063 = tpu.vector_load %arg5[%swap3A_1062] {strides = array<i32>} : memref<720xf32, #tpu.memory_space<vmem>>, vector<16xf32>,
      tpu.vector_store %arg5[%swap3A_1062], %broadcast_in_dim3A_202 {strides = array<i32>} : memref<720xf32, #tpu.memory_space<vmem>>, vector<16xf32>,
      %swap3A_1064 = arith.constant 432 : index
      %swap3A_1065 = tpu.vector_load %arg5[%swap3A_1064] {strides = array<i32>} : memref<720xf32, #tpu.memory_space<vmem>>, vector<16xf32>,
      tpu.vector_store %arg5[%swap3A_1064], %broadcast_in_dim3A_202 {strides = array<i32>} : memref<720xf32, #tpu.memory_space<vmem>>, vector<16xf32>,
      %swap3A_1066 = arith.constant 448 : index
      %swap3A_1067 = tpu.vector_load %arg5[%swap3A_1066] {strides = array<i32>} : memref<720xf32, #tpu.memory_space<vmem>>, vector<16xf32>,
      tpu.vector_store %arg5[%swap3A_1066], %broadcast_in_dim3A_202 {strides = array<i32>} : memref<720xf32, #tpu.memory_space<vmem>>, vector<16xf32>,
      %swap3A_1068 = arith.constant 464 : index
      %swap3A_1069 = tpu.vector_load %arg5[%swap3A_1068] {strides = array<i32>} : memref<720xf32, #tpu.memory_space<vmem>>, vector<16xf32>,
      tpu.vector_store %arg5[%swap3A_1068], %broadcast_in_dim3A_202 {strides = array<i32>} : memref<720xf32, #tpu.memory_space<vmem>>, vector<16xf32>,
      %swap3A_1070 = arith.constant 480 : index
      %swap3A_1071 = tpu.vector_load %arg5[%swap3A_1070] {strides = array<i32>} : memref<720xf32, #tpu.memory_space<vmem>>, vector<16xf32>,
      tpu.vector_store %arg5[%swap3A_1070], %broadcast_in_dim3A_202 {strides = array<i32>} : memref<720xf32, #tpu.memory_space<vmem>>, vector<16xf32>,
      %swap3A_1072 = arith.constant 496 : index
      %swap3A_1073 = tpu.vector_load %arg5[%swap3A_1072] {strides = array<i32>} : memref<720xf32, #tpu.memory_space<vmem>>, vector<16xf32>,
      tpu.vector_store %arg5[%swap3A_1072], %broadcast_in_dim3A_202 {strides = array<i32>} : memref<720xf32, #tpu.memory_space<vmem>>, vector<16xf32>,
      %swap3A_1074 = arith.constant 512 : index
      %swap3A_1075 = tpu.vector_load %arg5[%swap3A_1074] {strides = array<i32>} : memref<720xf32, #tpu.memory_space<vmem>>, vector<16xf32>,
      tpu.vector_store %arg5[%swap3A_1074], %broadcast_in_dim3A_202 {strides = array<i32>} : memref<720xf32, #tpu.memory_space<vmem>>, vector<16xf32>,
      %swap3A_1076 = arith.constant 528 : index
      %swap3A_1077 = tpu.vector_load %arg5[%swap3A_1076] {strides = array<i32>} : memref<720xf32, #tpu.memory_space<vmem>>, vector<16xf32>,
      tpu.vector_store %arg5[%swap3A_1076], %broadcast_in_dim3A_202 {strides = array<i32>} : memref<720xf32, #tpu.memory_space<vmem>>, vector<16xf32>,
      %swap3A_1078 = arith.constant 544 : index
      %swap3A_1079 = tpu.vector_load %arg5[%swap3A_1078] {strides = array<i32>} : memref<720xf32, #tpu.memory_space<vmem>>, vector<16xf32>,
      tpu.vector_store %arg5[%swap3A_1078], %broadcast_in_dim3A_202 {strides = array<i32>} : memref<720xf32, #tpu.memory_space<vmem>>, vector<16xf32>,
      %swap3A_1080 = arith.constant 560 : index
      %swap3A_1081 = tpu.vector_load %arg5[%swap3A_1080] {strides = array<i32>} : memref<720xf32, #tpu.memory_space<vmem>>, vector<16xf32>,
      tpu.vector_store %arg5[%swap3A_1080], %broadcast_in_dim3A_202 {strides = array<i32>} : memref<720xf32, #tpu.memory_space<vmem>>, vector<16xf32>,
      %swap3A_1082 = arith.constant 576 : index
      %swap3A_1083 = tpu.vector_load %arg5[%swap3A_1082] {strides = array<i32>} : memref<720xf32, #tpu.memory_space<vmem>>, vector<16xf32>,
      tpu.vector_store %arg5[%swap3A_1082], %broadcast_in_dim3A_202 {strides = array<i32>} : memref<720xf32, #tpu.memory_space<vmem>>, vector<16xf32>,
      %swap3A_1084 = arith.constant 592 : index
      %swap3A_1085 = tpu.vector_load %arg5[%swap3A_1084] {strides = array<i32>} : memref<720xf32, #tpu.memory_space<vmem>>, vector<16xf32>,
      tpu.vector_store %arg5[%swap3A_1084], %broadcast_in_dim3A_202 {strides = array<i32>} : memref<720xf32, #tpu.memory_space<vmem>>, vector<16xf32>,
      %swap3A_1086 = arith.constant 608 : index
      %swap3A_1087 = tpu.vector_load %arg5[%swap3A_1086] {strides = array<i32>} : memref<720xf32, #tpu.memory_space<vmem>>, vector<16xf32>,
      tpu.vector_store %arg5[%swap3A_1086], %broadcast_in_dim3A_202 {strides = array<i32>} : memref<720xf32, #tpu.memory_space<vmem>>, vector<16xf32>,
      %swap3A_1088 = arith.constant 624 : index
      %swap3A_1089 = tpu.vector_load %arg5[%swap3A_1088] {strides = array<i32>} : memref<720xf32, #tpu.memory_space<vmem>>, vector<16xf32>,
      tpu.vector_store %arg5[%swap3A_1088], %broadcast_in_dim3A_202 {strides = array<i32>} : memref<720xf32, #tpu.memory_space<vmem>>, vector<16xf32>,
      %swap3A_1090 = arith.constant 640 : index
      %swap3A_1091 = tpu.vector_load %arg5[%swap3A_1090] {strides = array<i32>} : memref<720xf32, #tpu.memory_space<vmem>>, vector<16xf32>,
      tpu.vector_store %arg5[%swap3A_1090], %broadcast_in_dim3A_202 {strides = array<i32>} : memref<720xf32, #tpu.memory_space<vmem>>, vector<16xf32>,
      %swap3A_1092 = arith.constant 656 : index
      %swap3A_1093 = tpu.vector_load %arg5[%swap3A_1092] {strides = array<i32>} : memref<720xf32, #tpu.memory_space<vmem>>, vector<16xf32>,
      tpu.vector_store %arg5[%swap3A_1092], %broadcast_in_dim3A_202 {strides = array<i32>} : memref<720xf32, #tpu.memory_space<vmem>>, vector<16xf32>,
      %swap3A_1094 = arith.constant 672 : index
      %swap3A_1095 = tpu.vector_load %arg5[%swap3A_1094] {strides = array<i32>} : memref<720xf32, #tpu.memory_space<vmem>>, vector<16xf32>,
      tpu.vector_store %arg5[%swap3A_1094], %broadcast_in_dim3A_202 {strides = array<i32>} : memref<720xf32, #tpu.memory_space<vmem>>, vector<16xf32>,
      %swap3A_1096 = arith.constant 688 : index
      %swap3A_1097 = tpu.vector_load %arg5[%swap3A_1096] {strides = array<i32>} : memref<720xf32, #tpu.memory_space<vmem>>, vector<16xf32>,
      tpu.vector_store %arg5[%swap3A_1096], %broadcast_in_dim3A_202 {strides = array<i32>} : memref<720xf32, #tpu.memory_space<vmem>>, vector<16xf32>,
      %swap3A_1098 = arith.constant 704 : index
      %swap3A_1099 = tpu.vector_load %arg5[%swap3A_1098] {strides = array<i32>} : memref<720xf32, #tpu.memory_space<vmem>>, vector<16xf32>,
      tpu.vector_store %arg5[%swap3A_1098], %broadcast_in_dim3A_202 {strides = array<i32>} : memref<720xf32, #tpu.memory_space<vmem>>, vector<16xf32>,
    } else {
    }
    %eq3A_205 = arith.constant 1 : i32
    %eq3A_206 = arith.cmpi eq, %select_n3A, %eq3A_205 : i32
    %convert_element_type3A_207 = arith.extui %eq3A_206 : i1 to i32
    %cond3A_208 = arith.constant 0 : i32
    %cond3A_209 = arith.cmpi ne, %convert_element_type3A_207, %cond3A_208 : i32
    scf.if %cond3A_209 {
      %get3A = arith.constant 0 : i32
      %get3A_222 = arith.index_cast %get3A : i32 to index
      %get3A_223 = arith.index_cast %multiple_of3A : i32 to index
      %get3A_224 = tpu.vector_load %arg4[%get3A_222, %get3A_223] {strides = array<i32>} : memref<144x128xf32, #tpu.memory_space<vmem>>, vector<16xf32>,
      %abs3A = math.absf %get3A_224 : vector<16xf32>
      %get3A_225 = arith.constant 1 : i32
      %get3A_226 = arith.index_cast %get3A_225 : i32 to index
      %get3A_227 = arith.index_cast %multiple_of3A : i32 to index
      %get3A_228 = tpu.vector_load %arg4[%get3A_226, %get3A_227] {strides = array<i32>} : memref<144x128xf32, #tpu.memory_space<vmem>>, vector<16xf32>,
      %abs3A_229 = math.absf %get3A_228 : vector<16xf32>
      %get3A_230 = arith.constant 2 : i32
      %get3A_231 = arith.index_cast %get3A_230 : i32 to index
      %get3A_232 = arith.index_cast %multiple_of3A : i32 to index
      %get3A_233 = tpu.vector_load %arg4[%get3A_231, %get3A_232] {strides = array<i32>} : memref<144x128xf32, #tpu.memory_space<vmem>>, vector<16xf32>,
      %abs3A_234 = math.absf %get3A_233 : vector<16xf32>
      %get3A_235 = arith.constant 3 : i32
      %get3A_236 = arith.index_cast %get3A_235 : i32 to index
      %get3A_237 = arith.index_cast %multiple_of3A : i32 to index
      %get3A_238 = tpu.vector_load %arg4[%get3A_236, %get3A_237] {strides = array<i32>} : memref<144x128xf32, #tpu.memory_space<vmem>>, vector<16xf32>,
      %abs3A_239 = math.absf %get3A_238 : vector<16xf32>
      %add3A_240 = arith.addf %abs3A, %abs3A_239 : vector<16xf32>
      %get3A_241 = arith.constant 4 : i32
      %get3A_242 = arith.index_cast %get3A_241 : i32 to index
      %get3A_243 = arith.index_cast %multiple_of3A : i32 to index
      %get3A_244 = tpu.vector_load %arg4[%get3A_242, %get3A_243] {strides = array<i32>} : memref<144x128xf32, #tpu.memory_space<vmem>>, vector<16xf32>,
      %abs3A_245 = math.absf %get3A_244 : vector<16xf32>
      %add3A_246 = arith.addf %abs3A_229, %abs3A_245 : vector<16xf32>
      %get3A_247 = arith.constant 5 : i32
      %get3A_248 = arith.index_cast %get3A_247 : i32 to index
      %get3A_249 = arith.index_cast %multiple_of3A : i32 to index
      %get3A_250 = tpu.vector_load %arg4[%get3A_248, %get3A_249] {strides = array<i32>} : memref<144x128xf32, #tpu.memory_space<vmem>>, vector<16xf32>,
      %abs3A_251 = math.absf %get3A_250 : vector<16xf32>
      %add3A_252 = arith.addf %abs3A_234, %abs3A_251 : vector<16xf32>
      %get3A_253 = arith.constant 6 : i32
      %get3A_254 = arith.index_cast %get3A_253 : i32 to index
      %get3A_255 = arith.index_cast %multiple_of3A : i32 to index
      %get3A_256 = tpu.vector_load %arg4[%get3A_254, %get3A_255] {strides = array<i32>} : memref<144x128xf32, #tpu.memory_space<vmem>>, vector<16xf32>,
      %abs3A_257 = math.absf %get3A_256 : vector<16xf32>
      %add3A_258 = arith.addf %add3A_240, %abs3A_257 : vector<16xf32>
      %get3A_259 = arith.constant 7 : i32
      %get3A_260 = arith.index_cast %get3A_259 : i32 to index
      %get3A_261 = arith.index_cast %multiple_of3A : i32 to index
      %get3A_262 = tpu.vector_load %arg4[%get3A_260, %get3A_261] {strides = array<i32>} : memref<144x128xf32, #tpu.memory_space<vmem>>, vector<16xf32>,
      %abs3A_263 = math.absf %get3A_262 : vector<16xf32>
      %add3A_264 = arith.addf %add3A_246, %abs3A_263 : vector<16xf32>
      %get3A_265 = arith.constant 8 : i32
      %get3A_266 = arith.index_cast %get3A_265 : i32 to index
      %get3A_267 = arith.index_cast %multiple_of3A : i32 to index
      %get3A_268 = tpu.vector_load %arg4[%get3A_266, %get3A_267] {strides = array<i32>} : memref<144x128xf32, #tpu.memory_space<vmem>>, vector<16xf32>,
      %abs3A_269 = math.absf %get3A_268 : vector<16xf32>
      %add3A_270 = arith.addf %add3A_252, %abs3A_269 : vector<16xf32>
      %get3A_271 = arith.constant 9 : i32
      %get3A_272 = arith.index_cast %get3A_271 : i32 to index
      %get3A_273 = arith.index_cast %multiple_of3A : i32 to index
      %get3A_274 = tpu.vector_load %arg4[%get3A_272, %get3A_273] {strides = array<i32>} : memref<144x128xf32, #tpu.memory_space<vmem>>, vector<16xf32>,
      %abs3A_275 = math.absf %get3A_274 : vector<16xf32>
      %add3A_276 = arith.addf %add3A_258, %abs3A_275 : vector<16xf32>
      %get3A_277 = arith.constant 10 : i32
      %get3A_278 = arith.index_cast %get3A_277 : i32 to index
      %get3A_279 = arith.index_cast %multiple_of3A : i32 to index
      %get3A_280 = tpu.vector_load %arg4[%get3A_278, %get3A_279] {strides = array<i32>} : memref<144x128xf32, #tpu.memory_space<vmem>>, vector<16xf32>,
      %abs3A_281 = math.absf %get3A_280 : vector<16xf32>
      %add3A_282 = arith.addf %add3A_264, %abs3A_281 : vector<16xf32>
      %get3A_283 = arith.constant 11 : i32
      %get3A_284 = arith.index_cast %get3A_283 : i32 to index
      %get3A_285 = arith.index_cast %multiple_of3A : i32 to index
      %get3A_286 = tpu.vector_load %arg4[%get3A_284, %get3A_285] {strides = array<i32>} : memref<144x128xf32, #tpu.memory_space<vmem>>, vector<16xf32>,
      %abs3A_287 = math.absf %get3A_286 : vector<16xf32>
      %add3A_288 = arith.addf %add3A_270, %abs3A_287 : vector<16xf32>
      %get3A_289 = arith.constant 12 : i32
      %get3A_290 = arith.index_cast %get3A_289 : i32 to index
      %get3A_291 = arith.index_cast %multiple_of3A : i32 to index
      %get3A_292 = tpu.vector_load %arg4[%get3A_290, %get3A_291] {strides = array<i32>} : memref<144x128xf32, #tpu.memory_space<vmem>>, vector<16xf32>,
      %abs3A_293 = math.absf %get3A_292 : vector<16xf32>
      %add3A_294 = arith.addf %add3A_276, %abs3A_293 : vector<16xf32>
      %get3A_295 = arith.constant 13 : i32
      %get3A_296 = arith.index_cast %get3A_295 : i32 to index
      %get3A_297 = arith.index_cast %multiple_of3A : i32 to index
      %get3A_298 = tpu.vector_load %arg4[%get3A_296, %get3A_297] {strides = array<i32>} : memref<144x128xf32, #tpu.memory_space<vmem>>, vector<16xf32>,
      %abs3A_299 = math.absf %get3A_298 : vector<16xf32>
      %add3A_300 = arith.addf %add3A_282, %abs3A_299 : vector<16xf32>
      %get3A_301 = arith.constant 14 : i32
      %get3A_302 = arith.index_cast %get3A_301 : i32 to index
      %get3A_303 = arith.index_cast %multiple_of3A : i32 to index
      %get3A_304 = tpu.vector_load %arg4[%get3A_302, %get3A_303] {strides = array<i32>} : memref<144x128xf32, #tpu.memory_space<vmem>>, vector<16xf32>,
      %abs3A_305 = math.absf %get3A_304 : vector<16xf32>
      %add3A_306 = arith.addf %add3A_288, %abs3A_305 : vector<16xf32>
      %get3A_307 = arith.constant 15 : i32
      %get3A_308 = arith.index_cast %get3A_307 : i32 to index
      %get3A_309 = arith.index_cast %multiple_of3A : i32 to index
      %get3A_310 = tpu.vector_load %arg4[%get3A_308, %get3A_309] {strides = array<i32>} : memref<144x128xf32, #tpu.memory_space<vmem>>, vector<16xf32>,
      %abs3A_311 = math.absf %get3A_310 : vector<16xf32>
      %add3A_312 = arith.addf %add3A_294, %abs3A_311 : vector<16xf32>
      %get3A_313 = arith.constant 16 : i32
      %get3A_314 = arith.index_cast %get3A_313 : i32 to index
      %get3A_315 = arith.index_cast %multiple_of3A : i32 to index
      %get3A_316 = tpu.vector_load %arg4[%get3A_314, %get3A_315] {strides = array<i32>} : memref<144x128xf32, #tpu.memory_space<vmem>>, vector<16xf32>,
      %abs3A_317 = math.absf %get3A_316 : vector<16xf32>
      %add3A_318 = arith.addf %add3A_300, %abs3A_317 : vector<16xf32>
      %get3A_319 = arith.constant 17 : i32
      %get3A_320 = arith.index_cast %get3A_319 : i32 to index
      %get3A_321 = arith.index_cast %multiple_of3A : i32 to index
      %get3A_322 = tpu.vector_load %arg4[%get3A_320, %get3A_321] {strides = array<i32>} : memref<144x128xf32, #tpu.memory_space<vmem>>, vector<16xf32>,
      %abs3A_323 = math.absf %get3A_322 : vector<16xf32>
      %add3A_324 = arith.addf %add3A_306, %abs3A_323 : vector<16xf32>
      %get3A_325 = arith.constant 18 : i32
      %get3A_326 = arith.index_cast %get3A_325 : i32 to index
      %get3A_327 = arith.index_cast %multiple_of3A : i32 to index
      %get3A_328 = tpu.vector_load %arg4[%get3A_326, %get3A_327] {strides = array<i32>} : memref<144x128xf32, #tpu.memory_space<vmem>>, vector<16xf32>,
      %abs3A_329 = math.absf %get3A_328 : vector<16xf32>
      %add3A_330 = arith.addf %add3A_312, %abs3A_329 : vector<16xf32>
      %get3A_331 = arith.constant 19 : i32
      %get3A_332 = arith.index_cast %get3A_331 : i32 to index
      %get3A_333 = arith.index_cast %multiple_of3A : i32 to index
      %get3A_334 = tpu.vector_load %arg4[%get3A_332, %get3A_333] {strides = array<i32>} : memref<144x128xf32, #tpu.memory_space<vmem>>, vector<16xf32>,
      %abs3A_335 = math.absf %get3A_334 : vector<16xf32>
      %add3A_336 = arith.addf %add3A_318, %abs3A_335 : vector<16xf32>
      %get3A_337 = arith.constant 20 : i32
      %get3A_338 = arith.index_cast %get3A_337 : i32 to index
      %get3A_339 = arith.index_cast %multiple_of3A : i32 to index
      %get3A_340 = tpu.vector_load %arg4[%get3A_338, %get3A_339] {strides = array<i32>} : memref<144x128xf32, #tpu.memory_space<vmem>>, vector<16xf32>,
      %abs3A_341 = math.absf %get3A_340 : vector<16xf32>
      %add3A_342 = arith.addf %add3A_324, %abs3A_341 : vector<16xf32>
      %get3A_343 = arith.constant 21 : i32
      %get3A_344 = arith.index_cast %get3A_343 : i32 to index
      %get3A_345 = arith.index_cast %multiple_of3A : i32 to index
      %get3A_346 = tpu.vector_load %arg4[%get3A_344, %get3A_345] {strides = array<i32>} : memref<144x128xf32, #tpu.memory_space<vmem>>, vector<16xf32>,
      %abs3A_347 = math.absf %get3A_346 : vector<16xf32>
      %add3A_348 = arith.addf %add3A_330, %abs3A_347 : vector<16xf32>
      %get3A_349 = arith.constant 22 : i32
      %get3A_350 = arith.index_cast %get3A_349 : i32 to index
      %get3A_351 = arith.index_cast %multiple_of3A : i32 to index
      %get3A_352 = tpu.vector_load %arg4[%get3A_350, %get3A_351] {strides = array<i32>} : memref<144x128xf32, #tpu.memory_space<vmem>>, vector<16xf32>,
      %abs3A_353 = math.absf %get3A_352 : vector<16xf32>
      %add3A_354 = arith.addf %add3A_336, %abs3A_353 : vector<16xf32>
      %get3A_355 = arith.constant 23 : i32
      %get3A_356 = arith.index_cast %get3A_355 : i32 to index
      %get3A_357 = arith.index_cast %multiple_of3A : i32 to index
      %get3A_358 = tpu.vector_load %arg4[%get3A_356, %get3A_357] {strides = array<i32>} : memref<144x128xf32, #tpu.memory_space<vmem>>, vector<16xf32>,
      %abs3A_359 = math.absf %get3A_358 : vector<16xf32>
      %add3A_360 = arith.addf %add3A_342, %abs3A_359 : vector<16xf32>
      %get3A_361 = arith.constant 24 : i32
      %get3A_362 = arith.index_cast %get3A_361 : i32 to index
      %get3A_363 = arith.index_cast %multiple_of3A : i32 to index
      %get3A_364 = tpu.vector_load %arg4[%get3A_362, %get3A_363] {strides = array<i32>} : memref<144x128xf32, #tpu.memory_space<vmem>>, vector<16xf32>,
      %abs3A_365 = math.absf %get3A_364 : vector<16xf32>
      %add3A_366 = arith.addf %add3A_348, %abs3A_365 : vector<16xf32>
      %get3A_367 = arith.constant 25 : i32
      %get3A_368 = arith.index_cast %get3A_367 : i32 to index
      %get3A_369 = arith.index_cast %multiple_of3A : i32 to index
      %get3A_370 = tpu.vector_load %arg4[%get3A_368, %get3A_369] {strides = array<i32>} : memref<144x128xf32, #tpu.memory_space<vmem>>, vector<16xf32>,
      %abs3A_371 = math.absf %get3A_370 : vector<16xf32>
      %add3A_372 = arith.addf %add3A_354, %abs3A_371 : vector<16xf32>
      %get3A_373 = arith.constant 26 : i32
      %get3A_374 = arith.index_cast %get3A_373 : i32 to index
      %get3A_375 = arith.index_cast %multiple_of3A : i32 to index
      %get3A_376 = tpu.vector_load %arg4[%get3A_374, %get3A_375] {strides = array<i32>} : memref<144x128xf32, #tpu.memory_space<vmem>>, vector<16xf32>,
      %abs3A_377 = math.absf %get3A_376 : vector<16xf32>
      %add3A_378 = arith.addf %add3A_360, %abs3A_377 : vector<16xf32>
      %get3A_379 = arith.constant 27 : i32
      %get3A_380 = arith.index_cast %get3A_379 : i32 to index
      %get3A_381 = arith.index_cast %multiple_of3A : i32 to index
      %get3A_382 = tpu.vector_load %arg4[%get3A_380, %get3A_381] {strides = array<i32>} : memref<144x128xf32, #tpu.memory_space<vmem>>, vector<16xf32>,
      %abs3A_383 = math.absf %get3A_382 : vector<16xf32>
      %add3A_384 = arith.addf %add3A_366, %abs3A_383 : vector<16xf32>
      %get3A_385 = arith.constant 28 : i32
      %get3A_386 = arith.index_cast %get3A_385 : i32 to index
      %get3A_387 = arith.index_cast %multiple_of3A : i32 to index
      %get3A_388 = tpu.vector_load %arg4[%get3A_386, %get3A_387] {strides = array<i32>} : memref<144x128xf32, #tpu.memory_space<vmem>>, vector<16xf32>,
      %abs3A_389 = math.absf %get3A_388 : vector<16xf32>
      %add3A_390 = arith.addf %add3A_372, %abs3A_389 : vector<16xf32>
      %get3A_391 = arith.constant 29 : i32
      %get3A_392 = arith.index_cast %get3A_391 : i32 to index
      %get3A_393 = arith.index_cast %multiple_of3A : i32 to index
      %get3A_394 = tpu.vector_load %arg4[%get3A_392, %get3A_393] {strides = array<i32>} : memref<144x128xf32, #tpu.memory_space<vmem>>, vector<16xf32>,
      %abs3A_395 = math.absf %get3A_394 : vector<16xf32>
      %add3A_396 = arith.addf %add3A_378, %abs3A_395 : vector<16xf32>
      %get3A_397 = arith.constant 30 : i32
      %get3A_398 = arith.index_cast %get3A_397 : i32 to index
      %get3A_399 = arith.index_cast %multiple_of3A : i32 to index
      %get3A_400 = tpu.vector_load %arg4[%get3A_398, %get3A_399] {strides = array<i32>} : memref<144x128xf32, #tpu.memory_space<vmem>>, vector<16xf32>,
      %abs3A_401 = math.absf %get3A_400 : vector<16xf32>
      %add3A_402 = arith.addf %add3A_384, %abs3A_401 : vector<16xf32>
      %get3A_403 = arith.constant 31 : i32
      %get3A_404 = arith.index_cast %get3A_403 : i32 to index
      %get3A_405 = arith.index_cast %multiple_of3A : i32 to index
      %get3A_406 = tpu.vector_load %arg4[%get3A_404, %get3A_405] {strides = array<i32>} : memref<144x128xf32, #tpu.memory_space<vmem>>, vector<16xf32>,
      %abs3A_407 = math.absf %get3A_406 : vector<16xf32>
      %add3A_408 = arith.addf %add3A_390, %abs3A_407 : vector<16xf32>
      %get3A_409 = arith.constant 32 : i32
      %get3A_410 = arith.index_cast %get3A_409 : i32 to index
      %get3A_411 = arith.index_cast %multiple_of3A : i32 to index
      %get3A_412 = tpu.vector_load %arg4[%get3A_410, %get3A_411] {strides = array<i32>} : memref<144x128xf32, #tpu.memory_space<vmem>>, vector<16xf32>,
      %abs3A_413 = math.absf %get3A_412 : vector<16xf32>
      %add3A_414 = arith.addf %add3A_396, %abs3A_413 : vector<16xf32>
      %get3A_415 = arith.constant 33 : i32
      %get3A_416 = arith.index_cast %get3A_415 : i32 to index
      %get3A_417 = arith.index_cast %multiple_of3A : i32 to index
      %get3A_418 = tpu.vector_load %arg4[%get3A_416, %get3A_417] {strides = array<i32>} : memref<144x128xf32, #tpu.memory_space<vmem>>, vector<16xf32>,
      %abs3A_419 = math.absf %get3A_418 : vector<16xf32>
      %add3A_420 = arith.addf %add3A_402, %abs3A_419 : vector<16xf32>
      %get3A_421 = arith.constant 34 : i32
      %get3A_422 = arith.index_cast %get3A_421 : i32 to index
      %get3A_423 = arith.index_cast %multiple_of3A : i32 to index
      %get3A_424 = tpu.vector_load %arg4[%get3A_422, %get3A_423] {strides = array<i32>} : memref<144x128xf32, #tpu.memory_space<vmem>>, vector<16xf32>,
      %abs3A_425 = math.absf %get3A_424 : vector<16xf32>
      %add3A_426 = arith.addf %add3A_408, %abs3A_425 : vector<16xf32>
      %get3A_427 = arith.constant 35 : i32
      %get3A_428 = arith.index_cast %get3A_427 : i32 to index
      %get3A_429 = arith.index_cast %multiple_of3A : i32 to index
      %get3A_430 = tpu.vector_load %arg4[%get3A_428, %get3A_429] {strides = array<i32>} : memref<144x128xf32, #tpu.memory_space<vmem>>, vector<16xf32>,
      %abs3A_431 = math.absf %get3A_430 : vector<16xf32>
      %add3A_432 = arith.addf %add3A_414, %abs3A_431 : vector<16xf32>
      %get3A_433 = arith.constant 36 : i32
      %get3A_434 = arith.index_cast %get3A_433 : i32 to index
      %get3A_435 = arith.index_cast %multiple_of3A : i32 to index
      %get3A_436 = tpu.vector_load %arg4[%get3A_434, %get3A_435] {strides = array<i32>} : memref<144x128xf32, #tpu.memory_space<vmem>>, vector<16xf32>,
      %abs3A_437 = math.absf %get3A_436 : vector<16xf32>
      %add3A_438 = arith.addf %add3A_420, %abs3A_437 : vector<16xf32>
      %get3A_439 = arith.constant 37 : i32
      %get3A_440 = arith.index_cast %get3A_439 : i32 to index
      %get3A_441 = arith.index_cast %multiple_of3A : i32 to index
      %get3A_442 = tpu.vector_load %arg4[%get3A_440, %get3A_441] {strides = array<i32>} : memref<144x128xf32, #tpu.memory_space<vmem>>, vector<16xf32>,
      %abs3A_443 = math.absf %get3A_442 : vector<16xf32>
      %add3A_444 = arith.addf %add3A_426, %abs3A_443 : vector<16xf32>
      %get3A_445 = arith.constant 38 : i32
      %get3A_446 = arith.index_cast %get3A_445 : i32 to index
      %get3A_447 = arith.index_cast %multiple_of3A : i32 to index
      %get3A_448 = tpu.vector_load %arg4[%get3A_446, %get3A_447] {strides = array<i32>} : memref<144x128xf32, #tpu.memory_space<vmem>>, vector<16xf32>,
      %abs3A_449 = math.absf %get3A_448 : vector<16xf32>
      %add3A_450 = arith.addf %add3A_432, %abs3A_449 : vector<16xf32>
      %get3A_451 = arith.constant 39 : i32
      %get3A_452 = arith.index_cast %get3A_451 : i32 to index
      %get3A_453 = arith.index_cast %multiple_of3A : i32 to index
      %get3A_454 = tpu.vector_load %arg4[%get3A_452, %get3A_453] {strides = array<i32>} : memref<144x128xf32, #tpu.memory_space<vmem>>, vector<16xf32>,
      %abs3A_455 = math.absf %get3A_454 : vector<16xf32>
      %add3A_456 = arith.addf %add3A_438, %abs3A_455 : vector<16xf32>
      %get3A_457 = arith.constant 40 : i32
      %get3A_458 = arith.index_cast %get3A_457 : i32 to index
      %get3A_459 = arith.index_cast %multiple_of3A : i32 to index
      %get3A_460 = tpu.vector_load %arg4[%get3A_458, %get3A_459] {strides = array<i32>} : memref<144x128xf32, #tpu.memory_space<vmem>>, vector<16xf32>,
      %abs3A_461 = math.absf %get3A_460 : vector<16xf32>
      %add3A_462 = arith.addf %add3A_444, %abs3A_461 : vector<16xf32>
      %get3A_463 = arith.constant 41 : i32
      %get3A_464 = arith.index_cast %get3A_463 : i32 to index
      %get3A_465 = arith.index_cast %multiple_of3A : i32 to index
      %get3A_466 = tpu.vector_load %arg4[%get3A_464, %get3A_465] {strides = array<i32>} : memref<144x128xf32, #tpu.memory_space<vmem>>, vector<16xf32>,
      %abs3A_467 = math.absf %get3A_466 : vector<16xf32>
      %add3A_468 = arith.addf %add3A_450, %abs3A_467 : vector<16xf32>
      %get3A_469 = arith.constant 42 : i32
      %get3A_470 = arith.index_cast %get3A_469 : i32 to index
      %get3A_471 = arith.index_cast %multiple_of3A : i32 to index
      %get3A_472 = tpu.vector_load %arg4[%get3A_470, %get3A_471] {strides = array<i32>} : memref<144x128xf32, #tpu.memory_space<vmem>>, vector<16xf32>,
      %abs3A_473 = math.absf %get3A_472 : vector<16xf32>
      %add3A_474 = arith.addf %add3A_456, %abs3A_473 : vector<16xf32>
      %get3A_475 = arith.constant 43 : i32
      %get3A_476 = arith.index_cast %get3A_475 : i32 to index
      %get3A_477 = arith.index_cast %multiple_of3A : i32 to index
      %get3A_478 = tpu.vector_load %arg4[%get3A_476, %get3A_477] {strides = array<i32>} : memref<144x128xf32, #tpu.memory_space<vmem>>, vector<16xf32>,
      %abs3A_479 = math.absf %get3A_478 : vector<16xf32>
      %add3A_480 = arith.addf %add3A_462, %abs3A_479 : vector<16xf32>
      %get3A_481 = arith.constant 44 : i32
      %get3A_482 = arith.index_cast %get3A_481 : i32 to index
      %get3A_483 = arith.index_cast %multiple_of3A : i32 to index
      %get3A_484 = tpu.vector_load %arg4[%get3A_482, %get3A_483] {strides = array<i32>} : memref<144x128xf32, #tpu.memory_space<vmem>>, vector<16xf32>,
      %abs3A_485 = math.absf %get3A_484 : vector<16xf32>
      %add3A_486 = arith.addf %add3A_468, %abs3A_485 : vector<16xf32>
      %get3A_487 = arith.constant 45 : i32
      %get3A_488 = arith.index_cast %get3A_487 : i32 to index
      %get3A_489 = arith.index_cast %multiple_of3A : i32 to index
      %get3A_490 = tpu.vector_load %arg4[%get3A_488, %get3A_489] {strides = array<i32>} : memref<144x128xf32, #tpu.memory_space<vmem>>, vector<16xf32>,
      %abs3A_491 = math.absf %get3A_490 : vector<16xf32>
      %add3A_492 = arith.addf %add3A_474, %abs3A_491 : vector<16xf32>
      %get3A_493 = arith.constant 46 : i32
      %get3A_494 = arith.index_cast %get3A_493 : i32 to index
      %get3A_495 = arith.index_cast %multiple_of3A : i32 to index
      %get3A_496 = tpu.vector_load %arg4[%get3A_494, %get3A_495] {strides = array<i32>} : memref<144x128xf32, #tpu.memory_space<vmem>>, vector<16xf32>,
      %abs3A_497 = math.absf %get3A_496 : vector<16xf32>
      %add3A_498 = arith.addf %add3A_480, %abs3A_497 : vector<16xf32>
      %get3A_499 = arith.constant 47 : i32
      %get3A_500 = arith.index_cast %get3A_499 : i32 to index
      %get3A_501 = arith.index_cast %multiple_of3A : i32 to index
      %get3A_502 = tpu.vector_load %arg4[%get3A_500, %get3A_501] {strides = array<i32>} : memref<144x128xf32, #tpu.memory_space<vmem>>, vector<16xf32>,
      %abs3A_503 = math.absf %get3A_502 : vector<16xf32>
      %add3A_504 = arith.addf %add3A_486, %abs3A_503 : vector<16xf32>
      %get3A_505 = arith.constant 48 : i32
      %get3A_506 = arith.index_cast %get3A_505 : i32 to index
      %get3A_507 = arith.index_cast %multiple_of3A : i32 to index
      %get3A_508 = tpu.vector_load %arg4[%get3A_506, %get3A_507] {strides = array<i32>} : memref<144x128xf32, #tpu.memory_space<vmem>>, vector<16xf32>,
      %abs3A_509 = math.absf %get3A_508 : vector<16xf32>
      %add3A_510 = arith.addf %add3A_492, %abs3A_509 : vector<16xf32>
      %get3A_511 = arith.constant 49 : i32
      %get3A_512 = arith.index_cast %get3A_511 : i32 to index
      %get3A_513 = arith.index_cast %multiple_of3A : i32 to index
      %get3A_514 = tpu.vector_load %arg4[%get3A_512, %get3A_513] {strides = array<i32>} : memref<144x128xf32, #tpu.memory_space<vmem>>, vector<16xf32>,
      %abs3A_515 = math.absf %get3A_514 : vector<16xf32>
      %add3A_516 = arith.addf %add3A_498, %abs3A_515 : vector<16xf32>
      %get3A_517 = arith.constant 50 : i32
      %get3A_518 = arith.index_cast %get3A_517 : i32 to index
      %get3A_519 = arith.index_cast %multiple_of3A : i32 to index
      %get3A_520 = tpu.vector_load %arg4[%get3A_518, %get3A_519] {strides = array<i32>} : memref<144x128xf32, #tpu.memory_space<vmem>>, vector<16xf32>,
      %abs3A_521 = math.absf %get3A_520 : vector<16xf32>
      %add3A_522 = arith.addf %add3A_504, %abs3A_521 : vector<16xf32>
      %get3A_523 = arith.constant 51 : i32
      %get3A_524 = arith.index_cast %get3A_523 : i32 to index
      %get3A_525 = arith.index_cast %multiple_of3A : i32 to index
      %get3A_526 = tpu.vector_load %arg4[%get3A_524, %get3A_525] {strides = array<i32>} : memref<144x128xf32, #tpu.memory_space<vmem>>, vector<16xf32>,
      %abs3A_527 = math.absf %get3A_526 : vector<16xf32>
      %add3A_528 = arith.addf %add3A_510, %abs3A_527 : vector<16xf32>
      %get3A_529 = arith.constant 52 : i32
      %get3A_530 = arith.index_cast %get3A_529 : i32 to index
      %get3A_531 = arith.index_cast %multiple_of3A : i32 to index
      %get3A_532 = tpu.vector_load %arg4[%get3A_530, %get3A_531] {strides = array<i32>} : memref<144x128xf32, #tpu.memory_space<vmem>>, vector<16xf32>,
      %abs3A_533 = math.absf %get3A_532 : vector<16xf32>
      %add3A_534 = arith.addf %add3A_516, %abs3A_533 : vector<16xf32>
      %get3A_535 = arith.constant 53 : i32
      %get3A_536 = arith.index_cast %get3A_535 : i32 to index
      %get3A_537 = arith.index_cast %multiple_of3A : i32 to index
      %get3A_538 = tpu.vector_load %arg4[%get3A_536, %get3A_537] {strides = array<i32>} : memref<144x128xf32, #tpu.memory_space<vmem>>, vector<16xf32>,
      %abs3A_539 = math.absf %get3A_538 : vector<16xf32>
      %add3A_540 = arith.addf %add3A_522, %abs3A_539 : vector<16xf32>
      %get3A_541 = arith.constant 54 : i32
      %get3A_542 = arith.index_cast %get3A_541 : i32 to index
      %get3A_543 = arith.index_cast %multiple_of3A : i32 to index
      %get3A_544 = tpu.vector_load %arg4[%get3A_542, %get3A_543] {strides = array<i32>} : memref<144x128xf32, #tpu.memory_space<vmem>>, vector<16xf32>,
      %abs3A_545 = math.absf %get3A_544 : vector<16xf32>
      %add3A_546 = arith.addf %add3A_528, %abs3A_545 : vector<16xf32>
      %get3A_547 = arith.constant 55 : i32
      %get3A_548 = arith.index_cast %get3A_547 : i32 to index
      %get3A_549 = arith.index_cast %multiple_of3A : i32 to index
      %get3A_550 = tpu.vector_load %arg4[%get3A_548, %get3A_549] {strides = array<i32>} : memref<144x128xf32, #tpu.memory_space<vmem>>, vector<16xf32>,
      %abs3A_551 = math.absf %get3A_550 : vector<16xf32>
      %add3A_552 = arith.addf %add3A_534, %abs3A_551 : vector<16xf32>
      %get3A_553 = arith.constant 56 : i32
      %get3A_554 = arith.index_cast %get3A_553 : i32 to index
      %get3A_555 = arith.index_cast %multiple_of3A : i32 to index
      %get3A_556 = tpu.vector_load %arg4[%get3A_554, %get3A_555] {strides = array<i32>} : memref<144x128xf32, #tpu.memory_space<vmem>>, vector<16xf32>,
      %abs3A_557 = math.absf %get3A_556 : vector<16xf32>
      %add3A_558 = arith.addf %add3A_540, %abs3A_557 : vector<16xf32>
      %get3A_559 = arith.constant 57 : i32
      %get3A_560 = arith.index_cast %get3A_559 : i32 to index
      %get3A_561 = arith.index_cast %multiple_of3A : i32 to index
      %get3A_562 = tpu.vector_load %arg4[%get3A_560, %get3A_561] {strides = array<i32>} : memref<144x128xf32, #tpu.memory_space<vmem>>, vector<16xf32>,
      %abs3A_563 = math.absf %get3A_562 : vector<16xf32>
      %add3A_564 = arith.addf %add3A_546, %abs3A_563 : vector<16xf32>
      %get3A_565 = arith.constant 58 : i32
      %get3A_566 = arith.index_cast %get3A_565 : i32 to index
      %get3A_567 = arith.index_cast %multiple_of3A : i32 to index
      %get3A_568 = tpu.vector_load %arg4[%get3A_566, %get3A_567] {strides = array<i32>} : memref<144x128xf32, #tpu.memory_space<vmem>>, vector<16xf32>,
      %abs3A_569 = math.absf %get3A_568 : vector<16xf32>
      %add3A_570 = arith.addf %add3A_552, %abs3A_569 : vector<16xf32>
      %get3A_571 = arith.constant 59 : i32
      %get3A_572 = arith.index_cast %get3A_571 : i32 to index
      %get3A_573 = arith.index_cast %multiple_of3A : i32 to index
      %get3A_574 = tpu.vector_load %arg4[%get3A_572, %get3A_573] {strides = array<i32>} : memref<144x128xf32, #tpu.memory_space<vmem>>, vector<16xf32>,
      %abs3A_575 = math.absf %get3A_574 : vector<16xf32>
      %add3A_576 = arith.addf %add3A_558, %abs3A_575 : vector<16xf32>
      %get3A_577 = arith.constant 60 : i32
      %get3A_578 = arith.index_cast %get3A_577 : i32 to index
      %get3A_579 = arith.index_cast %multiple_of3A : i32 to index
      %get3A_580 = tpu.vector_load %arg4[%get3A_578, %get3A_579] {strides = array<i32>} : memref<144x128xf32, #tpu.memory_space<vmem>>, vector<16xf32>,
      %abs3A_581 = math.absf %get3A_580 : vector<16xf32>
      %add3A_582 = arith.addf %add3A_564, %abs3A_581 : vector<16xf32>
      %get3A_583 = arith.constant 61 : i32
      %get3A_584 = arith.index_cast %get3A_583 : i32 to index
      %get3A_585 = arith.index_cast %multiple_of3A : i32 to index
      %get3A_586 = tpu.vector_load %arg4[%get3A_584, %get3A_585] {strides = array<i32>} : memref<144x128xf32, #tpu.memory_space<vmem>>, vector<16xf32>,
      %abs3A_587 = math.absf %get3A_586 : vector<16xf32>
      %add3A_588 = arith.addf %add3A_570, %abs3A_587 : vector<16xf32>
      %get3A_589 = arith.constant 62 : i32
      %get3A_590 = arith.index_cast %get3A_589 : i32 to index
      %get3A_591 = arith.index_cast %multiple_of3A : i32 to index
      %get3A_592 = tpu.vector_load %arg4[%get3A_590, %get3A_591] {strides = array<i32>} : memref<144x128xf32, #tpu.memory_space<vmem>>, vector<16xf32>,
      %abs3A_593 = math.absf %get3A_592 : vector<16xf32>
      %add3A_594 = arith.addf %add3A_576, %abs3A_593 : vector<16xf32>
      %get3A_595 = arith.constant 63 : i32
      %get3A_596 = arith.index_cast %get3A_595 : i32 to index
      %get3A_597 = arith.index_cast %multiple_of3A : i32 to index
      %get3A_598 = tpu.vector_load %arg4[%get3A_596, %get3A_597] {strides = array<i32>} : memref<144x128xf32, #tpu.memory_space<vmem>>, vector<16xf32>,
      %abs3A_599 = math.absf %get3A_598 : vector<16xf32>
      %add3A_600 = arith.addf %add3A_582, %abs3A_599 : vector<16xf32>
      %get3A_601 = arith.constant 64 : i32
      %get3A_602 = arith.index_cast %get3A_601 : i32 to index
      %get3A_603 = arith.index_cast %multiple_of3A : i32 to index
      %get3A_604 = tpu.vector_load %arg4[%get3A_602, %get3A_603] {strides = array<i32>} : memref<144x128xf32, #tpu.memory_space<vmem>>, vector<16xf32>,
      %abs3A_605 = math.absf %get3A_604 : vector<16xf32>
      %add3A_606 = arith.addf %add3A_588, %abs3A_605 : vector<16xf32>
      %get3A_607 = arith.constant 65 : i32
      %get3A_608 = arith.index_cast %get3A_607 : i32 to index
      %get3A_609 = arith.index_cast %multiple_of3A : i32 to index
      %get3A_610 = tpu.vector_load %arg4[%get3A_608, %get3A_609] {strides = array<i32>} : memref<144x128xf32, #tpu.memory_space<vmem>>, vector<16xf32>,
      %abs3A_611 = math.absf %get3A_610 : vector<16xf32>
      %add3A_612 = arith.addf %add3A_594, %abs3A_611 : vector<16xf32>
      %get3A_613 = arith.constant 66 : i32
      %get3A_614 = arith.index_cast %get3A_613 : i32 to index
      %get3A_615 = arith.index_cast %multiple_of3A : i32 to index
      %get3A_616 = tpu.vector_load %arg4[%get3A_614, %get3A_615] {strides = array<i32>} : memref<144x128xf32, #tpu.memory_space<vmem>>, vector<16xf32>,
      %abs3A_617 = math.absf %get3A_616 : vector<16xf32>
      %add3A_618 = arith.addf %add3A_600, %abs3A_617 : vector<16xf32>
      %get3A_619 = arith.constant 67 : i32
      %get3A_620 = arith.index_cast %get3A_619 : i32 to index
      %get3A_621 = arith.index_cast %multiple_of3A : i32 to index
      %get3A_622 = tpu.vector_load %arg4[%get3A_620, %get3A_621] {strides = array<i32>} : memref<144x128xf32, #tpu.memory_space<vmem>>, vector<16xf32>,
      %abs3A_623 = math.absf %get3A_622 : vector<16xf32>
      %add3A_624 = arith.addf %add3A_606, %abs3A_623 : vector<16xf32>
      %get3A_625 = arith.constant 68 : i32
      %get3A_626 = arith.index_cast %get3A_625 : i32 to index
      %get3A_627 = arith.index_cast %multiple_of3A : i32 to index
      %get3A_628 = tpu.vector_load %arg4[%get3A_626, %get3A_627] {strides = array<i32>} : memref<144x128xf32, #tpu.memory_space<vmem>>, vector<16xf32>,
      %abs3A_629 = math.absf %get3A_628 : vector<16xf32>
      %add3A_630 = arith.addf %add3A_612, %abs3A_629 : vector<16xf32>
      %get3A_631 = arith.constant 69 : i32
      %get3A_632 = arith.index_cast %get3A_631 : i32 to index
      %get3A_633 = arith.index_cast %multiple_of3A : i32 to index
      %get3A_634 = tpu.vector_load %arg4[%get3A_632, %get3A_633] {strides = array<i32>} : memref<144x128xf32, #tpu.memory_space<vmem>>, vector<16xf32>,
      %abs3A_635 = math.absf %get3A_634 : vector<16xf32>
      %add3A_636 = arith.addf %add3A_618, %abs3A_635 : vector<16xf32>
      %get3A_637 = arith.constant 70 : i32
      %get3A_638 = arith.index_cast %get3A_637 : i32 to index
      %get3A_639 = arith.index_cast %multiple_of3A : i32 to index
      %get3A_640 = tpu.vector_load %arg4[%get3A_638, %get3A_639] {strides = array<i32>} : memref<144x128xf32, #tpu.memory_space<vmem>>, vector<16xf32>,
      %abs3A_641 = math.absf %get3A_640 : vector<16xf32>
      %add3A_642 = arith.addf %add3A_624, %abs3A_641 : vector<16xf32>
      %get3A_643 = arith.constant 71 : i32
      %get3A_644 = arith.index_cast %get3A_643 : i32 to index
      %get3A_645 = arith.index_cast %multiple_of3A : i32 to index
      %get3A_646 = tpu.vector_load %arg4[%get3A_644, %get3A_645] {strides = array<i32>} : memref<144x128xf32, #tpu.memory_space<vmem>>, vector<16xf32>,
      %abs3A_647 = math.absf %get3A_646 : vector<16xf32>
      %add3A_648 = arith.addf %add3A_630, %abs3A_647 : vector<16xf32>
      %get3A_649 = arith.constant 72 : i32
      %get3A_650 = arith.index_cast %get3A_649 : i32 to index
      %get3A_651 = arith.index_cast %multiple_of3A : i32 to index
      %get3A_652 = tpu.vector_load %arg4[%get3A_650, %get3A_651] {strides = array<i32>} : memref<144x128xf32, #tpu.memory_space<vmem>>, vector<16xf32>,
      %abs3A_653 = math.absf %get3A_652 : vector<16xf32>
      %add3A_654 = arith.addf %add3A_636, %abs3A_653 : vector<16xf32>
      %get3A_655 = arith.constant 73 : i32
      %get3A_656 = arith.index_cast %get3A_655 : i32 to index
      %get3A_657 = arith.index_cast %multiple_of3A : i32 to index
      %get3A_658 = tpu.vector_load %arg4[%get3A_656, %get3A_657] {strides = array<i32>} : memref<144x128xf32, #tpu.memory_space<vmem>>, vector<16xf32>,
      %abs3A_659 = math.absf %get3A_658 : vector<16xf32>
      %add3A_660 = arith.addf %add3A_642, %abs3A_659 : vector<16xf32>
      %get3A_661 = arith.constant 74 : i32
      %get3A_662 = arith.index_cast %get3A_661 : i32 to index
      %get3A_663 = arith.index_cast %multiple_of3A : i32 to index
      %get3A_664 = tpu.vector_load %arg4[%get3A_662, %get3A_663] {strides = array<i32>} : memref<144x128xf32, #tpu.memory_space<vmem>>, vector<16xf32>,
      %abs3A_665 = math.absf %get3A_664 : vector<16xf32>
      %add3A_666 = arith.addf %add3A_648, %abs3A_665 : vector<16xf32>
      %get3A_667 = arith.constant 75 : i32
      %get3A_668 = arith.index_cast %get3A_667 : i32 to index
      %get3A_669 = arith.index_cast %multiple_of3A : i32 to index
      %get3A_670 = tpu.vector_load %arg4[%get3A_668, %get3A_669] {strides = array<i32>} : memref<144x128xf32, #tpu.memory_space<vmem>>, vector<16xf32>,
      %abs3A_671 = math.absf %get3A_670 : vector<16xf32>
      %add3A_672 = arith.addf %add3A_654, %abs3A_671 : vector<16xf32>
      %get3A_673 = arith.constant 76 : i32
      %get3A_674 = arith.index_cast %get3A_673 : i32 to index
      %get3A_675 = arith.index_cast %multiple_of3A : i32 to index
      %get3A_676 = tpu.vector_load %arg4[%get3A_674, %get3A_675] {strides = array<i32>} : memref<144x128xf32, #tpu.memory_space<vmem>>, vector<16xf32>,
      %abs3A_677 = math.absf %get3A_676 : vector<16xf32>
      %add3A_678 = arith.addf %add3A_660, %abs3A_677 : vector<16xf32>
      %get3A_679 = arith.constant 77 : i32
      %get3A_680 = arith.index_cast %get3A_679 : i32 to index
      %get3A_681 = arith.index_cast %multiple_of3A : i32 to index
      %get3A_682 = tpu.vector_load %arg4[%get3A_680, %get3A_681] {strides = array<i32>} : memref<144x128xf32, #tpu.memory_space<vmem>>, vector<16xf32>,
      %abs3A_683 = math.absf %get3A_682 : vector<16xf32>
      %add3A_684 = arith.addf %add3A_666, %abs3A_683 : vector<16xf32>
      %get3A_685 = arith.constant 78 : i32
      %get3A_686 = arith.index_cast %get3A_685 : i32 to index
      %get3A_687 = arith.index_cast %multiple_of3A : i32 to index
      %get3A_688 = tpu.vector_load %arg4[%get3A_686, %get3A_687] {strides = array<i32>} : memref<144x128xf32, #tpu.memory_space<vmem>>, vector<16xf32>,
      %abs3A_689 = math.absf %get3A_688 : vector<16xf32>
      %add3A_690 = arith.addf %add3A_672, %abs3A_689 : vector<16xf32>
      %get3A_691 = arith.constant 79 : i32
      %get3A_692 = arith.index_cast %get3A_691 : i32 to index
      %get3A_693 = arith.index_cast %multiple_of3A : i32 to index
      %get3A_694 = tpu.vector_load %arg4[%get3A_692, %get3A_693] {strides = array<i32>} : memref<144x128xf32, #tpu.memory_space<vmem>>, vector<16xf32>,
      %abs3A_695 = math.absf %get3A_694 : vector<16xf32>
      %add3A_696 = arith.addf %add3A_678, %abs3A_695 : vector<16xf32>
      %get3A_697 = arith.constant 80 : i32
      %get3A_698 = arith.index_cast %get3A_697 : i32 to index
      %get3A_699 = arith.index_cast %multiple_of3A : i32 to index
      %get3A_700 = tpu.vector_load %arg4[%get3A_698, %get3A_699] {strides = array<i32>} : memref<144x128xf32, #tpu.memory_space<vmem>>, vector<16xf32>,
      %abs3A_701 = math.absf %get3A_700 : vector<16xf32>
      %add3A_702 = arith.addf %add3A_684, %abs3A_701 : vector<16xf32>
      %get3A_703 = arith.constant 81 : i32
      %get3A_704 = arith.index_cast %get3A_703 : i32 to index
      %get3A_705 = arith.index_cast %multiple_of3A : i32 to index
      %get3A_706 = tpu.vector_load %arg4[%get3A_704, %get3A_705] {strides = array<i32>} : memref<144x128xf32, #tpu.memory_space<vmem>>, vector<16xf32>,
      %abs3A_707 = math.absf %get3A_706 : vector<16xf32>
      %add3A_708 = arith.addf %add3A_690, %abs3A_707 : vector<16xf32>
      %get3A_709 = arith.constant 82 : i32
      %get3A_710 = arith.index_cast %get3A_709 : i32 to index
      %get3A_711 = arith.index_cast %multiple_of3A : i32 to index
      %get3A_712 = tpu.vector_load %arg4[%get3A_710, %get3A_711] {strides = array<i32>} : memref<144x128xf32, #tpu.memory_space<vmem>>, vector<16xf32>,
      %abs3A_713 = math.absf %get3A_712 : vector<16xf32>
      %add3A_714 = arith.addf %add3A_696, %abs3A_713 : vector<16xf32>
      %get3A_715 = arith.constant 83 : i32
      %get3A_716 = arith.index_cast %get3A_715 : i32 to index
      %get3A_717 = arith.index_cast %multiple_of3A : i32 to index
      %get3A_718 = tpu.vector_load %arg4[%get3A_716, %get3A_717] {strides = array<i32>} : memref<144x128xf32, #tpu.memory_space<vmem>>, vector<16xf32>,
      %abs3A_719 = math.absf %get3A_718 : vector<16xf32>
      %add3A_720 = arith.addf %add3A_702, %abs3A_719 : vector<16xf32>
      %get3A_721 = arith.constant 84 : i32
      %get3A_722 = arith.index_cast %get3A_721 : i32 to index
      %get3A_723 = arith.index_cast %multiple_of3A : i32 to index
      %get3A_724 = tpu.vector_load %arg4[%get3A_722, %get3A_723] {strides = array<i32>} : memref<144x128xf32, #tpu.memory_space<vmem>>, vector<16xf32>,
      %abs3A_725 = math.absf %get3A_724 : vector<16xf32>
      %add3A_726 = arith.addf %add3A_708, %abs3A_725 : vector<16xf32>
      %get3A_727 = arith.constant 85 : i32
      %get3A_728 = arith.index_cast %get3A_727 : i32 to index
      %get3A_729 = arith.index_cast %multiple_of3A : i32 to index
      %get3A_730 = tpu.vector_load %arg4[%get3A_728, %get3A_729] {strides = array<i32>} : memref<144x128xf32, #tpu.memory_space<vmem>>, vector<16xf32>,
      %abs3A_731 = math.absf %get3A_730 : vector<16xf32>
      %add3A_732 = arith.addf %add3A_714, %abs3A_731 : vector<16xf32>
      %get3A_733 = arith.constant 86 : i32
      %get3A_734 = arith.index_cast %get3A_733 : i32 to index
      %get3A_735 = arith.index_cast %multiple_of3A : i32 to index
      %get3A_736 = tpu.vector_load %arg4[%get3A_734, %get3A_735] {strides = array<i32>} : memref<144x128xf32, #tpu.memory_space<vmem>>, vector<16xf32>,
      %abs3A_737 = math.absf %get3A_736 : vector<16xf32>
      %add3A_738 = arith.addf %add3A_720, %abs3A_737 : vector<16xf32>
      %get3A_739 = arith.constant 87 : i32
      %get3A_740 = arith.index_cast %get3A_739 : i32 to index
      %get3A_741 = arith.index_cast %multiple_of3A : i32 to index
      %get3A_742 = tpu.vector_load %arg4[%get3A_740, %get3A_741] {strides = array<i32>} : memref<144x128xf32, #tpu.memory_space<vmem>>, vector<16xf32>,
      %abs3A_743 = math.absf %get3A_742 : vector<16xf32>
      %add3A_744 = arith.addf %add3A_726, %abs3A_743 : vector<16xf32>
      %get3A_745 = arith.constant 88 : i32
      %get3A_746 = arith.index_cast %get3A_745 : i32 to index
      %get3A_747 = arith.index_cast %multiple_of3A : i32 to index
      %get3A_748 = tpu.vector_load %arg4[%get3A_746, %get3A_747] {strides = array<i32>} : memref<144x128xf32, #tpu.memory_space<vmem>>, vector<16xf32>,
      %abs3A_749 = math.absf %get3A_748 : vector<16xf32>
      %add3A_750 = arith.addf %add3A_732, %abs3A_749 : vector<16xf32>
      %get3A_751 = arith.constant 89 : i32
      %get3A_752 = arith.index_cast %get3A_751 : i32 to index
      %get3A_753 = arith.index_cast %multiple_of3A : i32 to index
      %get3A_754 = tpu.vector_load %arg4[%get3A_752, %get3A_753] {strides = array<i32>} : memref<144x128xf32, #tpu.memory_space<vmem>>, vector<16xf32>,
      %abs3A_755 = math.absf %get3A_754 : vector<16xf32>
      %add3A_756 = arith.addf %add3A_738, %abs3A_755 : vector<16xf32>
      %get3A_757 = arith.constant 90 : i32
      %get3A_758 = arith.index_cast %get3A_757 : i32 to index
      %get3A_759 = arith.index_cast %multiple_of3A : i32 to index
      %get3A_760 = tpu.vector_load %arg4[%get3A_758, %get3A_759] {strides = array<i32>} : memref<144x128xf32, #tpu.memory_space<vmem>>, vector<16xf32>,
      %abs3A_761 = math.absf %get3A_760 : vector<16xf32>
      %add3A_762 = arith.addf %add3A_744, %abs3A_761 : vector<16xf32>
      %get3A_763 = arith.constant 91 : i32
      %get3A_764 = arith.index_cast %get3A_763 : i32 to index
      %get3A_765 = arith.index_cast %multiple_of3A : i32 to index
      %get3A_766 = tpu.vector_load %arg4[%get3A_764, %get3A_765] {strides = array<i32>} : memref<144x128xf32, #tpu.memory_space<vmem>>, vector<16xf32>,
      %abs3A_767 = math.absf %get3A_766 : vector<16xf32>
      %add3A_768 = arith.addf %add3A_750, %abs3A_767 : vector<16xf32>
      %get3A_769 = arith.constant 92 : i32
      %get3A_770 = arith.index_cast %get3A_769 : i32 to index
      %get3A_771 = arith.index_cast %multiple_of3A : i32 to index
      %get3A_772 = tpu.vector_load %arg4[%get3A_770, %get3A_771] {strides = array<i32>} : memref<144x128xf32, #tpu.memory_space<vmem>>, vector<16xf32>,
      %abs3A_773 = math.absf %get3A_772 : vector<16xf32>
      %add3A_774 = arith.addf %add3A_756, %abs3A_773 : vector<16xf32>
      %get3A_775 = arith.constant 93 : i32
      %get3A_776 = arith.index_cast %get3A_775 : i32 to index
      %get3A_777 = arith.index_cast %multiple_of3A : i32 to index
      %get3A_778 = tpu.vector_load %arg4[%get3A_776, %get3A_777] {strides = array<i32>} : memref<144x128xf32, #tpu.memory_space<vmem>>, vector<16xf32>,
      %abs3A_779 = math.absf %get3A_778 : vector<16xf32>
      %add3A_780 = arith.addf %add3A_762, %abs3A_779 : vector<16xf32>
      %get3A_781 = arith.constant 94 : i32
      %get3A_782 = arith.index_cast %get3A_781 : i32 to index
      %get3A_783 = arith.index_cast %multiple_of3A : i32 to index
      %get3A_784 = tpu.vector_load %arg4[%get3A_782, %get3A_783] {strides = array<i32>} : memref<144x128xf32, #tpu.memory_space<vmem>>, vector<16xf32>,
      %abs3A_785 = math.absf %get3A_784 : vector<16xf32>
      %add3A_786 = arith.addf %add3A_768, %abs3A_785 : vector<16xf32>
      %get3A_787 = arith.constant 95 : i32
      %get3A_788 = arith.index_cast %get3A_787 : i32 to index
      %get3A_789 = arith.index_cast %multiple_of3A : i32 to index
      %get3A_790 = tpu.vector_load %arg4[%get3A_788, %get3A_789] {strides = array<i32>} : memref<144x128xf32, #tpu.memory_space<vmem>>, vector<16xf32>,
      %abs3A_791 = math.absf %get3A_790 : vector<16xf32>
      %add3A_792 = arith.addf %add3A_774, %abs3A_791 : vector<16xf32>
      %get3A_793 = arith.constant 96 : i32
      %get3A_794 = arith.index_cast %get3A_793 : i32 to index
      %get3A_795 = arith.index_cast %multiple_of3A : i32 to index
      %get3A_796 = tpu.vector_load %arg4[%get3A_794, %get3A_795] {strides = array<i32>} : memref<144x128xf32, #tpu.memory_space<vmem>>, vector<16xf32>,
      %abs3A_797 = math.absf %get3A_796 : vector<16xf32>
      %add3A_798 = arith.addf %add3A_780, %abs3A_797 : vector<16xf32>
      %get3A_799 = arith.constant 97 : i32
      %get3A_800 = arith.index_cast %get3A_799 : i32 to index
      %get3A_801 = arith.index_cast %multiple_of3A : i32 to index
      %get3A_802 = tpu.vector_load %arg4[%get3A_800, %get3A_801] {strides = array<i32>} : memref<144x128xf32, #tpu.memory_space<vmem>>, vector<16xf32>,
      %abs3A_803 = math.absf %get3A_802 : vector<16xf32>
      %add3A_804 = arith.addf %add3A_786, %abs3A_803 : vector<16xf32>
      %get3A_805 = arith.constant 98 : i32
      %get3A_806 = arith.index_cast %get3A_805 : i32 to index
      %get3A_807 = arith.index_cast %multiple_of3A : i32 to index
      %get3A_808 = tpu.vector_load %arg4[%get3A_806, %get3A_807] {strides = array<i32>} : memref<144x128xf32, #tpu.memory_space<vmem>>, vector<16xf32>,
      %abs3A_809 = math.absf %get3A_808 : vector<16xf32>
      %add3A_810 = arith.addf %add3A_792, %abs3A_809 : vector<16xf32>
      %get3A_811 = arith.constant 99 : i32
      %get3A_812 = arith.index_cast %get3A_811 : i32 to index
      %get3A_813 = arith.index_cast %multiple_of3A : i32 to index
      %get3A_814 = tpu.vector_load %arg4[%get3A_812, %get3A_813] {strides = array<i32>} : memref<144x128xf32, #tpu.memory_space<vmem>>, vector<16xf32>,
      %abs3A_815 = math.absf %get3A_814 : vector<16xf32>
      %add3A_816 = arith.addf %add3A_798, %abs3A_815 : vector<16xf32>
      %get3A_817 = arith.constant 100 : i32
      %get3A_818 = arith.index_cast %get3A_817 : i32 to index
      %get3A_819 = arith.index_cast %multiple_of3A : i32 to index
      %get3A_820 = tpu.vector_load %arg4[%get3A_818, %get3A_819] {strides = array<i32>} : memref<144x128xf32, #tpu.memory_space<vmem>>, vector<16xf32>,
      %abs3A_821 = math.absf %get3A_820 : vector<16xf32>
      %add3A_822 = arith.addf %add3A_804, %abs3A_821 : vector<16xf32>
      %get3A_823 = arith.constant 101 : i32
      %get3A_824 = arith.index_cast %get3A_823 : i32 to index
      %get3A_825 = arith.index_cast %multiple_of3A : i32 to index
      %get3A_826 = tpu.vector_load %arg4[%get3A_824, %get3A_825] {strides = array<i32>} : memref<144x128xf32, #tpu.memory_space<vmem>>, vector<16xf32>,
      %abs3A_827 = math.absf %get3A_826 : vector<16xf32>
      %add3A_828 = arith.addf %add3A_810, %abs3A_827 : vector<16xf32>
      %get3A_829 = arith.constant 102 : i32
      %get3A_830 = arith.index_cast %get3A_829 : i32 to index
      %get3A_831 = arith.index_cast %multiple_of3A : i32 to index
      %get3A_832 = tpu.vector_load %arg4[%get3A_830, %get3A_831] {strides = array<i32>} : memref<144x128xf32, #tpu.memory_space<vmem>>, vector<16xf32>,
      %abs3A_833 = math.absf %get3A_832 : vector<16xf32>
      %add3A_834 = arith.addf %add3A_816, %abs3A_833 : vector<16xf32>
      %get3A_835 = arith.constant 103 : i32
      %get3A_836 = arith.index_cast %get3A_835 : i32 to index
      %get3A_837 = arith.index_cast %multiple_of3A : i32 to index
      %get3A_838 = tpu.vector_load %arg4[%get3A_836, %get3A_837] {strides = array<i32>} : memref<144x128xf32, #tpu.memory_space<vmem>>, vector<16xf32>,
      %abs3A_839 = math.absf %get3A_838 : vector<16xf32>
      %add3A_840 = arith.addf %add3A_822, %abs3A_839 : vector<16xf32>
      %get3A_841 = arith.constant 104 : i32
      %get3A_842 = arith.index_cast %get3A_841 : i32 to index
      %get3A_843 = arith.index_cast %multiple_of3A : i32 to index
      %get3A_844 = tpu.vector_load %arg4[%get3A_842, %get3A_843] {strides = array<i32>} : memref<144x128xf32, #tpu.memory_space<vmem>>, vector<16xf32>,
      %abs3A_845 = math.absf %get3A_844 : vector<16xf32>
      %add3A_846 = arith.addf %add3A_828, %abs3A_845 : vector<16xf32>
      %get3A_847 = arith.constant 105 : i32
      %get3A_848 = arith.index_cast %get3A_847 : i32 to index
      %get3A_849 = arith.index_cast %multiple_of3A : i32 to index
      %get3A_850 = tpu.vector_load %arg4[%get3A_848, %get3A_849] {strides = array<i32>} : memref<144x128xf32, #tpu.memory_space<vmem>>, vector<16xf32>,
      %abs3A_851 = math.absf %get3A_850 : vector<16xf32>
      %add3A_852 = arith.addf %add3A_834, %abs3A_851 : vector<16xf32>
      %get3A_853 = arith.constant 106 : i32
      %get3A_854 = arith.index_cast %get3A_853 : i32 to index
      %get3A_855 = arith.index_cast %multiple_of3A : i32 to index
      %get3A_856 = tpu.vector_load %arg4[%get3A_854, %get3A_855] {strides = array<i32>} : memref<144x128xf32, #tpu.memory_space<vmem>>, vector<16xf32>,
      %abs3A_857 = math.absf %get3A_856 : vector<16xf32>
      %add3A_858 = arith.addf %add3A_840, %abs3A_857 : vector<16xf32>
      %get3A_859 = arith.constant 107 : i32
      %get3A_860 = arith.index_cast %get3A_859 : i32 to index
      %get3A_861 = arith.index_cast %multiple_of3A : i32 to index
      %get3A_862 = tpu.vector_load %arg4[%get3A_860, %get3A_861] {strides = array<i32>} : memref<144x128xf32, #tpu.memory_space<vmem>>, vector<16xf32>,
      %abs3A_863 = math.absf %get3A_862 : vector<16xf32>
      %add3A_864 = arith.addf %add3A_846, %abs3A_863 : vector<16xf32>
      %get3A_865 = arith.constant 108 : i32
      %get3A_866 = arith.index_cast %get3A_865 : i32 to index
      %get3A_867 = arith.index_cast %multiple_of3A : i32 to index
      %get3A_868 = tpu.vector_load %arg4[%get3A_866, %get3A_867] {strides = array<i32>} : memref<144x128xf32, #tpu.memory_space<vmem>>, vector<16xf32>,
      %abs3A_869 = math.absf %get3A_868 : vector<16xf32>
      %add3A_870 = arith.addf %add3A_852, %abs3A_869 : vector<16xf32>
      %get3A_871 = arith.constant 109 : i32
      %get3A_872 = arith.index_cast %get3A_871 : i32 to index
      %get3A_873 = arith.index_cast %multiple_of3A : i32 to index
      %get3A_874 = tpu.vector_load %arg4[%get3A_872, %get3A_873] {strides = array<i32>} : memref<144x128xf32, #tpu.memory_space<vmem>>, vector<16xf32>,
      %abs3A_875 = math.absf %get3A_874 : vector<16xf32>
      %add3A_876 = arith.addf %add3A_858, %abs3A_875 : vector<16xf32>
      %get3A_877 = arith.constant 110 : i32
      %get3A_878 = arith.index_cast %get3A_877 : i32 to index
      %get3A_879 = arith.index_cast %multiple_of3A : i32 to index
      %get3A_880 = tpu.vector_load %arg4[%get3A_878, %get3A_879] {strides = array<i32>} : memref<144x128xf32, #tpu.memory_space<vmem>>, vector<16xf32>,
      %abs3A_881 = math.absf %get3A_880 : vector<16xf32>
      %add3A_882 = arith.addf %add3A_864, %abs3A_881 : vector<16xf32>
      %get3A_883 = arith.constant 111 : i32
      %get3A_884 = arith.index_cast %get3A_883 : i32 to index
      %get3A_885 = arith.index_cast %multiple_of3A : i32 to index
      %get3A_886 = tpu.vector_load %arg4[%get3A_884, %get3A_885] {strides = array<i32>} : memref<144x128xf32, #tpu.memory_space<vmem>>, vector<16xf32>,
      %abs3A_887 = math.absf %get3A_886 : vector<16xf32>
      %add3A_888 = arith.addf %add3A_870, %abs3A_887 : vector<16xf32>
      %get3A_889 = arith.constant 112 : i32
      %get3A_890 = arith.index_cast %get3A_889 : i32 to index
      %get3A_891 = arith.index_cast %multiple_of3A : i32 to index
      %get3A_892 = tpu.vector_load %arg4[%get3A_890, %get3A_891] {strides = array<i32>} : memref<144x128xf32, #tpu.memory_space<vmem>>, vector<16xf32>,
      %abs3A_893 = math.absf %get3A_892 : vector<16xf32>
      %add3A_894 = arith.addf %add3A_876, %abs3A_893 : vector<16xf32>
      %get3A_895 = arith.constant 113 : i32
      %get3A_896 = arith.index_cast %get3A_895 : i32 to index
      %get3A_897 = arith.index_cast %multiple_of3A : i32 to index
      %get3A_898 = tpu.vector_load %arg4[%get3A_896, %get3A_897] {strides = array<i32>} : memref<144x128xf32, #tpu.memory_space<vmem>>, vector<16xf32>,
      %abs3A_899 = math.absf %get3A_898 : vector<16xf32>
      %add3A_900 = arith.addf %add3A_882, %abs3A_899 : vector<16xf32>
      %get3A_901 = arith.constant 114 : i32
      %get3A_902 = arith.index_cast %get3A_901 : i32 to index
      %get3A_903 = arith.index_cast %multiple_of3A : i32 to index
      %get3A_904 = tpu.vector_load %arg4[%get3A_902, %get3A_903] {strides = array<i32>} : memref<144x128xf32, #tpu.memory_space<vmem>>, vector<16xf32>,
      %abs3A_905 = math.absf %get3A_904 : vector<16xf32>
      %add3A_906 = arith.addf %add3A_888, %abs3A_905 : vector<16xf32>
      %get3A_907 = arith.constant 115 : i32
      %get3A_908 = arith.index_cast %get3A_907 : i32 to index
      %get3A_909 = arith.index_cast %multiple_of3A : i32 to index
      %get3A_910 = tpu.vector_load %arg4[%get3A_908, %get3A_909] {strides = array<i32>} : memref<144x128xf32, #tpu.memory_space<vmem>>, vector<16xf32>,
      %abs3A_911 = math.absf %get3A_910 : vector<16xf32>
      %add3A_912 = arith.addf %add3A_894, %abs3A_911 : vector<16xf32>
      %get3A_913 = arith.constant 116 : i32
      %get3A_914 = arith.index_cast %get3A_913 : i32 to index
      %get3A_915 = arith.index_cast %multiple_of3A : i32 to index
      %get3A_916 = tpu.vector_load %arg4[%get3A_914, %get3A_915] {strides = array<i32>} : memref<144x128xf32, #tpu.memory_space<vmem>>, vector<16xf32>,
      %abs3A_917 = math.absf %get3A_916 : vector<16xf32>
      %add3A_918 = arith.addf %add3A_900, %abs3A_917 : vector<16xf32>
      %get3A_919 = arith.constant 117 : i32
      %get3A_920 = arith.index_cast %get3A_919 : i32 to index
      %get3A_921 = arith.index_cast %multiple_of3A : i32 to index
      %get3A_922 = tpu.vector_load %arg4[%get3A_920, %get3A_921] {strides = array<i32>} : memref<144x128xf32, #tpu.memory_space<vmem>>, vector<16xf32>,
      %abs3A_923 = math.absf %get3A_922 : vector<16xf32>
      %add3A_924 = arith.addf %add3A_906, %abs3A_923 : vector<16xf32>
      %get3A_925 = arith.constant 118 : i32
      %get3A_926 = arith.index_cast %get3A_925 : i32 to index
      %get3A_927 = arith.index_cast %multiple_of3A : i32 to index
      %get3A_928 = tpu.vector_load %arg4[%get3A_926, %get3A_927] {strides = array<i32>} : memref<144x128xf32, #tpu.memory_space<vmem>>, vector<16xf32>,
      %abs3A_929 = math.absf %get3A_928 : vector<16xf32>
      %add3A_930 = arith.addf %add3A_912, %abs3A_929 : vector<16xf32>
      %get3A_931 = arith.constant 119 : i32
      %get3A_932 = arith.index_cast %get3A_931 : i32 to index
      %get3A_933 = arith.index_cast %multiple_of3A : i32 to index
      %get3A_934 = tpu.vector_load %arg4[%get3A_932, %get3A_933] {strides = array<i32>} : memref<144x128xf32, #tpu.memory_space<vmem>>, vector<16xf32>,
      %abs3A_935 = math.absf %get3A_934 : vector<16xf32>
      %add3A_936 = arith.addf %add3A_918, %abs3A_935 : vector<16xf32>
      %get3A_937 = arith.constant 120 : i32
      %get3A_938 = arith.index_cast %get3A_937 : i32 to index
      %get3A_939 = arith.index_cast %multiple_of3A : i32 to index
      %get3A_940 = tpu.vector_load %arg4[%get3A_938, %get3A_939] {strides = array<i32>} : memref<144x128xf32, #tpu.memory_space<vmem>>, vector<16xf32>,
      %abs3A_941 = math.absf %get3A_940 : vector<16xf32>
      %add3A_942 = arith.addf %add3A_924, %abs3A_941 : vector<16xf32>
      %get3A_943 = arith.constant 121 : i32
      %get3A_944 = arith.index_cast %get3A_943 : i32 to index
      %get3A_945 = arith.index_cast %multiple_of3A : i32 to index
      %get3A_946 = tpu.vector_load %arg4[%get3A_944, %get3A_945] {strides = array<i32>} : memref<144x128xf32, #tpu.memory_space<vmem>>, vector<16xf32>,
      %abs3A_947 = math.absf %get3A_946 : vector<16xf32>
      %add3A_948 = arith.addf %add3A_930, %abs3A_947 : vector<16xf32>
      %get3A_949 = arith.constant 122 : i32
      %get3A_950 = arith.index_cast %get3A_949 : i32 to index
      %get3A_951 = arith.index_cast %multiple_of3A : i32 to index
      %get3A_952 = tpu.vector_load %arg4[%get3A_950, %get3A_951] {strides = array<i32>} : memref<144x128xf32, #tpu.memory_space<vmem>>, vector<16xf32>,
      %abs3A_953 = math.absf %get3A_952 : vector<16xf32>
      %add3A_954 = arith.addf %add3A_936, %abs3A_953 : vector<16xf32>
      %get3A_955 = arith.constant 123 : i32
      %get3A_956 = arith.index_cast %get3A_955 : i32 to index
      %get3A_957 = arith.index_cast %multiple_of3A : i32 to index
      %get3A_958 = tpu.vector_load %arg4[%get3A_956, %get3A_957] {strides = array<i32>} : memref<144x128xf32, #tpu.memory_space<vmem>>, vector<16xf32>,
      %abs3A_959 = math.absf %get3A_958 : vector<16xf32>
      %add3A_960 = arith.addf %add3A_942, %abs3A_959 : vector<16xf32>
      %get3A_961 = arith.constant 124 : i32
      %get3A_962 = arith.index_cast %get3A_961 : i32 to index
      %get3A_963 = arith.index_cast %multiple_of3A : i32 to index
      %get3A_964 = tpu.vector_load %arg4[%get3A_962, %get3A_963] {strides = array<i32>} : memref<144x128xf32, #tpu.memory_space<vmem>>, vector<16xf32>,
      %abs3A_965 = math.absf %get3A_964 : vector<16xf32>
      %add3A_966 = arith.addf %add3A_948, %abs3A_965 : vector<16xf32>
      %get3A_967 = arith.constant 125 : i32
      %get3A_968 = arith.index_cast %get3A_967 : i32 to index
      %get3A_969 = arith.index_cast %multiple_of3A : i32 to index
      %get3A_970 = tpu.vector_load %arg4[%get3A_968, %get3A_969] {strides = array<i32>} : memref<144x128xf32, #tpu.memory_space<vmem>>, vector<16xf32>,
      %abs3A_971 = math.absf %get3A_970 : vector<16xf32>
      %add3A_972 = arith.addf %add3A_954, %abs3A_971 : vector<16xf32>
      %get3A_973 = arith.constant 126 : i32
      %get3A_974 = arith.index_cast %get3A_973 : i32 to index
      %get3A_975 = arith.index_cast %multiple_of3A : i32 to index
      %get3A_976 = tpu.vector_load %arg4[%get3A_974, %get3A_975] {strides = array<i32>} : memref<144x128xf32, #tpu.memory_space<vmem>>, vector<16xf32>,
      %abs3A_977 = math.absf %get3A_976 : vector<16xf32>
      %add3A_978 = arith.addf %add3A_960, %abs3A_977 : vector<16xf32>
      %get3A_979 = arith.constant 127 : i32
      %get3A_980 = arith.index_cast %get3A_979 : i32 to index
      %get3A_981 = arith.index_cast %multiple_of3A : i32 to index
      %get3A_982 = tpu.vector_load %arg4[%get3A_980, %get3A_981] {strides = array<i32>} : memref<144x128xf32, #tpu.memory_space<vmem>>, vector<16xf32>,
      %abs3A_983 = math.absf %get3A_982 : vector<16xf32>
      %add3A_984 = arith.addf %add3A_966, %abs3A_983 : vector<16xf32>
      %get3A_985 = arith.constant 140 : i32
      %get3A_986 = arith.index_cast %get3A_985 : i32 to index
      %get3A_987 = arith.index_cast %multiple_of3A : i32 to index
      %get3A_988 = tpu.vector_load %arg4[%get3A_986, %get3A_987] {strides = array<i32>} : memref<144x128xf32, #tpu.memory_space<vmem>>, vector<16xf32>,
      %abs3A_989 = math.absf %get3A_988 : vector<16xf32>
      %add3A_990 = arith.addf %add3A_972, %abs3A_989 : vector<16xf32>
      %get3A_991 = arith.constant 141 : i32
      %get3A_992 = arith.index_cast %get3A_991 : i32 to index
      %get3A_993 = arith.index_cast %multiple_of3A : i32 to index
      %get3A_994 = tpu.vector_load %arg4[%get3A_992, %get3A_993] {strides = array<i32>} : memref<144x128xf32, #tpu.memory_space<vmem>>, vector<16xf32>,
      %abs3A_995 = math.absf %get3A_994 : vector<16xf32>
      %add3A_996 = arith.addf %add3A_978, %abs3A_995 : vector<16xf32>
      %get3A_997 = arith.constant 142 : i32
      %get3A_998 = arith.index_cast %get3A_997 : i32 to index
      %get3A_999 = arith.index_cast %multiple_of3A : i32 to index
      %get3A_1000 = tpu.vector_load %arg4[%get3A_998, %get3A_999] {strides = array<i32>} : memref<144x128xf32, #tpu.memory_space<vmem>>, vector<16xf32>,
      %abs3A_1001 = math.absf %get3A_1000 : vector<16xf32>
      %add3A_1002 = arith.addf %add3A_984, %abs3A_1001 : vector<16xf32>
      %get3A_1003 = arith.constant 143 : i32
      %get3A_1004 = arith.index_cast %get3A_1003 : i32 to index
      %get3A_1005 = arith.index_cast %multiple_of3A : i32 to index
      %get3A_1006 = tpu.vector_load %arg4[%get3A_1004, %get3A_1005] {strides = array<i32>} : memref<144x128xf32, #tpu.memory_space<vmem>>, vector<16xf32>,
      %abs3A_1007 = math.absf %get3A_1006 : vector<16xf32>
      %add3A_1008 = arith.addf %add3A_990, %abs3A_1007 : vector<16xf32>
      %add3A_1009 = arith.addf %add3A_996, %add3A_1002 : vector<16xf32>
      %add3A_1010 = arith.addf %add3A_1009, %add3A_1008 : vector<16xf32>
      %swap3A = arith.constant 0 : index
      %swap3A_1011 = tpu.vector_load %arg5[%swap3A] {strides = array<i32>} : memref<720xf32, #tpu.memory_space<vmem>>, vector<16xf32>,
      tpu.vector_store %arg5[%swap3A], %add3A_1010 {strides = array<i32>} : memref<720xf32, #tpu.memory_space<vmem>>, vector<16xf32>,
      %swap3A_1012 = arith.constant 16 : index
      %swap3A_1013 = tpu.vector_load %arg5[%swap3A_1012] {strides = array<i32>} : memref<720xf32, #tpu.memory_space<vmem>>, vector<16xf32>,
      tpu.vector_store %arg5[%swap3A_1012], %broadcast_in_dim3A_202 {strides = array<i32>} : memref<720xf32, #tpu.memory_space<vmem>>, vector<16xf32>,
      %swap3A_1014 = arith.constant 32 : index
      %swap3A_1015 = tpu.vector_load %arg5[%swap3A_1014] {strides = array<i32>} : memref<720xf32, #tpu.memory_space<vmem>>, vector<16xf32>,
      tpu.vector_store %arg5[%swap3A_1014], %broadcast_in_dim3A_202 {strides = array<i32>} : memref<720xf32, #tpu.memory_space<vmem>>, vector<16xf32>,
      %swap3A_1016 = arith.constant 48 : index
      %swap3A_1017 = tpu.vector_load %arg5[%swap3A_1016] {strides = array<i32>} : memref<720xf32, #tpu.memory_space<vmem>>, vector<16xf32>,
      tpu.vector_store %arg5[%swap3A_1016], %broadcast_in_dim3A_202 {strides = array<i32>} : memref<720xf32, #tpu.memory_space<vmem>>, vector<16xf32>,
      %swap3A_1018 = arith.constant 64 : index
      %swap3A_1019 = tpu.vector_load %arg5[%swap3A_1018] {strides = array<i32>} : memref<720xf32, #tpu.memory_space<vmem>>, vector<16xf32>,
      tpu.vector_store %arg5[%swap3A_1018], %broadcast_in_dim3A_202 {strides = array<i32>} : memref<720xf32, #tpu.memory_space<vmem>>, vector<16xf32>,
      %swap3A_1020 = arith.constant 80 : index
      %swap3A_1021 = tpu.vector_load %arg5[%swap3A_1020] {strides = array<i32>} : memref<720xf32, #tpu.memory_space<vmem>>, vector<16xf32>,
      tpu.vector_store %arg5[%swap3A_1020], %broadcast_in_dim3A_202 {strides = array<i32>} : memref<720xf32, #tpu.memory_space<vmem>>, vector<16xf32>,
      %swap3A_1022 = arith.constant 96 : index
      %swap3A_1023 = tpu.vector_load %arg5[%swap3A_1022] {strides = array<i32>} : memref<720xf32, #tpu.memory_space<vmem>>, vector<16xf32>,
      tpu.vector_store %arg5[%swap3A_1022], %broadcast_in_dim3A_202 {strides = array<i32>} : memref<720xf32, #tpu.memory_space<vmem>>, vector<16xf32>,
      %swap3A_1024 = arith.constant 112 : index
      %swap3A_1025 = tpu.vector_load %arg5[%swap3A_1024] {strides = array<i32>} : memref<720xf32, #tpu.memory_space<vmem>>, vector<16xf32>,
      tpu.vector_store %arg5[%swap3A_1024], %broadcast_in_dim3A_202 {strides = array<i32>} : memref<720xf32, #tpu.memory_space<vmem>>, vector<16xf32>,
      %swap3A_1026 = arith.constant 128 : index
      %swap3A_1027 = tpu.vector_load %arg5[%swap3A_1026] {strides = array<i32>} : memref<720xf32, #tpu.memory_space<vmem>>, vector<16xf32>,
      tpu.vector_store %arg5[%swap3A_1026], %broadcast_in_dim3A_202 {strides = array<i32>} : memref<720xf32, #tpu.memory_space<vmem>>, vector<16xf32>,
      %swap3A_1028 = arith.constant 144 : index
      %swap3A_1029 = tpu.vector_load %arg5[%swap3A_1028] {strides = array<i32>} : memref<720xf32, #tpu.memory_space<vmem>>, vector<16xf32>,
      tpu.vector_store %arg5[%swap3A_1028], %broadcast_in_dim3A_202 {strides = array<i32>} : memref<720xf32, #tpu.memory_space<vmem>>, vector<16xf32>,
      %swap3A_1030 = arith.constant 160 : index
      %swap3A_1031 = tpu.vector_load %arg5[%swap3A_1030] {strides = array<i32>} : memref<720xf32, #tpu.memory_space<vmem>>, vector<16xf32>,
      tpu.vector_store %arg5[%swap3A_1030], %broadcast_in_dim3A_202 {strides = array<i32>} : memref<720xf32, #tpu.memory_space<vmem>>, vector<16xf32>,
      %swap3A_1032 = arith.constant 176 : index
      %swap3A_1033 = tpu.vector_load %arg5[%swap3A_1032] {strides = array<i32>} : memref<720xf32, #tpu.memory_space<vmem>>, vector<16xf32>,
      tpu.vector_store %arg5[%swap3A_1032], %broadcast_in_dim3A_202 {strides = array<i32>} : memref<720xf32, #tpu.memory_space<vmem>>, vector<16xf32>,
      %swap3A_1034 = arith.constant 192 : index
      %swap3A_1035 = tpu.vector_load %arg5[%swap3A_1034] {strides = array<i32>} : memref<720xf32, #tpu.memory_space<vmem>>, vector<16xf32>,
      tpu.vector_store %arg5[%swap3A_1034], %broadcast_in_dim3A_202 {strides = array<i32>} : memref<720xf32, #tpu.memory_space<vmem>>, vector<16xf32>,
      %swap3A_1036 = arith.constant 208 : index
      %swap3A_1037 = tpu.vector_load %arg5[%swap3A_1036] {strides = array<i32>} : memref<720xf32, #tpu.memory_space<vmem>>, vector<16xf32>,
      tpu.vector_store %arg5[%swap3A_1036], %broadcast_in_dim3A_202 {strides = array<i32>} : memref<720xf32, #tpu.memory_space<vmem>>, vector<16xf32>,
      %swap3A_1038 = arith.constant 224 : index
      %swap3A_1039 = tpu.vector_load %arg5[%swap3A_1038] {strides = array<i32>} : memref<720xf32, #tpu.memory_space<vmem>>, vector<16xf32>,
      tpu.vector_store %arg5[%swap3A_1038], %broadcast_in_dim3A_202 {strides = array<i32>} : memref<720xf32, #tpu.memory_space<vmem>>, vector<16xf32>,
      %swap3A_1040 = arith.constant 240 : index
      %swap3A_1041 = tpu.vector_load %arg5[%swap3A_1040] {strides = array<i32>} : memref<720xf32, #tpu.memory_space<vmem>>, vector<16xf32>,
      tpu.vector_store %arg5[%swap3A_1040], %broadcast_in_dim3A_202 {strides = array<i32>} : memref<720xf32, #tpu.memory_space<vmem>>, vector<16xf32>,
      %swap3A_1042 = arith.constant 256 : index
      %swap3A_1043 = tpu.vector_load %arg5[%swap3A_1042] {strides = array<i32>} : memref<720xf32, #tpu.memory_space<vmem>>, vector<16xf32>,
      tpu.vector_store %arg5[%swap3A_1042], %broadcast_in_dim3A_202 {strides = array<i32>} : memref<720xf32, #tpu.memory_space<vmem>>, vector<16xf32>,
      %swap3A_1044 = arith.constant 272 : index
      %swap3A_1045 = tpu.vector_load %arg5[%swap3A_1044] {strides = array<i32>} : memref<720xf32, #tpu.memory_space<vmem>>, vector<16xf32>,
      tpu.vector_store %arg5[%swap3A_1044], %broadcast_in_dim3A_202 {strides = array<i32>} : memref<720xf32, #tpu.memory_space<vmem>>, vector<16xf32>,
      %swap3A_1046 = arith.constant 288 : index
      %swap3A_1047 = tpu.vector_load %arg5[%swap3A_1046] {strides = array<i32>} : memref<720xf32, #tpu.memory_space<vmem>>, vector<16xf32>,
      tpu.vector_store %arg5[%swap3A_1046], %broadcast_in_dim3A_202 {strides = array<i32>} : memref<720xf32, #tpu.memory_space<vmem>>, vector<16xf32>,
      %swap3A_1048 = arith.constant 304 : index
      %swap3A_1049 = tpu.vector_load %arg5[%swap3A_1048] {strides = array<i32>} : memref<720xf32, #tpu.memory_space<vmem>>, vector<16xf32>,
      tpu.vector_store %arg5[%swap3A_1048], %broadcast_in_dim3A_202 {strides = array<i32>} : memref<720xf32, #tpu.memory_space<vmem>>, vector<16xf32>,
      %swap3A_1050 = arith.constant 320 : index
      %swap3A_1051 = tpu.vector_load %arg5[%swap3A_1050] {strides = array<i32>} : memref<720xf32, #tpu.memory_space<vmem>>, vector<16xf32>,
      tpu.vector_store %arg5[%swap3A_1050], %broadcast_in_dim3A_202 {strides = array<i32>} : memref<720xf32, #tpu.memory_space<vmem>>, vector<16xf32>,
      %swap3A_1052 = arith.constant 336 : index
      %swap3A_1053 = tpu.vector_load %arg5[%swap3A_1052] {strides = array<i32>} : memref<720xf32, #tpu.memory_space<vmem>>, vector<16xf32>,
      tpu.vector_store %arg5[%swap3A_1052], %broadcast_in_dim3A_202 {strides = array<i32>} : memref<720xf32, #tpu.memory_space<vmem>>, vector<16xf32>,
      %swap3A_1054 = arith.constant 352 : index
      %swap3A_1055 = tpu.vector_load %arg5[%swap3A_1054] {strides = array<i32>} : memref<720xf32, #tpu.memory_space<vmem>>, vector<16xf32>,
      tpu.vector_store %arg5[%swap3A_1054], %broadcast_in_dim3A_202 {strides = array<i32>} : memref<720xf32, #tpu.memory_space<vmem>>, vector<16xf32>,
      %swap3A_1056 = arith.constant 368 : index
      %swap3A_1057 = tpu.vector_load %arg5[%swap3A_1056] {strides = array<i32>} : memref<720xf32, #tpu.memory_space<vmem>>, vector<16xf32>,
      tpu.vector_store %arg5[%swap3A_1056], %broadcast_in_dim3A_202 {strides = array<i32>} : memref<720xf32, #tpu.memory_space<vmem>>, vector<16xf32>,
      %swap3A_1058 = arith.constant 384 : index
      %swap3A_1059 = tpu.vector_load %arg5[%swap3A_1058] {strides = array<i32>} : memref<720xf32, #tpu.memory_space<vmem>>, vector<16xf32>,
      tpu.vector_store %arg5[%swap3A_1058], %broadcast_in_dim3A_202 {strides = array<i32>} : memref<720xf32, #tpu.memory_space<vmem>>, vector<16xf32>,
      %swap3A_1060 = arith.constant 400 : index
      %swap3A_1061 = tpu.vector_load %arg5[%swap3A_1060] {strides = array<i32>} : memref<720xf32, #tpu.memory_space<vmem>>, vector<16xf32>,
      tpu.vector_store %arg5[%swap3A_1060], %broadcast_in_dim3A_202 {strides = array<i32>} : memref<720xf32, #tpu.memory_space<vmem>>, vector<16xf32>,
      %swap3A_1062 = arith.constant 416 : index
      %swap3A_1063 = tpu.vector_load %arg5[%swap3A_1062] {strides = array<i32>} : memref<720xf32, #tpu.memory_space<vmem>>, vector<16xf32>,
      tpu.vector_store %arg5[%swap3A_1062], %broadcast_in_dim3A_202 {strides = array<i32>} : memref<720xf32, #tpu.memory_space<vmem>>, vector<16xf32>,
      %swap3A_1064 = arith.constant 432 : index
      %swap3A_1065 = tpu.vector_load %arg5[%swap3A_1064] {strides = array<i32>} : memref<720xf32, #tpu.memory_space<vmem>>, vector<16xf32>,
      tpu.vector_store %arg5[%swap3A_1064], %broadcast_in_dim3A_202 {strides = array<i32>} : memref<720xf32, #tpu.memory_space<vmem>>, vector<16xf32>,
      %swap3A_1066 = arith.constant 448 : index
      %swap3A_1067 = tpu.vector_load %arg5[%swap3A_1066] {strides = array<i32>} : memref<720xf32, #tpu.memory_space<vmem>>, vector<16xf32>,
      tpu.vector_store %arg5[%swap3A_1066], %broadcast_in_dim3A_202 {strides = array<i32>} : memref<720xf32, #tpu.memory_space<vmem>>, vector<16xf32>,
      %swap3A_1068 = arith.constant 464 : index
      %swap3A_1069 = tpu.vector_load %arg5[%swap3A_1068] {strides = array<i32>} : memref<720xf32, #tpu.memory_space<vmem>>, vector<16xf32>,
      tpu.vector_store %arg5[%swap3A_1068], %broadcast_in_dim3A_202 {strides = array<i32>} : memref<720xf32, #tpu.memory_space<vmem>>, vector<16xf32>,
      %swap3A_1070 = arith.constant 480 : index
      %swap3A_1071 = tpu.vector_load %arg5[%swap3A_1070] {strides = array<i32>} : memref<720xf32, #tpu.memory_space<vmem>>, vector<16xf32>,
      tpu.vector_store %arg5[%swap3A_1070], %broadcast_in_dim3A_202 {strides = array<i32>} : memref<720xf32, #tpu.memory_space<vmem>>, vector<16xf32>,
      %swap3A_1072 = arith.constant 496 : index
      %swap3A_1073 = tpu.vector_load %arg5[%swap3A_1072] {strides = array<i32>} : memref<720xf32, #tpu.memory_space<vmem>>, vector<16xf32>,
      tpu.vector_store %arg5[%swap3A_1072], %broadcast_in_dim3A_202 {strides = array<i32>} : memref<720xf32, #tpu.memory_space<vmem>>, vector<16xf32>,
      %swap3A_1074 = arith.constant 512 : index
      %swap3A_1075 = tpu.vector_load %arg5[%swap3A_1074] {strides = array<i32>} : memref<720xf32, #tpu.memory_space<vmem>>, vector<16xf32>,
      tpu.vector_store %arg5[%swap3A_1074], %broadcast_in_dim3A_202 {strides = array<i32>} : memref<720xf32, #tpu.memory_space<vmem>>, vector<16xf32>,
      %swap3A_1076 = arith.constant 528 : index
      %swap3A_1077 = tpu.vector_load %arg5[%swap3A_1076] {strides = array<i32>} : memref<720xf32, #tpu.memory_space<vmem>>, vector<16xf32>,
      tpu.vector_store %arg5[%swap3A_1076], %broadcast_in_dim3A_202 {strides = array<i32>} : memref<720xf32, #tpu.memory_space<vmem>>, vector<16xf32>,
      %swap3A_1078 = arith.constant 544 : index
      %swap3A_1079 = tpu.vector_load %arg5[%swap3A_1078] {strides = array<i32>} : memref<720xf32, #tpu.memory_space<vmem>>, vector<16xf32>,
      tpu.vector_store %arg5[%swap3A_1078], %broadcast_in_dim3A_202 {strides = array<i32>} : memref<720xf32, #tpu.memory_space<vmem>>, vector<16xf32>,
      %swap3A_1080 = arith.constant 560 : index
      %swap3A_1081 = tpu.vector_load %arg5[%swap3A_1080] {strides = array<i32>} : memref<720xf32, #tpu.memory_space<vmem>>, vector<16xf32>,
      tpu.vector_store %arg5[%swap3A_1080], %broadcast_in_dim3A_202 {strides = array<i32>} : memref<720xf32, #tpu.memory_space<vmem>>, vector<16xf32>,
      %swap3A_1082 = arith.constant 576 : index
      %swap3A_1083 = tpu.vector_load %arg5[%swap3A_1082] {strides = array<i32>} : memref<720xf32, #tpu.memory_space<vmem>>, vector<16xf32>,
      tpu.vector_store %arg5[%swap3A_1082], %broadcast_in_dim3A_202 {strides = array<i32>} : memref<720xf32, #tpu.memory_space<vmem>>, vector<16xf32>,
      %swap3A_1084 = arith.constant 592 : index
      %swap3A_1085 = tpu.vector_load %arg5[%swap3A_1084] {strides = array<i32>} : memref<720xf32, #tpu.memory_space<vmem>>, vector<16xf32>,
      tpu.vector_store %arg5[%swap3A_1084], %broadcast_in_dim3A_202 {strides = array<i32>} : memref<720xf32, #tpu.memory_space<vmem>>, vector<16xf32>,
      %swap3A_1086 = arith.constant 608 : index
      %swap3A_1087 = tpu.vector_load %arg5[%swap3A_1086] {strides = array<i32>} : memref<720xf32, #tpu.memory_space<vmem>>, vector<16xf32>,
      tpu.vector_store %arg5[%swap3A_1086], %broadcast_in_dim3A_202 {strides = array<i32>} : memref<720xf32, #tpu.memory_space<vmem>>, vector<16xf32>,
      %swap3A_1088 = arith.constant 624 : index
      %swap3A_1089 = tpu.vector_load %arg5[%swap3A_1088] {strides = array<i32>} : memref<720xf32, #tpu.memory_space<vmem>>, vector<16xf32>,
      tpu.vector_store %arg5[%swap3A_1088], %broadcast_in_dim3A_202 {strides = array<i32>} : memref<720xf32, #tpu.memory_space<vmem>>, vector<16xf32>,
      %swap3A_1090 = arith.constant 640 : index
      %swap3A_1091 = tpu.vector_load %arg5[%swap3A_1090] {strides = array<i32>} : memref<720xf32, #tpu.memory_space<vmem>>, vector<16xf32>,
      tpu.vector_store %arg5[%swap3A_1090], %broadcast_in_dim3A_202 {strides = array<i32>} : memref<720xf32, #tpu.memory_space<vmem>>, vector<16xf32>,
      %swap3A_1092 = arith.constant 656 : index
      %swap3A_1093 = tpu.vector_load %arg5[%swap3A_1092] {strides = array<i32>} : memref<720xf32, #tpu.memory_space<vmem>>, vector<16xf32>,
      tpu.vector_store %arg5[%swap3A_1092], %broadcast_in_dim3A_202 {strides = array<i32>} : memref<720xf32, #tpu.memory_space<vmem>>, vector<16xf32>,
      %swap3A_1094 = arith.constant 672 : index
      %swap3A_1095 = tpu.vector_load %arg5[%swap3A_1094] {strides = array<i32>} : memref<720xf32, #tpu.memory_space<vmem>>, vector<16xf32>,
      tpu.vector_store %arg5[%swap3A_1094], %broadcast_in_dim3A_202 {strides = array<i32>} : memref<720xf32, #tpu.memory_space<vmem>>, vector<16xf32>,
      %swap3A_1096 = arith.constant 688 : index
      %swap3A_1097 = tpu.vector_load %arg5[%swap3A_1096] {strides = array<i32>} : memref<720xf32, #tpu.memory_space<vmem>>, vector<16xf32>,
      tpu.vector_store %arg5[%swap3A_1096], %broadcast_in_dim3A_202 {strides = array<i32>} : memref<720xf32, #tpu.memory_space<vmem>>, vector<16xf32>,
      %swap3A_1098 = arith.constant 704 : index
      %swap3A_1099 = tpu.vector_load %arg5[%swap3A_1098] {strides = array<i32>} : memref<720xf32, #tpu.memory_space<vmem>>, vector<16xf32>,
      tpu.vector_store %arg5[%swap3A_1098], %broadcast_in_dim3A_202 {strides = array<i32>} : memref<720xf32, #tpu.memory_space<vmem>>, vector<16xf32>,
    } else {
    }
    %eq3A_210 = arith.constant 2 : i32
    %eq3A_211 = arith.cmpi eq, %select_n3A, %eq3A_210 : i32
    %convert_element_type3A_212 = arith.extui %eq3A_211 : i1 to i32
    %cond3A_213 = arith.constant 0 : i32
    %cond3A_214 = arith.cmpi ne, %convert_element_type3A_212, %cond3A_213 : i32
    scf.if %cond3A_214 {
      %get3A = arith.constant 0 : i32
      %get3A_222 = arith.index_cast %get3A : i32 to index
      %get3A_223 = arith.index_cast %multiple_of3A : i32 to index
      %get3A_224 = tpu.vector_load %arg4[%get3A_222, %get3A_223] {strides = array<i32>} : memref<144x128xf32, #tpu.memory_space<vmem>>, vector<16xf32>,
      %abs3A = math.absf %get3A_224 : vector<16xf32>
      %get3A_225 = arith.constant 1 : i32
      %get3A_226 = arith.index_cast %get3A_225 : i32 to index
      %get3A_227 = arith.index_cast %multiple_of3A : i32 to index
      %get3A_228 = tpu.vector_load %arg4[%get3A_226, %get3A_227] {strides = array<i32>} : memref<144x128xf32, #tpu.memory_space<vmem>>, vector<16xf32>,
      %abs3A_229 = math.absf %get3A_228 : vector<16xf32>
      %get3A_230 = arith.constant 2 : i32
      %get3A_231 = arith.index_cast %get3A_230 : i32 to index
      %get3A_232 = arith.index_cast %multiple_of3A : i32 to index
      %get3A_233 = tpu.vector_load %arg4[%get3A_231, %get3A_232] {strides = array<i32>} : memref<144x128xf32, #tpu.memory_space<vmem>>, vector<16xf32>,
      %abs3A_234 = math.absf %get3A_233 : vector<16xf32>
      %get3A_235 = arith.constant 3 : i32
      %get3A_236 = arith.index_cast %get3A_235 : i32 to index
      %get3A_237 = arith.index_cast %multiple_of3A : i32 to index
      %get3A_238 = tpu.vector_load %arg4[%get3A_236, %get3A_237] {strides = array<i32>} : memref<144x128xf32, #tpu.memory_space<vmem>>, vector<16xf32>,
      %abs3A_239 = math.absf %get3A_238 : vector<16xf32>
      %add3A_240 = arith.addf %abs3A, %abs3A_239 : vector<16xf32>
      %get3A_241 = arith.constant 4 : i32
      %get3A_242 = arith.index_cast %get3A_241 : i32 to index
      %get3A_243 = arith.index_cast %multiple_of3A : i32 to index
      %get3A_244 = tpu.vector_load %arg4[%get3A_242, %get3A_243] {strides = array<i32>} : memref<144x128xf32, #tpu.memory_space<vmem>>, vector<16xf32>,
      %abs3A_245 = math.absf %get3A_244 : vector<16xf32>
      %add3A_246 = arith.addf %abs3A_229, %abs3A_245 : vector<16xf32>
      %get3A_247 = arith.constant 5 : i32
      %get3A_248 = arith.index_cast %get3A_247 : i32 to index
      %get3A_249 = arith.index_cast %multiple_of3A : i32 to index
      %get3A_250 = tpu.vector_load %arg4[%get3A_248, %get3A_249] {strides = array<i32>} : memref<144x128xf32, #tpu.memory_space<vmem>>, vector<16xf32>,
      %abs3A_251 = math.absf %get3A_250 : vector<16xf32>
      %add3A_252 = arith.addf %abs3A_234, %abs3A_251 : vector<16xf32>
      %get3A_253 = arith.constant 6 : i32
      %get3A_254 = arith.index_cast %get3A_253 : i32 to index
      %get3A_255 = arith.index_cast %multiple_of3A : i32 to index
      %get3A_256 = tpu.vector_load %arg4[%get3A_254, %get3A_255] {strides = array<i32>} : memref<144x128xf32, #tpu.memory_space<vmem>>, vector<16xf32>,
      %abs3A_257 = math.absf %get3A_256 : vector<16xf32>
      %add3A_258 = arith.addf %add3A_240, %abs3A_257 : vector<16xf32>
      %get3A_259 = arith.constant 7 : i32
      %get3A_260 = arith.index_cast %get3A_259 : i32 to index
      %get3A_261 = arith.index_cast %multiple_of3A : i32 to index
      %get3A_262 = tpu.vector_load %arg4[%get3A_260, %get3A_261] {strides = array<i32>} : memref<144x128xf32, #tpu.memory_space<vmem>>, vector<16xf32>,
      %abs3A_263 = math.absf %get3A_262 : vector<16xf32>
      %add3A_264 = arith.addf %add3A_246, %abs3A_263 : vector<16xf32>
      %get3A_265 = arith.constant 8 : i32
      %get3A_266 = arith.index_cast %get3A_265 : i32 to index
      %get3A_267 = arith.index_cast %multiple_of3A : i32 to index
      %get3A_268 = tpu.vector_load %arg4[%get3A_266, %get3A_267] {strides = array<i32>} : memref<144x128xf32, #tpu.memory_space<vmem>>, vector<16xf32>,
      %abs3A_269 = math.absf %get3A_268 : vector<16xf32>
      %add3A_270 = arith.addf %add3A_252, %abs3A_269 : vector<16xf32>
      %get3A_271 = arith.constant 9 : i32
      %get3A_272 = arith.index_cast %get3A_271 : i32 to index
      %get3A_273 = arith.index_cast %multiple_of3A : i32 to index
      %get3A_274 = tpu.vector_load %arg4[%get3A_272, %get3A_273] {strides = array<i32>} : memref<144x128xf32, #tpu.memory_space<vmem>>, vector<16xf32>,
      %abs3A_275 = math.absf %get3A_274 : vector<16xf32>
      %add3A_276 = arith.addf %add3A_258, %abs3A_275 : vector<16xf32>
      %get3A_277 = arith.constant 10 : i32
      %get3A_278 = arith.index_cast %get3A_277 : i32 to index
      %get3A_279 = arith.index_cast %multiple_of3A : i32 to index
      %get3A_280 = tpu.vector_load %arg4[%get3A_278, %get3A_279] {strides = array<i32>} : memref<144x128xf32, #tpu.memory_space<vmem>>, vector<16xf32>,
      %abs3A_281 = math.absf %get3A_280 : vector<16xf32>
      %add3A_282 = arith.addf %add3A_264, %abs3A_281 : vector<16xf32>
      %get3A_283 = arith.constant 11 : i32
      %get3A_284 = arith.index_cast %get3A_283 : i32 to index
      %get3A_285 = arith.index_cast %multiple_of3A : i32 to index
      %get3A_286 = tpu.vector_load %arg4[%get3A_284, %get3A_285] {strides = array<i32>} : memref<144x128xf32, #tpu.memory_space<vmem>>, vector<16xf32>,
      %abs3A_287 = math.absf %get3A_286 : vector<16xf32>
      %add3A_288 = arith.addf %add3A_270, %abs3A_287 : vector<16xf32>
      %get3A_289 = arith.constant 12 : i32
      %get3A_290 = arith.index_cast %get3A_289 : i32 to index
      %get3A_291 = arith.index_cast %multiple_of3A : i32 to index
      %get3A_292 = tpu.vector_load %arg4[%get3A_290, %get3A_291] {strides = array<i32>} : memref<144x128xf32, #tpu.memory_space<vmem>>, vector<16xf32>,
      %abs3A_293 = math.absf %get3A_292 : vector<16xf32>
      %add3A_294 = arith.addf %add3A_276, %abs3A_293 : vector<16xf32>
      %get3A_295 = arith.constant 13 : i32
      %get3A_296 = arith.index_cast %get3A_295 : i32 to index
      %get3A_297 = arith.index_cast %multiple_of3A : i32 to index
      %get3A_298 = tpu.vector_load %arg4[%get3A_296, %get3A_297] {strides = array<i32>} : memref<144x128xf32, #tpu.memory_space<vmem>>, vector<16xf32>,
      %abs3A_299 = math.absf %get3A_298 : vector<16xf32>
      %add3A_300 = arith.addf %add3A_282, %abs3A_299 : vector<16xf32>
      %get3A_301 = arith.constant 14 : i32
      %get3A_302 = arith.index_cast %get3A_301 : i32 to index
      %get3A_303 = arith.index_cast %multiple_of3A : i32 to index
      %get3A_304 = tpu.vector_load %arg4[%get3A_302, %get3A_303] {strides = array<i32>} : memref<144x128xf32, #tpu.memory_space<vmem>>, vector<16xf32>,
      %abs3A_305 = math.absf %get3A_304 : vector<16xf32>
      %add3A_306 = arith.addf %add3A_288, %abs3A_305 : vector<16xf32>
      %get3A_307 = arith.constant 15 : i32
      %get3A_308 = arith.index_cast %get3A_307 : i32 to index
      %get3A_309 = arith.index_cast %multiple_of3A : i32 to index
      %get3A_310 = tpu.vector_load %arg4[%get3A_308, %get3A_309] {strides = array<i32>} : memref<144x128xf32, #tpu.memory_space<vmem>>, vector<16xf32>,
      %abs3A_311 = math.absf %get3A_310 : vector<16xf32>
      %add3A_312 = arith.addf %add3A_294, %abs3A_311 : vector<16xf32>
      %get3A_313 = arith.constant 16 : i32
      %get3A_314 = arith.index_cast %get3A_313 : i32 to index
      %get3A_315 = arith.index_cast %multiple_of3A : i32 to index
      %get3A_316 = tpu.vector_load %arg4[%get3A_314, %get3A_315] {strides = array<i32>} : memref<144x128xf32, #tpu.memory_space<vmem>>, vector<16xf32>,
      %abs3A_317 = math.absf %get3A_316 : vector<16xf32>
      %add3A_318 = arith.addf %add3A_300, %abs3A_317 : vector<16xf32>
      %get3A_319 = arith.constant 17 : i32
      %get3A_320 = arith.index_cast %get3A_319 : i32 to index
      %get3A_321 = arith.index_cast %multiple_of3A : i32 to index
      %get3A_322 = tpu.vector_load %arg4[%get3A_320, %get3A_321] {strides = array<i32>} : memref<144x128xf32, #tpu.memory_space<vmem>>, vector<16xf32>,
      %abs3A_323 = math.absf %get3A_322 : vector<16xf32>
      %add3A_324 = arith.addf %add3A_306, %abs3A_323 : vector<16xf32>
      %get3A_325 = arith.constant 18 : i32
      %get3A_326 = arith.index_cast %get3A_325 : i32 to index
      %get3A_327 = arith.index_cast %multiple_of3A : i32 to index
      %get3A_328 = tpu.vector_load %arg4[%get3A_326, %get3A_327] {strides = array<i32>} : memref<144x128xf32, #tpu.memory_space<vmem>>, vector<16xf32>,
      %abs3A_329 = math.absf %get3A_328 : vector<16xf32>
      %add3A_330 = arith.addf %add3A_312, %abs3A_329 : vector<16xf32>
      %get3A_331 = arith.constant 19 : i32
      %get3A_332 = arith.index_cast %get3A_331 : i32 to index
      %get3A_333 = arith.index_cast %multiple_of3A : i32 to index
      %get3A_334 = tpu.vector_load %arg4[%get3A_332, %get3A_333] {strides = array<i32>} : memref<144x128xf32, #tpu.memory_space<vmem>>, vector<16xf32>,
      %abs3A_335 = math.absf %get3A_334 : vector<16xf32>
      %add3A_336 = arith.addf %add3A_318, %abs3A_335 : vector<16xf32>
      %get3A_337 = arith.constant 20 : i32
      %get3A_338 = arith.index_cast %get3A_337 : i32 to index
      %get3A_339 = arith.index_cast %multiple_of3A : i32 to index
      %get3A_340 = tpu.vector_load %arg4[%get3A_338, %get3A_339] {strides = array<i32>} : memref<144x128xf32, #tpu.memory_space<vmem>>, vector<16xf32>,
      %abs3A_341 = math.absf %get3A_340 : vector<16xf32>
      %add3A_342 = arith.addf %add3A_324, %abs3A_341 : vector<16xf32>
      %get3A_343 = arith.constant 21 : i32
      %get3A_344 = arith.index_cast %get3A_343 : i32 to index
      %get3A_345 = arith.index_cast %multiple_of3A : i32 to index
      %get3A_346 = tpu.vector_load %arg4[%get3A_344, %get3A_345] {strides = array<i32>} : memref<144x128xf32, #tpu.memory_space<vmem>>, vector<16xf32>,
      %abs3A_347 = math.absf %get3A_346 : vector<16xf32>
      %add3A_348 = arith.addf %add3A_330, %abs3A_347 : vector<16xf32>
      %get3A_349 = arith.constant 22 : i32
      %get3A_350 = arith.index_cast %get3A_349 : i32 to index
      %get3A_351 = arith.index_cast %multiple_of3A : i32 to index
      %get3A_352 = tpu.vector_load %arg4[%get3A_350, %get3A_351] {strides = array<i32>} : memref<144x128xf32, #tpu.memory_space<vmem>>, vector<16xf32>,
      %abs3A_353 = math.absf %get3A_352 : vector<16xf32>
      %add3A_354 = arith.addf %add3A_336, %abs3A_353 : vector<16xf32>
      %get3A_355 = arith.constant 23 : i32
      %get3A_356 = arith.index_cast %get3A_355 : i32 to index
      %get3A_357 = arith.index_cast %multiple_of3A : i32 to index
      %get3A_358 = tpu.vector_load %arg4[%get3A_356, %get3A_357] {strides = array<i32>} : memref<144x128xf32, #tpu.memory_space<vmem>>, vector<16xf32>,
      %abs3A_359 = math.absf %get3A_358 : vector<16xf32>
      %add3A_360 = arith.addf %add3A_342, %abs3A_359 : vector<16xf32>
      %get3A_361 = arith.constant 24 : i32
      %get3A_362 = arith.index_cast %get3A_361 : i32 to index
      %get3A_363 = arith.index_cast %multiple_of3A : i32 to index
      %get3A_364 = tpu.vector_load %arg4[%get3A_362, %get3A_363] {strides = array<i32>} : memref<144x128xf32, #tpu.memory_space<vmem>>, vector<16xf32>,
      %abs3A_365 = math.absf %get3A_364 : vector<16xf32>
      %add3A_366 = arith.addf %add3A_348, %abs3A_365 : vector<16xf32>
      %get3A_367 = arith.constant 25 : i32
      %get3A_368 = arith.index_cast %get3A_367 : i32 to index
      %get3A_369 = arith.index_cast %multiple_of3A : i32 to index
      %get3A_370 = tpu.vector_load %arg4[%get3A_368, %get3A_369] {strides = array<i32>} : memref<144x128xf32, #tpu.memory_space<vmem>>, vector<16xf32>,
      %abs3A_371 = math.absf %get3A_370 : vector<16xf32>
      %add3A_372 = arith.addf %add3A_354, %abs3A_371 : vector<16xf32>
      %get3A_373 = arith.constant 26 : i32
      %get3A_374 = arith.index_cast %get3A_373 : i32 to index
      %get3A_375 = arith.index_cast %multiple_of3A : i32 to index
      %get3A_376 = tpu.vector_load %arg4[%get3A_374, %get3A_375] {strides = array<i32>} : memref<144x128xf32, #tpu.memory_space<vmem>>, vector<16xf32>,
      %abs3A_377 = math.absf %get3A_376 : vector<16xf32>
      %add3A_378 = arith.addf %add3A_360, %abs3A_377 : vector<16xf32>
      %get3A_379 = arith.constant 27 : i32
      %get3A_380 = arith.index_cast %get3A_379 : i32 to index
      %get3A_381 = arith.index_cast %multiple_of3A : i32 to index
      %get3A_382 = tpu.vector_load %arg4[%get3A_380, %get3A_381] {strides = array<i32>} : memref<144x128xf32, #tpu.memory_space<vmem>>, vector<16xf32>,
      %abs3A_383 = math.absf %get3A_382 : vector<16xf32>
      %add3A_384 = arith.addf %add3A_366, %abs3A_383 : vector<16xf32>
      %get3A_385 = arith.constant 28 : i32
      %get3A_386 = arith.index_cast %get3A_385 : i32 to index
      %get3A_387 = arith.index_cast %multiple_of3A : i32 to index
      %get3A_388 = tpu.vector_load %arg4[%get3A_386, %get3A_387] {strides = array<i32>} : memref<144x128xf32, #tpu.memory_space<vmem>>, vector<16xf32>,
      %abs3A_389 = math.absf %get3A_388 : vector<16xf32>
      %add3A_390 = arith.addf %add3A_372, %abs3A_389 : vector<16xf32>
      %get3A_391 = arith.constant 29 : i32
      %get3A_392 = arith.index_cast %get3A_391 : i32 to index
      %get3A_393 = arith.index_cast %multiple_of3A : i32 to index
      %get3A_394 = tpu.vector_load %arg4[%get3A_392, %get3A_393] {strides = array<i32>} : memref<144x128xf32, #tpu.memory_space<vmem>>, vector<16xf32>,
      %abs3A_395 = math.absf %get3A_394 : vector<16xf32>
      %add3A_396 = arith.addf %add3A_378, %abs3A_395 : vector<16xf32>
      %get3A_397 = arith.constant 30 : i32
      %get3A_398 = arith.index_cast %get3A_397 : i32 to index
      %get3A_399 = arith.index_cast %multiple_of3A : i32 to index
      %get3A_400 = tpu.vector_load %arg4[%get3A_398, %get3A_399] {strides = array<i32>} : memref<144x128xf32, #tpu.memory_space<vmem>>, vector<16xf32>,
      %abs3A_401 = math.absf %get3A_400 : vector<16xf32>
      %add3A_402 = arith.addf %add3A_384, %abs3A_401 : vector<16xf32>
      %get3A_403 = arith.constant 31 : i32
      %get3A_404 = arith.index_cast %get3A_403 : i32 to index
      %get3A_405 = arith.index_cast %multiple_of3A : i32 to index
      %get3A_406 = tpu.vector_load %arg4[%get3A_404, %get3A_405] {strides = array<i32>} : memref<144x128xf32, #tpu.memory_space<vmem>>, vector<16xf32>,
      %abs3A_407 = math.absf %get3A_406 : vector<16xf32>
      %add3A_408 = arith.addf %add3A_390, %abs3A_407 : vector<16xf32>
      %get3A_409 = arith.constant 32 : i32
      %get3A_410 = arith.index_cast %get3A_409 : i32 to index
      %get3A_411 = arith.index_cast %multiple_of3A : i32 to index
      %get3A_412 = tpu.vector_load %arg4[%get3A_410, %get3A_411] {strides = array<i32>} : memref<144x128xf32, #tpu.memory_space<vmem>>, vector<16xf32>,
      %abs3A_413 = math.absf %get3A_412 : vector<16xf32>
      %add3A_414 = arith.addf %add3A_396, %abs3A_413 : vector<16xf32>
      %get3A_415 = arith.constant 33 : i32
      %get3A_416 = arith.index_cast %get3A_415 : i32 to index
      %get3A_417 = arith.index_cast %multiple_of3A : i32 to index
      %get3A_418 = tpu.vector_load %arg4[%get3A_416, %get3A_417] {strides = array<i32>} : memref<144x128xf32, #tpu.memory_space<vmem>>, vector<16xf32>,
      %abs3A_419 = math.absf %get3A_418 : vector<16xf32>
      %add3A_420 = arith.addf %add3A_402, %abs3A_419 : vector<16xf32>
      %get3A_421 = arith.constant 34 : i32
      %get3A_422 = arith.index_cast %get3A_421 : i32 to index
      %get3A_423 = arith.index_cast %multiple_of3A : i32 to index
      %get3A_424 = tpu.vector_load %arg4[%get3A_422, %get3A_423] {strides = array<i32>} : memref<144x128xf32, #tpu.memory_space<vmem>>, vector<16xf32>,
      %abs3A_425 = math.absf %get3A_424 : vector<16xf32>
      %add3A_426 = arith.addf %add3A_408, %abs3A_425 : vector<16xf32>
      %get3A_427 = arith.constant 35 : i32
      %get3A_428 = arith.index_cast %get3A_427 : i32 to index
      %get3A_429 = arith.index_cast %multiple_of3A : i32 to index
      %get3A_430 = tpu.vector_load %arg4[%get3A_428, %get3A_429] {strides = array<i32>} : memref<144x128xf32, #tpu.memory_space<vmem>>, vector<16xf32>,
      %abs3A_431 = math.absf %get3A_430 : vector<16xf32>
      %add3A_432 = arith.addf %add3A_414, %abs3A_431 : vector<16xf32>
      %add3A_433 = arith.addf %add3A_420, %add3A_426 : vector<16xf32>
      %add3A_434 = arith.addf %add3A_433, %add3A_432 : vector<16xf32>
      %swap3A = arith.constant 0 : index
      %swap3A_435 = tpu.vector_load %arg5[%swap3A] {strides = array<i32>} : memref<720xf32, #tpu.memory_space<vmem>>, vector<16xf32>,
      tpu.vector_store %arg5[%swap3A], %add3A_434 {strides = array<i32>} : memref<720xf32, #tpu.memory_space<vmem>>, vector<16xf32>,
      %get3A_436 = arith.constant 36 : i32
      %get3A_437 = arith.index_cast %get3A_436 : i32 to index
      %get3A_438 = arith.index_cast %multiple_of3A : i32 to index
      %get3A_439 = tpu.vector_load %arg4[%get3A_437, %get3A_438] {strides = array<i32>} : memref<144x128xf32, #tpu.memory_space<vmem>>, vector<16xf32>,
      %abs3A_440 = math.absf %get3A_439 : vector<16xf32>
      %get3A_441 = arith.constant 37 : i32
      %get3A_442 = arith.index_cast %get3A_441 : i32 to index
      %get3A_443 = arith.index_cast %multiple_of3A : i32 to index
      %get3A_444 = tpu.vector_load %arg4[%get3A_442, %get3A_443] {strides = array<i32>} : memref<144x128xf32, #tpu.memory_space<vmem>>, vector<16xf32>,
      %abs3A_445 = math.absf %get3A_444 : vector<16xf32>
      %get3A_446 = arith.constant 38 : i32
      %get3A_447 = arith.index_cast %get3A_446 : i32 to index
      %get3A_448 = arith.index_cast %multiple_of3A : i32 to index
      %get3A_449 = tpu.vector_load %arg4[%get3A_447, %get3A_448] {strides = array<i32>} : memref<144x128xf32, #tpu.memory_space<vmem>>, vector<16xf32>,
      %abs3A_450 = math.absf %get3A_449 : vector<16xf32>
      %get3A_451 = arith.constant 39 : i32
      %get3A_452 = arith.index_cast %get3A_451 : i32 to index
      %get3A_453 = arith.index_cast %multiple_of3A : i32 to index
      %get3A_454 = tpu.vector_load %arg4[%get3A_452, %get3A_453] {strides = array<i32>} : memref<144x128xf32, #tpu.memory_space<vmem>>, vector<16xf32>,
      %abs3A_455 = math.absf %get3A_454 : vector<16xf32>
      %add3A_456 = arith.addf %abs3A_440, %abs3A_455 : vector<16xf32>
      %get3A_457 = arith.constant 40 : i32
      %get3A_458 = arith.index_cast %get3A_457 : i32 to index
      %get3A_459 = arith.index_cast %multiple_of3A : i32 to index
      %get3A_460 = tpu.vector_load %arg4[%get3A_458, %get3A_459] {strides = array<i32>} : memref<144x128xf32, #tpu.memory_space<vmem>>, vector<16xf32>,
      %abs3A_461 = math.absf %get3A_460 : vector<16xf32>
      %add3A_462 = arith.addf %abs3A_445, %abs3A_461 : vector<16xf32>
      %get3A_463 = arith.constant 41 : i32
      %get3A_464 = arith.index_cast %get3A_463 : i32 to index
      %get3A_465 = arith.index_cast %multiple_of3A : i32 to index
      %get3A_466 = tpu.vector_load %arg4[%get3A_464, %get3A_465] {strides = array<i32>} : memref<144x128xf32, #tpu.memory_space<vmem>>, vector<16xf32>,
      %abs3A_467 = math.absf %get3A_466 : vector<16xf32>
      %add3A_468 = arith.addf %abs3A_450, %abs3A_467 : vector<16xf32>
      %get3A_469 = arith.constant 42 : i32
      %get3A_470 = arith.index_cast %get3A_469 : i32 to index
      %get3A_471 = arith.index_cast %multiple_of3A : i32 to index
      %get3A_472 = tpu.vector_load %arg4[%get3A_470, %get3A_471] {strides = array<i32>} : memref<144x128xf32, #tpu.memory_space<vmem>>, vector<16xf32>,
      %abs3A_473 = math.absf %get3A_472 : vector<16xf32>
      %add3A_474 = arith.addf %add3A_456, %abs3A_473 : vector<16xf32>
      %get3A_475 = arith.constant 43 : i32
      %get3A_476 = arith.index_cast %get3A_475 : i32 to index
      %get3A_477 = arith.index_cast %multiple_of3A : i32 to index
      %get3A_478 = tpu.vector_load %arg4[%get3A_476, %get3A_477] {strides = array<i32>} : memref<144x128xf32, #tpu.memory_space<vmem>>, vector<16xf32>,
      %abs3A_479 = math.absf %get3A_478 : vector<16xf32>
      %add3A_480 = arith.addf %add3A_462, %abs3A_479 : vector<16xf32>
      %get3A_481 = arith.constant 44 : i32
      %get3A_482 = arith.index_cast %get3A_481 : i32 to index
      %get3A_483 = arith.index_cast %multiple_of3A : i32 to index
      %get3A_484 = tpu.vector_load %arg4[%get3A_482, %get3A_483] {strides = array<i32>} : memref<144x128xf32, #tpu.memory_space<vmem>>, vector<16xf32>,
      %abs3A_485 = math.absf %get3A_484 : vector<16xf32>
      %add3A_486 = arith.addf %add3A_468, %abs3A_485 : vector<16xf32>
      %get3A_487 = arith.constant 45 : i32
      %get3A_488 = arith.index_cast %get3A_487 : i32 to index
      %get3A_489 = arith.index_cast %multiple_of3A : i32 to index
      %get3A_490 = tpu.vector_load %arg4[%get3A_488, %get3A_489] {strides = array<i32>} : memref<144x128xf32, #tpu.memory_space<vmem>>, vector<16xf32>,
      %abs3A_491 = math.absf %get3A_490 : vector<16xf32>
      %add3A_492 = arith.addf %add3A_474, %abs3A_491 : vector<16xf32>
      %get3A_493 = arith.constant 46 : i32
      %get3A_494 = arith.index_cast %get3A_493 : i32 to index
      %get3A_495 = arith.index_cast %multiple_of3A : i32 to index
      %get3A_496 = tpu.vector_load %arg4[%get3A_494, %get3A_495] {strides = array<i32>} : memref<144x128xf32, #tpu.memory_space<vmem>>, vector<16xf32>,
      %abs3A_497 = math.absf %get3A_496 : vector<16xf32>
      %add3A_498 = arith.addf %add3A_480, %abs3A_497 : vector<16xf32>
      %get3A_499 = arith.constant 47 : i32
      %get3A_500 = arith.index_cast %get3A_499 : i32 to index
      %get3A_501 = arith.index_cast %multiple_of3A : i32 to index
      %get3A_502 = tpu.vector_load %arg4[%get3A_500, %get3A_501] {strides = array<i32>} : memref<144x128xf32, #tpu.memory_space<vmem>>, vector<16xf32>,
      %abs3A_503 = math.absf %get3A_502 : vector<16xf32>
      %add3A_504 = arith.addf %add3A_486, %abs3A_503 : vector<16xf32>
      %get3A_505 = arith.constant 48 : i32
      %get3A_506 = arith.index_cast %get3A_505 : i32 to index
      %get3A_507 = arith.index_cast %multiple_of3A : i32 to index
      %get3A_508 = tpu.vector_load %arg4[%get3A_506, %get3A_507] {strides = array<i32>} : memref<144x128xf32, #tpu.memory_space<vmem>>, vector<16xf32>,
      %abs3A_509 = math.absf %get3A_508 : vector<16xf32>
      %add3A_510 = arith.addf %add3A_492, %abs3A_509 : vector<16xf32>
      %get3A_511 = arith.constant 49 : i32
      %get3A_512 = arith.index_cast %get3A_511 : i32 to index
      %get3A_513 = arith.index_cast %multiple_of3A : i32 to index
      %get3A_514 = tpu.vector_load %arg4[%get3A_512, %get3A_513] {strides = array<i32>} : memref<144x128xf32, #tpu.memory_space<vmem>>, vector<16xf32>,
      %abs3A_515 = math.absf %get3A_514 : vector<16xf32>
      %add3A_516 = arith.addf %add3A_498, %abs3A_515 : vector<16xf32>
      %get3A_517 = arith.constant 50 : i32
      %get3A_518 = arith.index_cast %get3A_517 : i32 to index
      %get3A_519 = arith.index_cast %multiple_of3A : i32 to index
      %get3A_520 = tpu.vector_load %arg4[%get3A_518, %get3A_519] {strides = array<i32>} : memref<144x128xf32, #tpu.memory_space<vmem>>, vector<16xf32>,
      %abs3A_521 = math.absf %get3A_520 : vector<16xf32>
      %add3A_522 = arith.addf %add3A_504, %abs3A_521 : vector<16xf32>
      %get3A_523 = arith.constant 51 : i32
      %get3A_524 = arith.index_cast %get3A_523 : i32 to index
      %get3A_525 = arith.index_cast %multiple_of3A : i32 to index
      %get3A_526 = tpu.vector_load %arg4[%get3A_524, %get3A_525] {strides = array<i32>} : memref<144x128xf32, #tpu.memory_space<vmem>>, vector<16xf32>,
      %abs3A_527 = math.absf %get3A_526 : vector<16xf32>
      %add3A_528 = arith.addf %add3A_510, %abs3A_527 : vector<16xf32>
      %get3A_529 = arith.constant 52 : i32
      %get3A_530 = arith.index_cast %get3A_529 : i32 to index
      %get3A_531 = arith.index_cast %multiple_of3A : i32 to index
      %get3A_532 = tpu.vector_load %arg4[%get3A_530, %get3A_531] {strides = array<i32>} : memref<144x128xf32, #tpu.memory_space<vmem>>, vector<16xf32>,
      %abs3A_533 = math.absf %get3A_532 : vector<16xf32>
      %add3A_534 = arith.addf %add3A_516, %abs3A_533 : vector<16xf32>
      %get3A_535 = arith.constant 53 : i32
      %get3A_536 = arith.index_cast %get3A_535 : i32 to index
      %get3A_537 = arith.index_cast %multiple_of3A : i32 to index
      %get3A_538 = tpu.vector_load %arg4[%get3A_536, %get3A_537] {strides = array<i32>} : memref<144x128xf32, #tpu.memory_space<vmem>>, vector<16xf32>,
      %abs3A_539 = math.absf %get3A_538 : vector<16xf32>
      %add3A_540 = arith.addf %add3A_522, %abs3A_539 : vector<16xf32>
      %get3A_541 = arith.constant 54 : i32
      %get3A_542 = arith.index_cast %get3A_541 : i32 to index
      %get3A_543 = arith.index_cast %multiple_of3A : i32 to index
      %get3A_544 = tpu.vector_load %arg4[%get3A_542, %get3A_543] {strides = array<i32>} : memref<144x128xf32, #tpu.memory_space<vmem>>, vector<16xf32>,
      %abs3A_545 = math.absf %get3A_544 : vector<16xf32>
      %add3A_546 = arith.addf %add3A_528, %abs3A_545 : vector<16xf32>
      %get3A_547 = arith.constant 55 : i32
      %get3A_548 = arith.index_cast %get3A_547 : i32 to index
      %get3A_549 = arith.index_cast %multiple_of3A : i32 to index
      %get3A_550 = tpu.vector_load %arg4[%get3A_548, %get3A_549] {strides = array<i32>} : memref<144x128xf32, #tpu.memory_space<vmem>>, vector<16xf32>,
      %abs3A_551 = math.absf %get3A_550 : vector<16xf32>
      %add3A_552 = arith.addf %add3A_534, %abs3A_551 : vector<16xf32>
      %get3A_553 = arith.constant 56 : i32
      %get3A_554 = arith.index_cast %get3A_553 : i32 to index
      %get3A_555 = arith.index_cast %multiple_of3A : i32 to index
      %get3A_556 = tpu.vector_load %arg4[%get3A_554, %get3A_555] {strides = array<i32>} : memref<144x128xf32, #tpu.memory_space<vmem>>, vector<16xf32>,
      %abs3A_557 = math.absf %get3A_556 : vector<16xf32>
      %add3A_558 = arith.addf %add3A_540, %abs3A_557 : vector<16xf32>
      %get3A_559 = arith.constant 57 : i32
      %get3A_560 = arith.index_cast %get3A_559 : i32 to index
      %get3A_561 = arith.index_cast %multiple_of3A : i32 to index
      %get3A_562 = tpu.vector_load %arg4[%get3A_560, %get3A_561] {strides = array<i32>} : memref<144x128xf32, #tpu.memory_space<vmem>>, vector<16xf32>,
      %abs3A_563 = math.absf %get3A_562 : vector<16xf32>
      %add3A_564 = arith.addf %add3A_546, %abs3A_563 : vector<16xf32>
      %get3A_565 = arith.constant 58 : i32
      %get3A_566 = arith.index_cast %get3A_565 : i32 to index
      %get3A_567 = arith.index_cast %multiple_of3A : i32 to index
      %get3A_568 = tpu.vector_load %arg4[%get3A_566, %get3A_567] {strides = array<i32>} : memref<144x128xf32, #tpu.memory_space<vmem>>, vector<16xf32>,
      %abs3A_569 = math.absf %get3A_568 : vector<16xf32>
      %add3A_570 = arith.addf %add3A_552, %abs3A_569 : vector<16xf32>
      %get3A_571 = arith.constant 59 : i32
      %get3A_572 = arith.index_cast %get3A_571 : i32 to index
      %get3A_573 = arith.index_cast %multiple_of3A : i32 to index
      %get3A_574 = tpu.vector_load %arg4[%get3A_572, %get3A_573] {strides = array<i32>} : memref<144x128xf32, #tpu.memory_space<vmem>>, vector<16xf32>,
      %abs3A_575 = math.absf %get3A_574 : vector<16xf32>
      %add3A_576 = arith.addf %add3A_558, %abs3A_575 : vector<16xf32>
      %add3A_577 = arith.addf %add3A_564, %add3A_570 : vector<16xf32>
      %add3A_578 = arith.addf %add3A_577, %add3A_576 : vector<16xf32>
      %swap3A_579 = arith.constant 16 : index
      %swap3A_580 = tpu.vector_load %arg5[%swap3A_579] {strides = array<i32>} : memref<720xf32, #tpu.memory_space<vmem>>, vector<16xf32>,
      tpu.vector_store %arg5[%swap3A_579], %add3A_578 {strides = array<i32>} : memref<720xf32, #tpu.memory_space<vmem>>, vector<16xf32>,
      %get3A_581 = arith.constant 61 : i32
      %get3A_582 = arith.index_cast %get3A_581 : i32 to index
      %get3A_583 = arith.index_cast %multiple_of3A : i32 to index
      %get3A_584 = tpu.vector_load %arg4[%get3A_582, %get3A_583] {strides = array<i32>} : memref<144x128xf32, #tpu.memory_space<vmem>>, vector<16xf32>,
      %abs3A_585 = math.absf %get3A_584 : vector<16xf32>
      %get3A_586 = arith.constant 62 : i32
      %get3A_587 = arith.index_cast %get3A_586 : i32 to index
      %get3A_588 = arith.index_cast %multiple_of3A : i32 to index
      %get3A_589 = tpu.vector_load %arg4[%get3A_587, %get3A_588] {strides = array<i32>} : memref<144x128xf32, #tpu.memory_space<vmem>>, vector<16xf32>,
      %abs3A_590 = math.absf %get3A_589 : vector<16xf32>
      %get3A_591 = arith.constant 63 : i32
      %get3A_592 = arith.index_cast %get3A_591 : i32 to index
      %get3A_593 = arith.index_cast %multiple_of3A : i32 to index
      %get3A_594 = tpu.vector_load %arg4[%get3A_592, %get3A_593] {strides = array<i32>} : memref<144x128xf32, #tpu.memory_space<vmem>>, vector<16xf32>,
      %abs3A_595 = math.absf %get3A_594 : vector<16xf32>
      %get3A_596 = arith.constant 64 : i32
      %get3A_597 = arith.index_cast %get3A_596 : i32 to index
      %get3A_598 = arith.index_cast %multiple_of3A : i32 to index
      %get3A_599 = tpu.vector_load %arg4[%get3A_597, %get3A_598] {strides = array<i32>} : memref<144x128xf32, #tpu.memory_space<vmem>>, vector<16xf32>,
      %abs3A_600 = math.absf %get3A_599 : vector<16xf32>
      %add3A_601 = arith.addf %abs3A_585, %abs3A_600 : vector<16xf32>
      %get3A_602 = arith.constant 65 : i32
      %get3A_603 = arith.index_cast %get3A_602 : i32 to index
      %get3A_604 = arith.index_cast %multiple_of3A : i32 to index
      %get3A_605 = tpu.vector_load %arg4[%get3A_603, %get3A_604] {strides = array<i32>} : memref<144x128xf32, #tpu.memory_space<vmem>>, vector<16xf32>,
      %abs3A_606 = math.absf %get3A_605 : vector<16xf32>
      %add3A_607 = arith.addf %abs3A_590, %abs3A_606 : vector<16xf32>
      %get3A_608 = arith.constant 66 : i32
      %get3A_609 = arith.index_cast %get3A_608 : i32 to index
      %get3A_610 = arith.index_cast %multiple_of3A : i32 to index
      %get3A_611 = tpu.vector_load %arg4[%get3A_609, %get3A_610] {strides = array<i32>} : memref<144x128xf32, #tpu.memory_space<vmem>>, vector<16xf32>,
      %abs3A_612 = math.absf %get3A_611 : vector<16xf32>
      %add3A_613 = arith.addf %abs3A_595, %abs3A_612 : vector<16xf32>
      %get3A_614 = arith.constant 67 : i32
      %get3A_615 = arith.index_cast %get3A_614 : i32 to index
      %get3A_616 = arith.index_cast %multiple_of3A : i32 to index
      %get3A_617 = tpu.vector_load %arg4[%get3A_615, %get3A_616] {strides = array<i32>} : memref<144x128xf32, #tpu.memory_space<vmem>>, vector<16xf32>,
      %abs3A_618 = math.absf %get3A_617 : vector<16xf32>
      %add3A_619 = arith.addf %add3A_601, %abs3A_618 : vector<16xf32>
      %get3A_620 = arith.constant 68 : i32
      %get3A_621 = arith.index_cast %get3A_620 : i32 to index
      %get3A_622 = arith.index_cast %multiple_of3A : i32 to index
      %get3A_623 = tpu.vector_load %arg4[%get3A_621, %get3A_622] {strides = array<i32>} : memref<144x128xf32, #tpu.memory_space<vmem>>, vector<16xf32>,
      %abs3A_624 = math.absf %get3A_623 : vector<16xf32>
      %add3A_625 = arith.addf %add3A_607, %abs3A_624 : vector<16xf32>
      %get3A_626 = arith.constant 69 : i32
      %get3A_627 = arith.index_cast %get3A_626 : i32 to index
      %get3A_628 = arith.index_cast %multiple_of3A : i32 to index
      %get3A_629 = tpu.vector_load %arg4[%get3A_627, %get3A_628] {strides = array<i32>} : memref<144x128xf32, #tpu.memory_space<vmem>>, vector<16xf32>,
      %abs3A_630 = math.absf %get3A_629 : vector<16xf32>
      %add3A_631 = arith.addf %add3A_613, %abs3A_630 : vector<16xf32>
      %get3A_632 = arith.constant 70 : i32
      %get3A_633 = arith.index_cast %get3A_632 : i32 to index
      %get3A_634 = arith.index_cast %multiple_of3A : i32 to index
      %get3A_635 = tpu.vector_load %arg4[%get3A_633, %get3A_634] {strides = array<i32>} : memref<144x128xf32, #tpu.memory_space<vmem>>, vector<16xf32>,
      %abs3A_636 = math.absf %get3A_635 : vector<16xf32>
      %add3A_637 = arith.addf %add3A_619, %abs3A_636 : vector<16xf32>
      %get3A_638 = arith.constant 71 : i32
      %get3A_639 = arith.index_cast %get3A_638 : i32 to index
      %get3A_640 = arith.index_cast %multiple_of3A : i32 to index
      %get3A_641 = tpu.vector_load %arg4[%get3A_639, %get3A_640] {strides = array<i32>} : memref<144x128xf32, #tpu.memory_space<vmem>>, vector<16xf32>,
      %abs3A_642 = math.absf %get3A_641 : vector<16xf32>
      %add3A_643 = arith.addf %add3A_625, %abs3A_642 : vector<16xf32>
      %get3A_644 = arith.constant 72 : i32
      %get3A_645 = arith.index_cast %get3A_644 : i32 to index
      %get3A_646 = arith.index_cast %multiple_of3A : i32 to index
      %get3A_647 = tpu.vector_load %arg4[%get3A_645, %get3A_646] {strides = array<i32>} : memref<144x128xf32, #tpu.memory_space<vmem>>, vector<16xf32>,
      %abs3A_648 = math.absf %get3A_647 : vector<16xf32>
      %add3A_649 = arith.addf %add3A_631, %abs3A_648 : vector<16xf32>
      %get3A_650 = arith.constant 73 : i32
      %get3A_651 = arith.index_cast %get3A_650 : i32 to index
      %get3A_652 = arith.index_cast %multiple_of3A : i32 to index
      %get3A_653 = tpu.vector_load %arg4[%get3A_651, %get3A_652] {strides = array<i32>} : memref<144x128xf32, #tpu.memory_space<vmem>>, vector<16xf32>,
      %abs3A_654 = math.absf %get3A_653 : vector<16xf32>
      %add3A_655 = arith.addf %add3A_637, %abs3A_654 : vector<16xf32>
      %get3A_656 = arith.constant 74 : i32
      %get3A_657 = arith.index_cast %get3A_656 : i32 to index
      %get3A_658 = arith.index_cast %multiple_of3A : i32 to index
      %get3A_659 = tpu.vector_load %arg4[%get3A_657, %get3A_658] {strides = array<i32>} : memref<144x128xf32, #tpu.memory_space<vmem>>, vector<16xf32>,
      %abs3A_660 = math.absf %get3A_659 : vector<16xf32>
      %add3A_661 = arith.addf %add3A_643, %abs3A_660 : vector<16xf32>
      %get3A_662 = arith.constant 75 : i32
      %get3A_663 = arith.index_cast %get3A_662 : i32 to index
      %get3A_664 = arith.index_cast %multiple_of3A : i32 to index
      %get3A_665 = tpu.vector_load %arg4[%get3A_663, %get3A_664] {strides = array<i32>} : memref<144x128xf32, #tpu.memory_space<vmem>>, vector<16xf32>,
      %abs3A_666 = math.absf %get3A_665 : vector<16xf32>
      %add3A_667 = arith.addf %add3A_649, %abs3A_666 : vector<16xf32>
      %get3A_668 = arith.constant 76 : i32
      %get3A_669 = arith.index_cast %get3A_668 : i32 to index
      %get3A_670 = arith.index_cast %multiple_of3A : i32 to index
      %get3A_671 = tpu.vector_load %arg4[%get3A_669, %get3A_670] {strides = array<i32>} : memref<144x128xf32, #tpu.memory_space<vmem>>, vector<16xf32>,
      %abs3A_672 = math.absf %get3A_671 : vector<16xf32>
      %add3A_673 = arith.addf %add3A_655, %abs3A_672 : vector<16xf32>
      %get3A_674 = arith.constant 77 : i32
      %get3A_675 = arith.index_cast %get3A_674 : i32 to index
      %get3A_676 = arith.index_cast %multiple_of3A : i32 to index
      %get3A_677 = tpu.vector_load %arg4[%get3A_675, %get3A_676] {strides = array<i32>} : memref<144x128xf32, #tpu.memory_space<vmem>>, vector<16xf32>,
      %abs3A_678 = math.absf %get3A_677 : vector<16xf32>
      %add3A_679 = arith.addf %add3A_661, %abs3A_678 : vector<16xf32>
      %get3A_680 = arith.constant 78 : i32
      %get3A_681 = arith.index_cast %get3A_680 : i32 to index
      %get3A_682 = arith.index_cast %multiple_of3A : i32 to index
      %get3A_683 = tpu.vector_load %arg4[%get3A_681, %get3A_682] {strides = array<i32>} : memref<144x128xf32, #tpu.memory_space<vmem>>, vector<16xf32>,
      %abs3A_684 = math.absf %get3A_683 : vector<16xf32>
      %add3A_685 = arith.addf %add3A_667, %abs3A_684 : vector<16xf32>
      %get3A_686 = arith.constant 79 : i32
      %get3A_687 = arith.index_cast %get3A_686 : i32 to index
      %get3A_688 = arith.index_cast %multiple_of3A : i32 to index
      %get3A_689 = tpu.vector_load %arg4[%get3A_687, %get3A_688] {strides = array<i32>} : memref<144x128xf32, #tpu.memory_space<vmem>>, vector<16xf32>,
      %abs3A_690 = math.absf %get3A_689 : vector<16xf32>
      %add3A_691 = arith.addf %add3A_673, %abs3A_690 : vector<16xf32>
      %get3A_692 = arith.constant 80 : i32
      %get3A_693 = arith.index_cast %get3A_692 : i32 to index
      %get3A_694 = arith.index_cast %multiple_of3A : i32 to index
      %get3A_695 = tpu.vector_load %arg4[%get3A_693, %get3A_694] {strides = array<i32>} : memref<144x128xf32, #tpu.memory_space<vmem>>, vector<16xf32>,
      %abs3A_696 = math.absf %get3A_695 : vector<16xf32>
      %add3A_697 = arith.addf %add3A_679, %abs3A_696 : vector<16xf32>
      %get3A_698 = arith.constant 81 : i32
      %get3A_699 = arith.index_cast %get3A_698 : i32 to index
      %get3A_700 = arith.index_cast %multiple_of3A : i32 to index
      %get3A_701 = tpu.vector_load %arg4[%get3A_699, %get3A_700] {strides = array<i32>} : memref<144x128xf32, #tpu.memory_space<vmem>>, vector<16xf32>,
      %abs3A_702 = math.absf %get3A_701 : vector<16xf32>
      %add3A_703 = arith.addf %add3A_685, %abs3A_702 : vector<16xf32>
      %get3A_704 = arith.constant 82 : i32
      %get3A_705 = arith.index_cast %get3A_704 : i32 to index
      %get3A_706 = arith.index_cast %multiple_of3A : i32 to index
      %get3A_707 = tpu.vector_load %arg4[%get3A_705, %get3A_706] {strides = array<i32>} : memref<144x128xf32, #tpu.memory_space<vmem>>, vector<16xf32>,
      %abs3A_708 = math.absf %get3A_707 : vector<16xf32>
      %add3A_709 = arith.addf %add3A_691, %abs3A_708 : vector<16xf32>
      %get3A_710 = arith.constant 83 : i32
      %get3A_711 = arith.index_cast %get3A_710 : i32 to index
      %get3A_712 = arith.index_cast %multiple_of3A : i32 to index
      %get3A_713 = tpu.vector_load %arg4[%get3A_711, %get3A_712] {strides = array<i32>} : memref<144x128xf32, #tpu.memory_space<vmem>>, vector<16xf32>,
      %abs3A_714 = math.absf %get3A_713 : vector<16xf32>
      %add3A_715 = arith.addf %add3A_697, %abs3A_714 : vector<16xf32>
      %get3A_716 = arith.constant 84 : i32
      %get3A_717 = arith.index_cast %get3A_716 : i32 to index
      %get3A_718 = arith.index_cast %multiple_of3A : i32 to index
      %get3A_719 = tpu.vector_load %arg4[%get3A_717, %get3A_718] {strides = array<i32>} : memref<144x128xf32, #tpu.memory_space<vmem>>, vector<16xf32>,
      %abs3A_720 = math.absf %get3A_719 : vector<16xf32>
      %add3A_721 = arith.addf %add3A_703, %abs3A_720 : vector<16xf32>
      %add3A_722 = arith.addf %add3A_709, %add3A_715 : vector<16xf32>
      %add3A_723 = arith.addf %add3A_722, %add3A_721 : vector<16xf32>
      %swap3A_724 = arith.constant 32 : index
      %swap3A_725 = tpu.vector_load %arg5[%swap3A_724] {strides = array<i32>} : memref<720xf32, #tpu.memory_space<vmem>>, vector<16xf32>,
      tpu.vector_store %arg5[%swap3A_724], %add3A_723 {strides = array<i32>} : memref<720xf32, #tpu.memory_space<vmem>>, vector<16xf32>,
      %get3A_726 = arith.constant 87 : i32
      %get3A_727 = arith.index_cast %get3A_726 : i32 to index
      %get3A_728 = arith.index_cast %multiple_of3A : i32 to index
      %get3A_729 = tpu.vector_load %arg4[%get3A_727, %get3A_728] {strides = array<i32>} : memref<144x128xf32, #tpu.memory_space<vmem>>, vector<16xf32>,
      %abs3A_730 = math.absf %get3A_729 : vector<16xf32>
      %get3A_731 = arith.constant 88 : i32
      %get3A_732 = arith.index_cast %get3A_731 : i32 to index
      %get3A_733 = arith.index_cast %multiple_of3A : i32 to index
      %get3A_734 = tpu.vector_load %arg4[%get3A_732, %get3A_733] {strides = array<i32>} : memref<144x128xf32, #tpu.memory_space<vmem>>, vector<16xf32>,
      %abs3A_735 = math.absf %get3A_734 : vector<16xf32>
      %get3A_736 = arith.constant 89 : i32
      %get3A_737 = arith.index_cast %get3A_736 : i32 to index
      %get3A_738 = arith.index_cast %multiple_of3A : i32 to index
      %get3A_739 = tpu.vector_load %arg4[%get3A_737, %get3A_738] {strides = array<i32>} : memref<144x128xf32, #tpu.memory_space<vmem>>, vector<16xf32>,
      %abs3A_740 = math.absf %get3A_739 : vector<16xf32>
      %get3A_741 = arith.constant 90 : i32
      %get3A_742 = arith.index_cast %get3A_741 : i32 to index
      %get3A_743 = arith.index_cast %multiple_of3A : i32 to index
      %get3A_744 = tpu.vector_load %arg4[%get3A_742, %get3A_743] {strides = array<i32>} : memref<144x128xf32, #tpu.memory_space<vmem>>, vector<16xf32>,
      %abs3A_745 = math.absf %get3A_744 : vector<16xf32>
      %add3A_746 = arith.addf %abs3A_730, %abs3A_745 : vector<16xf32>
      %get3A_747 = arith.constant 91 : i32
      %get3A_748 = arith.index_cast %get3A_747 : i32 to index
      %get3A_749 = arith.index_cast %multiple_of3A : i32 to index
      %get3A_750 = tpu.vector_load %arg4[%get3A_748, %get3A_749] {strides = array<i32>} : memref<144x128xf32, #tpu.memory_space<vmem>>, vector<16xf32>,
      %abs3A_751 = math.absf %get3A_750 : vector<16xf32>
      %add3A_752 = arith.addf %abs3A_735, %abs3A_751 : vector<16xf32>
      %get3A_753 = arith.constant 92 : i32
      %get3A_754 = arith.index_cast %get3A_753 : i32 to index
      %get3A_755 = arith.index_cast %multiple_of3A : i32 to index
      %get3A_756 = tpu.vector_load %arg4[%get3A_754, %get3A_755] {strides = array<i32>} : memref<144x128xf32, #tpu.memory_space<vmem>>, vector<16xf32>,
      %abs3A_757 = math.absf %get3A_756 : vector<16xf32>
      %add3A_758 = arith.addf %abs3A_740, %abs3A_757 : vector<16xf32>
      %get3A_759 = arith.constant 93 : i32
      %get3A_760 = arith.index_cast %get3A_759 : i32 to index
      %get3A_761 = arith.index_cast %multiple_of3A : i32 to index
      %get3A_762 = tpu.vector_load %arg4[%get3A_760, %get3A_761] {strides = array<i32>} : memref<144x128xf32, #tpu.memory_space<vmem>>, vector<16xf32>,
      %abs3A_763 = math.absf %get3A_762 : vector<16xf32>
      %add3A_764 = arith.addf %add3A_746, %abs3A_763 : vector<16xf32>
      %get3A_765 = arith.constant 94 : i32
      %get3A_766 = arith.index_cast %get3A_765 : i32 to index
      %get3A_767 = arith.index_cast %multiple_of3A : i32 to index
      %get3A_768 = tpu.vector_load %arg4[%get3A_766, %get3A_767] {strides = array<i32>} : memref<144x128xf32, #tpu.memory_space<vmem>>, vector<16xf32>,
      %abs3A_769 = math.absf %get3A_768 : vector<16xf32>
      %add3A_770 = arith.addf %add3A_752, %abs3A_769 : vector<16xf32>
      %get3A_771 = arith.constant 95 : i32
      %get3A_772 = arith.index_cast %get3A_771 : i32 to index
      %get3A_773 = arith.index_cast %multiple_of3A : i32 to index
      %get3A_774 = tpu.vector_load %arg4[%get3A_772, %get3A_773] {strides = array<i32>} : memref<144x128xf32, #tpu.memory_space<vmem>>, vector<16xf32>,
      %abs3A_775 = math.absf %get3A_774 : vector<16xf32>
      %add3A_776 = arith.addf %add3A_758, %abs3A_775 : vector<16xf32>
      %get3A_777 = arith.constant 96 : i32
      %get3A_778 = arith.index_cast %get3A_777 : i32 to index
      %get3A_779 = arith.index_cast %multiple_of3A : i32 to index
      %get3A_780 = tpu.vector_load %arg4[%get3A_778, %get3A_779] {strides = array<i32>} : memref<144x128xf32, #tpu.memory_space<vmem>>, vector<16xf32>,
      %abs3A_781 = math.absf %get3A_780 : vector<16xf32>
      %add3A_782 = arith.addf %add3A_764, %abs3A_781 : vector<16xf32>
      %get3A_783 = arith.constant 97 : i32
      %get3A_784 = arith.index_cast %get3A_783 : i32 to index
      %get3A_785 = arith.index_cast %multiple_of3A : i32 to index
      %get3A_786 = tpu.vector_load %arg4[%get3A_784, %get3A_785] {strides = array<i32>} : memref<144x128xf32, #tpu.memory_space<vmem>>, vector<16xf32>,
      %abs3A_787 = math.absf %get3A_786 : vector<16xf32>
      %add3A_788 = arith.addf %add3A_770, %abs3A_787 : vector<16xf32>
      %get3A_789 = arith.constant 98 : i32
      %get3A_790 = arith.index_cast %get3A_789 : i32 to index
      %get3A_791 = arith.index_cast %multiple_of3A : i32 to index
      %get3A_792 = tpu.vector_load %arg4[%get3A_790, %get3A_791] {strides = array<i32>} : memref<144x128xf32, #tpu.memory_space<vmem>>, vector<16xf32>,
      %abs3A_793 = math.absf %get3A_792 : vector<16xf32>
      %add3A_794 = arith.addf %add3A_776, %abs3A_793 : vector<16xf32>
      %get3A_795 = arith.constant 99 : i32
      %get3A_796 = arith.index_cast %get3A_795 : i32 to index
      %get3A_797 = arith.index_cast %multiple_of3A : i32 to index
      %get3A_798 = tpu.vector_load %arg4[%get3A_796, %get3A_797] {strides = array<i32>} : memref<144x128xf32, #tpu.memory_space<vmem>>, vector<16xf32>,
      %abs3A_799 = math.absf %get3A_798 : vector<16xf32>
      %add3A_800 = arith.addf %add3A_782, %abs3A_799 : vector<16xf32>
      %get3A_801 = arith.constant 100 : i32
      %get3A_802 = arith.index_cast %get3A_801 : i32 to index
      %get3A_803 = arith.index_cast %multiple_of3A : i32 to index
      %get3A_804 = tpu.vector_load %arg4[%get3A_802, %get3A_803] {strides = array<i32>} : memref<144x128xf32, #tpu.memory_space<vmem>>, vector<16xf32>,
      %abs3A_805 = math.absf %get3A_804 : vector<16xf32>
      %add3A_806 = arith.addf %add3A_788, %abs3A_805 : vector<16xf32>
      %get3A_807 = arith.constant 101 : i32
      %get3A_808 = arith.index_cast %get3A_807 : i32 to index
      %get3A_809 = arith.index_cast %multiple_of3A : i32 to index
      %get3A_810 = tpu.vector_load %arg4[%get3A_808, %get3A_809] {strides = array<i32>} : memref<144x128xf32, #tpu.memory_space<vmem>>, vector<16xf32>,
      %abs3A_811 = math.absf %get3A_810 : vector<16xf32>
      %add3A_812 = arith.addf %add3A_794, %abs3A_811 : vector<16xf32>
      %get3A_813 = arith.constant 102 : i32
      %get3A_814 = arith.index_cast %get3A_813 : i32 to index
      %get3A_815 = arith.index_cast %multiple_of3A : i32 to index
      %get3A_816 = tpu.vector_load %arg4[%get3A_814, %get3A_815] {strides = array<i32>} : memref<144x128xf32, #tpu.memory_space<vmem>>, vector<16xf32>,
      %abs3A_817 = math.absf %get3A_816 : vector<16xf32>
      %add3A_818 = arith.addf %add3A_800, %abs3A_817 : vector<16xf32>
      %get3A_819 = arith.constant 103 : i32
      %get3A_820 = arith.index_cast %get3A_819 : i32 to index
      %get3A_821 = arith.index_cast %multiple_of3A : i32 to index
      %get3A_822 = tpu.vector_load %arg4[%get3A_820, %get3A_821] {strides = array<i32>} : memref<144x128xf32, #tpu.memory_space<vmem>>, vector<16xf32>,
      %abs3A_823 = math.absf %get3A_822 : vector<16xf32>
      %add3A_824 = arith.addf %add3A_806, %abs3A_823 : vector<16xf32>
      %get3A_825 = arith.constant 104 : i32
      %get3A_826 = arith.index_cast %get3A_825 : i32 to index
      %get3A_827 = arith.index_cast %multiple_of3A : i32 to index
      %get3A_828 = tpu.vector_load %arg4[%get3A_826, %get3A_827] {strides = array<i32>} : memref<144x128xf32, #tpu.memory_space<vmem>>, vector<16xf32>,
      %abs3A_829 = math.absf %get3A_828 : vector<16xf32>
      %add3A_830 = arith.addf %add3A_812, %abs3A_829 : vector<16xf32>
      %get3A_831 = arith.constant 105 : i32
      %get3A_832 = arith.index_cast %get3A_831 : i32 to index
      %get3A_833 = arith.index_cast %multiple_of3A : i32 to index
      %get3A_834 = tpu.vector_load %arg4[%get3A_832, %get3A_833] {strides = array<i32>} : memref<144x128xf32, #tpu.memory_space<vmem>>, vector<16xf32>,
      %abs3A_835 = math.absf %get3A_834 : vector<16xf32>
      %add3A_836 = arith.addf %add3A_818, %abs3A_835 : vector<16xf32>
      %get3A_837 = arith.constant 106 : i32
      %get3A_838 = arith.index_cast %get3A_837 : i32 to index
      %get3A_839 = arith.index_cast %multiple_of3A : i32 to index
      %get3A_840 = tpu.vector_load %arg4[%get3A_838, %get3A_839] {strides = array<i32>} : memref<144x128xf32, #tpu.memory_space<vmem>>, vector<16xf32>,
      %abs3A_841 = math.absf %get3A_840 : vector<16xf32>
      %add3A_842 = arith.addf %add3A_824, %abs3A_841 : vector<16xf32>
      %get3A_843 = arith.constant 107 : i32
      %get3A_844 = arith.index_cast %get3A_843 : i32 to index
      %get3A_845 = arith.index_cast %multiple_of3A : i32 to index
      %get3A_846 = tpu.vector_load %arg4[%get3A_844, %get3A_845] {strides = array<i32>} : memref<144x128xf32, #tpu.memory_space<vmem>>, vector<16xf32>,
      %abs3A_847 = math.absf %get3A_846 : vector<16xf32>
      %add3A_848 = arith.addf %add3A_830, %abs3A_847 : vector<16xf32>
      %get3A_849 = arith.constant 108 : i32
      %get3A_850 = arith.index_cast %get3A_849 : i32 to index
      %get3A_851 = arith.index_cast %multiple_of3A : i32 to index
      %get3A_852 = tpu.vector_load %arg4[%get3A_850, %get3A_851] {strides = array<i32>} : memref<144x128xf32, #tpu.memory_space<vmem>>, vector<16xf32>,
      %abs3A_853 = math.absf %get3A_852 : vector<16xf32>
      %add3A_854 = arith.addf %add3A_836, %abs3A_853 : vector<16xf32>
      %get3A_855 = arith.constant 109 : i32
      %get3A_856 = arith.index_cast %get3A_855 : i32 to index
      %get3A_857 = arith.index_cast %multiple_of3A : i32 to index
      %get3A_858 = tpu.vector_load %arg4[%get3A_856, %get3A_857] {strides = array<i32>} : memref<144x128xf32, #tpu.memory_space<vmem>>, vector<16xf32>,
      %abs3A_859 = math.absf %get3A_858 : vector<16xf32>
      %add3A_860 = arith.addf %add3A_842, %abs3A_859 : vector<16xf32>
      %get3A_861 = arith.constant 110 : i32
      %get3A_862 = arith.index_cast %get3A_861 : i32 to index
      %get3A_863 = arith.index_cast %multiple_of3A : i32 to index
      %get3A_864 = tpu.vector_load %arg4[%get3A_862, %get3A_863] {strides = array<i32>} : memref<144x128xf32, #tpu.memory_space<vmem>>, vector<16xf32>,
      %abs3A_865 = math.absf %get3A_864 : vector<16xf32>
      %add3A_866 = arith.addf %add3A_848, %abs3A_865 : vector<16xf32>
      %add3A_867 = arith.addf %add3A_854, %add3A_860 : vector<16xf32>
      %add3A_868 = arith.addf %add3A_867, %add3A_866 : vector<16xf32>
      %swap3A_869 = arith.constant 48 : index
      %swap3A_870 = tpu.vector_load %arg5[%swap3A_869] {strides = array<i32>} : memref<720xf32, #tpu.memory_space<vmem>>, vector<16xf32>,
      tpu.vector_store %arg5[%swap3A_869], %add3A_868 {strides = array<i32>} : memref<720xf32, #tpu.memory_space<vmem>>, vector<16xf32>,
      %get3A_871 = arith.constant 114 : i32
      %get3A_872 = arith.index_cast %get3A_871 : i32 to index
      %get3A_873 = arith.index_cast %multiple_of3A : i32 to index
      %get3A_874 = tpu.vector_load %arg4[%get3A_872, %get3A_873] {strides = array<i32>} : memref<144x128xf32, #tpu.memory_space<vmem>>, vector<16xf32>,
      %abs3A_875 = math.absf %get3A_874 : vector<16xf32>
      %get3A_876 = arith.constant 115 : i32
      %get3A_877 = arith.index_cast %get3A_876 : i32 to index
      %get3A_878 = arith.index_cast %multiple_of3A : i32 to index
      %get3A_879 = tpu.vector_load %arg4[%get3A_877, %get3A_878] {strides = array<i32>} : memref<144x128xf32, #tpu.memory_space<vmem>>, vector<16xf32>,
      %abs3A_880 = math.absf %get3A_879 : vector<16xf32>
      %get3A_881 = arith.constant 116 : i32
      %get3A_882 = arith.index_cast %get3A_881 : i32 to index
      %get3A_883 = arith.index_cast %multiple_of3A : i32 to index
      %get3A_884 = tpu.vector_load %arg4[%get3A_882, %get3A_883] {strides = array<i32>} : memref<144x128xf32, #tpu.memory_space<vmem>>, vector<16xf32>,
      %abs3A_885 = math.absf %get3A_884 : vector<16xf32>
      %get3A_886 = arith.constant 117 : i32
      %get3A_887 = arith.index_cast %get3A_886 : i32 to index
      %get3A_888 = arith.index_cast %multiple_of3A : i32 to index
      %get3A_889 = tpu.vector_load %arg4[%get3A_887, %get3A_888] {strides = array<i32>} : memref<144x128xf32, #tpu.memory_space<vmem>>, vector<16xf32>,
      %abs3A_890 = math.absf %get3A_889 : vector<16xf32>
      %add3A_891 = arith.addf %abs3A_875, %abs3A_890 : vector<16xf32>
      %get3A_892 = arith.constant 118 : i32
      %get3A_893 = arith.index_cast %get3A_892 : i32 to index
      %get3A_894 = arith.index_cast %multiple_of3A : i32 to index
      %get3A_895 = tpu.vector_load %arg4[%get3A_893, %get3A_894] {strides = array<i32>} : memref<144x128xf32, #tpu.memory_space<vmem>>, vector<16xf32>,
      %abs3A_896 = math.absf %get3A_895 : vector<16xf32>
      %add3A_897 = arith.addf %abs3A_880, %abs3A_896 : vector<16xf32>
      %get3A_898 = arith.constant 119 : i32
      %get3A_899 = arith.index_cast %get3A_898 : i32 to index
      %get3A_900 = arith.index_cast %multiple_of3A : i32 to index
      %get3A_901 = tpu.vector_load %arg4[%get3A_899, %get3A_900] {strides = array<i32>} : memref<144x128xf32, #tpu.memory_space<vmem>>, vector<16xf32>,
      %abs3A_902 = math.absf %get3A_901 : vector<16xf32>
      %add3A_903 = arith.addf %abs3A_885, %abs3A_902 : vector<16xf32>
      %get3A_904 = arith.constant 120 : i32
      %get3A_905 = arith.index_cast %get3A_904 : i32 to index
      %get3A_906 = arith.index_cast %multiple_of3A : i32 to index
      %get3A_907 = tpu.vector_load %arg4[%get3A_905, %get3A_906] {strides = array<i32>} : memref<144x128xf32, #tpu.memory_space<vmem>>, vector<16xf32>,
      %abs3A_908 = math.absf %get3A_907 : vector<16xf32>
      %add3A_909 = arith.addf %add3A_891, %abs3A_908 : vector<16xf32>
      %get3A_910 = arith.constant 121 : i32
      %get3A_911 = arith.index_cast %get3A_910 : i32 to index
      %get3A_912 = arith.index_cast %multiple_of3A : i32 to index
      %get3A_913 = tpu.vector_load %arg4[%get3A_911, %get3A_912] {strides = array<i32>} : memref<144x128xf32, #tpu.memory_space<vmem>>, vector<16xf32>,
      %abs3A_914 = math.absf %get3A_913 : vector<16xf32>
      %add3A_915 = arith.addf %add3A_897, %abs3A_914 : vector<16xf32>
      %get3A_916 = arith.constant 122 : i32
      %get3A_917 = arith.index_cast %get3A_916 : i32 to index
      %get3A_918 = arith.index_cast %multiple_of3A : i32 to index
      %get3A_919 = tpu.vector_load %arg4[%get3A_917, %get3A_918] {strides = array<i32>} : memref<144x128xf32, #tpu.memory_space<vmem>>, vector<16xf32>,
      %abs3A_920 = math.absf %get3A_919 : vector<16xf32>
      %add3A_921 = arith.addf %add3A_903, %abs3A_920 : vector<16xf32>
      %get3A_922 = arith.constant 123 : i32
      %get3A_923 = arith.index_cast %get3A_922 : i32 to index
      %get3A_924 = arith.index_cast %multiple_of3A : i32 to index
      %get3A_925 = tpu.vector_load %arg4[%get3A_923, %get3A_924] {strides = array<i32>} : memref<144x128xf32, #tpu.memory_space<vmem>>, vector<16xf32>,
      %abs3A_926 = math.absf %get3A_925 : vector<16xf32>
      %add3A_927 = arith.addf %add3A_909, %abs3A_926 : vector<16xf32>
      %get3A_928 = arith.constant 124 : i32
      %get3A_929 = arith.index_cast %get3A_928 : i32 to index
      %get3A_930 = arith.index_cast %multiple_of3A : i32 to index
      %get3A_931 = tpu.vector_load %arg4[%get3A_929, %get3A_930] {strides = array<i32>} : memref<144x128xf32, #tpu.memory_space<vmem>>, vector<16xf32>,
      %abs3A_932 = math.absf %get3A_931 : vector<16xf32>
      %add3A_933 = arith.addf %add3A_915, %abs3A_932 : vector<16xf32>
      %get3A_934 = arith.constant 125 : i32
      %get3A_935 = arith.index_cast %get3A_934 : i32 to index
      %get3A_936 = arith.index_cast %multiple_of3A : i32 to index
      %get3A_937 = tpu.vector_load %arg4[%get3A_935, %get3A_936] {strides = array<i32>} : memref<144x128xf32, #tpu.memory_space<vmem>>, vector<16xf32>,
      %abs3A_938 = math.absf %get3A_937 : vector<16xf32>
      %add3A_939 = arith.addf %add3A_921, %abs3A_938 : vector<16xf32>
      %get3A_940 = arith.constant 126 : i32
      %get3A_941 = arith.index_cast %get3A_940 : i32 to index
      %get3A_942 = arith.index_cast %multiple_of3A : i32 to index
      %get3A_943 = tpu.vector_load %arg4[%get3A_941, %get3A_942] {strides = array<i32>} : memref<144x128xf32, #tpu.memory_space<vmem>>, vector<16xf32>,
      %abs3A_944 = math.absf %get3A_943 : vector<16xf32>
      %add3A_945 = arith.addf %add3A_927, %abs3A_944 : vector<16xf32>
      %get3A_946 = arith.constant 127 : i32
      %get3A_947 = arith.index_cast %get3A_946 : i32 to index
      %get3A_948 = arith.index_cast %multiple_of3A : i32 to index
      %get3A_949 = tpu.vector_load %arg4[%get3A_947, %get3A_948] {strides = array<i32>} : memref<144x128xf32, #tpu.memory_space<vmem>>, vector<16xf32>,
      %abs3A_950 = math.absf %get3A_949 : vector<16xf32>
      %add3A_951 = arith.addf %add3A_933, %abs3A_950 : vector<16xf32>
      %get3A_952 = arith.constant 140 : i32
      %get3A_953 = arith.index_cast %get3A_952 : i32 to index
      %get3A_954 = arith.index_cast %multiple_of3A : i32 to index
      %get3A_955 = tpu.vector_load %arg4[%get3A_953, %get3A_954] {strides = array<i32>} : memref<144x128xf32, #tpu.memory_space<vmem>>, vector<16xf32>,
      %abs3A_956 = math.absf %get3A_955 : vector<16xf32>
      %add3A_957 = arith.addf %add3A_939, %abs3A_956 : vector<16xf32>
      %get3A_958 = arith.constant 141 : i32
      %get3A_959 = arith.index_cast %get3A_958 : i32 to index
      %get3A_960 = arith.index_cast %multiple_of3A : i32 to index
      %get3A_961 = tpu.vector_load %arg4[%get3A_959, %get3A_960] {strides = array<i32>} : memref<144x128xf32, #tpu.memory_space<vmem>>, vector<16xf32>,
      %abs3A_962 = math.absf %get3A_961 : vector<16xf32>
      %add3A_963 = arith.addf %add3A_945, %abs3A_962 : vector<16xf32>
      %get3A_964 = arith.constant 142 : i32
      %get3A_965 = arith.index_cast %get3A_964 : i32 to index
      %get3A_966 = arith.index_cast %multiple_of3A : i32 to index
      %get3A_967 = tpu.vector_load %arg4[%get3A_965, %get3A_966] {strides = array<i32>} : memref<144x128xf32, #tpu.memory_space<vmem>>, vector<16xf32>,
      %abs3A_968 = math.absf %get3A_967 : vector<16xf32>
      %add3A_969 = arith.addf %add3A_951, %abs3A_968 : vector<16xf32>
      %get3A_970 = arith.constant 143 : i32
      %get3A_971 = arith.index_cast %get3A_970 : i32 to index
      %get3A_972 = arith.index_cast %multiple_of3A : i32 to index
      %get3A_973 = tpu.vector_load %arg4[%get3A_971, %get3A_972] {strides = array<i32>} : memref<144x128xf32, #tpu.memory_space<vmem>>, vector<16xf32>,
      %abs3A_974 = math.absf %get3A_973 : vector<16xf32>
      %add3A_975 = arith.addf %add3A_957, %abs3A_974 : vector<16xf32>
      %add3A_976 = arith.addf %add3A_963, %add3A_969 : vector<16xf32>
      %add3A_977 = arith.addf %add3A_976, %add3A_975 : vector<16xf32>
      %swap3A_978 = arith.constant 64 : index
      %swap3A_979 = tpu.vector_load %arg5[%swap3A_978] {strides = array<i32>} : memref<720xf32, #tpu.memory_space<vmem>>, vector<16xf32>,
      tpu.vector_store %arg5[%swap3A_978], %add3A_977 {strides = array<i32>} : memref<720xf32, #tpu.memory_space<vmem>>, vector<16xf32>,
      %swap3A_980 = arith.constant 80 : index
      %swap3A_981 = tpu.vector_load %arg5[%swap3A_980] {strides = array<i32>} : memref<720xf32, #tpu.memory_space<vmem>>, vector<16xf32>,
      tpu.vector_store %arg5[%swap3A_980], %broadcast_in_dim3A_202 {strides = array<i32>} : memref<720xf32, #tpu.memory_space<vmem>>, vector<16xf32>,
      %swap3A_982 = arith.constant 96 : index
      %swap3A_983 = tpu.vector_load %arg5[%swap3A_982] {strides = array<i32>} : memref<720xf32, #tpu.memory_space<vmem>>, vector<16xf32>,
      tpu.vector_store %arg5[%swap3A_982], %broadcast_in_dim3A_202 {strides = array<i32>} : memref<720xf32, #tpu.memory_space<vmem>>, vector<16xf32>,
      %swap3A_984 = arith.constant 112 : index
      %swap3A_985 = tpu.vector_load %arg5[%swap3A_984] {strides = array<i32>} : memref<720xf32, #tpu.memory_space<vmem>>, vector<16xf32>,
      tpu.vector_store %arg5[%swap3A_984], %broadcast_in_dim3A_202 {strides = array<i32>} : memref<720xf32, #tpu.memory_space<vmem>>, vector<16xf32>,
      %swap3A_986 = arith.constant 128 : index
      %swap3A_987 = tpu.vector_load %arg5[%swap3A_986] {strides = array<i32>} : memref<720xf32, #tpu.memory_space<vmem>>, vector<16xf32>,
      tpu.vector_store %arg5[%swap3A_986], %broadcast_in_dim3A_202 {strides = array<i32>} : memref<720xf32, #tpu.memory_space<vmem>>, vector<16xf32>,
      %get3A_988 = arith.constant 60 : i32
      %get3A_989 = arith.index_cast %get3A_988 : i32 to index
      %get3A_990 = arith.index_cast %multiple_of3A : i32 to index
      %get3A_991 = tpu.vector_load %arg4[%get3A_989, %get3A_990] {strides = array<i32>} : memref<144x128xf32, #tpu.memory_space<vmem>>, vector<16xf32>,
      %abs3A_992 = math.absf %get3A_991 : vector<16xf32>
      %swap3A_993 = arith.constant 144 : index
      %swap3A_994 = tpu.vector_load %arg5[%swap3A_993] {strides = array<i32>} : memref<720xf32, #tpu.memory_space<vmem>>, vector<16xf32>,
      tpu.vector_store %arg5[%swap3A_993], %abs3A_992 {strides = array<i32>} : memref<720xf32, #tpu.memory_space<vmem>>, vector<16xf32>,
      %get3A_995 = arith.constant 85 : i32
      %get3A_996 = arith.index_cast %get3A_995 : i32 to index
      %get3A_997 = arith.index_cast %multiple_of3A : i32 to index
      %get3A_998 = tpu.vector_load %arg4[%get3A_996, %get3A_997] {strides = array<i32>} : memref<144x128xf32, #tpu.memory_space<vmem>>, vector<16xf32>,
      %abs3A_999 = math.absf %get3A_998 : vector<16xf32>
      %swap3A_1000 = arith.constant 160 : index
      %swap3A_1001 = tpu.vector_load %arg5[%swap3A_1000] {strides = array<i32>} : memref<720xf32, #tpu.memory_space<vmem>>, vector<16xf32>,
      tpu.vector_store %arg5[%swap3A_1000], %abs3A_999 {strides = array<i32>} : memref<720xf32, #tpu.memory_space<vmem>>, vector<16xf32>,
      %get3A_1002 = arith.constant 86 : i32
      %get3A_1003 = arith.index_cast %get3A_1002 : i32 to index
      %get3A_1004 = arith.index_cast %multiple_of3A : i32 to index
      %get3A_1005 = tpu.vector_load %arg4[%get3A_1003, %get3A_1004] {strides = array<i32>} : memref<144x128xf32, #tpu.memory_space<vmem>>, vector<16xf32>,
      %abs3A_1006 = math.absf %get3A_1005 : vector<16xf32>
      %swap3A_1007 = arith.constant 176 : index
      %swap3A_1008 = tpu.vector_load %arg5[%swap3A_1007] {strides = array<i32>} : memref<720xf32, #tpu.memory_space<vmem>>, vector<16xf32>,
      tpu.vector_store %arg5[%swap3A_1007], %abs3A_1006 {strides = array<i32>} : memref<720xf32, #tpu.memory_space<vmem>>, vector<16xf32>,
      %get3A_1009 = arith.constant 111 : i32
      %get3A_1010 = arith.index_cast %get3A_1009 : i32 to index
      %get3A_1011 = arith.index_cast %multiple_of3A : i32 to index
      %get3A_1012 = tpu.vector_load %arg4[%get3A_1010, %get3A_1011] {strides = array<i32>} : memref<144x128xf32, #tpu.memory_space<vmem>>, vector<16xf32>,
      %abs3A_1013 = math.absf %get3A_1012 : vector<16xf32>
      %swap3A_1014 = arith.constant 192 : index
      %swap3A_1015 = tpu.vector_load %arg5[%swap3A_1014] {strides = array<i32>} : memref<720xf32, #tpu.memory_space<vmem>>, vector<16xf32>,
      tpu.vector_store %arg5[%swap3A_1014], %abs3A_1013 {strides = array<i32>} : memref<720xf32, #tpu.memory_space<vmem>>, vector<16xf32>,
      %get3A_1016 = arith.constant 112 : i32
      %get3A_1017 = arith.index_cast %get3A_1016 : i32 to index
      %get3A_1018 = arith.index_cast %multiple_of3A : i32 to index
      %get3A_1019 = tpu.vector_load %arg4[%get3A_1017, %get3A_1018] {strides = array<i32>} : memref<144x128xf32, #tpu.memory_space<vmem>>, vector<16xf32>,
      %abs3A_1020 = math.absf %get3A_1019 : vector<16xf32>
      %swap3A_1021 = arith.constant 208 : index
      %swap3A_1022 = tpu.vector_load %arg5[%swap3A_1021] {strides = array<i32>} : memref<720xf32, #tpu.memory_space<vmem>>, vector<16xf32>,
      tpu.vector_store %arg5[%swap3A_1021], %abs3A_1020 {strides = array<i32>} : memref<720xf32, #tpu.memory_space<vmem>>, vector<16xf32>,
      %get3A_1023 = arith.constant 113 : i32
      %get3A_1024 = arith.index_cast %get3A_1023 : i32 to index
      %get3A_1025 = arith.index_cast %multiple_of3A : i32 to index
      %get3A_1026 = tpu.vector_load %arg4[%get3A_1024, %get3A_1025] {strides = array<i32>} : memref<144x128xf32, #tpu.memory_space<vmem>>, vector<16xf32>,
      %abs3A_1027 = math.absf %get3A_1026 : vector<16xf32>
      %swap3A_1028 = arith.constant 224 : index
      %swap3A_1029 = tpu.vector_load %arg5[%swap3A_1028] {strides = array<i32>} : memref<720xf32, #tpu.memory_space<vmem>>, vector<16xf32>,
      tpu.vector_store %arg5[%swap3A_1028], %abs3A_1027 {strides = array<i32>} : memref<720xf32, #tpu.memory_space<vmem>>, vector<16xf32>,
      %swap3A_1030 = arith.constant 240 : index
      %swap3A_1031 = tpu.vector_load %arg5[%swap3A_1030] {strides = array<i32>} : memref<720xf32, #tpu.memory_space<vmem>>, vector<16xf32>,
      tpu.vector_store %arg5[%swap3A_1030], %broadcast_in_dim3A_202 {strides = array<i32>} : memref<720xf32, #tpu.memory_space<vmem>>, vector<16xf32>,
      %swap3A_1032 = arith.constant 256 : index
      %swap3A_1033 = tpu.vector_load %arg5[%swap3A_1032] {strides = array<i32>} : memref<720xf32, #tpu.memory_space<vmem>>, vector<16xf32>,
      tpu.vector_store %arg5[%swap3A_1032], %broadcast_in_dim3A_202 {strides = array<i32>} : memref<720xf32, #tpu.memory_space<vmem>>, vector<16xf32>,
      %swap3A_1034 = arith.constant 272 : index
      %swap3A_1035 = tpu.vector_load %arg5[%swap3A_1034] {strides = array<i32>} : memref<720xf32, #tpu.memory_space<vmem>>, vector<16xf32>,
      tpu.vector_store %arg5[%swap3A_1034], %broadcast_in_dim3A_202 {strides = array<i32>} : memref<720xf32, #tpu.memory_space<vmem>>, vector<16xf32>,
      %swap3A_1036 = arith.constant 288 : index
      %swap3A_1037 = tpu.vector_load %arg5[%swap3A_1036] {strides = array<i32>} : memref<720xf32, #tpu.memory_space<vmem>>, vector<16xf32>,
      tpu.vector_store %arg5[%swap3A_1036], %broadcast_in_dim3A_202 {strides = array<i32>} : memref<720xf32, #tpu.memory_space<vmem>>, vector<16xf32>,
      %swap3A_1038 = arith.constant 304 : index
      %swap3A_1039 = tpu.vector_load %arg5[%swap3A_1038] {strides = array<i32>} : memref<720xf32, #tpu.memory_space<vmem>>, vector<16xf32>,
      tpu.vector_store %arg5[%swap3A_1038], %broadcast_in_dim3A_202 {strides = array<i32>} : memref<720xf32, #tpu.memory_space<vmem>>, vector<16xf32>,
      %swap3A_1040 = arith.constant 320 : index
      %swap3A_1041 = tpu.vector_load %arg5[%swap3A_1040] {strides = array<i32>} : memref<720xf32, #tpu.memory_space<vmem>>, vector<16xf32>,
      tpu.vector_store %arg5[%swap3A_1040], %broadcast_in_dim3A_202 {strides = array<i32>} : memref<720xf32, #tpu.memory_space<vmem>>, vector<16xf32>,
      %swap3A_1042 = arith.constant 336 : index
      %swap3A_1043 = tpu.vector_load %arg5[%swap3A_1042] {strides = array<i32>} : memref<720xf32, #tpu.memory_space<vmem>>, vector<16xf32>,
      tpu.vector_store %arg5[%swap3A_1042], %broadcast_in_dim3A_202 {strides = array<i32>} : memref<720xf32, #tpu.memory_space<vmem>>, vector<16xf32>,
      %swap3A_1044 = arith.constant 352 : index
      %swap3A_1045 = tpu.vector_load %arg5[%swap3A_1044] {strides = array<i32>} : memref<720xf32, #tpu.memory_space<vmem>>, vector<16xf32>,
      tpu.vector_store %arg5[%swap3A_1044], %broadcast_in_dim3A_202 {strides = array<i32>} : memref<720xf32, #tpu.memory_space<vmem>>, vector<16xf32>,
      %swap3A_1046 = arith.constant 368 : index
      %swap3A_1047 = tpu.vector_load %arg5[%swap3A_1046] {strides = array<i32>} : memref<720xf32, #tpu.memory_space<vmem>>, vector<16xf32>,
      tpu.vector_store %arg5[%swap3A_1046], %broadcast_in_dim3A_202 {strides = array<i32>} : memref<720xf32, #tpu.memory_space<vmem>>, vector<16xf32>,
      %swap3A_1048 = arith.constant 384 : index
      %swap3A_1049 = tpu.vector_load %arg5[%swap3A_1048] {strides = array<i32>} : memref<720xf32, #tpu.memory_space<vmem>>, vector<16xf32>,
      tpu.vector_store %arg5[%swap3A_1048], %broadcast_in_dim3A_202 {strides = array<i32>} : memref<720xf32, #tpu.memory_space<vmem>>, vector<16xf32>,
      %swap3A_1050 = arith.constant 400 : index
      %swap3A_1051 = tpu.vector_load %arg5[%swap3A_1050] {strides = array<i32>} : memref<720xf32, #tpu.memory_space<vmem>>, vector<16xf32>,
      tpu.vector_store %arg5[%swap3A_1050], %broadcast_in_dim3A_202 {strides = array<i32>} : memref<720xf32, #tpu.memory_space<vmem>>, vector<16xf32>,
      %swap3A_1052 = arith.constant 416 : index
      %swap3A_1053 = tpu.vector_load %arg5[%swap3A_1052] {strides = array<i32>} : memref<720xf32, #tpu.memory_space<vmem>>, vector<16xf32>,
      tpu.vector_store %arg5[%swap3A_1052], %broadcast_in_dim3A_202 {strides = array<i32>} : memref<720xf32, #tpu.memory_space<vmem>>, vector<16xf32>,
      %swap3A_1054 = arith.constant 432 : index
      %swap3A_1055 = tpu.vector_load %arg5[%swap3A_1054] {strides = array<i32>} : memref<720xf32, #tpu.memory_space<vmem>>, vector<16xf32>,
      tpu.vector_store %arg5[%swap3A_1054], %broadcast_in_dim3A_202 {strides = array<i32>} : memref<720xf32, #tpu.memory_space<vmem>>, vector<16xf32>,
      %swap3A_1056 = arith.constant 448 : index
      %swap3A_1057 = tpu.vector_load %arg5[%swap3A_1056] {strides = array<i32>} : memref<720xf32, #tpu.memory_space<vmem>>, vector<16xf32>,
      tpu.vector_store %arg5[%swap3A_1056], %broadcast_in_dim3A_202 {strides = array<i32>} : memref<720xf32, #tpu.memory_space<vmem>>, vector<16xf32>,
      %swap3A_1058 = arith.constant 464 : index
      %swap3A_1059 = tpu.vector_load %arg5[%swap3A_1058] {strides = array<i32>} : memref<720xf32, #tpu.memory_space<vmem>>, vector<16xf32>,
      tpu.vector_store %arg5[%swap3A_1058], %broadcast_in_dim3A_202 {strides = array<i32>} : memref<720xf32, #tpu.memory_space<vmem>>, vector<16xf32>,
      %swap3A_1060 = arith.constant 480 : index
      %swap3A_1061 = tpu.vector_load %arg5[%swap3A_1060] {strides = array<i32>} : memref<720xf32, #tpu.memory_space<vmem>>, vector<16xf32>,
      tpu.vector_store %arg5[%swap3A_1060], %broadcast_in_dim3A_202 {strides = array<i32>} : memref<720xf32, #tpu.memory_space<vmem>>, vector<16xf32>,
      %swap3A_1062 = arith.constant 496 : index
      %swap3A_1063 = tpu.vector_load %arg5[%swap3A_1062] {strides = array<i32>} : memref<720xf32, #tpu.memory_space<vmem>>, vector<16xf32>,
      tpu.vector_store %arg5[%swap3A_1062], %broadcast_in_dim3A_202 {strides = array<i32>} : memref<720xf32, #tpu.memory_space<vmem>>, vector<16xf32>,
      %swap3A_1064 = arith.constant 512 : index
      %swap3A_1065 = tpu.vector_load %arg5[%swap3A_1064] {strides = array<i32>} : memref<720xf32, #tpu.memory_space<vmem>>, vector<16xf32>,
      tpu.vector_store %arg5[%swap3A_1064], %broadcast_in_dim3A_202 {strides = array<i32>} : memref<720xf32, #tpu.memory_space<vmem>>, vector<16xf32>,
      %swap3A_1066 = arith.constant 528 : index
      %swap3A_1067 = tpu.vector_load %arg5[%swap3A_1066] {strides = array<i32>} : memref<720xf32, #tpu.memory_space<vmem>>, vector<16xf32>,
      tpu.vector_store %arg5[%swap3A_1066], %broadcast_in_dim3A_202 {strides = array<i32>} : memref<720xf32, #tpu.memory_space<vmem>>, vector<16xf32>,
      %swap3A_1068 = arith.constant 544 : index
      %swap3A_1069 = tpu.vector_load %arg5[%swap3A_1068] {strides = array<i32>} : memref<720xf32, #tpu.memory_space<vmem>>, vector<16xf32>,
      tpu.vector_store %arg5[%swap3A_1068], %broadcast_in_dim3A_202 {strides = array<i32>} : memref<720xf32, #tpu.memory_space<vmem>>, vector<16xf32>,
      %swap3A_1070 = arith.constant 560 : index
      %swap3A_1071 = tpu.vector_load %arg5[%swap3A_1070] {strides = array<i32>} : memref<720xf32, #tpu.memory_space<vmem>>, vector<16xf32>,
      tpu.vector_store %arg5[%swap3A_1070], %broadcast_in_dim3A_202 {strides = array<i32>} : memref<720xf32, #tpu.memory_space<vmem>>, vector<16xf32>,
      %swap3A_1072 = arith.constant 576 : index
      %swap3A_1073 = tpu.vector_load %arg5[%swap3A_1072] {strides = array<i32>} : memref<720xf32, #tpu.memory_space<vmem>>, vector<16xf32>,
      tpu.vector_store %arg5[%swap3A_1072], %broadcast_in_dim3A_202 {strides = array<i32>} : memref<720xf32, #tpu.memory_space<vmem>>, vector<16xf32>,
      %swap3A_1074 = arith.constant 592 : index
      %swap3A_1075 = tpu.vector_load %arg5[%swap3A_1074] {strides = array<i32>} : memref<720xf32, #tpu.memory_space<vmem>>, vector<16xf32>,
      tpu.vector_store %arg5[%swap3A_1074], %broadcast_in_dim3A_202 {strides = array<i32>} : memref<720xf32, #tpu.memory_space<vmem>>, vector<16xf32>,
      %swap3A_1076 = arith.constant 608 : index
      %swap3A_1077 = tpu.vector_load %arg5[%swap3A_1076] {strides = array<i32>} : memref<720xf32, #tpu.memory_space<vmem>>, vector<16xf32>,
      tpu.vector_store %arg5[%swap3A_1076], %broadcast_in_dim3A_202 {strides = array<i32>} : memref<720xf32, #tpu.memory_space<vmem>>, vector<16xf32>,
      %swap3A_1078 = arith.constant 624 : index
      %swap3A_1079 = tpu.vector_load %arg5[%swap3A_1078] {strides = array<i32>} : memref<720xf32, #tpu.memory_space<vmem>>, vector<16xf32>,
      tpu.vector_store %arg5[%swap3A_1078], %broadcast_in_dim3A_202 {strides = array<i32>} : memref<720xf32, #tpu.memory_space<vmem>>, vector<16xf32>,
      %swap3A_1080 = arith.constant 640 : index
      %swap3A_1081 = tpu.vector_load %arg5[%swap3A_1080] {strides = array<i32>} : memref<720xf32, #tpu.memory_space<vmem>>, vector<16xf32>,
      tpu.vector_store %arg5[%swap3A_1080], %broadcast_in_dim3A_202 {strides = array<i32>} : memref<720xf32, #tpu.memory_space<vmem>>, vector<16xf32>,
      %swap3A_1082 = arith.constant 656 : index
      %swap3A_1083 = tpu.vector_load %arg5[%swap3A_1082] {strides = array<i32>} : memref<720xf32, #tpu.memory_space<vmem>>, vector<16xf32>,
      tpu.vector_store %arg5[%swap3A_1082], %broadcast_in_dim3A_202 {strides = array<i32>} : memref<720xf32, #tpu.memory_space<vmem>>, vector<16xf32>,
      %swap3A_1084 = arith.constant 672 : index
      %swap3A_1085 = tpu.vector_load %arg5[%swap3A_1084] {strides = array<i32>} : memref<720xf32, #tpu.memory_space<vmem>>, vector<16xf32>,
      tpu.vector_store %arg5[%swap3A_1084], %broadcast_in_dim3A_202 {strides = array<i32>} : memref<720xf32, #tpu.memory_space<vmem>>, vector<16xf32>,
      %swap3A_1086 = arith.constant 688 : index
      %swap3A_1087 = tpu.vector_load %arg5[%swap3A_1086] {strides = array<i32>} : memref<720xf32, #tpu.memory_space<vmem>>, vector<16xf32>,
      tpu.vector_store %arg5[%swap3A_1086], %broadcast_in_dim3A_202 {strides = array<i32>} : memref<720xf32, #tpu.memory_space<vmem>>, vector<16xf32>,
      %swap3A_1088 = arith.constant 704 : index
      %swap3A_1089 = tpu.vector_load %arg5[%swap3A_1088] {strides = array<i32>} : memref<720xf32, #tpu.memory_space<vmem>>, vector<16xf32>,
      tpu.vector_store %arg5[%swap3A_1088], %broadcast_in_dim3A_202 {strides = array<i32>} : memref<720xf32, #tpu.memory_space<vmem>>, vector<16xf32>,
    } else {
    }
    %eq3A_215 = arith.constant 3 : i32
    %eq3A_216 = arith.cmpi eq, %select_n3A, %eq3A_215 : i32
    %convert_element_type3A_217 = arith.extui %eq3A_216 : i1 to i32
    %cond3A_218 = arith.constant 0 : i32
    %cond3A_219 = arith.cmpi ne, %convert_element_type3A_217, %cond3A_218 : i32
    scf.if %cond3A_219 {
      %swap3A = arith.constant 0 : index
      %swap3A_222 = tpu.vector_load %arg5[%swap3A] {strides = array<i32>} : memref<720xf32, #tpu.memory_space<vmem>>, vector<16xf32>,
      tpu.vector_store %arg5[%swap3A], %broadcast_in_dim3A_202 {strides = array<i32>} : memref<720xf32, #tpu.memory_space<vmem>>, vector<16xf32>,
      %swap3A_223 = arith.constant 16 : index
      %swap3A_224 = tpu.vector_load %arg5[%swap3A_223] {strides = array<i32>} : memref<720xf32, #tpu.memory_space<vmem>>, vector<16xf32>,
      tpu.vector_store %arg5[%swap3A_223], %broadcast_in_dim3A_202 {strides = array<i32>} : memref<720xf32, #tpu.memory_space<vmem>>, vector<16xf32>,
      %swap3A_225 = arith.constant 32 : index
      %swap3A_226 = tpu.vector_load %arg5[%swap3A_225] {strides = array<i32>} : memref<720xf32, #tpu.memory_space<vmem>>, vector<16xf32>,
      tpu.vector_store %arg5[%swap3A_225], %broadcast_in_dim3A_202 {strides = array<i32>} : memref<720xf32, #tpu.memory_space<vmem>>, vector<16xf32>,
      %swap3A_227 = arith.constant 48 : index
      %swap3A_228 = tpu.vector_load %arg5[%swap3A_227] {strides = array<i32>} : memref<720xf32, #tpu.memory_space<vmem>>, vector<16xf32>,
      tpu.vector_store %arg5[%swap3A_227], %broadcast_in_dim3A_202 {strides = array<i32>} : memref<720xf32, #tpu.memory_space<vmem>>, vector<16xf32>,
      %get3A = arith.constant 0 : i32
      %get3A_229 = arith.index_cast %get3A : i32 to index
      %get3A_230 = arith.index_cast %multiple_of3A : i32 to index
      %get3A_231 = tpu.vector_load %arg4[%get3A_229, %get3A_230] {strides = array<i32>} : memref<144x128xf32, #tpu.memory_space<vmem>>, vector<16xf32>,
      %abs3A = math.absf %get3A_231 : vector<16xf32>
      %get3A_232 = arith.constant 1 : i32
      %get3A_233 = arith.index_cast %get3A_232 : i32 to index
      %get3A_234 = arith.index_cast %multiple_of3A : i32 to index
      %get3A_235 = tpu.vector_load %arg4[%get3A_233, %get3A_234] {strides = array<i32>} : memref<144x128xf32, #tpu.memory_space<vmem>>, vector<16xf32>,
      %abs3A_236 = math.absf %get3A_235 : vector<16xf32>
      %get3A_237 = arith.constant 2 : i32
      %get3A_238 = arith.index_cast %get3A_237 : i32 to index
      %get3A_239 = arith.index_cast %multiple_of3A : i32 to index
      %get3A_240 = tpu.vector_load %arg4[%get3A_238, %get3A_239] {strides = array<i32>} : memref<144x128xf32, #tpu.memory_space<vmem>>, vector<16xf32>,
      %abs3A_241 = math.absf %get3A_240 : vector<16xf32>
      %get3A_242 = arith.constant 3 : i32
      %get3A_243 = arith.index_cast %get3A_242 : i32 to index
      %get3A_244 = arith.index_cast %multiple_of3A : i32 to index
      %get3A_245 = tpu.vector_load %arg4[%get3A_243, %get3A_244] {strides = array<i32>} : memref<144x128xf32, #tpu.memory_space<vmem>>, vector<16xf32>,
      %abs3A_246 = math.absf %get3A_245 : vector<16xf32>
      %add3A_247 = arith.addf %abs3A, %abs3A_246 : vector<16xf32>
      %get3A_248 = arith.constant 4 : i32
      %get3A_249 = arith.index_cast %get3A_248 : i32 to index
      %get3A_250 = arith.index_cast %multiple_of3A : i32 to index
      %get3A_251 = tpu.vector_load %arg4[%get3A_249, %get3A_250] {strides = array<i32>} : memref<144x128xf32, #tpu.memory_space<vmem>>, vector<16xf32>,
      %abs3A_252 = math.absf %get3A_251 : vector<16xf32>
      %add3A_253 = arith.addf %abs3A_236, %abs3A_252 : vector<16xf32>
      %get3A_254 = arith.constant 5 : i32
      %get3A_255 = arith.index_cast %get3A_254 : i32 to index
      %get3A_256 = arith.index_cast %multiple_of3A : i32 to index
      %get3A_257 = tpu.vector_load %arg4[%get3A_255, %get3A_256] {strides = array<i32>} : memref<144x128xf32, #tpu.memory_space<vmem>>, vector<16xf32>,
      %abs3A_258 = math.absf %get3A_257 : vector<16xf32>
      %add3A_259 = arith.addf %abs3A_241, %abs3A_258 : vector<16xf32>
      %add3A_260 = arith.addf %add3A_247, %add3A_253 : vector<16xf32>
      %add3A_261 = arith.addf %add3A_260, %add3A_259 : vector<16xf32>
      %swap3A_262 = arith.constant 64 : index
      %swap3A_263 = tpu.vector_load %arg5[%swap3A_262] {strides = array<i32>} : memref<720xf32, #tpu.memory_space<vmem>>, vector<16xf32>,
      tpu.vector_store %arg5[%swap3A_262], %add3A_261 {strides = array<i32>} : memref<720xf32, #tpu.memory_space<vmem>>, vector<16xf32>,
      %get3A_264 = arith.constant 10 : i32
      %get3A_265 = arith.index_cast %get3A_264 : i32 to index
      %get3A_266 = arith.index_cast %multiple_of3A : i32 to index
      %get3A_267 = tpu.vector_load %arg4[%get3A_265, %get3A_266] {strides = array<i32>} : memref<144x128xf32, #tpu.memory_space<vmem>>, vector<16xf32>,
      %abs3A_268 = math.absf %get3A_267 : vector<16xf32>
      %get3A_269 = arith.constant 11 : i32
      %get3A_270 = arith.index_cast %get3A_269 : i32 to index
      %get3A_271 = arith.index_cast %multiple_of3A : i32 to index
      %get3A_272 = tpu.vector_load %arg4[%get3A_270, %get3A_271] {strides = array<i32>} : memref<144x128xf32, #tpu.memory_space<vmem>>, vector<16xf32>,
      %abs3A_273 = math.absf %get3A_272 : vector<16xf32>
      %get3A_274 = arith.constant 12 : i32
      %get3A_275 = arith.index_cast %get3A_274 : i32 to index
      %get3A_276 = arith.index_cast %multiple_of3A : i32 to index
      %get3A_277 = tpu.vector_load %arg4[%get3A_275, %get3A_276] {strides = array<i32>} : memref<144x128xf32, #tpu.memory_space<vmem>>, vector<16xf32>,
      %abs3A_278 = math.absf %get3A_277 : vector<16xf32>
      %get3A_279 = arith.constant 13 : i32
      %get3A_280 = arith.index_cast %get3A_279 : i32 to index
      %get3A_281 = arith.index_cast %multiple_of3A : i32 to index
      %get3A_282 = tpu.vector_load %arg4[%get3A_280, %get3A_281] {strides = array<i32>} : memref<144x128xf32, #tpu.memory_space<vmem>>, vector<16xf32>,
      %abs3A_283 = math.absf %get3A_282 : vector<16xf32>
      %add3A_284 = arith.addf %abs3A_268, %abs3A_283 : vector<16xf32>
      %get3A_285 = arith.constant 14 : i32
      %get3A_286 = arith.index_cast %get3A_285 : i32 to index
      %get3A_287 = arith.index_cast %multiple_of3A : i32 to index
      %get3A_288 = tpu.vector_load %arg4[%get3A_286, %get3A_287] {strides = array<i32>} : memref<144x128xf32, #tpu.memory_space<vmem>>, vector<16xf32>,
      %abs3A_289 = math.absf %get3A_288 : vector<16xf32>
      %add3A_290 = arith.addf %abs3A_273, %abs3A_289 : vector<16xf32>
      %get3A_291 = arith.constant 15 : i32
      %get3A_292 = arith.index_cast %get3A_291 : i32 to index
      %get3A_293 = arith.index_cast %multiple_of3A : i32 to index
      %get3A_294 = tpu.vector_load %arg4[%get3A_292, %get3A_293] {strides = array<i32>} : memref<144x128xf32, #tpu.memory_space<vmem>>, vector<16xf32>,
      %abs3A_295 = math.absf %get3A_294 : vector<16xf32>
      %add3A_296 = arith.addf %abs3A_278, %abs3A_295 : vector<16xf32>
      %get3A_297 = arith.constant 16 : i32
      %get3A_298 = arith.index_cast %get3A_297 : i32 to index
      %get3A_299 = arith.index_cast %multiple_of3A : i32 to index
      %get3A_300 = tpu.vector_load %arg4[%get3A_298, %get3A_299] {strides = array<i32>} : memref<144x128xf32, #tpu.memory_space<vmem>>, vector<16xf32>,
      %abs3A_301 = math.absf %get3A_300 : vector<16xf32>
      %add3A_302 = arith.addf %add3A_284, %abs3A_301 : vector<16xf32>
      %get3A_303 = arith.constant 17 : i32
      %get3A_304 = arith.index_cast %get3A_303 : i32 to index
      %get3A_305 = arith.index_cast %multiple_of3A : i32 to index
      %get3A_306 = tpu.vector_load %arg4[%get3A_304, %get3A_305] {strides = array<i32>} : memref<144x128xf32, #tpu.memory_space<vmem>>, vector<16xf32>,
      %abs3A_307 = math.absf %get3A_306 : vector<16xf32>
      %add3A_308 = arith.addf %add3A_290, %abs3A_307 : vector<16xf32>
      %get3A_309 = arith.constant 18 : i32
      %get3A_310 = arith.index_cast %get3A_309 : i32 to index
      %get3A_311 = arith.index_cast %multiple_of3A : i32 to index
      %get3A_312 = tpu.vector_load %arg4[%get3A_310, %get3A_311] {strides = array<i32>} : memref<144x128xf32, #tpu.memory_space<vmem>>, vector<16xf32>,
      %abs3A_313 = math.absf %get3A_312 : vector<16xf32>
      %add3A_314 = arith.addf %add3A_296, %abs3A_313 : vector<16xf32>
      %get3A_315 = arith.constant 19 : i32
      %get3A_316 = arith.index_cast %get3A_315 : i32 to index
      %get3A_317 = arith.index_cast %multiple_of3A : i32 to index
      %get3A_318 = tpu.vector_load %arg4[%get3A_316, %get3A_317] {strides = array<i32>} : memref<144x128xf32, #tpu.memory_space<vmem>>, vector<16xf32>,
      %abs3A_319 = math.absf %get3A_318 : vector<16xf32>
      %add3A_320 = arith.addf %add3A_302, %abs3A_319 : vector<16xf32>
      %get3A_321 = arith.constant 20 : i32
      %get3A_322 = arith.index_cast %get3A_321 : i32 to index
      %get3A_323 = arith.index_cast %multiple_of3A : i32 to index
      %get3A_324 = tpu.vector_load %arg4[%get3A_322, %get3A_323] {strides = array<i32>} : memref<144x128xf32, #tpu.memory_space<vmem>>, vector<16xf32>,
      %abs3A_325 = math.absf %get3A_324 : vector<16xf32>
      %add3A_326 = arith.addf %add3A_308, %abs3A_325 : vector<16xf32>
      %get3A_327 = arith.constant 21 : i32
      %get3A_328 = arith.index_cast %get3A_327 : i32 to index
      %get3A_329 = arith.index_cast %multiple_of3A : i32 to index
      %get3A_330 = tpu.vector_load %arg4[%get3A_328, %get3A_329] {strides = array<i32>} : memref<144x128xf32, #tpu.memory_space<vmem>>, vector<16xf32>,
      %abs3A_331 = math.absf %get3A_330 : vector<16xf32>
      %add3A_332 = arith.addf %add3A_314, %abs3A_331 : vector<16xf32>
      %get3A_333 = arith.constant 22 : i32
      %get3A_334 = arith.index_cast %get3A_333 : i32 to index
      %get3A_335 = arith.index_cast %multiple_of3A : i32 to index
      %get3A_336 = tpu.vector_load %arg4[%get3A_334, %get3A_335] {strides = array<i32>} : memref<144x128xf32, #tpu.memory_space<vmem>>, vector<16xf32>,
      %abs3A_337 = math.absf %get3A_336 : vector<16xf32>
      %add3A_338 = arith.addf %add3A_320, %abs3A_337 : vector<16xf32>
      %get3A_339 = arith.constant 23 : i32
      %get3A_340 = arith.index_cast %get3A_339 : i32 to index
      %get3A_341 = arith.index_cast %multiple_of3A : i32 to index
      %get3A_342 = tpu.vector_load %arg4[%get3A_340, %get3A_341] {strides = array<i32>} : memref<144x128xf32, #tpu.memory_space<vmem>>, vector<16xf32>,
      %abs3A_343 = math.absf %get3A_342 : vector<16xf32>
      %add3A_344 = arith.addf %add3A_326, %abs3A_343 : vector<16xf32>
      %get3A_345 = arith.constant 24 : i32
      %get3A_346 = arith.index_cast %get3A_345 : i32 to index
      %get3A_347 = arith.index_cast %multiple_of3A : i32 to index
      %get3A_348 = tpu.vector_load %arg4[%get3A_346, %get3A_347] {strides = array<i32>} : memref<144x128xf32, #tpu.memory_space<vmem>>, vector<16xf32>,
      %abs3A_349 = math.absf %get3A_348 : vector<16xf32>
      %add3A_350 = arith.addf %add3A_332, %abs3A_349 : vector<16xf32>
      %get3A_351 = arith.constant 25 : i32
      %get3A_352 = arith.index_cast %get3A_351 : i32 to index
      %get3A_353 = arith.index_cast %multiple_of3A : i32 to index
      %get3A_354 = tpu.vector_load %arg4[%get3A_352, %get3A_353] {strides = array<i32>} : memref<144x128xf32, #tpu.memory_space<vmem>>, vector<16xf32>,
      %abs3A_355 = math.absf %get3A_354 : vector<16xf32>
      %add3A_356 = arith.addf %add3A_338, %abs3A_355 : vector<16xf32>
      %get3A_357 = arith.constant 26 : i32
      %get3A_358 = arith.index_cast %get3A_357 : i32 to index
      %get3A_359 = arith.index_cast %multiple_of3A : i32 to index
      %get3A_360 = tpu.vector_load %arg4[%get3A_358, %get3A_359] {strides = array<i32>} : memref<144x128xf32, #tpu.memory_space<vmem>>, vector<16xf32>,
      %abs3A_361 = math.absf %get3A_360 : vector<16xf32>
      %add3A_362 = arith.addf %add3A_344, %abs3A_361 : vector<16xf32>
      %get3A_363 = arith.constant 27 : i32
      %get3A_364 = arith.index_cast %get3A_363 : i32 to index
      %get3A_365 = arith.index_cast %multiple_of3A : i32 to index
      %get3A_366 = tpu.vector_load %arg4[%get3A_364, %get3A_365] {strides = array<i32>} : memref<144x128xf32, #tpu.memory_space<vmem>>, vector<16xf32>,
      %abs3A_367 = math.absf %get3A_366 : vector<16xf32>
      %add3A_368 = arith.addf %add3A_350, %abs3A_367 : vector<16xf32>
      %get3A_369 = arith.constant 28 : i32
      %get3A_370 = arith.index_cast %get3A_369 : i32 to index
      %get3A_371 = arith.index_cast %multiple_of3A : i32 to index
      %get3A_372 = tpu.vector_load %arg4[%get3A_370, %get3A_371] {strides = array<i32>} : memref<144x128xf32, #tpu.memory_space<vmem>>, vector<16xf32>,
      %abs3A_373 = math.absf %get3A_372 : vector<16xf32>
      %add3A_374 = arith.addf %add3A_356, %abs3A_373 : vector<16xf32>
      %get3A_375 = arith.constant 29 : i32
      %get3A_376 = arith.index_cast %get3A_375 : i32 to index
      %get3A_377 = arith.index_cast %multiple_of3A : i32 to index
      %get3A_378 = tpu.vector_load %arg4[%get3A_376, %get3A_377] {strides = array<i32>} : memref<144x128xf32, #tpu.memory_space<vmem>>, vector<16xf32>,
      %abs3A_379 = math.absf %get3A_378 : vector<16xf32>
      %add3A_380 = arith.addf %add3A_362, %abs3A_379 : vector<16xf32>
      %get3A_381 = arith.constant 30 : i32
      %get3A_382 = arith.index_cast %get3A_381 : i32 to index
      %get3A_383 = arith.index_cast %multiple_of3A : i32 to index
      %get3A_384 = tpu.vector_load %arg4[%get3A_382, %get3A_383] {strides = array<i32>} : memref<144x128xf32, #tpu.memory_space<vmem>>, vector<16xf32>,
      %abs3A_385 = math.absf %get3A_384 : vector<16xf32>
      %add3A_386 = arith.addf %add3A_368, %abs3A_385 : vector<16xf32>
      %get3A_387 = arith.constant 31 : i32
      %get3A_388 = arith.index_cast %get3A_387 : i32 to index
      %get3A_389 = arith.index_cast %multiple_of3A : i32 to index
      %get3A_390 = tpu.vector_load %arg4[%get3A_388, %get3A_389] {strides = array<i32>} : memref<144x128xf32, #tpu.memory_space<vmem>>, vector<16xf32>,
      %abs3A_391 = math.absf %get3A_390 : vector<16xf32>
      %add3A_392 = arith.addf %add3A_374, %abs3A_391 : vector<16xf32>
      %get3A_393 = arith.constant 32 : i32
      %get3A_394 = arith.index_cast %get3A_393 : i32 to index
      %get3A_395 = arith.index_cast %multiple_of3A : i32 to index
      %get3A_396 = tpu.vector_load %arg4[%get3A_394, %get3A_395] {strides = array<i32>} : memref<144x128xf32, #tpu.memory_space<vmem>>, vector<16xf32>,
      %abs3A_397 = math.absf %get3A_396 : vector<16xf32>
      %add3A_398 = arith.addf %add3A_380, %abs3A_397 : vector<16xf32>
      %get3A_399 = arith.constant 33 : i32
      %get3A_400 = arith.index_cast %get3A_399 : i32 to index
      %get3A_401 = arith.index_cast %multiple_of3A : i32 to index
      %get3A_402 = tpu.vector_load %arg4[%get3A_400, %get3A_401] {strides = array<i32>} : memref<144x128xf32, #tpu.memory_space<vmem>>, vector<16xf32>,
      %abs3A_403 = math.absf %get3A_402 : vector<16xf32>
      %add3A_404 = arith.addf %add3A_386, %abs3A_403 : vector<16xf32>
      %add3A_405 = arith.addf %add3A_392, %add3A_398 : vector<16xf32>
      %add3A_406 = arith.addf %add3A_405, %add3A_404 : vector<16xf32>
      %swap3A_407 = arith.constant 80 : index
      %swap3A_408 = tpu.vector_load %arg5[%swap3A_407] {strides = array<i32>} : memref<720xf32, #tpu.memory_space<vmem>>, vector<16xf32>,
      tpu.vector_store %arg5[%swap3A_407], %add3A_406 {strides = array<i32>} : memref<720xf32, #tpu.memory_space<vmem>>, vector<16xf32>,
      %get3A_409 = arith.constant 39 : i32
      %get3A_410 = arith.index_cast %get3A_409 : i32 to index
      %get3A_411 = arith.index_cast %multiple_of3A : i32 to index
      %get3A_412 = tpu.vector_load %arg4[%get3A_410, %get3A_411] {strides = array<i32>} : memref<144x128xf32, #tpu.memory_space<vmem>>, vector<16xf32>,
      %abs3A_413 = math.absf %get3A_412 : vector<16xf32>
      %get3A_414 = arith.constant 40 : i32
      %get3A_415 = arith.index_cast %get3A_414 : i32 to index
      %get3A_416 = arith.index_cast %multiple_of3A : i32 to index
      %get3A_417 = tpu.vector_load %arg4[%get3A_415, %get3A_416] {strides = array<i32>} : memref<144x128xf32, #tpu.memory_space<vmem>>, vector<16xf32>,
      %abs3A_418 = math.absf %get3A_417 : vector<16xf32>
      %get3A_419 = arith.constant 41 : i32
      %get3A_420 = arith.index_cast %get3A_419 : i32 to index
      %get3A_421 = arith.index_cast %multiple_of3A : i32 to index
      %get3A_422 = tpu.vector_load %arg4[%get3A_420, %get3A_421] {strides = array<i32>} : memref<144x128xf32, #tpu.memory_space<vmem>>, vector<16xf32>,
      %abs3A_423 = math.absf %get3A_422 : vector<16xf32>
      %get3A_424 = arith.constant 42 : i32
      %get3A_425 = arith.index_cast %get3A_424 : i32 to index
      %get3A_426 = arith.index_cast %multiple_of3A : i32 to index
      %get3A_427 = tpu.vector_load %arg4[%get3A_425, %get3A_426] {strides = array<i32>} : memref<144x128xf32, #tpu.memory_space<vmem>>, vector<16xf32>,
      %abs3A_428 = math.absf %get3A_427 : vector<16xf32>
      %add3A_429 = arith.addf %abs3A_413, %abs3A_428 : vector<16xf32>
      %get3A_430 = arith.constant 43 : i32
      %get3A_431 = arith.index_cast %get3A_430 : i32 to index
      %get3A_432 = arith.index_cast %multiple_of3A : i32 to index
      %get3A_433 = tpu.vector_load %arg4[%get3A_431, %get3A_432] {strides = array<i32>} : memref<144x128xf32, #tpu.memory_space<vmem>>, vector<16xf32>,
      %abs3A_434 = math.absf %get3A_433 : vector<16xf32>
      %add3A_435 = arith.addf %abs3A_418, %abs3A_434 : vector<16xf32>
      %get3A_436 = arith.constant 44 : i32
      %get3A_437 = arith.index_cast %get3A_436 : i32 to index
      %get3A_438 = arith.index_cast %multiple_of3A : i32 to index
      %get3A_439 = tpu.vector_load %arg4[%get3A_437, %get3A_438] {strides = array<i32>} : memref<144x128xf32, #tpu.memory_space<vmem>>, vector<16xf32>,
      %abs3A_440 = math.absf %get3A_439 : vector<16xf32>
      %add3A_441 = arith.addf %abs3A_423, %abs3A_440 : vector<16xf32>
      %get3A_442 = arith.constant 45 : i32
      %get3A_443 = arith.index_cast %get3A_442 : i32 to index
      %get3A_444 = arith.index_cast %multiple_of3A : i32 to index
      %get3A_445 = tpu.vector_load %arg4[%get3A_443, %get3A_444] {strides = array<i32>} : memref<144x128xf32, #tpu.memory_space<vmem>>, vector<16xf32>,
      %abs3A_446 = math.absf %get3A_445 : vector<16xf32>
      %add3A_447 = arith.addf %add3A_429, %abs3A_446 : vector<16xf32>
      %get3A_448 = arith.constant 46 : i32
      %get3A_449 = arith.index_cast %get3A_448 : i32 to index
      %get3A_450 = arith.index_cast %multiple_of3A : i32 to index
      %get3A_451 = tpu.vector_load %arg4[%get3A_449, %get3A_450] {strides = array<i32>} : memref<144x128xf32, #tpu.memory_space<vmem>>, vector<16xf32>,
      %abs3A_452 = math.absf %get3A_451 : vector<16xf32>
      %add3A_453 = arith.addf %add3A_435, %abs3A_452 : vector<16xf32>
      %get3A_454 = arith.constant 47 : i32
      %get3A_455 = arith.index_cast %get3A_454 : i32 to index
      %get3A_456 = arith.index_cast %multiple_of3A : i32 to index
      %get3A_457 = tpu.vector_load %arg4[%get3A_455, %get3A_456] {strides = array<i32>} : memref<144x128xf32, #tpu.memory_space<vmem>>, vector<16xf32>,
      %abs3A_458 = math.absf %get3A_457 : vector<16xf32>
      %add3A_459 = arith.addf %add3A_441, %abs3A_458 : vector<16xf32>
      %get3A_460 = arith.constant 48 : i32
      %get3A_461 = arith.index_cast %get3A_460 : i32 to index
      %get3A_462 = arith.index_cast %multiple_of3A : i32 to index
      %get3A_463 = tpu.vector_load %arg4[%get3A_461, %get3A_462] {strides = array<i32>} : memref<144x128xf32, #tpu.memory_space<vmem>>, vector<16xf32>,
      %abs3A_464 = math.absf %get3A_463 : vector<16xf32>
      %add3A_465 = arith.addf %add3A_447, %abs3A_464 : vector<16xf32>
      %get3A_466 = arith.constant 49 : i32
      %get3A_467 = arith.index_cast %get3A_466 : i32 to index
      %get3A_468 = arith.index_cast %multiple_of3A : i32 to index
      %get3A_469 = tpu.vector_load %arg4[%get3A_467, %get3A_468] {strides = array<i32>} : memref<144x128xf32, #tpu.memory_space<vmem>>, vector<16xf32>,
      %abs3A_470 = math.absf %get3A_469 : vector<16xf32>
      %add3A_471 = arith.addf %add3A_453, %abs3A_470 : vector<16xf32>
      %get3A_472 = arith.constant 50 : i32
      %get3A_473 = arith.index_cast %get3A_472 : i32 to index
      %get3A_474 = arith.index_cast %multiple_of3A : i32 to index
      %get3A_475 = tpu.vector_load %arg4[%get3A_473, %get3A_474] {strides = array<i32>} : memref<144x128xf32, #tpu.memory_space<vmem>>, vector<16xf32>,
      %abs3A_476 = math.absf %get3A_475 : vector<16xf32>
      %add3A_477 = arith.addf %add3A_459, %abs3A_476 : vector<16xf32>
      %get3A_478 = arith.constant 51 : i32
      %get3A_479 = arith.index_cast %get3A_478 : i32 to index
      %get3A_480 = arith.index_cast %multiple_of3A : i32 to index
      %get3A_481 = tpu.vector_load %arg4[%get3A_479, %get3A_480] {strides = array<i32>} : memref<144x128xf32, #tpu.memory_space<vmem>>, vector<16xf32>,
      %abs3A_482 = math.absf %get3A_481 : vector<16xf32>
      %add3A_483 = arith.addf %add3A_465, %abs3A_482 : vector<16xf32>
      %get3A_484 = arith.constant 52 : i32
      %get3A_485 = arith.index_cast %get3A_484 : i32 to index
      %get3A_486 = arith.index_cast %multiple_of3A : i32 to index
      %get3A_487 = tpu.vector_load %arg4[%get3A_485, %get3A_486] {strides = array<i32>} : memref<144x128xf32, #tpu.memory_space<vmem>>, vector<16xf32>,
      %abs3A_488 = math.absf %get3A_487 : vector<16xf32>
      %add3A_489 = arith.addf %add3A_471, %abs3A_488 : vector<16xf32>
      %get3A_490 = arith.constant 53 : i32
      %get3A_491 = arith.index_cast %get3A_490 : i32 to index
      %get3A_492 = arith.index_cast %multiple_of3A : i32 to index
      %get3A_493 = tpu.vector_load %arg4[%get3A_491, %get3A_492] {strides = array<i32>} : memref<144x128xf32, #tpu.memory_space<vmem>>, vector<16xf32>,
      %abs3A_494 = math.absf %get3A_493 : vector<16xf32>
      %add3A_495 = arith.addf %add3A_477, %abs3A_494 : vector<16xf32>
      %get3A_496 = arith.constant 54 : i32
      %get3A_497 = arith.index_cast %get3A_496 : i32 to index
      %get3A_498 = arith.index_cast %multiple_of3A : i32 to index
      %get3A_499 = tpu.vector_load %arg4[%get3A_497, %get3A_498] {strides = array<i32>} : memref<144x128xf32, #tpu.memory_space<vmem>>, vector<16xf32>,
      %abs3A_500 = math.absf %get3A_499 : vector<16xf32>
      %add3A_501 = arith.addf %add3A_483, %abs3A_500 : vector<16xf32>
      %get3A_502 = arith.constant 55 : i32
      %get3A_503 = arith.index_cast %get3A_502 : i32 to index
      %get3A_504 = arith.index_cast %multiple_of3A : i32 to index
      %get3A_505 = tpu.vector_load %arg4[%get3A_503, %get3A_504] {strides = array<i32>} : memref<144x128xf32, #tpu.memory_space<vmem>>, vector<16xf32>,
      %abs3A_506 = math.absf %get3A_505 : vector<16xf32>
      %add3A_507 = arith.addf %add3A_489, %abs3A_506 : vector<16xf32>
      %get3A_508 = arith.constant 56 : i32
      %get3A_509 = arith.index_cast %get3A_508 : i32 to index
      %get3A_510 = arith.index_cast %multiple_of3A : i32 to index
      %get3A_511 = tpu.vector_load %arg4[%get3A_509, %get3A_510] {strides = array<i32>} : memref<144x128xf32, #tpu.memory_space<vmem>>, vector<16xf32>,
      %abs3A_512 = math.absf %get3A_511 : vector<16xf32>
      %add3A_513 = arith.addf %add3A_495, %abs3A_512 : vector<16xf32>
      %get3A_514 = arith.constant 57 : i32
      %get3A_515 = arith.index_cast %get3A_514 : i32 to index
      %get3A_516 = arith.index_cast %multiple_of3A : i32 to index
      %get3A_517 = tpu.vector_load %arg4[%get3A_515, %get3A_516] {strides = array<i32>} : memref<144x128xf32, #tpu.memory_space<vmem>>, vector<16xf32>,
      %abs3A_518 = math.absf %get3A_517 : vector<16xf32>
      %add3A_519 = arith.addf %add3A_501, %abs3A_518 : vector<16xf32>
      %get3A_520 = arith.constant 58 : i32
      %get3A_521 = arith.index_cast %get3A_520 : i32 to index
      %get3A_522 = arith.index_cast %multiple_of3A : i32 to index
      %get3A_523 = tpu.vector_load %arg4[%get3A_521, %get3A_522] {strides = array<i32>} : memref<144x128xf32, #tpu.memory_space<vmem>>, vector<16xf32>,
      %abs3A_524 = math.absf %get3A_523 : vector<16xf32>
      %add3A_525 = arith.addf %add3A_507, %abs3A_524 : vector<16xf32>
      %get3A_526 = arith.constant 59 : i32
      %get3A_527 = arith.index_cast %get3A_526 : i32 to index
      %get3A_528 = arith.index_cast %multiple_of3A : i32 to index
      %get3A_529 = tpu.vector_load %arg4[%get3A_527, %get3A_528] {strides = array<i32>} : memref<144x128xf32, #tpu.memory_space<vmem>>, vector<16xf32>,
      %abs3A_530 = math.absf %get3A_529 : vector<16xf32>
      %add3A_531 = arith.addf %add3A_513, %abs3A_530 : vector<16xf32>
      %get3A_532 = arith.constant 60 : i32
      %get3A_533 = arith.index_cast %get3A_532 : i32 to index
      %get3A_534 = arith.index_cast %multiple_of3A : i32 to index
      %get3A_535 = tpu.vector_load %arg4[%get3A_533, %get3A_534] {strides = array<i32>} : memref<144x128xf32, #tpu.memory_space<vmem>>, vector<16xf32>,
      %abs3A_536 = math.absf %get3A_535 : vector<16xf32>
      %add3A_537 = arith.addf %add3A_519, %abs3A_536 : vector<16xf32>
      %get3A_538 = arith.constant 61 : i32
      %get3A_539 = arith.index_cast %get3A_538 : i32 to index
      %get3A_540 = arith.index_cast %multiple_of3A : i32 to index
      %get3A_541 = tpu.vector_load %arg4[%get3A_539, %get3A_540] {strides = array<i32>} : memref<144x128xf32, #tpu.memory_space<vmem>>, vector<16xf32>,
      %abs3A_542 = math.absf %get3A_541 : vector<16xf32>
      %add3A_543 = arith.addf %add3A_525, %abs3A_542 : vector<16xf32>
      %get3A_544 = arith.constant 62 : i32
      %get3A_545 = arith.index_cast %get3A_544 : i32 to index
      %get3A_546 = arith.index_cast %multiple_of3A : i32 to index
      %get3A_547 = tpu.vector_load %arg4[%get3A_545, %get3A_546] {strides = array<i32>} : memref<144x128xf32, #tpu.memory_space<vmem>>, vector<16xf32>,
      %abs3A_548 = math.absf %get3A_547 : vector<16xf32>
      %add3A_549 = arith.addf %add3A_531, %abs3A_548 : vector<16xf32>
      %add3A_550 = arith.addf %add3A_537, %add3A_543 : vector<16xf32>
      %add3A_551 = arith.addf %add3A_550, %add3A_549 : vector<16xf32>
      %swap3A_552 = arith.constant 96 : index
      %swap3A_553 = tpu.vector_load %arg5[%swap3A_552] {strides = array<i32>} : memref<720xf32, #tpu.memory_space<vmem>>, vector<16xf32>,
      tpu.vector_store %arg5[%swap3A_552], %add3A_551 {strides = array<i32>} : memref<720xf32, #tpu.memory_space<vmem>>, vector<16xf32>,
      %get3A_554 = arith.constant 69 : i32
      %get3A_555 = arith.index_cast %get3A_554 : i32 to index
      %get3A_556 = arith.index_cast %multiple_of3A : i32 to index
      %get3A_557 = tpu.vector_load %arg4[%get3A_555, %get3A_556] {strides = array<i32>} : memref<144x128xf32, #tpu.memory_space<vmem>>, vector<16xf32>,
      %abs3A_558 = math.absf %get3A_557 : vector<16xf32>
      %get3A_559 = arith.constant 70 : i32
      %get3A_560 = arith.index_cast %get3A_559 : i32 to index
      %get3A_561 = arith.index_cast %multiple_of3A : i32 to index
      %get3A_562 = tpu.vector_load %arg4[%get3A_560, %get3A_561] {strides = array<i32>} : memref<144x128xf32, #tpu.memory_space<vmem>>, vector<16xf32>,
      %abs3A_563 = math.absf %get3A_562 : vector<16xf32>
      %get3A_564 = arith.constant 71 : i32
      %get3A_565 = arith.index_cast %get3A_564 : i32 to index
      %get3A_566 = arith.index_cast %multiple_of3A : i32 to index
      %get3A_567 = tpu.vector_load %arg4[%get3A_565, %get3A_566] {strides = array<i32>} : memref<144x128xf32, #tpu.memory_space<vmem>>, vector<16xf32>,
      %abs3A_568 = math.absf %get3A_567 : vector<16xf32>
      %get3A_569 = arith.constant 72 : i32
      %get3A_570 = arith.index_cast %get3A_569 : i32 to index
      %get3A_571 = arith.index_cast %multiple_of3A : i32 to index
      %get3A_572 = tpu.vector_load %arg4[%get3A_570, %get3A_571] {strides = array<i32>} : memref<144x128xf32, #tpu.memory_space<vmem>>, vector<16xf32>,
      %abs3A_573 = math.absf %get3A_572 : vector<16xf32>
      %add3A_574 = arith.addf %abs3A_558, %abs3A_573 : vector<16xf32>
      %get3A_575 = arith.constant 73 : i32
      %get3A_576 = arith.index_cast %get3A_575 : i32 to index
      %get3A_577 = arith.index_cast %multiple_of3A : i32 to index
      %get3A_578 = tpu.vector_load %arg4[%get3A_576, %get3A_577] {strides = array<i32>} : memref<144x128xf32, #tpu.memory_space<vmem>>, vector<16xf32>,
      %abs3A_579 = math.absf %get3A_578 : vector<16xf32>
      %add3A_580 = arith.addf %abs3A_563, %abs3A_579 : vector<16xf32>
      %get3A_581 = arith.constant 74 : i32
      %get3A_582 = arith.index_cast %get3A_581 : i32 to index
      %get3A_583 = arith.index_cast %multiple_of3A : i32 to index
      %get3A_584 = tpu.vector_load %arg4[%get3A_582, %get3A_583] {strides = array<i32>} : memref<144x128xf32, #tpu.memory_space<vmem>>, vector<16xf32>,
      %abs3A_585 = math.absf %get3A_584 : vector<16xf32>
      %add3A_586 = arith.addf %abs3A_568, %abs3A_585 : vector<16xf32>
      %get3A_587 = arith.constant 75 : i32
      %get3A_588 = arith.index_cast %get3A_587 : i32 to index
      %get3A_589 = arith.index_cast %multiple_of3A : i32 to index
      %get3A_590 = tpu.vector_load %arg4[%get3A_588, %get3A_589] {strides = array<i32>} : memref<144x128xf32, #tpu.memory_space<vmem>>, vector<16xf32>,
      %abs3A_591 = math.absf %get3A_590 : vector<16xf32>
      %add3A_592 = arith.addf %add3A_574, %abs3A_591 : vector<16xf32>
      %get3A_593 = arith.constant 76 : i32
      %get3A_594 = arith.index_cast %get3A_593 : i32 to index
      %get3A_595 = arith.index_cast %multiple_of3A : i32 to index
      %get3A_596 = tpu.vector_load %arg4[%get3A_594, %get3A_595] {strides = array<i32>} : memref<144x128xf32, #tpu.memory_space<vmem>>, vector<16xf32>,
      %abs3A_597 = math.absf %get3A_596 : vector<16xf32>
      %add3A_598 = arith.addf %add3A_580, %abs3A_597 : vector<16xf32>
      %get3A_599 = arith.constant 77 : i32
      %get3A_600 = arith.index_cast %get3A_599 : i32 to index
      %get3A_601 = arith.index_cast %multiple_of3A : i32 to index
      %get3A_602 = tpu.vector_load %arg4[%get3A_600, %get3A_601] {strides = array<i32>} : memref<144x128xf32, #tpu.memory_space<vmem>>, vector<16xf32>,
      %abs3A_603 = math.absf %get3A_602 : vector<16xf32>
      %add3A_604 = arith.addf %add3A_586, %abs3A_603 : vector<16xf32>
      %get3A_605 = arith.constant 78 : i32
      %get3A_606 = arith.index_cast %get3A_605 : i32 to index
      %get3A_607 = arith.index_cast %multiple_of3A : i32 to index
      %get3A_608 = tpu.vector_load %arg4[%get3A_606, %get3A_607] {strides = array<i32>} : memref<144x128xf32, #tpu.memory_space<vmem>>, vector<16xf32>,
      %abs3A_609 = math.absf %get3A_608 : vector<16xf32>
      %add3A_610 = arith.addf %add3A_592, %abs3A_609 : vector<16xf32>
      %get3A_611 = arith.constant 79 : i32
      %get3A_612 = arith.index_cast %get3A_611 : i32 to index
      %get3A_613 = arith.index_cast %multiple_of3A : i32 to index
      %get3A_614 = tpu.vector_load %arg4[%get3A_612, %get3A_613] {strides = array<i32>} : memref<144x128xf32, #tpu.memory_space<vmem>>, vector<16xf32>,
      %abs3A_615 = math.absf %get3A_614 : vector<16xf32>
      %add3A_616 = arith.addf %add3A_598, %abs3A_615 : vector<16xf32>
      %get3A_617 = arith.constant 80 : i32
      %get3A_618 = arith.index_cast %get3A_617 : i32 to index
      %get3A_619 = arith.index_cast %multiple_of3A : i32 to index
      %get3A_620 = tpu.vector_load %arg4[%get3A_618, %get3A_619] {strides = array<i32>} : memref<144x128xf32, #tpu.memory_space<vmem>>, vector<16xf32>,
      %abs3A_621 = math.absf %get3A_620 : vector<16xf32>
      %add3A_622 = arith.addf %add3A_604, %abs3A_621 : vector<16xf32>
      %get3A_623 = arith.constant 81 : i32
      %get3A_624 = arith.index_cast %get3A_623 : i32 to index
      %get3A_625 = arith.index_cast %multiple_of3A : i32 to index
      %get3A_626 = tpu.vector_load %arg4[%get3A_624, %get3A_625] {strides = array<i32>} : memref<144x128xf32, #tpu.memory_space<vmem>>, vector<16xf32>,
      %abs3A_627 = math.absf %get3A_626 : vector<16xf32>
      %add3A_628 = arith.addf %add3A_610, %abs3A_627 : vector<16xf32>
      %get3A_629 = arith.constant 82 : i32
      %get3A_630 = arith.index_cast %get3A_629 : i32 to index
      %get3A_631 = arith.index_cast %multiple_of3A : i32 to index
      %get3A_632 = tpu.vector_load %arg4[%get3A_630, %get3A_631] {strides = array<i32>} : memref<144x128xf32, #tpu.memory_space<vmem>>, vector<16xf32>,
      %abs3A_633 = math.absf %get3A_632 : vector<16xf32>
      %add3A_634 = arith.addf %add3A_616, %abs3A_633 : vector<16xf32>
      %get3A_635 = arith.constant 83 : i32
      %get3A_636 = arith.index_cast %get3A_635 : i32 to index
      %get3A_637 = arith.index_cast %multiple_of3A : i32 to index
      %get3A_638 = tpu.vector_load %arg4[%get3A_636, %get3A_637] {strides = array<i32>} : memref<144x128xf32, #tpu.memory_space<vmem>>, vector<16xf32>,
      %abs3A_639 = math.absf %get3A_638 : vector<16xf32>
      %add3A_640 = arith.addf %add3A_622, %abs3A_639 : vector<16xf32>
      %get3A_641 = arith.constant 84 : i32
      %get3A_642 = arith.index_cast %get3A_641 : i32 to index
      %get3A_643 = arith.index_cast %multiple_of3A : i32 to index
      %get3A_644 = tpu.vector_load %arg4[%get3A_642, %get3A_643] {strides = array<i32>} : memref<144x128xf32, #tpu.memory_space<vmem>>, vector<16xf32>,
      %abs3A_645 = math.absf %get3A_644 : vector<16xf32>
      %add3A_646 = arith.addf %add3A_628, %abs3A_645 : vector<16xf32>
      %get3A_647 = arith.constant 85 : i32
      %get3A_648 = arith.index_cast %get3A_647 : i32 to index
      %get3A_649 = arith.index_cast %multiple_of3A : i32 to index
      %get3A_650 = tpu.vector_load %arg4[%get3A_648, %get3A_649] {strides = array<i32>} : memref<144x128xf32, #tpu.memory_space<vmem>>, vector<16xf32>,
      %abs3A_651 = math.absf %get3A_650 : vector<16xf32>
      %add3A_652 = arith.addf %add3A_634, %abs3A_651 : vector<16xf32>
      %get3A_653 = arith.constant 86 : i32
      %get3A_654 = arith.index_cast %get3A_653 : i32 to index
      %get3A_655 = arith.index_cast %multiple_of3A : i32 to index
      %get3A_656 = tpu.vector_load %arg4[%get3A_654, %get3A_655] {strides = array<i32>} : memref<144x128xf32, #tpu.memory_space<vmem>>, vector<16xf32>,
      %abs3A_657 = math.absf %get3A_656 : vector<16xf32>
      %add3A_658 = arith.addf %add3A_640, %abs3A_657 : vector<16xf32>
      %get3A_659 = arith.constant 87 : i32
      %get3A_660 = arith.index_cast %get3A_659 : i32 to index
      %get3A_661 = arith.index_cast %multiple_of3A : i32 to index
      %get3A_662 = tpu.vector_load %arg4[%get3A_660, %get3A_661] {strides = array<i32>} : memref<144x128xf32, #tpu.memory_space<vmem>>, vector<16xf32>,
      %abs3A_663 = math.absf %get3A_662 : vector<16xf32>
      %add3A_664 = arith.addf %add3A_646, %abs3A_663 : vector<16xf32>
      %get3A_665 = arith.constant 88 : i32
      %get3A_666 = arith.index_cast %get3A_665 : i32 to index
      %get3A_667 = arith.index_cast %multiple_of3A : i32 to index
      %get3A_668 = tpu.vector_load %arg4[%get3A_666, %get3A_667] {strides = array<i32>} : memref<144x128xf32, #tpu.memory_space<vmem>>, vector<16xf32>,
      %abs3A_669 = math.absf %get3A_668 : vector<16xf32>
      %add3A_670 = arith.addf %add3A_652, %abs3A_669 : vector<16xf32>
      %get3A_671 = arith.constant 89 : i32
      %get3A_672 = arith.index_cast %get3A_671 : i32 to index
      %get3A_673 = arith.index_cast %multiple_of3A : i32 to index
      %get3A_674 = tpu.vector_load %arg4[%get3A_672, %get3A_673] {strides = array<i32>} : memref<144x128xf32, #tpu.memory_space<vmem>>, vector<16xf32>,
      %abs3A_675 = math.absf %get3A_674 : vector<16xf32>
      %add3A_676 = arith.addf %add3A_658, %abs3A_675 : vector<16xf32>
      %get3A_677 = arith.constant 90 : i32
      %get3A_678 = arith.index_cast %get3A_677 : i32 to index
      %get3A_679 = arith.index_cast %multiple_of3A : i32 to index
      %get3A_680 = tpu.vector_load %arg4[%get3A_678, %get3A_679] {strides = array<i32>} : memref<144x128xf32, #tpu.memory_space<vmem>>, vector<16xf32>,
      %abs3A_681 = math.absf %get3A_680 : vector<16xf32>
      %add3A_682 = arith.addf %add3A_664, %abs3A_681 : vector<16xf32>
      %get3A_683 = arith.constant 91 : i32
      %get3A_684 = arith.index_cast %get3A_683 : i32 to index
      %get3A_685 = arith.index_cast %multiple_of3A : i32 to index
      %get3A_686 = tpu.vector_load %arg4[%get3A_684, %get3A_685] {strides = array<i32>} : memref<144x128xf32, #tpu.memory_space<vmem>>, vector<16xf32>,
      %abs3A_687 = math.absf %get3A_686 : vector<16xf32>
      %add3A_688 = arith.addf %add3A_670, %abs3A_687 : vector<16xf32>
      %get3A_689 = arith.constant 92 : i32
      %get3A_690 = arith.index_cast %get3A_689 : i32 to index
      %get3A_691 = arith.index_cast %multiple_of3A : i32 to index
      %get3A_692 = tpu.vector_load %arg4[%get3A_690, %get3A_691] {strides = array<i32>} : memref<144x128xf32, #tpu.memory_space<vmem>>, vector<16xf32>,
      %abs3A_693 = math.absf %get3A_692 : vector<16xf32>
      %add3A_694 = arith.addf %add3A_676, %abs3A_693 : vector<16xf32>
      %add3A_695 = arith.addf %add3A_682, %add3A_688 : vector<16xf32>
      %add3A_696 = arith.addf %add3A_695, %add3A_694 : vector<16xf32>
      %swap3A_697 = arith.constant 112 : index
      %swap3A_698 = tpu.vector_load %arg5[%swap3A_697] {strides = array<i32>} : memref<720xf32, #tpu.memory_space<vmem>>, vector<16xf32>,
      tpu.vector_store %arg5[%swap3A_697], %add3A_696 {strides = array<i32>} : memref<720xf32, #tpu.memory_space<vmem>>, vector<16xf32>,
      %get3A_699 = arith.constant 100 : i32
      %get3A_700 = arith.index_cast %get3A_699 : i32 to index
      %get3A_701 = arith.index_cast %multiple_of3A : i32 to index
      %get3A_702 = tpu.vector_load %arg4[%get3A_700, %get3A_701] {strides = array<i32>} : memref<144x128xf32, #tpu.memory_space<vmem>>, vector<16xf32>,
      %abs3A_703 = math.absf %get3A_702 : vector<16xf32>
      %get3A_704 = arith.constant 101 : i32
      %get3A_705 = arith.index_cast %get3A_704 : i32 to index
      %get3A_706 = arith.index_cast %multiple_of3A : i32 to index
      %get3A_707 = tpu.vector_load %arg4[%get3A_705, %get3A_706] {strides = array<i32>} : memref<144x128xf32, #tpu.memory_space<vmem>>, vector<16xf32>,
      %abs3A_708 = math.absf %get3A_707 : vector<16xf32>
      %get3A_709 = arith.constant 102 : i32
      %get3A_710 = arith.index_cast %get3A_709 : i32 to index
      %get3A_711 = arith.index_cast %multiple_of3A : i32 to index
      %get3A_712 = tpu.vector_load %arg4[%get3A_710, %get3A_711] {strides = array<i32>} : memref<144x128xf32, #tpu.memory_space<vmem>>, vector<16xf32>,
      %abs3A_713 = math.absf %get3A_712 : vector<16xf32>
      %get3A_714 = arith.constant 103 : i32
      %get3A_715 = arith.index_cast %get3A_714 : i32 to index
      %get3A_716 = arith.index_cast %multiple_of3A : i32 to index
      %get3A_717 = tpu.vector_load %arg4[%get3A_715, %get3A_716] {strides = array<i32>} : memref<144x128xf32, #tpu.memory_space<vmem>>, vector<16xf32>,
      %abs3A_718 = math.absf %get3A_717 : vector<16xf32>
      %add3A_719 = arith.addf %abs3A_703, %abs3A_718 : vector<16xf32>
      %get3A_720 = arith.constant 104 : i32
      %get3A_721 = arith.index_cast %get3A_720 : i32 to index
      %get3A_722 = arith.index_cast %multiple_of3A : i32 to index
      %get3A_723 = tpu.vector_load %arg4[%get3A_721, %get3A_722] {strides = array<i32>} : memref<144x128xf32, #tpu.memory_space<vmem>>, vector<16xf32>,
      %abs3A_724 = math.absf %get3A_723 : vector<16xf32>
      %add3A_725 = arith.addf %abs3A_708, %abs3A_724 : vector<16xf32>
      %get3A_726 = arith.constant 105 : i32
      %get3A_727 = arith.index_cast %get3A_726 : i32 to index
      %get3A_728 = arith.index_cast %multiple_of3A : i32 to index
      %get3A_729 = tpu.vector_load %arg4[%get3A_727, %get3A_728] {strides = array<i32>} : memref<144x128xf32, #tpu.memory_space<vmem>>, vector<16xf32>,
      %abs3A_730 = math.absf %get3A_729 : vector<16xf32>
      %add3A_731 = arith.addf %abs3A_713, %abs3A_730 : vector<16xf32>
      %get3A_732 = arith.constant 106 : i32
      %get3A_733 = arith.index_cast %get3A_732 : i32 to index
      %get3A_734 = arith.index_cast %multiple_of3A : i32 to index
      %get3A_735 = tpu.vector_load %arg4[%get3A_733, %get3A_734] {strides = array<i32>} : memref<144x128xf32, #tpu.memory_space<vmem>>, vector<16xf32>,
      %abs3A_736 = math.absf %get3A_735 : vector<16xf32>
      %add3A_737 = arith.addf %add3A_719, %abs3A_736 : vector<16xf32>
      %get3A_738 = arith.constant 107 : i32
      %get3A_739 = arith.index_cast %get3A_738 : i32 to index
      %get3A_740 = arith.index_cast %multiple_of3A : i32 to index
      %get3A_741 = tpu.vector_load %arg4[%get3A_739, %get3A_740] {strides = array<i32>} : memref<144x128xf32, #tpu.memory_space<vmem>>, vector<16xf32>,
      %abs3A_742 = math.absf %get3A_741 : vector<16xf32>
      %add3A_743 = arith.addf %add3A_725, %abs3A_742 : vector<16xf32>
      %get3A_744 = arith.constant 108 : i32
      %get3A_745 = arith.index_cast %get3A_744 : i32 to index
      %get3A_746 = arith.index_cast %multiple_of3A : i32 to index
      %get3A_747 = tpu.vector_load %arg4[%get3A_745, %get3A_746] {strides = array<i32>} : memref<144x128xf32, #tpu.memory_space<vmem>>, vector<16xf32>,
      %abs3A_748 = math.absf %get3A_747 : vector<16xf32>
      %add3A_749 = arith.addf %add3A_731, %abs3A_748 : vector<16xf32>
      %get3A_750 = arith.constant 109 : i32
      %get3A_751 = arith.index_cast %get3A_750 : i32 to index
      %get3A_752 = arith.index_cast %multiple_of3A : i32 to index
      %get3A_753 = tpu.vector_load %arg4[%get3A_751, %get3A_752] {strides = array<i32>} : memref<144x128xf32, #tpu.memory_space<vmem>>, vector<16xf32>,
      %abs3A_754 = math.absf %get3A_753 : vector<16xf32>
      %add3A_755 = arith.addf %add3A_737, %abs3A_754 : vector<16xf32>
      %get3A_756 = arith.constant 110 : i32
      %get3A_757 = arith.index_cast %get3A_756 : i32 to index
      %get3A_758 = arith.index_cast %multiple_of3A : i32 to index
      %get3A_759 = tpu.vector_load %arg4[%get3A_757, %get3A_758] {strides = array<i32>} : memref<144x128xf32, #tpu.memory_space<vmem>>, vector<16xf32>,
      %abs3A_760 = math.absf %get3A_759 : vector<16xf32>
      %add3A_761 = arith.addf %add3A_743, %abs3A_760 : vector<16xf32>
      %get3A_762 = arith.constant 111 : i32
      %get3A_763 = arith.index_cast %get3A_762 : i32 to index
      %get3A_764 = arith.index_cast %multiple_of3A : i32 to index
      %get3A_765 = tpu.vector_load %arg4[%get3A_763, %get3A_764] {strides = array<i32>} : memref<144x128xf32, #tpu.memory_space<vmem>>, vector<16xf32>,
      %abs3A_766 = math.absf %get3A_765 : vector<16xf32>
      %add3A_767 = arith.addf %add3A_749, %abs3A_766 : vector<16xf32>
      %get3A_768 = arith.constant 112 : i32
      %get3A_769 = arith.index_cast %get3A_768 : i32 to index
      %get3A_770 = arith.index_cast %multiple_of3A : i32 to index
      %get3A_771 = tpu.vector_load %arg4[%get3A_769, %get3A_770] {strides = array<i32>} : memref<144x128xf32, #tpu.memory_space<vmem>>, vector<16xf32>,
      %abs3A_772 = math.absf %get3A_771 : vector<16xf32>
      %add3A_773 = arith.addf %add3A_755, %abs3A_772 : vector<16xf32>
      %get3A_774 = arith.constant 113 : i32
      %get3A_775 = arith.index_cast %get3A_774 : i32 to index
      %get3A_776 = arith.index_cast %multiple_of3A : i32 to index
      %get3A_777 = tpu.vector_load %arg4[%get3A_775, %get3A_776] {strides = array<i32>} : memref<144x128xf32, #tpu.memory_space<vmem>>, vector<16xf32>,
      %abs3A_778 = math.absf %get3A_777 : vector<16xf32>
      %add3A_779 = arith.addf %add3A_761, %abs3A_778 : vector<16xf32>
      %get3A_780 = arith.constant 114 : i32
      %get3A_781 = arith.index_cast %get3A_780 : i32 to index
      %get3A_782 = arith.index_cast %multiple_of3A : i32 to index
      %get3A_783 = tpu.vector_load %arg4[%get3A_781, %get3A_782] {strides = array<i32>} : memref<144x128xf32, #tpu.memory_space<vmem>>, vector<16xf32>,
      %abs3A_784 = math.absf %get3A_783 : vector<16xf32>
      %add3A_785 = arith.addf %add3A_767, %abs3A_784 : vector<16xf32>
      %get3A_786 = arith.constant 115 : i32
      %get3A_787 = arith.index_cast %get3A_786 : i32 to index
      %get3A_788 = arith.index_cast %multiple_of3A : i32 to index
      %get3A_789 = tpu.vector_load %arg4[%get3A_787, %get3A_788] {strides = array<i32>} : memref<144x128xf32, #tpu.memory_space<vmem>>, vector<16xf32>,
      %abs3A_790 = math.absf %get3A_789 : vector<16xf32>
      %add3A_791 = arith.addf %add3A_773, %abs3A_790 : vector<16xf32>
      %get3A_792 = arith.constant 116 : i32
      %get3A_793 = arith.index_cast %get3A_792 : i32 to index
      %get3A_794 = arith.index_cast %multiple_of3A : i32 to index
      %get3A_795 = tpu.vector_load %arg4[%get3A_793, %get3A_794] {strides = array<i32>} : memref<144x128xf32, #tpu.memory_space<vmem>>, vector<16xf32>,
      %abs3A_796 = math.absf %get3A_795 : vector<16xf32>
      %add3A_797 = arith.addf %add3A_779, %abs3A_796 : vector<16xf32>
      %get3A_798 = arith.constant 117 : i32
      %get3A_799 = arith.index_cast %get3A_798 : i32 to index
      %get3A_800 = arith.index_cast %multiple_of3A : i32 to index
      %get3A_801 = tpu.vector_load %arg4[%get3A_799, %get3A_800] {strides = array<i32>} : memref<144x128xf32, #tpu.memory_space<vmem>>, vector<16xf32>,
      %abs3A_802 = math.absf %get3A_801 : vector<16xf32>
      %add3A_803 = arith.addf %add3A_785, %abs3A_802 : vector<16xf32>
      %get3A_804 = arith.constant 118 : i32
      %get3A_805 = arith.index_cast %get3A_804 : i32 to index
      %get3A_806 = arith.index_cast %multiple_of3A : i32 to index
      %get3A_807 = tpu.vector_load %arg4[%get3A_805, %get3A_806] {strides = array<i32>} : memref<144x128xf32, #tpu.memory_space<vmem>>, vector<16xf32>,
      %abs3A_808 = math.absf %get3A_807 : vector<16xf32>
      %add3A_809 = arith.addf %add3A_791, %abs3A_808 : vector<16xf32>
      %get3A_810 = arith.constant 119 : i32
      %get3A_811 = arith.index_cast %get3A_810 : i32 to index
      %get3A_812 = arith.index_cast %multiple_of3A : i32 to index
      %get3A_813 = tpu.vector_load %arg4[%get3A_811, %get3A_812] {strides = array<i32>} : memref<144x128xf32, #tpu.memory_space<vmem>>, vector<16xf32>,
      %abs3A_814 = math.absf %get3A_813 : vector<16xf32>
      %add3A_815 = arith.addf %add3A_797, %abs3A_814 : vector<16xf32>
      %get3A_816 = arith.constant 120 : i32
      %get3A_817 = arith.index_cast %get3A_816 : i32 to index
      %get3A_818 = arith.index_cast %multiple_of3A : i32 to index
      %get3A_819 = tpu.vector_load %arg4[%get3A_817, %get3A_818] {strides = array<i32>} : memref<144x128xf32, #tpu.memory_space<vmem>>, vector<16xf32>,
      %abs3A_820 = math.absf %get3A_819 : vector<16xf32>
      %add3A_821 = arith.addf %add3A_803, %abs3A_820 : vector<16xf32>
      %get3A_822 = arith.constant 121 : i32
      %get3A_823 = arith.index_cast %get3A_822 : i32 to index
      %get3A_824 = arith.index_cast %multiple_of3A : i32 to index
      %get3A_825 = tpu.vector_load %arg4[%get3A_823, %get3A_824] {strides = array<i32>} : memref<144x128xf32, #tpu.memory_space<vmem>>, vector<16xf32>,
      %abs3A_826 = math.absf %get3A_825 : vector<16xf32>
      %add3A_827 = arith.addf %add3A_809, %abs3A_826 : vector<16xf32>
      %get3A_828 = arith.constant 122 : i32
      %get3A_829 = arith.index_cast %get3A_828 : i32 to index
      %get3A_830 = arith.index_cast %multiple_of3A : i32 to index
      %get3A_831 = tpu.vector_load %arg4[%get3A_829, %get3A_830] {strides = array<i32>} : memref<144x128xf32, #tpu.memory_space<vmem>>, vector<16xf32>,
      %abs3A_832 = math.absf %get3A_831 : vector<16xf32>
      %add3A_833 = arith.addf %add3A_815, %abs3A_832 : vector<16xf32>
      %get3A_834 = arith.constant 123 : i32
      %get3A_835 = arith.index_cast %get3A_834 : i32 to index
      %get3A_836 = arith.index_cast %multiple_of3A : i32 to index
      %get3A_837 = tpu.vector_load %arg4[%get3A_835, %get3A_836] {strides = array<i32>} : memref<144x128xf32, #tpu.memory_space<vmem>>, vector<16xf32>,
      %abs3A_838 = math.absf %get3A_837 : vector<16xf32>
      %add3A_839 = arith.addf %add3A_821, %abs3A_838 : vector<16xf32>
      %add3A_840 = arith.addf %add3A_827, %add3A_833 : vector<16xf32>
      %add3A_841 = arith.addf %add3A_840, %add3A_839 : vector<16xf32>
      %swap3A_842 = arith.constant 128 : index
      %swap3A_843 = tpu.vector_load %arg5[%swap3A_842] {strides = array<i32>} : memref<720xf32, #tpu.memory_space<vmem>>, vector<16xf32>,
      tpu.vector_store %arg5[%swap3A_842], %add3A_841 {strides = array<i32>} : memref<720xf32, #tpu.memory_space<vmem>>, vector<16xf32>,
      %swap3A_844 = arith.constant 144 : index
      %swap3A_845 = tpu.vector_load %arg5[%swap3A_844] {strides = array<i32>} : memref<720xf32, #tpu.memory_space<vmem>>, vector<16xf32>,
      tpu.vector_store %arg5[%swap3A_844], %broadcast_in_dim3A_202 {strides = array<i32>} : memref<720xf32, #tpu.memory_space<vmem>>, vector<16xf32>,
      %swap3A_846 = arith.constant 160 : index
      %swap3A_847 = tpu.vector_load %arg5[%swap3A_846] {strides = array<i32>} : memref<720xf32, #tpu.memory_space<vmem>>, vector<16xf32>,
      tpu.vector_store %arg5[%swap3A_846], %broadcast_in_dim3A_202 {strides = array<i32>} : memref<720xf32, #tpu.memory_space<vmem>>, vector<16xf32>,
      %swap3A_848 = arith.constant 176 : index
      %swap3A_849 = tpu.vector_load %arg5[%swap3A_848] {strides = array<i32>} : memref<720xf32, #tpu.memory_space<vmem>>, vector<16xf32>,
      tpu.vector_store %arg5[%swap3A_848], %broadcast_in_dim3A_202 {strides = array<i32>} : memref<720xf32, #tpu.memory_space<vmem>>, vector<16xf32>,
      %swap3A_850 = arith.constant 192 : index
      %swap3A_851 = tpu.vector_load %arg5[%swap3A_850] {strides = array<i32>} : memref<720xf32, #tpu.memory_space<vmem>>, vector<16xf32>,
      tpu.vector_store %arg5[%swap3A_850], %broadcast_in_dim3A_202 {strides = array<i32>} : memref<720xf32, #tpu.memory_space<vmem>>, vector<16xf32>,
      %swap3A_852 = arith.constant 208 : index
      %swap3A_853 = tpu.vector_load %arg5[%swap3A_852] {strides = array<i32>} : memref<720xf32, #tpu.memory_space<vmem>>, vector<16xf32>,
      tpu.vector_store %arg5[%swap3A_852], %broadcast_in_dim3A_202 {strides = array<i32>} : memref<720xf32, #tpu.memory_space<vmem>>, vector<16xf32>,
      %swap3A_854 = arith.constant 224 : index
      %swap3A_855 = tpu.vector_load %arg5[%swap3A_854] {strides = array<i32>} : memref<720xf32, #tpu.memory_space<vmem>>, vector<16xf32>,
      tpu.vector_store %arg5[%swap3A_854], %broadcast_in_dim3A_202 {strides = array<i32>} : memref<720xf32, #tpu.memory_space<vmem>>, vector<16xf32>,
      %get3A_856 = arith.constant 6 : i32
      %get3A_857 = arith.index_cast %get3A_856 : i32 to index
      %get3A_858 = arith.index_cast %multiple_of3A : i32 to index
      %get3A_859 = tpu.vector_load %arg4[%get3A_857, %get3A_858] {strides = array<i32>} : memref<144x128xf32, #tpu.memory_space<vmem>>, vector<16xf32>,
      %abs3A_860 = math.absf %get3A_859 : vector<16xf32>
      %swap3A_861 = arith.constant 240 : index
      %swap3A_862 = tpu.vector_load %arg5[%swap3A_861] {strides = array<i32>} : memref<720xf32, #tpu.memory_space<vmem>>, vector<16xf32>,
      tpu.vector_store %arg5[%swap3A_861], %abs3A_860 {strides = array<i32>} : memref<720xf32, #tpu.memory_space<vmem>>, vector<16xf32>,
      %get3A_863 = arith.constant 7 : i32
      %get3A_864 = arith.index_cast %get3A_863 : i32 to index
      %get3A_865 = arith.index_cast %multiple_of3A : i32 to index
      %get3A_866 = tpu.vector_load %arg4[%get3A_864, %get3A_865] {strides = array<i32>} : memref<144x128xf32, #tpu.memory_space<vmem>>, vector<16xf32>,
      %abs3A_867 = math.absf %get3A_866 : vector<16xf32>
      %swap3A_868 = arith.constant 256 : index
      %swap3A_869 = tpu.vector_load %arg5[%swap3A_868] {strides = array<i32>} : memref<720xf32, #tpu.memory_space<vmem>>, vector<16xf32>,
      tpu.vector_store %arg5[%swap3A_868], %abs3A_867 {strides = array<i32>} : memref<720xf32, #tpu.memory_space<vmem>>, vector<16xf32>,
      %get3A_870 = arith.constant 8 : i32
      %get3A_871 = arith.index_cast %get3A_870 : i32 to index
      %get3A_872 = arith.index_cast %multiple_of3A : i32 to index
      %get3A_873 = tpu.vector_load %arg4[%get3A_871, %get3A_872] {strides = array<i32>} : memref<144x128xf32, #tpu.memory_space<vmem>>, vector<16xf32>,
      %abs3A_874 = math.absf %get3A_873 : vector<16xf32>
      %swap3A_875 = arith.constant 272 : index
      %swap3A_876 = tpu.vector_load %arg5[%swap3A_875] {strides = array<i32>} : memref<720xf32, #tpu.memory_space<vmem>>, vector<16xf32>,
      tpu.vector_store %arg5[%swap3A_875], %abs3A_874 {strides = array<i32>} : memref<720xf32, #tpu.memory_space<vmem>>, vector<16xf32>,
      %get3A_877 = arith.constant 9 : i32
      %get3A_878 = arith.index_cast %get3A_877 : i32 to index
      %get3A_879 = arith.index_cast %multiple_of3A : i32 to index
      %get3A_880 = tpu.vector_load %arg4[%get3A_878, %get3A_879] {strides = array<i32>} : memref<144x128xf32, #tpu.memory_space<vmem>>, vector<16xf32>,
      %abs3A_881 = math.absf %get3A_880 : vector<16xf32>
      %swap3A_882 = arith.constant 288 : index
      %swap3A_883 = tpu.vector_load %arg5[%swap3A_882] {strides = array<i32>} : memref<720xf32, #tpu.memory_space<vmem>>, vector<16xf32>,
      tpu.vector_store %arg5[%swap3A_882], %abs3A_881 {strides = array<i32>} : memref<720xf32, #tpu.memory_space<vmem>>, vector<16xf32>,
      %get3A_884 = arith.constant 34 : i32
      %get3A_885 = arith.index_cast %get3A_884 : i32 to index
      %get3A_886 = arith.index_cast %multiple_of3A : i32 to index
      %get3A_887 = tpu.vector_load %arg4[%get3A_885, %get3A_886] {strides = array<i32>} : memref<144x128xf32, #tpu.memory_space<vmem>>, vector<16xf32>,
      %abs3A_888 = math.absf %get3A_887 : vector<16xf32>
      %swap3A_889 = arith.constant 304 : index
      %swap3A_890 = tpu.vector_load %arg5[%swap3A_889] {strides = array<i32>} : memref<720xf32, #tpu.memory_space<vmem>>, vector<16xf32>,
      tpu.vector_store %arg5[%swap3A_889], %abs3A_888 {strides = array<i32>} : memref<720xf32, #tpu.memory_space<vmem>>, vector<16xf32>,
      %get3A_891 = arith.constant 35 : i32
      %get3A_892 = arith.index_cast %get3A_891 : i32 to index
      %get3A_893 = arith.index_cast %multiple_of3A : i32 to index
      %get3A_894 = tpu.vector_load %arg4[%get3A_892, %get3A_893] {strides = array<i32>} : memref<144x128xf32, #tpu.memory_space<vmem>>, vector<16xf32>,
      %abs3A_895 = math.absf %get3A_894 : vector<16xf32>
      %swap3A_896 = arith.constant 320 : index
      %swap3A_897 = tpu.vector_load %arg5[%swap3A_896] {strides = array<i32>} : memref<720xf32, #tpu.memory_space<vmem>>, vector<16xf32>,
      tpu.vector_store %arg5[%swap3A_896], %abs3A_895 {strides = array<i32>} : memref<720xf32, #tpu.memory_space<vmem>>, vector<16xf32>,
      %get3A_898 = arith.constant 36 : i32
      %get3A_899 = arith.index_cast %get3A_898 : i32 to index
      %get3A_900 = arith.index_cast %multiple_of3A : i32 to index
      %get3A_901 = tpu.vector_load %arg4[%get3A_899, %get3A_900] {strides = array<i32>} : memref<144x128xf32, #tpu.memory_space<vmem>>, vector<16xf32>,
      %abs3A_902 = math.absf %get3A_901 : vector<16xf32>
      %swap3A_903 = arith.constant 336 : index
      %swap3A_904 = tpu.vector_load %arg5[%swap3A_903] {strides = array<i32>} : memref<720xf32, #tpu.memory_space<vmem>>, vector<16xf32>,
      tpu.vector_store %arg5[%swap3A_903], %abs3A_902 {strides = array<i32>} : memref<720xf32, #tpu.memory_space<vmem>>, vector<16xf32>,
      %get3A_905 = arith.constant 37 : i32
      %get3A_906 = arith.index_cast %get3A_905 : i32 to index
      %get3A_907 = arith.index_cast %multiple_of3A : i32 to index
      %get3A_908 = tpu.vector_load %arg4[%get3A_906, %get3A_907] {strides = array<i32>} : memref<144x128xf32, #tpu.memory_space<vmem>>, vector<16xf32>,
      %abs3A_909 = math.absf %get3A_908 : vector<16xf32>
      %swap3A_910 = arith.constant 352 : index
      %swap3A_911 = tpu.vector_load %arg5[%swap3A_910] {strides = array<i32>} : memref<720xf32, #tpu.memory_space<vmem>>, vector<16xf32>,
      tpu.vector_store %arg5[%swap3A_910], %abs3A_909 {strides = array<i32>} : memref<720xf32, #tpu.memory_space<vmem>>, vector<16xf32>,
      %get3A_912 = arith.constant 38 : i32
      %get3A_913 = arith.index_cast %get3A_912 : i32 to index
      %get3A_914 = arith.index_cast %multiple_of3A : i32 to index
      %get3A_915 = tpu.vector_load %arg4[%get3A_913, %get3A_914] {strides = array<i32>} : memref<144x128xf32, #tpu.memory_space<vmem>>, vector<16xf32>,
      %abs3A_916 = math.absf %get3A_915 : vector<16xf32>
      %swap3A_917 = arith.constant 368 : index
      %swap3A_918 = tpu.vector_load %arg5[%swap3A_917] {strides = array<i32>} : memref<720xf32, #tpu.memory_space<vmem>>, vector<16xf32>,
      tpu.vector_store %arg5[%swap3A_917], %abs3A_916 {strides = array<i32>} : memref<720xf32, #tpu.memory_space<vmem>>, vector<16xf32>,
      %get3A_919 = arith.constant 63 : i32
      %get3A_920 = arith.index_cast %get3A_919 : i32 to index
      %get3A_921 = arith.index_cast %multiple_of3A : i32 to index
      %get3A_922 = tpu.vector_load %arg4[%get3A_920, %get3A_921] {strides = array<i32>} : memref<144x128xf32, #tpu.memory_space<vmem>>, vector<16xf32>,
      %abs3A_923 = math.absf %get3A_922 : vector<16xf32>
      %swap3A_924 = arith.constant 384 : index
      %swap3A_925 = tpu.vector_load %arg5[%swap3A_924] {strides = array<i32>} : memref<720xf32, #tpu.memory_space<vmem>>, vector<16xf32>,
      tpu.vector_store %arg5[%swap3A_924], %abs3A_923 {strides = array<i32>} : memref<720xf32, #tpu.memory_space<vmem>>, vector<16xf32>,
      %get3A_926 = arith.constant 64 : i32
      %get3A_927 = arith.index_cast %get3A_926 : i32 to index
      %get3A_928 = arith.index_cast %multiple_of3A : i32 to index
      %get3A_929 = tpu.vector_load %arg4[%get3A_927, %get3A_928] {strides = array<i32>} : memref<144x128xf32, #tpu.memory_space<vmem>>, vector<16xf32>,
      %abs3A_930 = math.absf %get3A_929 : vector<16xf32>
      %swap3A_931 = arith.constant 400 : index
      %swap3A_932 = tpu.vector_load %arg5[%swap3A_931] {strides = array<i32>} : memref<720xf32, #tpu.memory_space<vmem>>, vector<16xf32>,
      tpu.vector_store %arg5[%swap3A_931], %abs3A_930 {strides = array<i32>} : memref<720xf32, #tpu.memory_space<vmem>>, vector<16xf32>,
      %get3A_933 = arith.constant 65 : i32
      %get3A_934 = arith.index_cast %get3A_933 : i32 to index
      %get3A_935 = arith.index_cast %multiple_of3A : i32 to index
      %get3A_936 = tpu.vector_load %arg4[%get3A_934, %get3A_935] {strides = array<i32>} : memref<144x128xf32, #tpu.memory_space<vmem>>, vector<16xf32>,
      %abs3A_937 = math.absf %get3A_936 : vector<16xf32>
      %swap3A_938 = arith.constant 416 : index
      %swap3A_939 = tpu.vector_load %arg5[%swap3A_938] {strides = array<i32>} : memref<720xf32, #tpu.memory_space<vmem>>, vector<16xf32>,
      tpu.vector_store %arg5[%swap3A_938], %abs3A_937 {strides = array<i32>} : memref<720xf32, #tpu.memory_space<vmem>>, vector<16xf32>,
      %get3A_940 = arith.constant 66 : i32
      %get3A_941 = arith.index_cast %get3A_940 : i32 to index
      %get3A_942 = arith.index_cast %multiple_of3A : i32 to index
      %get3A_943 = tpu.vector_load %arg4[%get3A_941, %get3A_942] {strides = array<i32>} : memref<144x128xf32, #tpu.memory_space<vmem>>, vector<16xf32>,
      %abs3A_944 = math.absf %get3A_943 : vector<16xf32>
      %swap3A_945 = arith.constant 432 : index
      %swap3A_946 = tpu.vector_load %arg5[%swap3A_945] {strides = array<i32>} : memref<720xf32, #tpu.memory_space<vmem>>, vector<16xf32>,
      tpu.vector_store %arg5[%swap3A_945], %abs3A_944 {strides = array<i32>} : memref<720xf32, #tpu.memory_space<vmem>>, vector<16xf32>,
      %get3A_947 = arith.constant 67 : i32
      %get3A_948 = arith.index_cast %get3A_947 : i32 to index
      %get3A_949 = arith.index_cast %multiple_of3A : i32 to index
      %get3A_950 = tpu.vector_load %arg4[%get3A_948, %get3A_949] {strides = array<i32>} : memref<144x128xf32, #tpu.memory_space<vmem>>, vector<16xf32>,
      %abs3A_951 = math.absf %get3A_950 : vector<16xf32>
      %swap3A_952 = arith.constant 448 : index
      %swap3A_953 = tpu.vector_load %arg5[%swap3A_952] {strides = array<i32>} : memref<720xf32, #tpu.memory_space<vmem>>, vector<16xf32>,
      tpu.vector_store %arg5[%swap3A_952], %abs3A_951 {strides = array<i32>} : memref<720xf32, #tpu.memory_space<vmem>>, vector<16xf32>,
      %get3A_954 = arith.constant 68 : i32
      %get3A_955 = arith.index_cast %get3A_954 : i32 to index
      %get3A_956 = arith.index_cast %multiple_of3A : i32 to index
      %get3A_957 = tpu.vector_load %arg4[%get3A_955, %get3A_956] {strides = array<i32>} : memref<144x128xf32, #tpu.memory_space<vmem>>, vector<16xf32>,
      %abs3A_958 = math.absf %get3A_957 : vector<16xf32>
      %swap3A_959 = arith.constant 464 : index
      %swap3A_960 = tpu.vector_load %arg5[%swap3A_959] {strides = array<i32>} : memref<720xf32, #tpu.memory_space<vmem>>, vector<16xf32>,
      tpu.vector_store %arg5[%swap3A_959], %abs3A_958 {strides = array<i32>} : memref<720xf32, #tpu.memory_space<vmem>>, vector<16xf32>,
      %get3A_961 = arith.constant 93 : i32
      %get3A_962 = arith.index_cast %get3A_961 : i32 to index
      %get3A_963 = arith.index_cast %multiple_of3A : i32 to index
      %get3A_964 = tpu.vector_load %arg4[%get3A_962, %get3A_963] {strides = array<i32>} : memref<144x128xf32, #tpu.memory_space<vmem>>, vector<16xf32>,
      %abs3A_965 = math.absf %get3A_964 : vector<16xf32>
      %swap3A_966 = arith.constant 480 : index
      %swap3A_967 = tpu.vector_load %arg5[%swap3A_966] {strides = array<i32>} : memref<720xf32, #tpu.memory_space<vmem>>, vector<16xf32>,
      tpu.vector_store %arg5[%swap3A_966], %abs3A_965 {strides = array<i32>} : memref<720xf32, #tpu.memory_space<vmem>>, vector<16xf32>,
      %get3A_968 = arith.constant 94 : i32
      %get3A_969 = arith.index_cast %get3A_968 : i32 to index
      %get3A_970 = arith.index_cast %multiple_of3A : i32 to index
      %get3A_971 = tpu.vector_load %arg4[%get3A_969, %get3A_970] {strides = array<i32>} : memref<144x128xf32, #tpu.memory_space<vmem>>, vector<16xf32>,
      %abs3A_972 = math.absf %get3A_971 : vector<16xf32>
      %swap3A_973 = arith.constant 496 : index
      %swap3A_974 = tpu.vector_load %arg5[%swap3A_973] {strides = array<i32>} : memref<720xf32, #tpu.memory_space<vmem>>, vector<16xf32>,
      tpu.vector_store %arg5[%swap3A_973], %abs3A_972 {strides = array<i32>} : memref<720xf32, #tpu.memory_space<vmem>>, vector<16xf32>,
      %get3A_975 = arith.constant 95 : i32
      %get3A_976 = arith.index_cast %get3A_975 : i32 to index
      %get3A_977 = arith.index_cast %multiple_of3A : i32 to index
      %get3A_978 = tpu.vector_load %arg4[%get3A_976, %get3A_977] {strides = array<i32>} : memref<144x128xf32, #tpu.memory_space<vmem>>, vector<16xf32>,
      %abs3A_979 = math.absf %get3A_978 : vector<16xf32>
      %swap3A_980 = arith.constant 512 : index
      %swap3A_981 = tpu.vector_load %arg5[%swap3A_980] {strides = array<i32>} : memref<720xf32, #tpu.memory_space<vmem>>, vector<16xf32>,
      tpu.vector_store %arg5[%swap3A_980], %abs3A_979 {strides = array<i32>} : memref<720xf32, #tpu.memory_space<vmem>>, vector<16xf32>,
      %get3A_982 = arith.constant 96 : i32
      %get3A_983 = arith.index_cast %get3A_982 : i32 to index
      %get3A_984 = arith.index_cast %multiple_of3A : i32 to index
      %get3A_985 = tpu.vector_load %arg4[%get3A_983, %get3A_984] {strides = array<i32>} : memref<144x128xf32, #tpu.memory_space<vmem>>, vector<16xf32>,
      %abs3A_986 = math.absf %get3A_985 : vector<16xf32>
      %swap3A_987 = arith.constant 528 : index
      %swap3A_988 = tpu.vector_load %arg5[%swap3A_987] {strides = array<i32>} : memref<720xf32, #tpu.memory_space<vmem>>, vector<16xf32>,
      tpu.vector_store %arg5[%swap3A_987], %abs3A_986 {strides = array<i32>} : memref<720xf32, #tpu.memory_space<vmem>>, vector<16xf32>,
      %get3A_989 = arith.constant 97 : i32
      %get3A_990 = arith.index_cast %get3A_989 : i32 to index
      %get3A_991 = arith.index_cast %multiple_of3A : i32 to index
      %get3A_992 = tpu.vector_load %arg4[%get3A_990, %get3A_991] {strides = array<i32>} : memref<144x128xf32, #tpu.memory_space<vmem>>, vector<16xf32>,
      %abs3A_993 = math.absf %get3A_992 : vector<16xf32>
      %swap3A_994 = arith.constant 544 : index
      %swap3A_995 = tpu.vector_load %arg5[%swap3A_994] {strides = array<i32>} : memref<720xf32, #tpu.memory_space<vmem>>, vector<16xf32>,
      tpu.vector_store %arg5[%swap3A_994], %abs3A_993 {strides = array<i32>} : memref<720xf32, #tpu.memory_space<vmem>>, vector<16xf32>,
      %get3A_996 = arith.constant 98 : i32
      %get3A_997 = arith.index_cast %get3A_996 : i32 to index
      %get3A_998 = arith.index_cast %multiple_of3A : i32 to index
      %get3A_999 = tpu.vector_load %arg4[%get3A_997, %get3A_998] {strides = array<i32>} : memref<144x128xf32, #tpu.memory_space<vmem>>, vector<16xf32>,
      %abs3A_1000 = math.absf %get3A_999 : vector<16xf32>
      %swap3A_1001 = arith.constant 560 : index
      %swap3A_1002 = tpu.vector_load %arg5[%swap3A_1001] {strides = array<i32>} : memref<720xf32, #tpu.memory_space<vmem>>, vector<16xf32>,
      tpu.vector_store %arg5[%swap3A_1001], %abs3A_1000 {strides = array<i32>} : memref<720xf32, #tpu.memory_space<vmem>>, vector<16xf32>,
      %get3A_1003 = arith.constant 99 : i32
      %get3A_1004 = arith.index_cast %get3A_1003 : i32 to index
      %get3A_1005 = arith.index_cast %multiple_of3A : i32 to index
      %get3A_1006 = tpu.vector_load %arg4[%get3A_1004, %get3A_1005] {strides = array<i32>} : memref<144x128xf32, #tpu.memory_space<vmem>>, vector<16xf32>,
      %abs3A_1007 = math.absf %get3A_1006 : vector<16xf32>
      %swap3A_1008 = arith.constant 576 : index
      %swap3A_1009 = tpu.vector_load %arg5[%swap3A_1008] {strides = array<i32>} : memref<720xf32, #tpu.memory_space<vmem>>, vector<16xf32>,
      tpu.vector_store %arg5[%swap3A_1008], %abs3A_1007 {strides = array<i32>} : memref<720xf32, #tpu.memory_space<vmem>>, vector<16xf32>,
      %get3A_1010 = arith.constant 124 : i32
      %get3A_1011 = arith.index_cast %get3A_1010 : i32 to index
      %get3A_1012 = arith.index_cast %multiple_of3A : i32 to index
      %get3A_1013 = tpu.vector_load %arg4[%get3A_1011, %get3A_1012] {strides = array<i32>} : memref<144x128xf32, #tpu.memory_space<vmem>>, vector<16xf32>,
      %abs3A_1014 = math.absf %get3A_1013 : vector<16xf32>
      %swap3A_1015 = arith.constant 592 : index
      %swap3A_1016 = tpu.vector_load %arg5[%swap3A_1015] {strides = array<i32>} : memref<720xf32, #tpu.memory_space<vmem>>, vector<16xf32>,
      tpu.vector_store %arg5[%swap3A_1015], %abs3A_1014 {strides = array<i32>} : memref<720xf32, #tpu.memory_space<vmem>>, vector<16xf32>,
      %get3A_1017 = arith.constant 125 : i32
      %get3A_1018 = arith.index_cast %get3A_1017 : i32 to index
      %get3A_1019 = arith.index_cast %multiple_of3A : i32 to index
      %get3A_1020 = tpu.vector_load %arg4[%get3A_1018, %get3A_1019] {strides = array<i32>} : memref<144x128xf32, #tpu.memory_space<vmem>>, vector<16xf32>,
      %abs3A_1021 = math.absf %get3A_1020 : vector<16xf32>
      %swap3A_1022 = arith.constant 608 : index
      %swap3A_1023 = tpu.vector_load %arg5[%swap3A_1022] {strides = array<i32>} : memref<720xf32, #tpu.memory_space<vmem>>, vector<16xf32>,
      tpu.vector_store %arg5[%swap3A_1022], %abs3A_1021 {strides = array<i32>} : memref<720xf32, #tpu.memory_space<vmem>>, vector<16xf32>,
      %get3A_1024 = arith.constant 126 : i32
      %get3A_1025 = arith.index_cast %get3A_1024 : i32 to index
      %get3A_1026 = arith.index_cast %multiple_of3A : i32 to index
      %get3A_1027 = tpu.vector_load %arg4[%get3A_1025, %get3A_1026] {strides = array<i32>} : memref<144x128xf32, #tpu.memory_space<vmem>>, vector<16xf32>,
      %abs3A_1028 = math.absf %get3A_1027 : vector<16xf32>
      %swap3A_1029 = arith.constant 624 : index
      %swap3A_1030 = tpu.vector_load %arg5[%swap3A_1029] {strides = array<i32>} : memref<720xf32, #tpu.memory_space<vmem>>, vector<16xf32>,
      tpu.vector_store %arg5[%swap3A_1029], %abs3A_1028 {strides = array<i32>} : memref<720xf32, #tpu.memory_space<vmem>>, vector<16xf32>,
      %get3A_1031 = arith.constant 127 : i32
      %get3A_1032 = arith.index_cast %get3A_1031 : i32 to index
      %get3A_1033 = arith.index_cast %multiple_of3A : i32 to index
      %get3A_1034 = tpu.vector_load %arg4[%get3A_1032, %get3A_1033] {strides = array<i32>} : memref<144x128xf32, #tpu.memory_space<vmem>>, vector<16xf32>,
      %abs3A_1035 = math.absf %get3A_1034 : vector<16xf32>
      %swap3A_1036 = arith.constant 640 : index
      %swap3A_1037 = tpu.vector_load %arg5[%swap3A_1036] {strides = array<i32>} : memref<720xf32, #tpu.memory_space<vmem>>, vector<16xf32>,
      tpu.vector_store %arg5[%swap3A_1036], %abs3A_1035 {strides = array<i32>} : memref<720xf32, #tpu.memory_space<vmem>>, vector<16xf32>,
      %get3A_1038 = arith.constant 140 : i32
      %get3A_1039 = arith.index_cast %get3A_1038 : i32 to index
      %get3A_1040 = arith.index_cast %multiple_of3A : i32 to index
      %get3A_1041 = tpu.vector_load %arg4[%get3A_1039, %get3A_1040] {strides = array<i32>} : memref<144x128xf32, #tpu.memory_space<vmem>>, vector<16xf32>,
      %abs3A_1042 = math.absf %get3A_1041 : vector<16xf32>
      %swap3A_1043 = arith.constant 656 : index
      %swap3A_1044 = tpu.vector_load %arg5[%swap3A_1043] {strides = array<i32>} : memref<720xf32, #tpu.memory_space<vmem>>, vector<16xf32>,
      tpu.vector_store %arg5[%swap3A_1043], %abs3A_1042 {strides = array<i32>} : memref<720xf32, #tpu.memory_space<vmem>>, vector<16xf32>,
      %get3A_1045 = arith.constant 141 : i32
      %get3A_1046 = arith.index_cast %get3A_1045 : i32 to index
      %get3A_1047 = arith.index_cast %multiple_of3A : i32 to index
      %get3A_1048 = tpu.vector_load %arg4[%get3A_1046, %get3A_1047] {strides = array<i32>} : memref<144x128xf32, #tpu.memory_space<vmem>>, vector<16xf32>,
      %abs3A_1049 = math.absf %get3A_1048 : vector<16xf32>
      %swap3A_1050 = arith.constant 672 : index
      %swap3A_1051 = tpu.vector_load %arg5[%swap3A_1050] {strides = array<i32>} : memref<720xf32, #tpu.memory_space<vmem>>, vector<16xf32>,
      tpu.vector_store %arg5[%swap3A_1050], %abs3A_1049 {strides = array<i32>} : memref<720xf32, #tpu.memory_space<vmem>>, vector<16xf32>,
      %get3A_1052 = arith.constant 142 : i32
      %get3A_1053 = arith.index_cast %get3A_1052 : i32 to index
      %get3A_1054 = arith.index_cast %multiple_of3A : i32 to index
      %get3A_1055 = tpu.vector_load %arg4[%get3A_1053, %get3A_1054] {strides = array<i32>} : memref<144x128xf32, #tpu.memory_space<vmem>>, vector<16xf32>,
      %abs3A_1056 = math.absf %get3A_1055 : vector<16xf32>
      %swap3A_1057 = arith.constant 688 : index
      %swap3A_1058 = tpu.vector_load %arg5[%swap3A_1057] {strides = array<i32>} : memref<720xf32, #tpu.memory_space<vmem>>, vector<16xf32>,
      tpu.vector_store %arg5[%swap3A_1057], %abs3A_1056 {strides = array<i32>} : memref<720xf32, #tpu.memory_space<vmem>>, vector<16xf32>,
      %get3A_1059 = arith.constant 143 : i32
      %get3A_1060 = arith.index_cast %get3A_1059 : i32 to index
      %get3A_1061 = arith.index_cast %multiple_of3A : i32 to index
      %get3A_1062 = tpu.vector_load %arg4[%get3A_1060, %get3A_1061] {strides = array<i32>} : memref<144x128xf32, #tpu.memory_space<vmem>>, vector<16xf32>,
      %abs3A_1063 = math.absf %get3A_1062 : vector<16xf32>
      %swap3A_1064 = arith.constant 704 : index
      %swap3A_1065 = tpu.vector_load %arg5[%swap3A_1064] {strides = array<i32>} : memref<720xf32, #tpu.memory_space<vmem>>, vector<16xf32>,
      tpu.vector_store %arg5[%swap3A_1064], %abs3A_1063 {strides = array<i32>} : memref<720xf32, #tpu.memory_space<vmem>>, vector<16xf32>,
    } else {
    }
    %mul3A_220 = arith.constant 720 : i32
    %mul3A_221 = arith.muli %add3A, %mul3A_220 : i32
    "tpu.region"() ({
      %run_scoped3A = tpu.sem_alloc : memref<!tpu.dma_semaphore, #tpu.memory_space<semaphore_mem>>
      %dma_start3A_222 = tpu.memref_slice %arg3[%mul3A_221] : memref<23040xf32, #tpu.memory_space<hbm>> -> memref<720xf32, #tpu.memory_space<hbm>>
      %dma_start3A_223 = tpu.memref_slice %arg3[%mul3A_221] : memref<23040xf32, #tpu.memory_space<hbm>> -> memref<720xf32, #tpu.memory_space<hbm>>
      tpu.enqueue_dma source(%arg5 : memref<720xf32, #tpu.memory_space<vmem>>) target(%dma_start3A_223 : memref<720xf32, #tpu.memory_space<hbm>>) target_semaphore(%run_scoped3A : memref<!tpu.dma_semaphore, #tpu.memory_space<semaphore_mem>>)
      %dma_wait3A_224 = tpu.memref_slice %arg3[%mul3A_221] : memref<23040xf32, #tpu.memory_space<hbm>> -> memref<720xf32, #tpu.memory_space<hbm>>
      %dma_wait3A_225 = tpu.memref_slice %arg3[%mul3A_221] : memref<23040xf32, #tpu.memory_space<hbm>> -> memref<720xf32, #tpu.memory_space<hbm>>
      tpu.wait_dma2 semaphore(%run_scoped3A : memref<!tpu.dma_semaphore, #tpu.memory_space<semaphore_mem>>) src(%arg5 : memref<720xf32, #tpu.memory_space<vmem>>) dst(%dma_wait3A_225 : memref<720xf32, #tpu.memory_space<hbm>>)
      tpu.yield
    }) : () -> ()
    return
  }
}

</mosaic_0001>

<sc_bundles>
// kernel: _partial_measure.3.cloned.1.call-start
scs
__scs_entry_jumppad:
0x0: {  	(pc) =	sbr.rel $0x88, $3  }
0x1: {  	(tag) =	ssettag $0x0;
	lr =	simm.s32 $0x1  }
0x2: {  	[smem:$0x3FA0] =	sst lr;
	_ =	strace $0xD0000000  }
0x3: {  	_ = 	snop  }
0x4: {  	_ = 	snop  }
0x5: {  	_ = 	snop  }
0x6: {  	_ = 	snop  }
0x7: {  	_ = 	snop  }
__scs_overlays_trampoline_lowered:
0x8: {  	[smem:$0x3FAF] =	sst s0  }
0x9: {  	[smem:$0x3FB0] =	sst s1  }
0xa: {  	[smem:$0x3FB1] =	sst s2  }
0xb: {  	[smem:$0x3FB2] =	sst s3  }
0xc: {  	[smem:$0x3FB3] =	sst s4  }
0xd: {  	[smem:$0x3FB4] =	sst s5  }
0xe: {  	[smem:$0x3FB5] =	sst s6  }
0xf: {  	[smem:$0x3FB6] =	sst s7  }
0x10: {  	[smem:$0x3FB7] =	sst s8  }
0x11: {  	[smem:$0x3FB8] =	sst s9;
	s0 =	simm.s32 @!p0 $0x0  }
0x12: {  	s1 =	sld [smem:$0x3F9E];
	s0 =	simm.s32 @p0 $0x1  }
0x13: {  	[smem:$0x3FB9] =	sst s0;
	s0 =	simm.s32 @!p1 $0x0  }
0x14: {  	s2 =	sld [smem:$0x3F9D];
	s0 =	simm.s32 @p1 $0x1  }
0x15: {  	[smem:$0x3FBA] =	sst s0;
	s0 =	simm.s32 @!p2 $0x0  }
0x16: {  	s3 =	sld [smem:$0x3FDB];
	s0 =	simm.s32 @p2 $0x1  }
0x17: {  	s4 =	simm.s32 $0x1BF5;
	[smem:$0x3FBC] =	sst s0  }
0x18: {  	s0 =	sld [smem:$0x3F9F];
	_ =	swait.ge [sflag:s4], $0x0  }
0x19: {  	s7 =	sld [smem:$0x3FA0]  }
0x1a: {  	s8 =	sadd.s32 $0xFFFFE003, lr  }
0x1b: {  	s9 =	sadd.s32 $0xFFFFFEF7, lr;
	s5 =	simm.s32 $0xFFFFFFFF;
	p2 =	slt.u32 s8, $0xFFFFF086  }
0x1c: {  	p1 =	slt.u32 s9, $0xF7A;
	s5 =	simm.s32 @!p2 $0x0  }
0x1d: {  	s5 =	simm.s32 @p1 $0x1;
	p0 =	seq.s32 s7, s2  }
0x1e: {  	s7 =	smul.u32 @!p0 $0xF7A, s2;
	p2 =	seq.s32 @!p0 s5, $0x0  }
0x1f: {  	s9 =	smul.u32 $0xF7A, s1;
	s8 =	simm.s32 @!p0 $0x1BF5;
	p2 =	por !p2, p0  }
0x20: {  	[sflag:s8] =	ssyncset.s32 @!p0 $0xFFFFF086;
	s6 =	sadd.s32 @!p0 s3, s7;
	s7 =	simm.s32 @!p0 $0x108  }
0x21: {  	s3 =	sadd.s32 s3, s9;
	s6 =	sadd.s32 @!p0 $0x88, s6;
	s7 =	simm.s32 @p2 $0x1082  }
0x22: {  	[simem:s7], [sflag:s8] =	dma.local @!p0 [hbm:s6], $0xF7A  }
0x23: {  	s9 =	sor.u32 $0xD0000000, s2;
	s6 =	simm.s32 $0x108;
	_ =	swait.ge @!p0 [sflag:s8], $0x0  }
0x24: {  	s3 =	sadd.s32 $0x88, s3;
	s6 =	simm.s32 @!p1 $0x1082;
	[sflag:s4] =	ssyncset.s32 $0xFFFFF086  }
0x25: {  	[simem:s6], [sflag:s4] =	dma.local [hbm:s3], $0xF7A  }
0x26: {  	[smem:$0x3FA0] =	sst s1;
	(tag) =	ssettag s2;
	_ =	strace s9  }
0x27: {  	s1 =	sld [smem:$0x3FB0]  }
0x28: {  	s2 =	sld [smem:$0x3FB1]  }
0x29: {  	s4 =	sld [smem:$0x3FB3]  }
0x2a: {  	p0 =	seq.s32 s5, $0x0;
	s5 =	sld [smem:$0x3FB4]  }
0x2b: {  	s6 =	sld [smem:$0x3FB5]  }
0x2c: {  	s7 =	sld [smem:$0x3FB6]  }
0x2d: {  	s3 =	simm.s32 $0x108;
	s8 =	sld [smem:$0x3FB7]  }
0x2e: {  	s3 =	simm.s32 @!p0 $0x1082;
	s9 =	sld [smem:$0x3FB8]  }
0x2f: {  	lr =	sadd.s32 s0, s3;
	s0 =	sld [smem:$0x3FAF]  }
0x30: {  	s3 =	sld [smem:$0x3FB2]  }
0x31: {  	[smem:$0x3FBB] =	sst s10  }
0x32: {  	s10 =	sld [smem:$0x3FB9];
	_ =	sdelay $0x3  }
0x33: {  	p0 =	seq.s32 s10, $0x1;
	s10 =	sld [smem:$0x3FBB];
	_ =	sdelay $0x3  }
0x34: {  	[smem:$0x3FBB] =	sst s10  }
0x35: {  	s10 =	sld [smem:$0x3FBA];
	_ =	sdelay $0x3  }
0x36: {  	p1 =	seq.s32 s10, $0x1;
	s10 =	sld [smem:$0x3FBB];
	_ =	sdelay $0x3  }
0x37: {  	[smem:$0x3FBB] =	sst s10  }
0x38: {  	s10 =	sld [smem:$0x3FBC]  }
0x39: {  	_ = 	snop;
	(pc) =	sbr.ind lr, $3  }
0x3a: {  	_ = 	snop  }
0x3b: {  	_ = 	snop  }
0x3c: {  	p2 =	seq.s32 s10, $0x1;
	s10 =	sld [smem:$0x3FBB]  }
0x3d: {  	_ =	shalt  }
0x3e: {  	_ =	shalt  }
0x3f: {  	_ =	shalt  }
0x40: {  	_ =	shalt  }
0x41: {  	_ =	shalt  }
0x42: {  	_ =	shalt  }
0x43: {  	_ =	shalt  }
0x44: {  	_ =	shalt  }
0x45: {  	_ =	shalt  }
0x46: {  	_ =	shalt  }
0x47: {  	_ =	shalt  }
0x48: {  	_ =	shalt  }
0x49: {  	_ =	shalt  }
0x4a: {  	_ =	shalt  }
0x4b: {  	_ =	shalt  }
0x4c: {  	_ =	shalt  }
0x4d: {  	_ =	shalt  }
0x4e: {  	_ =	shalt  }
0x4f: {  	_ =	shalt  }
0x50: {  	_ =	shalt  }
0x51: {  	_ =	shalt  }
0x52: {  	_ =	shalt  }
0x53: {  	_ =	shalt  }
0x54: {  	_ =	shalt  }
0x55: {  	_ =	shalt  }
0x56: {  	_ =	shalt  }
0x57: {  	_ =	shalt  }
0x58: {  	_ =	shalt  }
0x59: {  	_ =	shalt  }
0x5a: {  	_ =	shalt  }
0x5b: {  	_ =	shalt  }
0x5c: {  	_ =	shalt  }
0x5d: {  	_ =	shalt  }
0x5e: {  	_ =	shalt  }
0x5f: {  	_ =	shalt  }
0x60: {  	_ =	shalt  }
0x61: {  	_ =	shalt  }
0x62: {  	_ =	shalt  }
0x63: {  	_ =	shalt  }
0x64: {  	_ =	shalt  }
0x65: {  	_ =	shalt  }
0x66: {  	_ =	shalt  }
0x67: {  	_ =	shalt  }
0x68: {  	_ =	shalt  }
0x69: {  	_ =	shalt  }
0x6a: {  	_ =	shalt  }
0x6b: {  	_ =	shalt  }
0x6c: {  	_ =	shalt  }
0x6d: {  	_ =	shalt  }
0x6e: {  	_ =	shalt  }
0x6f: {  	_ =	shalt  }
0x70: {  	_ =	shalt  }
0x71: {  	_ =	shalt  }
0x72: {  	_ =	shalt  }
0x73: {  	_ =	shalt  }
0x74: {  	_ =	shalt  }
0x75: {  	_ =	shalt  }
0x76: {  	_ =	shalt  }
0x77: {  	_ =	shalt  }
0x78: {  	_ =	shalt  }
0x79: {  	_ =	shalt  }
0x7a: {  	_ =	shalt  }
0x7b: {  	_ =	shalt  }
0x7c: {  	_ =	shalt  }
0x7d: {  	_ =	shalt  }
0x7e: {  	_ =	shalt  }
0x7f: {  	_ =	shalt  }
0x80: {  	_ =	shalt  }
0x81: {  	_ =	shalt  }
0x82: {  	_ =	shalt  }
0x83: {  	_ =	shalt  }
0x84: {  	_ =	shalt  }
0x85: {  	_ =	shalt  }
0x86: {  	_ =	shalt  }
0x87: {  	_ =	shalt  }
.Lfunc_end0:
.L_simem_size_0:
called_computation_lowered:
.L_overlay_start_0:
0x88: {  	s2 =	sld [smem:$0x3FD9]  }
0x89: {  	s3 =	sld [smem:$0x3FFE];
	_ =	sdelay $0x1  }
0x8a: {  	s1 =	srdreg.scid  }
0x8b: {  	s0 =	sand.u32 $0x1, s1  }
0x8c: {  	s17 =	sshll.u32 s0, $0xA;
	s2 =	sadd.s32 s3, s2  }
0x8d: {  	s2 =	sadd.s32 s2, s17  }
0x8e: {  	[smem:$0x3FC7] =	sst s2  }
0x8f: {  	_ = 	snop  }
0x90: {  	s2 =	sld [smem:$0x3FC9];
	(tm) =	ssettm $0x1  }
0x91: {  	s18 =	sld [smem:$0x3FFB];
	_ =	sdelay $0x3  }
0x92: {  	_ =	strace s18  }
0x93: {  	s3 =	sld [smem:$0x3FFC];
	_ =	sdelay $0x3  }
0x94: {  	_ =	strace s3  }
0x95: {  	s3 =	sld [smem:$0x3FFD];
	_ =	sdelay $0x3  }
0x96: {  	_ =	strace s3  }
0x97: {  	_ =	strace $0x8FFFFFFF  }
0x98: {  	s19 =	sld [smem:$0x3FDB];
	_ =	sdelay $0x1  }
0x99: {  	s4 =	simm.s32 $_scs_section_size  }
0x9a: {  	s5 =	simm.s32 $_size__tile_overlayer_lowered;
	s6 =	simm.s32 $_tile_overlayer_lowered  }
0x9b: {  	s22 =	simm.s32 $0x1BFF;
	s21 =	sshll.u32 s6, $0x1;
	s3 =	sadd.s32 s4, s19  }
0x9c: {  	s7 =	simm.s32 $0x0;
	s20 =	sshll.u32 s5, $0x1;
	s5 =	sadd.s32 s21, s3  }
0x9d: {  	[timem:s7], [sflag:s22] =	dma.local [hbm:s5], s20  }
0x9e: {  	_ =	swait.ge [sflag:s22], s20  }
0x9f: {  	s4 =	ssub.s32 $0x0, s20;
	[sflag:s22] =	ssyncset.done $0x0  }
0xa0: {  	[sflag:s22] =	ssyncadd.s32 s4;
	_ =	sdelay $0x1  }
0xa1: {  	s23 =	simm.s32 $0x1B8B  }
0xa2: {  	_ =	swait.ge [sflag:s23], $0x1  }
0xa3: {  	[sflag:s23] =	ssyncset.done $0x0  }
0xa4: {  	s25 =	simm.s32 $0x1B8E;
	s24 =	sld [smem:$0x3FFE];
	[sflag:s23] =	ssyncadd.s32 $0xFFFFFFFF  }
0xa5: {  	s26 =	simm.s32 $execute0_lowered;
	[smem:$0x3FD2] =	sst s25  }
0xa6: {  	s5 =	sshll.u32 s26, $0x1;
	_ =	strace $0x80000046;
	[dreg:$0x1] =	wrdreg $0xFFFFFFFF  }
0xa7: {  	s28 =	simm.s32 $_size_execute0_lowered;
	s3 =	sadd.s32 s3, s5;
	[dreg:$0x0] =	wrdreg $0x0  }
0xa8: {  	s5 =	sshll.u32 s28, $0x1;
	[dreg:$0x2] =	wrdreg s3  }
0xa9: {  	[dreg:$0x3] =	wrdreg s5  }
0xaa: {  	[dreg:$0x4] =	wrdreg $0xC0  }
0xab: {  	_ =	task [dreg:s7], $0x5FFFF  }
0xac: {  	[dreg:$0x1] =	wrdreg $0xFFFFFFFF  }
0xad: {  	[dreg:$0x0] =	wrdreg $0x60  }
0xae: {  	[dreg:$0x2] =	wrdreg s2  }
0xaf: {  	[dreg:$0x3] =	wrdreg s24  }
0xb0: {  	[dreg:$0x4] =	wrdreg $0x9  }
0xb1: {  	_ =	task.clear_ibuf [dreg:s7], $0x5FFFF;
	_ =	strace $0x90000046  }
0xb2: {  	s29 =	simm.s32 $0x9;
	_ =	strace $0x80000048  }
0xb3: {  	_ =	swait.ge [sflag:s29], $0x1  }
0xb4: {  	[sflag:s29] =	ssyncadd.s32 $0xFFFFFFFF  }
0xb5: {  	_ =	strace $0x90000048  }
0xb6: {  	_ =	sfence  }
0xb7: {  	s30 =	sld [smem:$0x0];
	_ =	sdelay $0x2  }
0xb8: {  	s31 =	sshll.u32 s1, $0xD;
	s1 =	sshrl.u32 s1, $0x2  }
0xb9: {  	s3 =	sand.u32 $0x4000, s31;
	s1 =	sadd.s32 s1, s30  }
0xba: {  	s0 =	sor.u32 s3, s0;
	s1 =	sshll.u32 s1, $0x11  }
0xbb: {  	s0 =	sor.u32 s1, s0  }
0xbc: {  	s0 =	sadd.s32 $0x8F2B, s0  }
0xbd: {  	[sflag:s0] =	ssyncadd.remote.s32 $0x1  }
0xbe: {  	_ =	sfence.sel $0xFFFF  }
0xbf: {  	[dreg:$0x0] =	wrdreg $0xFFFFFFFF;
	(pc) =	sbr.abs _section_cstart, $3  }
0xc0: {  	[dreg:$0x1] =	wrdreg $0xFFFFFFFF  }
0xc1: {  	_ =	task.clear_ibuf [dreg:s7], $0x2FFFF;
	_ =	strace $0x9FFFFFFF  }
0xc2: {  	(tm) =	ssettm $0x7FFFFFFF  }
0xc3: {  	_ =	shalt  }
tec
execute0_lowered:
.L_overlay_start_1:
0x0: {  	(tag) =	ssettag $0x1  }
0x1: {  	s1 =	rddreg [dreg:$0x0]  }
0x2: {  	s5 =	rddreg [dreg:$0x1]  }
0x3: {  	s0 =	rddreg [dreg:$0x2];
	s3 =	simm.s32 $0x0  }
0x4: {  	s4 =	srdreg.scid;
	s2 =	stileid.u32;
	s10 =	simm.s32 $0x2000  }
0x5: {  	s11 =	simm.s32 $0x2800;
	s12 =	simm.s32 $0x3000;
	s13 =	simm.s32 $0x3800  }
0x6: {  	v0 =	vlaneseq.u32;
	s14 =	simm.s32 $0x4000;
	s15 =	simm.s32 $0x1;
	s17 =	simm.s32 $0x2  }
0x7: {  	[smem:$0x7FF] =	sst s3;
	s4 =	sand.u32 $0x1, s4;
	s6 =	sshll.u32 s2, $0x1;
	v8 =	vmul.u32 $0x211, v0  }
0x8: {  	s18 =	sshrl.u32 s2, $0x2;
	_ =	strace $0x80000047;
	s6 =	sor.u32 s4, s6  }
0x9: {  	s7 =	sshll.u32 s18, $0x7;
	s16 =	smul.u32 $0x110C4, s18;
	s4 =	ssub.s32 $0x2, s4;
	v1 =	vadd.s32 $0x2110, v8;
	v2 =	vadd.s32 $0x4220, v8  }
0xa: {  	p0 =	sgt.s32 s18, $0x1;
	s8 =	sshll.u32 s6, $0x4;
	s6 =	smul.u32 $0x5A, s6;
	v3 =	vadd.s32 $0x6330, v8;
	v4 =	vadd.s32 $0x8440, v8;
	v5 =	vadd.s32 $0xA550, v8  }
.Ltmp0:
0xb: {  	p1 =	seq.s32 s18, $0x0;
	p2 =	seq.s32 s18, $0x2;
	v6 =	vadd.s32 $0xC660, v8;
	v7 =	vadd.s32 $0xE770, v8;
	v0 =	vadd.s32 s16, v8;
	(pc) =	sbr.rel .LBB2_1-.Ltmp0, $4  }
0xc: {  	s9 =	sshrl.u32 s4, $0x1;
	s7 =	ssub.s32 s8, s7;
	s8 =	sand.u32 $0x70, s8;
	v1 =	vadd.s32 s16, v1;
	v2 =	vadd.s32 s16, v2;
	v3 =	vadd.s32 s16, v3  }
0xd: {  	s9 =	ssub.s32 s4, s9;
	v4 =	vadd.s32 s16, v4;
	v5 =	vadd.s32 s16, v5;
	v8 =	vadd.s32 $0xEFB4, v8;
	s7 =	sand.u32 $0xFFFFFF80, s7;
	s5 =	sadd.s32 s5, s6  }
0xe: {  	v6 =	vadd.s32 s16, v6;
	v7 =	vadd.s32 s16, v7;
	s6 =	smax.u32 s9, $0x1;
	s9 =	simm.s32 $0x1800;
	v8 =	vadd.s32 s16, v8;
	s16 =	simm.s32 $0x4800  }
0xf: {  	vm0 =	vmmov $0xffff;
	v9 =	vimm.f32 $0.0e+00;
	s4 =	sor.u32 s8, s7;
	s7 =	simm.s32 $0x800;
	s8 =	simm.s32 $0x1000  }
.LBB2_2:
0x10: {  	v10 =	vld [tilespmem:s4+$0x0]  }
0x11: {  	v11 =	vld [tilespmem:s4+$0x80]  }
0x12: {  	v12 =	vld [tilespmem:s4+$0x100]  }
0x13: {  	v13 =	vld [tilespmem:s4+$0x180]  }
0x14: {  	v14 =	vld [tilespmem:s4+$0x200]  }
0x15: {  	v15 =	vld [tilespmem:s4+$0x280]  }
0x16: {  	v16 =	vld [tilespmem:s4+$0x300]  }
0x17: {  	v17 =	vld [tilespmem:s4+$0x380]  }
0x18: {  	v18 =	vld [tilespmem:s4+$0x400]  }
0x19: {  	v19 =	vld [tilespmem:s4+$0x480]  }
0x1a: {  	v20 =	vld [tilespmem:s4+$0x500]  }
0x1b: {  	v21 =	vld [tilespmem:s4+$0x580]  }
0x1c: {  	v22 =	vld [tilespmem:s4+$0x600]  }
0x1d: {  	v23 =	vld [tilespmem:s4+$0x680]  }
0x1e: {  	v24 =	vld [tilespmem:s4+$0x700]  }
0x1f: {  	v25 =	vld [tilespmem:s4+$0x780]  }
0x20: {  	v26 =	vld [tilespmem:s4+$0x800]  }
0x21: {  	v27 =	vld [tilespmem:s4+$0x880]  }
0x22: {  	v28 =	vld [tilespmem:s4+$0x900]  }
0x23: {  	v29 =	vld [tilespmem:s4+$0x980]  }
0x24: {  	v30 =	vld [tilespmem:s4+$0xA00]  }
0x25: {  	v31 =	vld [tilespmem:s4+$0xA80]  }
0x26: {  	v32 =	vld [tilespmem:s4+$0xB00]  }
0x27: {  	v33 =	vld [tilespmem:s4+$0xB80]  }
0x28: {  	v34 =	vld [tilespmem:s4+$0xC00]  }
0x29: {  	v35 =	vld [tilespmem:s4+$0xC80]  }
0x2a: {  	v36 =	vld [tilespmem:s4+$0xD00]  }
0x2b: {  	v37 =	vld [tilespmem:s4+$0xD80]  }
0x2c: {  	v38 =	vld [tilespmem:s4+$0xE00]  }
0x2d: {  	v39 =	vld [tilespmem:s4+$0xE80]  }
0x2e: {  	v40 =	vld [tilespmem:s4+$0xF00]  }
0x2f: {  	v41 =	vld [tilespmem:s4+$0xF80]  }
0x30: {  	v42 =	vld [tilespmem:s4+$0x1000]  }
0x31: {  	v43 =	vld [tilespmem:s4+$0x1080]  }
0x32: {  	v44 =	vld [tilespmem:s4+$0x1100]  }
0x33: {  	v45 =	vld [tilespmem:s4+$0x1180]  }
0x34: {  	v46 =	vld [tilespmem:s4+$0x1200]  }
0x35: {  	v47 =	vld [tilespmem:s4+$0x1280]  }
0x36: {  	v48 =	vld [tilespmem:s4+$0x1300]  }
0x37: {  	v49 =	vld [tilespmem:s4+$0x1380]  }
0x38: {  	v50 =	vld [tilespmem:s4+$0x1400]  }
0x39: {  	v51 =	vld [tilespmem:s4+$0x1480]  }
0x3a: {  	v52 =	vld [tilespmem:s4+$0x1500]  }
0x3b: {  	v53 =	vld [tilespmem:s4+$0x1580]  }
0x3c: {  	v54 =	vld [tilespmem:s4+$0x1600]  }
0x3d: {  	v55 =	vld [tilespmem:s4+$0x1680]  }
0x3e: {  	v56 =	vld [tilespmem:s4+$0x1700]  }
0x3f: {  	v57 =	vld [tilespmem:s4+$0x1780];
	v10 =	vand.u32 $0x7FFFFFFF, v10;
	v13 =	vand.u32 $0x7FFFFFFF, v13  }
0x40: {  	v58 =	vld [tilespmem:s4+$0x1800];
	v11 =	vand.u32 $0x7FFFFFFF, v11;
	v63 =	vand.u32 $0x7FFFFFFF, v14;
	v12 =	vand.u32 $0x7FFFFFFF, v12  }
0x41: {  	v59 =	vld [tilespmem:s4+$0x1880];
	v61 =	vand.u32 $0x7FFFFFFF, v15;
	v62 =	vand.u32 $0x7FFFFFFF, v16;
	v24 =	vand.u32 $0x7FFFFFFF, v24  }
0x42: {  	v60 =	vld [tilespmem:s4+$0x1900];
	v25 =	vand.u32 $0x7FFFFFFF, v25;
	v26 =	vand.u32 $0x7FFFFFFF, v26;
	v27 =	vand.u32 $0x7FFFFFFF, v27  }
0x43: {  	v14 =	vld [tilespmem:s4+$0x1980];
	v28 =	vand.u32 $0x7FFFFFFF, v28;
	v29 =	vand.u32 $0x7FFFFFFF, v29;
	v30 =	vand.u32 $0x7FFFFFFF, v30  }
0x44: {  	v15 =	vld [tilespmem:s4+$0x1A00];
	v31 =	vand.u32 $0x7FFFFFFF, v31;
	v10 =	vadd.f32 v13, v10;
	v11 =	vadd.f32 v63, v11  }
0x45: {  	v16 =	vld [tilespmem:s4+$0x1B00];
	v32 =	vand.u32 $0x7FFFFFFF, v32;
	v12 =	vadd.f32 v61, v12;
	v63 =	vand.u32 $0x7FFFFFFF, v17  }
0x46: {  	v17 =	vld [tilespmem:s4+$0x1A80];
	v61 =	vand.u32 $0x7FFFFFFF, v18;
	v10 =	vadd.f32 v62, v10;
	v11 =	vadd.f32 v63, v11  }
0x47: {  	v18 =	vld [tilespmem:s4+$0x1C00];
	v12 =	vadd.f32 v61, v12;
	v62 =	vand.u32 $0x7FFFFFFF, v19;
	v63 =	vand.u32 $0x7FFFFFFF, v20  }
0x48: {  	v19 =	vld [tilespmem:s4+$0x1B80];
	v61 =	vand.u32 $0x7FFFFFFF, v21;
	v10 =	vadd.f32 v62, v10;
	v11 =	vadd.f32 v63, v11  }
0x49: {  	v21 =	vld [tilespmem:s4+$0x1C80];
	v12 =	vadd.f32 v61, v12;
	v62 =	vand.u32 $0x7FFFFFFF, v22;
	v63 =	vand.u32 $0x7FFFFFFF, v23  }
0x4a: {  	v33 =	vand.u32 $0x7FFFFFFF, v33;
	v20 =	vld [tilespmem:s4+$0x1D00];
	v10 =	vadd.f32 v62, v10;
	v11 =	vadd.f32 v63, v11  }
0x4b: {  	v23 =	vld [tilespmem:s4+$0x1D80];
	v61 =	vand.u32 $0x7FFFFFFF, v47;
	v47 =	vand.u32 $0x7FFFFFFF, v55;
	v12 =	vadd.f32 v24, v12  }
0x4c: {  	v22 =	vld [tilespmem:s4+$0x1E00];
	v55 =	vand.u32 $0x7FFFFFFF, v17;
	v10 =	vadd.f32 v25, v10;
	v11 =	vadd.f32 v26, v11  }
0x4d: {  	v17 =	vld [tilespmem:s4+$0x2A80];
	v62 =	vand.u32 $0x7FFFFFFF, v48;
	v63 =	vand.u32 $0x7FFFFFFF, v49;
	v12 =	vadd.f32 v27, v12  }
0x4e: {  	v24 =	vld [tilespmem:s4+$0x1F00];
	v48 =	vand.u32 $0x7FFFFFFF, v56;
	v10 =	vadd.f32 v28, v10;
	v11 =	vadd.f32 v29, v11  }
0x4f: {  	v49 =	vand.u32 $0x7FFFFFFF, v57;
	v56 =	vand.u32 $0x7FFFFFFF, v16;
	v16 =	vld [tilespmem:s4+$0x2B00];
	v12 =	vadd.f32 v30, v12  }
0x50: {  	v57 =	vand.u32 $0x7FFFFFFF, v19;
	v19 =	vld [tilespmem:s4+$0x2B80];
	v10 =	vadd.f32 v31, v10;
	v11 =	vadd.f32 v32, v11  }
0x51: {  	v34 =	vand.u32 $0x7FFFFFFF, v34;
	v35 =	vand.u32 $0x7FFFFFFF, v35;
	v25 =	vld [tilespmem:s4+$0x1E80];
	v12 =	vadd.f32 v33, v12  }
0x52: {  	v36 =	vand.u32 $0x7FFFFFFF, v36;
	v27 =	vld [tilespmem:s4+$0x1F80];
	v10 =	vadd.f32 v34, v10;
	v11 =	vadd.f32 v35, v11  }
0x53: {  	v37 =	vand.u32 $0x7FFFFFFF, v37;
	v38 =	vand.u32 $0x7FFFFFFF, v38;
	v26 =	vld [tilespmem:s4+$0x2000];
	v12 =	vadd.f32 v36, v12  }
0x54: {  	v39 =	vand.u32 $0x7FFFFFFF, v39;
	v29 =	vld [tilespmem:s4+$0x2080];
	v10 =	vadd.f32 v37, v10;
	v11 =	vadd.f32 v38, v11  }
0x55: {  	v40 =	vand.u32 $0x7FFFFFFF, v40;
	v41 =	vand.u32 $0x7FFFFFFF, v41;
	v28 =	vld [tilespmem:s4+$0x2100];
	v12 =	vadd.f32 v39, v12  }
0x56: {  	v42 =	vand.u32 $0x7FFFFFFF, v42;
	v30 =	vld [tilespmem:s4+$0x2200];
	v10 =	vadd.f32 v40, v10;
	v11 =	vadd.f32 v41, v11  }
0x57: {  	v43 =	vand.u32 $0x7FFFFFFF, v43;
	v44 =	vand.u32 $0x7FFFFFFF, v44;
	v31 =	vld [tilespmem:s4+$0x2180];
	v12 =	vadd.f32 v42, v12  }
0x58: {  	v45 =	vand.u32 $0x7FFFFFFF, v45;
	v33 =	vld [tilespmem:s4+$0x2280];
	v10 =	vadd.f32 v43, v10;
	v11 =	vadd.f32 v44, v11  }
0x59: {  	v46 =	vand.u32 $0x7FFFFFFF, v46;
	v32 =	vld [tilespmem:s4+$0x2300];
	v12 =	vadd.f32 v45, v12  }
0x5a: {  	v35 =	vld [tilespmem:s4+$0x2380];
	v10 =	vadd.f32 v46, v10;
	v11 =	vadd.f32 v61, v11  }
0x5b: {  	v34 =	vld [tilespmem:s4+$0x2400];
	v42 =	vand.u32 $0x7FFFFFFF, v50;
	v12 =	vadd.f32 v62, v12  }
0x5c: {  	v36 =	vld [tilespmem:s4+$0x2500];
	v43 =	vand.u32 $0x7FFFFFFF, v51;
	v10 =	vadd.f32 v63, v10;
	v11 =	vadd.f32 v42, v11  }
0x5d: {  	v37 =	vld [tilespmem:s4+$0x2480];
	v44 =	vand.u32 $0x7FFFFFFF, v52;
	v45 =	vand.u32 $0x7FFFFFFF, v53;
	v12 =	vadd.f32 v43, v12  }
0x5e: {  	v39 =	vld [tilespmem:s4+$0x2580];
	v46 =	vand.u32 $0x7FFFFFFF, v54;
	v10 =	vadd.f32 v44, v10;
	v11 =	vadd.f32 v45, v11  }
0x5f: {  	v38 =	vld [tilespmem:s4+$0x2600];
	v12 =	vadd.f32 v46, v12  }
0x60: {  	v41 =	vld [tilespmem:s4+$0x2680];
	v50 =	vand.u32 $0x7FFFFFFF, v58;
	v10 =	vadd.f32 v47, v10;
	v11 =	vadd.f32 v48, v11  }
0x61: {  	v40 =	vld [tilespmem:s4+$0x2700];
	v58 =	vand.u32 $0x7FFFFFFF, v18;
	v51 =	vand.u32 $0x7FFFFFFF, v59;
	v12 =	vadd.f32 v49, v12  }
0x62: {  	v18 =	vld [tilespmem:s4+$0x2C00];
	v52 =	vand.u32 $0x7FFFFFFF, v60;
	v10 =	vadd.f32 v50, v10;
	v11 =	vadd.f32 v51, v11  }
0x63: {  	v53 =	vand.u32 $0x7FFFFFFF, v14;
	v14 =	vld [tilespmem:s4+$0x2A00];
	v54 =	vand.u32 $0x7FFFFFFF, v15;
	v12 =	vadd.f32 v52, v12  }
0x64: {  	v59 =	vand.u32 $0x7FFFFFFF, v21;
	v21 =	vld [tilespmem:s4+$0x2C80];
	v10 =	vadd.f32 v53, v10;
	v11 =	vadd.f32 v54, v11  }
0x65: {  	v24 =	vand.u32 $0x7FFFFFFF, v24;
	v60 =	vand.u32 $0x7FFFFFFF, v20;
	v20 =	vld [tilespmem:s4+$0x2D00];
	v12 =	vadd.f32 v55, v12  }
0x66: {  	v26 =	vand.u32 $0x7FFFFFFF, v26;
	v15 =	vld [tilespmem:s4+$0x2980];
	v10 =	vadd.f32 v56, v10;
	v11 =	vadd.f32 v57, v11  }
0x67: {  	v61 =	vand.u32 $0x7FFFFFFF, v23;
	v62 =	vand.u32 $0x7FFFFFFF, v22;
	v23 =	vld [tilespmem:s4+$0x2D80];
	v12 =	vadd.f32 v58, v12  }
0x68: {  	v22 =	vld [tilespmem:s4+$0x2E00];
	v63 =	vand.u32 $0x7FFFFFFF, v25;
	v10 =	vadd.f32 v59, v10;
	v11 =	vadd.f32 v60, v11  }
0x69: {  	v43 =	vld [tilespmem:s4+$0x2780];
	v25 =	vand.u32 $0x7FFFFFFF, v27;
	v27 =	vand.u32 $0x7FFFFFFF, v29;
	v12 =	vadd.f32 v61, v12  }
0x6a: {  	v42 =	vld [tilespmem:s4+$0x2800];
	v29 =	vand.u32 $0x7FFFFFFF, v31;
	v10 =	vadd.f32 v62, v10;
	v11 =	vadd.f32 v63, v11  }
0x6b: {  	v31 =	vand.u32 $0x7FFFFFFF, v33;
	v33 =	vand.u32 $0x7FFFFFFF, v32;
	v32 =	vld [tilespmem:s4+$0x3300];
	v12 =	vadd.f32 v24, v12  }
0x6c: {  	v28 =	vand.u32 $0x7FFFFFFF, v28;
	v45 =	vld [tilespmem:s4+$0x2880];
	v10 =	vadd.f32 v25, v10;
	v11 =	vadd.f32 v26, v11  }
0x6d: {  	v30 =	vand.u32 $0x7FFFFFFF, v30;
	v44 =	vld [tilespmem:s4+$0x2900];
	v46 =	vand.u32 $0x7FFFFFFF, v35;
	v12 =	vadd.f32 v27, v12  }
0x6e: {  	v35 =	vld [tilespmem:s4+$0x3380];
	v47 =	vand.u32 $0x7FFFFFFF, v34;
	v10 =	vadd.f32 v28, v10;
	v11 =	vadd.f32 v29, v11  }
0x6f: {  	v48 =	vand.u32 $0x7FFFFFFF, v37;
	v49 =	vand.u32 $0x7FFFFFFF, v36;
	v34 =	vld [tilespmem:s4+$0x3580];
	v12 =	vadd.f32 v30, v12  }
0x70: {  	v37 =	vld [tilespmem:s4+$0x3600];
	v50 =	vand.u32 $0x7FFFFFFF, v39;
	v10 =	vadd.f32 v31, v10;
	v11 =	vadd.f32 v33, v11  }
0x71: {  	v51 =	vand.u32 $0x7FFFFFFF, v38;
	v53 =	vand.u32 $0x7FFFFFFF, v40;
	v40 =	vld [tilespmem:s4+$0x3680];
	v12 =	vadd.f32 v46, v12  }
0x72: {  	v55 =	vand.u32 $0x7FFFFFFF, v42;
	v42 =	vld [tilespmem:s4+$0x3700];
	v10 =	vadd.f32 v47, v10;
	v11 =	vadd.f32 v48, v11  }
0x73: {  	v52 =	vand.u32 $0x7FFFFFFF, v41;
	v58 =	vand.u32 $0x7FFFFFFF, v15;
	v15 =	vld [tilespmem:s4+$0x3400];
	v12 =	vadd.f32 v49, v12  }
0x74: {  	v56 =	vand.u32 $0x7FFFFFFF, v45;
	v45 =	vld [tilespmem:s4+$0x3780];
	v10 =	vadd.f32 v50, v10;
	v11 =	vadd.f32 v51, v11  }
0x75: {  	v54 =	vand.u32 $0x7FFFFFFF, v43;
	v60 =	vand.u32 $0x7FFFFFFF, v17;
	v17 =	vld [tilespmem:s4+$0x3480];
	v12 =	vadd.f32 v52, v12  }
0x76: {  	v24 =	vld [tilespmem:s4+$0x2F00];
	v10 =	vadd.f32 v53, v10;
	v11 =	vadd.f32 v54, v11  }
0x77: {  	v57 =	vand.u32 $0x7FFFFFFF, v44;
	v25 =	vld [tilespmem:s4+$0x2E80];
	v12 =	vadd.f32 v55, v12  }
0x78: {  	v36 =	vand.u32 $0x7FFFFFFF, v21;
	v27 =	vld [tilespmem:s4+$0x2F80];
	v10 =	vadd.f32 v56, v10;
	v11 =	vadd.f32 v57, v11  }
0x79: {  	v38 =	vand.u32 $0x7FFFFFFF, v20;
	v59 =	vand.u32 $0x7FFFFFFF, v14;
	v26 =	vld [tilespmem:s4+$0x3000];
	v12 =	vadd.f32 v58, v12  }
0x7a: {  	v61 =	vand.u32 $0x7FFFFFFF, v16;
	v29 =	vld [tilespmem:s4+$0x3080];
	v10 =	vadd.f32 v59, v10;
	v11 =	vadd.f32 v60, v11  }
0x7b: {  	v62 =	vand.u32 $0x7FFFFFFF, v19;
	v63 =	vand.u32 $0x7FFFFFFF, v18;
	v28 =	vld [tilespmem:s4+$0x3100];
	v12 =	vadd.f32 v61, v12  }
0x7c: {  	v39 =	vand.u32 $0x7FFFFFFF, v23;
	v31 =	vld [tilespmem:s4+$0x3180];
	v10 =	vadd.f32 v62, v10;
	v11 =	vadd.f32 v63, v11  }
0x7d: {  	v41 =	vand.u32 $0x7FFFFFFF, v22;
	v30 =	vld [tilespmem:s4+$0x3200];
	v44 =	vand.u32 $0x7FFFFFFF, v24;
	v12 =	vadd.f32 v36, v12  }
0x7e: {  	v43 =	vand.u32 $0x7FFFFFFF, v25;
	v47 =	vld [tilespmem:s4+$0x3800];
	v10 =	vadd.f32 v38, v10;
	v11 =	vadd.f32 v39, v11  }
0x7f: {  	v33 =	vld [tilespmem:s4+$0x3280];
	v46 =	vand.u32 $0x7FFFFFFF, v27;
	v48 =	vand.u32 $0x7FFFFFFF, v26;
	v12 =	vadd.f32 v41, v12  }
0x80: {  	v14 =	vld [tilespmem:s4+$0x3500];
	v49 =	vand.u32 $0x7FFFFFFF, v29;
	v10 =	vadd.f32 v43, v10;
	v11 =	vadd.f32 v44, v11  }
0x81: {  	v27 =	vld [tilespmem:s4+$0x3B80];
	v51 =	vand.u32 $0x7FFFFFFF, v28;
	v53 =	vand.u32 $0x7FFFFFFF, v31;
	v12 =	vadd.f32 v46, v12  }
0x82: {  	v50 =	vld [tilespmem:s4+$0x3880];
	v54 =	vand.u32 $0x7FFFFFFF, v30;
	v10 =	vadd.f32 v48, v10;
	v11 =	vadd.f32 v49, v11  }
0x83: {  	v52 =	vld [tilespmem:s4+$0x3900];
	v31 =	vand.u32 $0x7FFFFFFF, v37;
	v37 =	vand.u32 $0x7FFFFFFF, v47;
	v12 =	vadd.f32 v51, v12  }
0x84: {  	v55 =	vld [tilespmem:s4+$0x3980];
	v56 =	vand.u32 $0x7FFFFFFF, v33;
	v10 =	vadd.f32 v53, v10;
	v11 =	vadd.f32 v54, v11  }
0x85: {  	v30 =	vld [tilespmem:s4+$0x3C00];
	v58 =	vand.u32 $0x7FFFFFFF, v32;
	v59 =	vand.u32 $0x7FFFFFFF, v35;
	v12 =	vadd.f32 v56, v12  }
0x86: {  	v47 =	vld [tilespmem:s4+$0x3F80];
	v61 =	vand.u32 $0x7FFFFFFF, v15;
	v10 =	vadd.f32 v58, v10;
	v11 =	vadd.f32 v59, v11  }
0x87: {  	v14 =	vand.u32 $0x7FFFFFFF, v14;
	v57 =	vld [tilespmem:s4+$0x3A00];
	v63 =	vand.u32 $0x7FFFFFFF, v17;
	v12 =	vadd.f32 v61, v12  }
0x88: {  	v29 =	vand.u32 $0x7FFFFFFF, v34;
	v33 =	vld [tilespmem:s4+$0x3C80];
	v10 =	vadd.f32 v63, v10;
	v11 =	vadd.f32 v14, v11  }
0x89: {  	v32 =	vand.u32 $0x7FFFFFFF, v40;
	v60 =	vld [tilespmem:s4+$0x3A80];
	v12 =	vadd.f32 v29, v12  }
0x8a: {  	v34 =	vand.u32 $0x7FFFFFFF, v42;
	v62 =	vld [tilespmem:s4+$0x3B00];
	v10 =	vadd.f32 v31, v10;
	v11 =	vadd.f32 v32, v11  }
0x8b: {  	v40 =	vld [tilespmem:s4+$0x3E00];
	v36 =	vand.u32 $0x7FFFFFFF, v45;
	v12 =	vadd.f32 v34, v12  }
0x8c: {  	v35 =	vld [tilespmem:s4+$0x3D00];
	v39 =	vand.u32 $0x7FFFFFFF, v50;
	v10 =	vadd.f32 v36, v10;
	v11 =	vadd.f32 v37, v11  }
0x8d: {  	v42 =	vand.u32 $0x7FFFFFFF, v55;
	v45 =	vld [tilespmem:s4+$0x3F00];
	v41 =	vand.u32 $0x7FFFFFFF, v52;
	v12 =	vadd.f32 v39, v12  }
0x8e: {  	v38 =	vld [tilespmem:s4+$0x3D80];
	v44 =	vand.u32 $0x7FFFFFFF, v57;
	v10 =	vadd.f32 v41, v10;
	v11 =	vadd.f32 v42, v11  }
0x8f: {  	v43 =	vld [tilespmem:s4+$0x3E80];
	v46 =	vand.u32 $0x7FFFFFFF, v60;
	v15 =	vand.u32 $0x7FFFFFFF, v62;
	v12 =	vadd.f32 v44, v12  }
0x90: {  	v52 =	vld [tilespmem:s4+$0x4680];
	v48 =	vand.u32 $0x7FFFFFFF, v27;
	v10 =	vadd.f32 v46, v10;
	v11 =	vadd.f32 v15, v11  }
0x91: {  	v50 =	vand.u32 $0x7FFFFFFF, v30;
	v49 =	vld [tilespmem:s4+$0x4600];
	v51 =	vand.u32 $0x7FFFFFFF, v33;
	v12 =	vadd.f32 v48, v12  }
0x92: {  	v53 =	vand.u32 $0x7FFFFFFF, v35;
	v54 =	vld [tilespmem:s4+$0x4700];
	v10 =	vadd.f32 v50, v10;
	v11 =	vadd.f32 v51, v11  }
0x93: {  	v55 =	vand.u32 $0x7FFFFFFF, v38;
	v56 =	vand.u32 $0x7FFFFFFF, v40;
	v12 =	vadd.f32 v53, v12  }
0x94: {  	v57 =	vand.u32 $0x7FFFFFFF, v43;
	v58 =	vld [tilespmem:s4+$0x4780];
	v10 =	vadd.f32 v55, v10;
	v11 =	vadd.f32 v56, v11  }
0x95: {  	v60 =	vand.u32 $0x7FFFFFFF, v47;
	v59 =	vand.u32 $0x7FFFFFFF, v45;
	v12 =	vadd.f32 v57, v12  }
0x96: {  	v61 =	vand.u32 $0x7FFFFFFF, v49;
	v10 =	vadd.f32 v59, v10;
	v11 =	vadd.f32 v60, v11  }
0x97: {  	v62 =	vand.u32 $0x7FFFFFFF, v52;
	v14 =	vand.u32 $0x7FFFFFFF, v54;
	v12 =	vadd.f32 v61, v12  }
0x98: {  	v10 =	vadd.f32 v62, v10;
	v11 =	vadd.f32 v14, v11  }
0x99: {  	v63 =	vand.u32 $0x7FFFFFFF, v58  }
0x9a: {  	v12 =	vadd.f32 v63, v12;
	v10 =	vadd.f32 v11, v10;
	_ =	sdelay $0x1  }
0x9b: {  	v10 =	vadd.f32 v12, v10;
	_ =	sdelay $0x1  }
0x9c: {  	[tilespmem:$0x4800] =	vst v10;
	v10 =	vimm.f32 $0.0e+00  }
0x9d: {  	[tilespmem:$0x4810] =	vst v10  }
0x9e: {  	[tilespmem:$0x4820] =	vst v10  }
0x9f: {  	[tilespmem:$0x4830] =	vst v10  }
0xa0: {  	[tilespmem:$0x4840] =	vst v10  }
0xa1: {  	[tilespmem:$0x4850] =	vst v10  }
0xa2: {  	[tilespmem:$0x4860] =	vst v10  }
0xa3: {  	[tilespmem:$0x4870] =	vst v10  }
0xa4: {  	[tilespmem:$0x4880] =	vst v10  }
0xa5: {  	[tilespmem:$0x4890] =	vst v10  }
0xa6: {  	[tilespmem:$0x48A0] =	vst v10  }
0xa7: {  	[tilespmem:$0x48B0] =	vst v10  }
0xa8: {  	[tilespmem:$0x48C0] =	vst v10  }
0xa9: {  	[tilespmem:$0x48D0] =	vst v10  }
0xaa: {  	[tilespmem:$0x48E0] =	vst v10  }
0xab: {  	[tilespmem:$0x48F0] =	vst v10  }
0xac: {  	[tilespmem:$0x4900] =	vst v10  }
0xad: {  	[tilespmem:$0x4910] =	vst v10  }
0xae: {  	[tilespmem:$0x4920] =	vst v10  }
0xaf: {  	[tilespmem:$0x4930] =	vst v10  }
0xb0: {  	[tilespmem:$0x4940] =	vst v10  }
0xb1: {  	[tilespmem:$0x4950] =	vst v10  }
0xb2: {  	[tilespmem:$0x4960] =	vst v10  }
0xb3: {  	[tilespmem:$0x4970] =	vst v10  }
0xb4: {  	[tilespmem:$0x4980] =	vst v10  }
0xb5: {  	[tilespmem:$0x4990] =	vst v10  }
0xb6: {  	[tilespmem:$0x49A0] =	vst v10  }
0xb7: {  	[tilespmem:$0x49B0] =	vst v10  }
0xb8: {  	[tilespmem:$0x49C0] =	vst v10  }
0xb9: {  	[tilespmem:$0x49D0] =	vst v10  }
0xba: {  	[tilespmem:$0x49E0] =	vst v10  }
0xbb: {  	[tilespmem:$0x49F0] =	vst v10  }
0xbc: {  	[tilespmem:$0x4A00] =	vst v10  }
0xbd: {  	[tilespmem:$0x4A10] =	vst v10  }
0xbe: {  	[tilespmem:$0x4A20] =	vst v10  }
0xbf: {  	[tilespmem:$0x4A30] =	vst v10  }
0xc0: {  	[tilespmem:$0x4A40] =	vst v10  }
0xc1: {  	[tilespmem:$0x4A50] =	vst v10  }
0xc2: {  	[tilespmem:$0x4A60] =	vst v10  }
0xc3: {  	[tilespmem:$0x4A70] =	vst v10  }
0xc4: {  	[tilespmem:$0x4A80] =	vst v10  }
0xc5: {  	[tilespmem:$0x4A90] =	vst v10  }
0xc6: {  	[tilespmem:$0x4AA0] =	vst v10  }
0xc7: {  	[tilespmem:$0x4AB0] =	vst v10  }
.LBB2_6:
0xc8: {  	s6 =	sadd.s32 $0xFFFFFFFF, s6  }
0xc9: {  	p3 =	sne.s32 s6, $0x0  }
.Ltmp1:
0xca: {  	[tilespmem:$0x4AC0] =	vst v10;
	(pc) =	sbr.rel @!p3 .LBB2_7-.Ltmp1, $4  }
0xcb: {  	[hbm4b:s5+s3] =	stream.linear.scatter [tilespmem:s16], [sflag:$0x2], $0x2D0, $0x38;
	[tilespmem:$0x4B00] =	vst v63  }
0xcc: {  	_ =	swait.ge [sflag:s17], $0x2D0  }
0xcd: {  	[sflag:s17] =	ssyncset.done $0x0  }
0xce: {  	[sflag:s17] =	ssyncadd.s32 $0xFFFFFD30  }
.LBB2_1:
0xcf: {  	_ =	sdelay $0x3  }
0xd0: {  	[tilespmem:s3], [sflag:$0x1] =	stream.indirect_vreg.gather [hbm4b:s1+s3], $0x80, v0, vm0, $0xb8;
	[tilespmem:$0x4B00] =	vst v63  }
0xd1: {  	_ = 	snop  }
0xd2: {  	[tilespmem:s7], [sflag:$0x1] =	stream.indirect_vreg.gather [hbm4b:s1+s3], $0x80, v1, vm0, $0xb8;
	[tilespmem:$0x4B00] =	vst v63  }
0xd3: {  	_ = 	snop  }
0xd4: {  	[tilespmem:s8], [sflag:$0x1] =	stream.indirect_vreg.gather [hbm4b:s1+s3], $0x80, v2, vm0, $0xb8;
	[tilespmem:$0x4B00] =	vst v63  }
0xd5: {  	_ = 	snop  }
0xd6: {  	[tilespmem:s9], [sflag:$0x1] =	stream.indirect_vreg.gather [hbm4b:s1+s3], $0x80, v3, vm0, $0xb8;
	[tilespmem:$0x4B00] =	vst v63  }
0xd7: {  	_ = 	snop  }
0xd8: {  	[tilespmem:s10], [sflag:$0x1] =	stream.indirect_vreg.gather [hbm4b:s1+s3], $0x80, v4, vm0, $0xb8;
	[tilespmem:$0x4B00] =	vst v63  }
0xd9: {  	_ = 	snop  }
0xda: {  	[tilespmem:s11], [sflag:$0x1] =	stream.indirect_vreg.gather [hbm4b:s1+s3], $0x80, v5, vm0, $0xb8;
	[tilespmem:$0x4B00] =	vst v63  }
0xdb: {  	_ = 	snop  }
0xdc: {  	[tilespmem:s12], [sflag:$0x1] =	stream.indirect_vreg.gather [hbm4b:s1+s3], $0x80, v6, vm0, $0xb8;
	[tilespmem:$0x4B00] =	vst v63  }
0xdd: {  	_ = 	snop  }
0xde: {  	[tilespmem:s13], [sflag:$0x1] =	stream.indirect_vreg.gather [hbm4b:s1+s3], $0x80, v7, vm0, $0xb8;
	[tilespmem:$0x4B00] =	vst v63  }
0xdf: {  	_ = 	snop  }
0xe0: {  	[tilespmem:s14], [sflag:$0x1] =	stream.indirect_vreg.gather [hbm4b:s1+s3], $0x80, v8, vm0, $0xb8;
	[tilespmem:$0x4B00] =	vst v63  }
0xe1: {  	_ =	swait.ge [sflag:s15], $0x800  }
0xe2: {  	[sflag:s15] =	ssyncset.done $0x0  }
0xe3: {  	[sflag:s15] =	ssyncadd.s32 $0xFFFFF800  }
0xe4: {  	_ =	swait.ge [sflag:s15], $0x800  }
0xe5: {  	[sflag:s15] =	ssyncset.done $0x0  }
0xe6: {  	[sflag:s15] =	ssyncadd.s32 $0xFFFFF800  }
0xe7: {  	_ =	swait.ge [sflag:s15], $0x800  }
0xe8: {  	[sflag:s15] =	ssyncset.done $0x0  }
0xe9: {  	[sflag:s15] =	ssyncadd.s32 $0xFFFFF800  }
0xea: {  	_ =	swait.ge [sflag:s15], $0x800  }
0xeb: {  	[sflag:s15] =	ssyncset.done $0x0  }
0xec: {  	[sflag:s15] =	ssyncadd.s32 $0xFFFFF800  }
0xed: {  	_ =	swait.ge [sflag:s15], $0x800  }
0xee: {  	[sflag:s15] =	ssyncset.done $0x0  }
0xef: {  	[sflag:s15] =	ssyncadd.s32 $0xFFFFF800  }
0xf0: {  	_ =	swait.ge [sflag:s15], $0x800  }
0xf1: {  	[sflag:s15] =	ssyncset.done $0x0  }
0xf2: {  	[sflag:s15] =	ssyncadd.s32 $0xFFFFF800  }
0xf3: {  	_ =	swait.ge [sflag:s15], $0x800  }
0xf4: {  	[sflag:s15] =	ssyncset.done $0x0  }
0xf5: {  	[sflag:s15] =	ssyncadd.s32 $0xFFFFF800  }
0xf6: {  	_ =	swait.ge [sflag:s15], $0x800  }
.Ltmp2:
0xf7: {  	[sflag:s15] =	ssyncset.done $0x0;
	(pc) =	sbr.rel @!p0 .LBB2_2-.Ltmp2, $4  }
0xf8: {  	[sflag:s15] =	ssyncadd.s32 $0xFFFFF800  }
0xf9: {  	_ =	swait.ge [sflag:s15], $0x800  }
0xfa: {  	[sflag:s15] =	ssyncset.done $0x0  }
0xfb: {  	[sflag:s15] =	ssyncadd.s32 $0xFFFFF800  }
.Ltmp3:
0xfc: {  	(pc) =	sbr.rel @!p2 .LBB2_5-.Ltmp3, $1  }
0xfd: {  	_ =	sdelay $0x3  }
0xfe: {  	v10 =	vld [tilespmem:s4+$0x0]  }
0xff: {  	v11 =	vld [tilespmem:s4+$0x80]  }
0x100: {  	v12 =	vld [tilespmem:s4+$0x100]  }
0x101: {  	v13 =	vld [tilespmem:s4+$0x180]  }
0x102: {  	v14 =	vld [tilespmem:s4+$0x200]  }
0x103: {  	v15 =	vld [tilespmem:s4+$0x280]  }
0x104: {  	v16 =	vld [tilespmem:s4+$0x300]  }
0x105: {  	v17 =	vld [tilespmem:s4+$0x380]  }
0x106: {  	v18 =	vld [tilespmem:s4+$0x400]  }
0x107: {  	v19 =	vld [tilespmem:s4+$0x480]  }
0x108: {  	v20 =	vld [tilespmem:s4+$0x500]  }
0x109: {  	v21 =	vld [tilespmem:s4+$0x580]  }
0x10a: {  	v22 =	vld [tilespmem:s4+$0x600]  }
0x10b: {  	v23 =	vld [tilespmem:s4+$0x680]  }
0x10c: {  	v24 =	vld [tilespmem:s4+$0x700]  }
0x10d: {  	v25 =	vld [tilespmem:s4+$0x780]  }
0x10e: {  	v26 =	vld [tilespmem:s4+$0x800]  }
0x10f: {  	v27 =	vld [tilespmem:s4+$0x880]  }
0x110: {  	v28 =	vld [tilespmem:s4+$0x900];
	v10 =	vand.u32 $0x7FFFFFFF, v10;
	v13 =	vand.u32 $0x7FFFFFFF, v13  }
0x111: {  	v62 =	vld [tilespmem:s4+$0x980];
	v11 =	vand.u32 $0x7FFFFFFF, v11;
	v61 =	vand.u32 $0x7FFFFFFF, v14;
	v12 =	vand.u32 $0x7FFFFFFF, v12  }
0x112: {  	v29 =	vld [tilespmem:s4+$0xA00];
	v63 =	vand.u32 $0x7FFFFFFF, v15;
	v10 =	vadd.f32 v13, v10;
	v11 =	vadd.f32 v61, v11  }
0x113: {  	v32 =	vld [tilespmem:s4+$0xA80];
	v30 =	vand.u32 $0x7FFFFFFF, v16;
	v31 =	vand.u32 $0x7FFFFFFF, v17;
	v12 =	vadd.f32 v63, v12  }
0x114: {  	v34 =	vld [tilespmem:s4+$0xB00];
	v33 =	vand.u32 $0x7FFFFFFF, v18;
	v10 =	vadd.f32 v30, v10;
	v11 =	vadd.f32 v31, v11  }
0x115: {  	v37 =	vld [tilespmem:s4+$0xB80];
	v35 =	vand.u32 $0x7FFFFFFF, v19;
	v36 =	vand.u32 $0x7FFFFFFF, v20;
	v12 =	vadd.f32 v33, v12  }
0x116: {  	v39 =	vld [tilespmem:s4+$0xC00];
	v38 =	vand.u32 $0x7FFFFFFF, v21;
	v10 =	vadd.f32 v35, v10;
	v11 =	vadd.f32 v36, v11  }
0x117: {  	v42 =	vld [tilespmem:s4+$0xC80];
	v40 =	vand.u32 $0x7FFFFFFF, v22;
	v41 =	vand.u32 $0x7FFFFFFF, v23;
	v12 =	vadd.f32 v38, v12  }
0x118: {  	v44 =	vld [tilespmem:s4+$0xD00];
	v43 =	vand.u32 $0x7FFFFFFF, v24;
	v10 =	vadd.f32 v40, v10;
	v11 =	vadd.f32 v41, v11  }
0x119: {  	v47 =	vld [tilespmem:s4+$0xD80];
	v45 =	vand.u32 $0x7FFFFFFF, v25;
	v46 =	vand.u32 $0x7FFFFFFF, v26;
	v12 =	vadd.f32 v43, v12  }
0x11a: {  	v49 =	vld [tilespmem:s4+$0xE00];
	v48 =	vand.u32 $0x7FFFFFFF, v27;
	v10 =	vadd.f32 v45, v10;
	v11 =	vadd.f32 v46, v11  }
0x11b: {  	v51 =	vld [tilespmem:s4+$0xE80];
	v50 =	vand.u32 $0x7FFFFFFF, v28;
	v14 =	vand.u32 $0x7FFFFFFF, v62;
	v12 =	vadd.f32 v48, v12  }
0x11c: {  	v53 =	vld [tilespmem:s4+$0xF00];
	v52 =	vand.u32 $0x7FFFFFFF, v29;
	v10 =	vadd.f32 v50, v10;
	v11 =	vadd.f32 v14, v11  }
0x11d: {  	v56 =	vld [tilespmem:s4+$0xF80];
	v54 =	vand.u32 $0x7FFFFFFF, v32;
	v55 =	vand.u32 $0x7FFFFFFF, v34;
	v12 =	vadd.f32 v52, v12  }
0x11e: {  	v58 =	vld [tilespmem:s4+$0x1000];
	v57 =	vand.u32 $0x7FFFFFFF, v37;
	v10 =	vadd.f32 v54, v10;
	v11 =	vadd.f32 v55, v11  }
0x11f: {  	v59 =	vand.u32 $0x7FFFFFFF, v39;
	v60 =	vand.u32 $0x7FFFFFFF, v42;
	v61 =	vld [tilespmem:s4+$0x1080];
	v12 =	vadd.f32 v57, v12  }
0x120: {  	v62 =	vand.u32 $0x7FFFFFFF, v44;
	v63 =	vld [tilespmem:s4+$0x1100];
	v10 =	vadd.f32 v59, v10;
	v11 =	vadd.f32 v60, v11  }
0x121: {  	v21 =	vand.u32 $0x7FFFFFFF, v47;
	v23 =	vand.u32 $0x7FFFFFFF, v49;
	v12 =	vadd.f32 v62, v12  }
0x122: {  	v24 =	vand.u32 $0x7FFFFFFF, v51;
	v25 =	vld [tilespmem:s4+$0x1180];
	v10 =	vadd.f32 v21, v10;
	v11 =	vadd.f32 v23, v11  }
0x123: {  	v26 =	vand.u32 $0x7FFFFFFF, v53;
	v27 =	vand.u32 $0x7FFFFFFF, v56;
	v12 =	vadd.f32 v24, v12  }
0x124: {  	v28 =	vand.u32 $0x7FFFFFFF, v58;
	v10 =	vadd.f32 v26, v10;
	v11 =	vadd.f32 v27, v11  }
0x125: {  	v29 =	vand.u32 $0x7FFFFFFF, v61;
	v30 =	vand.u32 $0x7FFFFFFF, v63;
	v12 =	vadd.f32 v28, v12  }
0x126: {  	v10 =	vadd.f32 v29, v10;
	v11 =	vadd.f32 v30, v11  }
0x127: {  	v31 =	vand.u32 $0x7FFFFFFF, v25  }
0x128: {  	v12 =	vadd.f32 v31, v12;
	v10 =	vadd.f32 v11, v10;
	_ =	sdelay $0x1  }
0x129: {  	v10 =	vadd.f32 v12, v10;
	_ =	sdelay $0x1  }
0x12a: {  	[tilespmem:$0x4800] =	vst v10  }
0x12b: {  	v10 =	vld [tilespmem:s4+$0x1200]  }
0x12c: {  	v11 =	vld [tilespmem:s4+$0x1280]  }
0x12d: {  	v32 =	vld [tilespmem:s4+$0x1300]  }
0x12e: {  	v33 =	vld [tilespmem:s4+$0x1380]  }
0x12f: {  	v34 =	vld [tilespmem:s4+$0x1400]  }
0x130: {  	v35 =	vld [tilespmem:s4+$0x1480]  }
0x131: {  	v36 =	vld [tilespmem:s4+$0x1500]  }
0x132: {  	v37 =	vld [tilespmem:s4+$0x1580]  }
0x133: {  	v38 =	vld [tilespmem:s4+$0x1600]  }
0x134: {  	v39 =	vld [tilespmem:s4+$0x1680]  }
0x135: {  	v40 =	vld [tilespmem:s4+$0x1700]  }
0x136: {  	v41 =	vld [tilespmem:s4+$0x1780]  }
0x137: {  	v42 =	vld [tilespmem:s4+$0x1800]  }
0x138: {  	v43 =	vld [tilespmem:s4+$0x1880]  }
0x139: {  	v44 =	vld [tilespmem:s4+$0x1900];
	v10 =	vand.u32 $0x7FFFFFFF, v10;
	v13 =	vand.u32 $0x7FFFFFFF, v33  }
0x13a: {  	v46 =	vld [tilespmem:s4+$0x1980];
	v11 =	vand.u32 $0x7FFFFFFF, v11;
	v45 =	vand.u32 $0x7FFFFFFF, v34;
	v12 =	vand.u32 $0x7FFFFFFF, v32  }
0x13b: {  	v48 =	vld [tilespmem:s4+$0x1A00];
	v47 =	vand.u32 $0x7FFFFFFF, v35;
	v10 =	vadd.f32 v13, v10;
	v11 =	vadd.f32 v45, v11  }
0x13c: {  	v51 =	vld [tilespmem:s4+$0x1A80];
	v49 =	vand.u32 $0x7FFFFFFF, v36;
	v50 =	vand.u32 $0x7FFFFFFF, v37;
	v12 =	vadd.f32 v47, v12  }
0x13d: {  	v53 =	vld [tilespmem:s4+$0x1B00];
	v52 =	vand.u32 $0x7FFFFFFF, v38;
	v10 =	vadd.f32 v49, v10;
	v11 =	vadd.f32 v50, v11  }
0x13e: {  	v56 =	vld [tilespmem:s4+$0x1B80];
	v54 =	vand.u32 $0x7FFFFFFF, v39;
	v55 =	vand.u32 $0x7FFFFFFF, v40;
	v12 =	vadd.f32 v52, v12  }
0x13f: {  	v58 =	vld [tilespmem:s4+$0x1C00];
	v57 =	vand.u32 $0x7FFFFFFF, v41;
	v10 =	vadd.f32 v54, v10;
	v11 =	vadd.f32 v55, v11  }
0x140: {  	v61 =	vld [tilespmem:s4+$0x1C80];
	v59 =	vand.u32 $0x7FFFFFFF, v42;
	v60 =	vand.u32 $0x7FFFFFFF, v43;
	v12 =	vadd.f32 v57, v12  }
0x141: {  	v63 =	vld [tilespmem:s4+$0x1D00];
	v62 =	vand.u32 $0x7FFFFFFF, v44;
	v10 =	vadd.f32 v59, v10;
	v11 =	vadd.f32 v60, v11  }
0x142: {  	v22 =	vand.u32 $0x7FFFFFFF, v46;
	v23 =	vand.u32 $0x7FFFFFFF, v48;
	v12 =	vadd.f32 v62, v12  }
0x143: {  	v25 =	vld [tilespmem:s4+$0x1D80];
	v24 =	vand.u32 $0x7FFFFFFF, v51;
	v10 =	vadd.f32 v22, v10;
	v11 =	vadd.f32 v23, v11  }
0x144: {  	v26 =	vand.u32 $0x7FFFFFFF, v53;
	v27 =	vand.u32 $0x7FFFFFFF, v56;
	v12 =	vadd.f32 v24, v12  }
0x145: {  	v28 =	vand.u32 $0x7FFFFFFF, v58;
	v10 =	vadd.f32 v26, v10;
	v11 =	vadd.f32 v27, v11  }
0x146: {  	v29 =	vand.u32 $0x7FFFFFFF, v61;
	v30 =	vand.u32 $0x7FFFFFFF, v63;
	v12 =	vadd.f32 v28, v12  }
0x147: {  	v10 =	vadd.f32 v29, v10;
	v11 =	vadd.f32 v30, v11  }
0x148: {  	v31 =	vand.u32 $0x7FFFFFFF, v25  }
0x149: {  	v12 =	vadd.f32 v31, v12;
	v10 =	vadd.f32 v11, v10;
	_ =	sdelay $0x1  }
0x14a: {  	v10 =	vadd.f32 v12, v10;
	_ =	sdelay $0x1  }
0x14b: {  	[tilespmem:$0x4810] =	vst v10  }
0x14c: {  	v10 =	vld [tilespmem:s4+$0x1E80]  }
0x14d: {  	v11 =	vld [tilespmem:s4+$0x1F00]  }
0x14e: {  	v32 =	vld [tilespmem:s4+$0x1F80]  }
0x14f: {  	v33 =	vld [tilespmem:s4+$0x2000]  }
0x150: {  	v34 =	vld [tilespmem:s4+$0x2080]  }
0x151: {  	v35 =	vld [tilespmem:s4+$0x2100]  }
0x152: {  	v36 =	vld [tilespmem:s4+$0x2180]  }
0x153: {  	v37 =	vld [tilespmem:s4+$0x2200]  }
0x154: {  	v38 =	vld [tilespmem:s4+$0x2280]  }
0x155: {  	v39 =	vld [tilespmem:s4+$0x2300]  }
0x156: {  	v40 =	vld [tilespmem:s4+$0x2380]  }
0x157: {  	v41 =	vld [tilespmem:s4+$0x2400]  }
0x158: {  	v42 =	vld [tilespmem:s4+$0x2480]  }
0x159: {  	v43 =	vld [tilespmem:s4+$0x2500]  }
0x15a: {  	v44 =	vld [tilespmem:s4+$0x2580];
	v10 =	vand.u32 $0x7FFFFFFF, v10;
	v13 =	vand.u32 $0x7FFFFFFF, v33  }
0x15b: {  	v46 =	vld [tilespmem:s4+$0x2600];
	v11 =	vand.u32 $0x7FFFFFFF, v11;
	v45 =	vand.u32 $0x7FFFFFFF, v34;
	v12 =	vand.u32 $0x7FFFFFFF, v32  }
0x15c: {  	v48 =	vld [tilespmem:s4+$0x2680];
	v47 =	vand.u32 $0x7FFFFFFF, v35;
	v10 =	vadd.f32 v13, v10;
	v11 =	vadd.f32 v45, v11  }
0x15d: {  	v51 =	vld [tilespmem:s4+$0x2700];
	v49 =	vand.u32 $0x7FFFFFFF, v36;
	v50 =	vand.u32 $0x7FFFFFFF, v37;
	v12 =	vadd.f32 v47, v12  }
0x15e: {  	v53 =	vld [tilespmem:s4+$0x2780];
	v52 =	vand.u32 $0x7FFFFFFF, v38;
	v10 =	vadd.f32 v49, v10;
	v11 =	vadd.f32 v50, v11  }
0x15f: {  	v56 =	vld [tilespmem:s4+$0x2800];
	v54 =	vand.u32 $0x7FFFFFFF, v39;
	v55 =	vand.u32 $0x7FFFFFFF, v40;
	v12 =	vadd.f32 v52, v12  }
0x160: {  	v58 =	vld [tilespmem:s4+$0x2880];
	v57 =	vand.u32 $0x7FFFFFFF, v41;
	v10 =	vadd.f32 v54, v10;
	v11 =	vadd.f32 v55, v11  }
0x161: {  	v61 =	vld [tilespmem:s4+$0x2900];
	v59 =	vand.u32 $0x7FFFFFFF, v42;
	v60 =	vand.u32 $0x7FFFFFFF, v43;
	v12 =	vadd.f32 v57, v12  }
0x162: {  	v63 =	vld [tilespmem:s4+$0x2980];
	v62 =	vand.u32 $0x7FFFFFFF, v44;
	v10 =	vadd.f32 v59, v10;
	v11 =	vadd.f32 v60, v11  }
0x163: {  	v23 =	vand.u32 $0x7FFFFFFF, v46;
	v24 =	vand.u32 $0x7FFFFFFF, v48;
	v12 =	vadd.f32 v62, v12  }
0x164: {  	v26 =	vld [tilespmem:s4+$0x2A00];
	v25 =	vand.u32 $0x7FFFFFFF, v51;
	v10 =	vadd.f32 v23, v10;
	v11 =	vadd.f32 v24, v11  }
0x165: {  	v27 =	vand.u32 $0x7FFFFFFF, v53;
	v28 =	vand.u32 $0x7FFFFFFF, v56;
	v12 =	vadd.f32 v25, v12  }
0x166: {  	v29 =	vand.u32 $0x7FFFFFFF, v58;
	v10 =	vadd.f32 v27, v10;
	v11 =	vadd.f32 v28, v11  }
0x167: {  	v30 =	vand.u32 $0x7FFFFFFF, v61;
	v31 =	vand.u32 $0x7FFFFFFF, v63;
	v12 =	vadd.f32 v29, v12  }
0x168: {  	v10 =	vadd.f32 v30, v10;
	v11 =	vadd.f32 v31, v11  }
0x169: {  	v32 =	vand.u32 $0x7FFFFFFF, v26  }
0x16a: {  	v12 =	vadd.f32 v32, v12;
	v10 =	vadd.f32 v11, v10;
	_ =	sdelay $0x1  }
0x16b: {  	v10 =	vadd.f32 v12, v10;
	_ =	sdelay $0x1  }
0x16c: {  	[tilespmem:$0x4820] =	vst v10  }
0x16d: {  	v10 =	vld [tilespmem:s4+$0x2B80]  }
0x16e: {  	v11 =	vld [tilespmem:s4+$0x2C00]  }
0x16f: {  	v33 =	vld [tilespmem:s4+$0x2C80]  }
0x170: {  	v34 =	vld [tilespmem:s4+$0x2D00]  }
0x171: {  	v35 =	vld [tilespmem:s4+$0x2D80]  }
0x172: {  	v36 =	vld [tilespmem:s4+$0x2E00]  }
0x173: {  	v37 =	vld [tilespmem:s4+$0x2E80]  }
0x174: {  	v38 =	vld [tilespmem:s4+$0x2F00]  }
0x175: {  	v39 =	vld [tilespmem:s4+$0x2F80]  }
0x176: {  	v40 =	vld [tilespmem:s4+$0x3000]  }
0x177: {  	v41 =	vld [tilespmem:s4+$0x3080]  }
0x178: {  	v42 =	vld [tilespmem:s4+$0x3100]  }
0x179: {  	v43 =	vld [tilespmem:s4+$0x3180]  }
0x17a: {  	v44 =	vld [tilespmem:s4+$0x3200]  }
0x17b: {  	v45 =	vld [tilespmem:s4+$0x3280];
	v10 =	vand.u32 $0x7FFFFFFF, v10;
	v13 =	vand.u32 $0x7FFFFFFF, v34  }
0x17c: {  	v47 =	vld [tilespmem:s4+$0x3300];
	v11 =	vand.u32 $0x7FFFFFFF, v11;
	v46 =	vand.u32 $0x7FFFFFFF, v35;
	v12 =	vand.u32 $0x7FFFFFFF, v33  }
0x17d: {  	v49 =	vld [tilespmem:s4+$0x3380];
	v48 =	vand.u32 $0x7FFFFFFF, v36;
	v10 =	vadd.f32 v13, v10;
	v11 =	vadd.f32 v46, v11  }
0x17e: {  	v52 =	vld [tilespmem:s4+$0x3400];
	v50 =	vand.u32 $0x7FFFFFFF, v37;
	v51 =	vand.u32 $0x7FFFFFFF, v38;
	v12 =	vadd.f32 v48, v12  }
0x17f: {  	v54 =	vld [tilespmem:s4+$0x3480];
	v53 =	vand.u32 $0x7FFFFFFF, v39;
	v10 =	vadd.f32 v50, v10;
	v11 =	vadd.f32 v51, v11  }
0x180: {  	v57 =	vld [tilespmem:s4+$0x3500];
	v55 =	vand.u32 $0x7FFFFFFF, v40;
	v56 =	vand.u32 $0x7FFFFFFF, v41;
	v12 =	vadd.f32 v53, v12  }
0x181: {  	v59 =	vld [tilespmem:s4+$0x3580];
	v58 =	vand.u32 $0x7FFFFFFF, v42;
	v10 =	vadd.f32 v55, v10;
	v11 =	vadd.f32 v56, v11  }
0x182: {  	v62 =	vld [tilespmem:s4+$0x3600];
	v60 =	vand.u32 $0x7FFFFFFF, v43;
	v61 =	vand.u32 $0x7FFFFFFF, v44;
	v12 =	vadd.f32 v58, v12  }
0x183: {  	v24 =	vld [tilespmem:s4+$0x3680];
	v63 =	vand.u32 $0x7FFFFFFF, v45;
	v10 =	vadd.f32 v60, v10;
	v11 =	vadd.f32 v61, v11  }
0x184: {  	v25 =	vand.u32 $0x7FFFFFFF, v47;
	v26 =	vand.u32 $0x7FFFFFFF, v49;
	v12 =	vadd.f32 v63, v12  }
0x185: {  	v28 =	vld [tilespmem:s4+$0x3700];
	v27 =	vand.u32 $0x7FFFFFFF, v52;
	v10 =	vadd.f32 v25, v10;
	v11 =	vadd.f32 v26, v11  }
0x186: {  	v29 =	vand.u32 $0x7FFFFFFF, v54;
	v30 =	vand.u32 $0x7FFFFFFF, v57;
	v12 =	vadd.f32 v27, v12  }
0x187: {  	v31 =	vand.u32 $0x7FFFFFFF, v59;
	v10 =	vadd.f32 v29, v10;
	v11 =	vadd.f32 v30, v11  }
0x188: {  	v32 =	vand.u32 $0x7FFFFFFF, v62;
	v33 =	vand.u32 $0x7FFFFFFF, v24;
	v12 =	vadd.f32 v31, v12  }
0x189: {  	v10 =	vadd.f32 v32, v10;
	v11 =	vadd.f32 v33, v11  }
0x18a: {  	v34 =	vand.u32 $0x7FFFFFFF, v28  }
0x18b: {  	v12 =	vadd.f32 v34, v12;
	v10 =	vadd.f32 v11, v10;
	_ =	sdelay $0x1  }
0x18c: {  	v10 =	vadd.f32 v12, v10;
	_ =	sdelay $0x1  }
0x18d: {  	[tilespmem:$0x4830] =	vst v10  }
0x18e: {  	v10 =	vld [tilespmem:s4+$0x3900]  }
0x18f: {  	v11 =	vld [tilespmem:s4+$0x3980]  }
0x190: {  	v35 =	vld [tilespmem:s4+$0x3A00]  }
0x191: {  	v36 =	vld [tilespmem:s4+$0x3A80]  }
0x192: {  	v37 =	vld [tilespmem:s4+$0x3B00]  }
0x193: {  	v38 =	vld [tilespmem:s4+$0x3B80]  }
0x194: {  	v39 =	vld [tilespmem:s4+$0x3C00]  }
0x195: {  	v40 =	vld [tilespmem:s4+$0x3C80]  }
0x196: {  	v41 =	vld [tilespmem:s4+$0x3D00]  }
0x197: {  	v42 =	vld [tilespmem:s4+$0x3D80]  }
0x198: {  	v43 =	vld [tilespmem:s4+$0x3E00]  }
0x199: {  	v44 =	vld [tilespmem:s4+$0x3E80]  }
0x19a: {  	v45 =	vld [tilespmem:s4+$0x3F00];
	v10 =	vand.u32 $0x7FFFFFFF, v10;
	v13 =	vand.u32 $0x7FFFFFFF, v36  }
0x19b: {  	v47 =	vld [tilespmem:s4+$0x3F80];
	v11 =	vand.u32 $0x7FFFFFFF, v11;
	v46 =	vand.u32 $0x7FFFFFFF, v37;
	v12 =	vand.u32 $0x7FFFFFFF, v35  }
0x19c: {  	v49 =	vld [tilespmem:s4+$0x4600];
	v48 =	vand.u32 $0x7FFFFFFF, v38;
	v10 =	vadd.f32 v13, v10;
	v11 =	vadd.f32 v46, v11  }
0x19d: {  	v52 =	vld [tilespmem:s4+$0x4680];
	v50 =	vand.u32 $0x7FFFFFFF, v39;
	v51 =	vand.u32 $0x7FFFFFFF, v40;
	v12 =	vadd.f32 v48, v12  }
0x19e: {  	v54 =	vld [tilespmem:s4+$0x4700];
	v53 =	vand.u32 $0x7FFFFFFF, v41;
	v10 =	vadd.f32 v50, v10;
	v11 =	vadd.f32 v51, v11  }
0x19f: {  	v55 =	vand.u32 $0x7FFFFFFF, v42;
	v56 =	vand.u32 $0x7FFFFFFF, v43;
	v12 =	vadd.f32 v53, v12  }
0x1a0: {  	v58 =	vld [tilespmem:s4+$0x4780];
	v57 =	vand.u32 $0x7FFFFFFF, v44;
	v10 =	vadd.f32 v55, v10;
	v11 =	vadd.f32 v56, v11  }
0x1a1: {  	v59 =	vand.u32 $0x7FFFFFFF, v45;
	v14 =	vand.u32 $0x7FFFFFFF, v47;
	v12 =	vadd.f32 v57, v12  }
0x1a2: {  	v60 =	vand.u32 $0x7FFFFFFF, v49;
	v10 =	vadd.f32 v59, v10;
	v11 =	vadd.f32 v14, v11  }
0x1a3: {  	v61 =	vand.u32 $0x7FFFFFFF, v52;
	v62 =	vand.u32 $0x7FFFFFFF, v54;
	v12 =	vadd.f32 v60, v12  }
0x1a4: {  	v10 =	vadd.f32 v61, v10;
	v11 =	vadd.f32 v62, v11  }
0x1a5: {  	v63 =	vand.u32 $0x7FFFFFFF, v58  }
0x1a6: {  	v12 =	vadd.f32 v63, v12;
	v10 =	vadd.f32 v11, v10;
	_ =	sdelay $0x1  }
0x1a7: {  	v10 =	vadd.f32 v12, v10;
	_ =	sdelay $0x1  }
0x1a8: {  	[tilespmem:$0x4840] =	vst v10;
	v10 =	vimm.f32 $0.0e+00  }
0x1a9: {  	[tilespmem:$0x4850] =	vst v10  }
0x1aa: {  	[tilespmem:$0x4860] =	vst v10  }
0x1ab: {  	[tilespmem:$0x4870] =	vst v10  }
0x1ac: {  	[tilespmem:$0x4880] =	vst v10  }
0x1ad: {  	v11 =	vld [tilespmem:s4+$0x1E00];
	_ =	sdelay $0x4  }
0x1ae: {  	v11 =	vand.u32 $0x7FFFFFFF, v11  }
0x1af: {  	[tilespmem:$0x4890] =	vst v11  }
0x1b0: {  	v11 =	vld [tilespmem:s4+$0x2A80];
	_ =	sdelay $0x4  }
0x1b1: {  	v11 =	vand.u32 $0x7FFFFFFF, v11  }
0x1b2: {  	[tilespmem:$0x48A0] =	vst v11  }
0x1b3: {  	v11 =	vld [tilespmem:s4+$0x2B00];
	_ =	sdelay $0x4  }
0x1b4: {  	v11 =	vand.u32 $0x7FFFFFFF, v11  }
0x1b5: {  	[tilespmem:$0x48B0] =	vst v11  }
0x1b6: {  	v11 =	vld [tilespmem:s4+$0x3780];
	_ =	sdelay $0x4  }
0x1b7: {  	v11 =	vand.u32 $0x7FFFFFFF, v11  }
0x1b8: {  	[tilespmem:$0x48C0] =	vst v11  }
0x1b9: {  	v11 =	vld [tilespmem:s4+$0x3800];
	_ =	sdelay $0x4  }
0x1ba: {  	v11 =	vand.u32 $0x7FFFFFFF, v11  }
0x1bb: {  	[tilespmem:$0x48D0] =	vst v11  }
0x1bc: {  	v11 =	vld [tilespmem:s4+$0x3880];
	[tilespmem:$0x48F0] =	vst v10  }
0x1bd: {  	[tilespmem:$0x4900] =	vst v10  }
0x1be: {  	[tilespmem:$0x4910] =	vst v10  }
0x1bf: {  	[tilespmem:$0x4920] =	vst v10  }
0x1c0: {  	[tilespmem:$0x4930] =	vst v10  }
0x1c1: {  	[tilespmem:$0x4940] =	vst v10  }
0x1c2: {  	[tilespmem:$0x4950] =	vst v10  }
0x1c3: {  	[tilespmem:$0x4960] =	vst v10  }
0x1c4: {  	[tilespmem:$0x4970] =	vst v10  }
0x1c5: {  	[tilespmem:$0x4980] =	vst v10  }
0x1c6: {  	[tilespmem:$0x4990] =	vst v10  }
0x1c7: {  	[tilespmem:$0x49A0] =	vst v10  }
0x1c8: {  	[tilespmem:$0x49B0] =	vst v10  }
0x1c9: {  	[tilespmem:$0x49C0] =	vst v10  }
0x1ca: {  	[tilespmem:$0x49D0] =	vst v10  }
0x1cb: {  	[tilespmem:$0x49E0] =	vst v10  }
0x1cc: {  	[tilespmem:$0x49F0] =	vst v10  }
0x1cd: {  	[tilespmem:$0x4A00] =	vst v10  }
0x1ce: {  	[tilespmem:$0x4A10] =	vst v10  }
0x1cf: {  	[tilespmem:$0x4A20] =	vst v10  }
0x1d0: {  	[tilespmem:$0x4A30] =	vst v10  }
0x1d1: {  	[tilespmem:$0x4A40] =	vst v10  }
0x1d2: {  	[tilespmem:$0x4A50] =	vst v10  }
0x1d3: {  	[tilespmem:$0x4A60] =	vst v10  }
0x1d4: {  	[tilespmem:$0x4A70] =	vst v10  }
.Ltmp4:
0x1d5: {  	[tilespmem:$0x4A80] =	vst v10;
	(pc) =	sbr.rel .LBB2_6-.Ltmp4, $4  }
0x1d6: {  	[tilespmem:$0x4A90] =	vst v10  }
0x1d7: {  	[tilespmem:$0x4AA0] =	vst v10  }
0x1d8: {  	[tilespmem:$0x4AB0] =	vst v10;
	v11 =	vand.u32 $0x7FFFFFFF, v11  }
0x1d9: {  	[tilespmem:$0x48E0] =	vst v11  }
.LBB2_5:
0x1da: {  	[tilespmem:$0x4800] =	vst v9  }
0x1db: {  	[tilespmem:$0x4810] =	vst v9  }
0x1dc: {  	[tilespmem:$0x4820] =	vst v9  }
0x1dd: {  	[tilespmem:$0x4830] =	vst v9  }
0x1de: {  	v10 =	vld [tilespmem:s4+$0x0]  }
0x1df: {  	v11 =	vld [tilespmem:s4+$0x80]  }
0x1e0: {  	v12 =	vld [tilespmem:s4+$0x180]  }
0x1e1: {  	v13 =	vld [tilespmem:s4+$0x200]  }
0x1e2: {  	v14 =	vld [tilespmem:s4+$0x100]  }
0x1e3: {  	v15 =	vld [tilespmem:s4+$0x280];
	_ =	sdelay $0x1  }
0x1e4: {  	v10 =	vand.u32 $0x7FFFFFFF, v10  }
0x1e5: {  	v11 =	vand.u32 $0x7FFFFFFF, v11;
	v12 =	vand.u32 $0x7FFFFFFF, v12;
	v13 =	vand.u32 $0x7FFFFFFF, v13  }
0x1e6: {  	v10 =	vadd.f32 v12, v10;
	v11 =	vadd.f32 v13, v11  }
0x1e7: {  	v53 =	vand.u32 $0x7FFFFFFF, v14;
	v54 =	vand.u32 $0x7FFFFFFF, v15  }
0x1e8: {  	v12 =	vadd.f32 v54, v53;
	v10 =	vadd.f32 v11, v10;
	_ =	sdelay $0x1  }
0x1e9: {  	v10 =	vadd.f32 v12, v10;
	_ =	sdelay $0x1  }
0x1ea: {  	[tilespmem:$0x4840] =	vst v10  }
0x1eb: {  	v10 =	vld [tilespmem:s4+$0x500]  }
0x1ec: {  	v11 =	vld [tilespmem:s4+$0x580]  }
0x1ed: {  	v55 =	vld [tilespmem:s4+$0x600]  }
0x1ee: {  	v56 =	vld [tilespmem:s4+$0x680]  }
0x1ef: {  	v57 =	vld [tilespmem:s4+$0x700]  }
0x1f0: {  	v58 =	vld [tilespmem:s4+$0x780]  }
0x1f1: {  	v16 =	vld [tilespmem:s4+$0x800]  }
0x1f2: {  	v17 =	vld [tilespmem:s4+$0x880]  }
0x1f3: {  	v18 =	vld [tilespmem:s4+$0x900]  }
0x1f4: {  	v19 =	vld [tilespmem:s4+$0x980]  }
0x1f5: {  	v20 =	vld [tilespmem:s4+$0xA00]  }
0x1f6: {  	v21 =	vld [tilespmem:s4+$0xA80]  }
0x1f7: {  	v22 =	vld [tilespmem:s4+$0xB00]  }
0x1f8: {  	v23 =	vld [tilespmem:s4+$0xB80]  }
0x1f9: {  	v24 =	vld [tilespmem:s4+$0xC00];
	v10 =	vand.u32 $0x7FFFFFFF, v10;
	v13 =	vand.u32 $0x7FFFFFFF, v56  }
0x1fa: {  	v60 =	vld [tilespmem:s4+$0xC80];
	v11 =	vand.u32 $0x7FFFFFFF, v11;
	v59 =	vand.u32 $0x7FFFFFFF, v57;
	v12 =	vand.u32 $0x7FFFFFFF, v55  }
0x1fb: {  	v62 =	vld [tilespmem:s4+$0xD00];
	v61 =	vand.u32 $0x7FFFFFFF, v58;
	v10 =	vadd.f32 v13, v10;
	v11 =	vadd.f32 v59, v11  }
0x1fc: {  	v26 =	vld [tilespmem:s4+$0xD80];
	v63 =	vand.u32 $0x7FFFFFFF, v16;
	v25 =	vand.u32 $0x7FFFFFFF, v17;
	v12 =	vadd.f32 v61, v12  }
0x1fd: {  	v28 =	vld [tilespmem:s4+$0xE00];
	v27 =	vand.u32 $0x7FFFFFFF, v18;
	v10 =	vadd.f32 v63, v10;
	v11 =	vadd.f32 v25, v11  }
0x1fe: {  	v31 =	vld [tilespmem:s4+$0xE80];
	v29 =	vand.u32 $0x7FFFFFFF, v19;
	v30 =	vand.u32 $0x7FFFFFFF, v20;
	v12 =	vadd.f32 v27, v12  }
0x1ff: {  	v33 =	vld [tilespmem:s4+$0xF00];
	v32 =	vand.u32 $0x7FFFFFFF, v21;
	v10 =	vadd.f32 v29, v10;
	v11 =	vadd.f32 v30, v11  }
0x200: {  	v36 =	vld [tilespmem:s4+$0xF80];
	v34 =	vand.u32 $0x7FFFFFFF, v22;
	v35 =	vand.u32 $0x7FFFFFFF, v23;
	v12 =	vadd.f32 v32, v12  }
0x201: {  	v38 =	vld [tilespmem:s4+$0x1000];
	v37 =	vand.u32 $0x7FFFFFFF, v24;
	v10 =	vadd.f32 v34, v10;
	v11 =	vadd.f32 v35, v11  }
0x202: {  	v39 =	vand.u32 $0x7FFFFFFF, v60;
	v40 =	vand.u32 $0x7FFFFFFF, v62;
	v12 =	vadd.f32 v37, v12  }
0x203: {  	v42 =	vld [tilespmem:s4+$0x1080];
	v41 =	vand.u32 $0x7FFFFFFF, v26;
	v10 =	vadd.f32 v39, v10;
	v11 =	vadd.f32 v40, v11  }
0x204: {  	v43 =	vand.u32 $0x7FFFFFFF, v28;
	v44 =	vand.u32 $0x7FFFFFFF, v31;
	v12 =	vadd.f32 v41, v12  }
0x205: {  	v45 =	vand.u32 $0x7FFFFFFF, v33;
	v10 =	vadd.f32 v43, v10;
	v11 =	vadd.f32 v44, v11  }
0x206: {  	v46 =	vand.u32 $0x7FFFFFFF, v36;
	v47 =	vand.u32 $0x7FFFFFFF, v38;
	v12 =	vadd.f32 v45, v12  }
0x207: {  	v10 =	vadd.f32 v46, v10;
	v11 =	vadd.f32 v47, v11  }
0x208: {  	v48 =	vand.u32 $0x7FFFFFFF, v42  }
0x209: {  	v12 =	vadd.f32 v48, v12;
	v10 =	vadd.f32 v11, v10;
	_ =	sdelay $0x1  }
0x20a: {  	v10 =	vadd.f32 v12, v10;
	_ =	sdelay $0x1  }
0x20b: {  	[tilespmem:$0x4850] =	vst v10  }
0x20c: {  	v10 =	vld [tilespmem:s4+$0x1380]  }
0x20d: {  	v11 =	vld [tilespmem:s4+$0x1400]  }
0x20e: {  	v49 =	vld [tilespmem:s4+$0x1480]  }
0x20f: {  	v50 =	vld [tilespmem:s4+$0x1500]  }
0x210: {  	v51 =	vld [tilespmem:s4+$0x1580]  }
0x211: {  	v52 =	vld [tilespmem:s4+$0x1600]  }
0x212: {  	v53 =	vld [tilespmem:s4+$0x1680]  }
0x213: {  	v54 =	vld [tilespmem:s4+$0x1700]  }
0x214: {  	v55 =	vld [tilespmem:s4+$0x1780]  }
0x215: {  	v56 =	vld [tilespmem:s4+$0x1800]  }
0x216: {  	v57 =	vld [tilespmem:s4+$0x1880]  }
0x217: {  	v58 =	vld [tilespmem:s4+$0x1900]  }
0x218: {  	v59 =	vld [tilespmem:s4+$0x1980]  }
0x219: {  	v60 =	vld [tilespmem:s4+$0x1A00]  }
0x21a: {  	v61 =	vld [tilespmem:s4+$0x1A80];
	v10 =	vand.u32 $0x7FFFFFFF, v10;
	v13 =	vand.u32 $0x7FFFFFFF, v50  }
0x21b: {  	v63 =	vld [tilespmem:s4+$0x1B00];
	v11 =	vand.u32 $0x7FFFFFFF, v11;
	v62 =	vand.u32 $0x7FFFFFFF, v51;
	v12 =	vand.u32 $0x7FFFFFFF, v49  }
0x21c: {  	v26 =	vld [tilespmem:s4+$0x1B80];
	v25 =	vand.u32 $0x7FFFFFFF, v52;
	v10 =	vadd.f32 v13, v10;
	v11 =	vadd.f32 v62, v11  }
0x21d: {  	v29 =	vld [tilespmem:s4+$0x1C00];
	v27 =	vand.u32 $0x7FFFFFFF, v53;
	v28 =	vand.u32 $0x7FFFFFFF, v54;
	v12 =	vadd.f32 v25, v12  }
0x21e: {  	v31 =	vld [tilespmem:s4+$0x1C80];
	v30 =	vand.u32 $0x7FFFFFFF, v55;
	v10 =	vadd.f32 v27, v10;
	v11 =	vadd.f32 v28, v11  }
0x21f: {  	v34 =	vld [tilespmem:s4+$0x1D00];
	v32 =	vand.u32 $0x7FFFFFFF, v56;
	v33 =	vand.u32 $0x7FFFFFFF, v57;
	v12 =	vadd.f32 v30, v12  }
0x220: {  	v36 =	vld [tilespmem:s4+$0x1D80];
	v35 =	vand.u32 $0x7FFFFFFF, v58;
	v10 =	vadd.f32 v32, v10;
	v11 =	vadd.f32 v33, v11  }
0x221: {  	v39 =	vld [tilespmem:s4+$0x1E00];
	v37 =	vand.u32 $0x7FFFFFFF, v59;
	v38 =	vand.u32 $0x7FFFFFFF, v60;
	v12 =	vadd.f32 v35, v12  }
0x222: {  	v41 =	vld [tilespmem:s4+$0x1E80];
	v40 =	vand.u32 $0x7FFFFFFF, v61;
	v10 =	vadd.f32 v37, v10;
	v11 =	vadd.f32 v38, v11  }
0x223: {  	v42 =	vand.u32 $0x7FFFFFFF, v63;
	v43 =	vand.u32 $0x7FFFFFFF, v26;
	v12 =	vadd.f32 v40, v12  }
0x224: {  	v45 =	vld [tilespmem:s4+$0x1F00];
	v44 =	vand.u32 $0x7FFFFFFF, v29;
	v10 =	vadd.f32 v42, v10;
	v11 =	vadd.f32 v43, v11  }
0x225: {  	v46 =	vand.u32 $0x7FFFFFFF, v31;
	v47 =	vand.u32 $0x7FFFFFFF, v34;
	v12 =	vadd.f32 v44, v12  }
0x226: {  	v48 =	vand.u32 $0x7FFFFFFF, v36;
	v10 =	vadd.f32 v46, v10;
	v11 =	vadd.f32 v47, v11  }
0x227: {  	v49 =	vand.u32 $0x7FFFFFFF, v39;
	v50 =	vand.u32 $0x7FFFFFFF, v41;
	v12 =	vadd.f32 v48, v12  }
0x228: {  	v10 =	vadd.f32 v49, v10;
	v11 =	vadd.f32 v50, v11  }
0x229: {  	v51 =	vand.u32 $0x7FFFFFFF, v45  }
0x22a: {  	v12 =	vadd.f32 v51, v12;
	v10 =	vadd.f32 v11, v10;
	_ =	sdelay $0x1  }
0x22b: {  	v10 =	vadd.f32 v12, v10;
	_ =	sdelay $0x1  }
0x22c: {  	[tilespmem:$0x4860] =	vst v10  }
0x22d: {  	v10 =	vld [tilespmem:s4+$0x2280]  }
0x22e: {  	v11 =	vld [tilespmem:s4+$0x2300]  }
0x22f: {  	v52 =	vld [tilespmem:s4+$0x2380]  }
0x230: {  	v53 =	vld [tilespmem:s4+$0x2400]  }
0x231: {  	v54 =	vld [tilespmem:s4+$0x2480]  }
0x232: {  	v55 =	vld [tilespmem:s4+$0x2500]  }
0x233: {  	v56 =	vld [tilespmem:s4+$0x2580]  }
0x234: {  	v57 =	vld [tilespmem:s4+$0x2600]  }
0x235: {  	v58 =	vld [tilespmem:s4+$0x2680]  }
0x236: {  	v59 =	vld [tilespmem:s4+$0x2700]  }
0x237: {  	v60 =	vld [tilespmem:s4+$0x2780]  }
0x238: {  	v61 =	vld [tilespmem:s4+$0x2800]  }
0x239: {  	v62 =	vld [tilespmem:s4+$0x2880]  }
0x23a: {  	v63 =	vld [tilespmem:s4+$0x2900]  }
0x23b: {  	v28 =	vld [tilespmem:s4+$0x2980];
	v10 =	vand.u32 $0x7FFFFFFF, v10;
	v13 =	vand.u32 $0x7FFFFFFF, v53  }
0x23c: {  	v30 =	vld [tilespmem:s4+$0x2A00];
	v11 =	vand.u32 $0x7FFFFFFF, v11;
	v29 =	vand.u32 $0x7FFFFFFF, v54;
	v12 =	vand.u32 $0x7FFFFFFF, v52  }
0x23d: {  	v32 =	vld [tilespmem:s4+$0x2A80];
	v31 =	vand.u32 $0x7FFFFFFF, v55;
	v10 =	vadd.f32 v13, v10;
	v11 =	vadd.f32 v29, v11  }
0x23e: {  	v35 =	vld [tilespmem:s4+$0x2B00];
	v33 =	vand.u32 $0x7FFFFFFF, v56;
	v34 =	vand.u32 $0x7FFFFFFF, v57;
	v12 =	vadd.f32 v31, v12  }
0x23f: {  	v37 =	vld [tilespmem:s4+$0x2B80];
	v36 =	vand.u32 $0x7FFFFFFF, v58;
	v10 =	vadd.f32 v33, v10;
	v11 =	vadd.f32 v34, v11  }
0x240: {  	v40 =	vld [tilespmem:s4+$0x2C00];
	v38 =	vand.u32 $0x7FFFFFFF, v59;
	v39 =	vand.u32 $0x7FFFFFFF, v60;
	v12 =	vadd.f32 v36, v12  }
0x241: {  	v42 =	vld [tilespmem:s4+$0x2C80];
	v41 =	vand.u32 $0x7FFFFFFF, v61;
	v10 =	vadd.f32 v38, v10;
	v11 =	vadd.f32 v39, v11  }
0x242: {  	v45 =	vld [tilespmem:s4+$0x2D00];
	v43 =	vand.u32 $0x7FFFFFFF, v62;
	v44 =	vand.u32 $0x7FFFFFFF, v63;
	v12 =	vadd.f32 v41, v12  }
0x243: {  	v47 =	vld [tilespmem:s4+$0x2D80];
	v46 =	vand.u32 $0x7FFFFFFF, v28;
	v10 =	vadd.f32 v43, v10;
	v11 =	vadd.f32 v44, v11  }
0x244: {  	v48 =	vand.u32 $0x7FFFFFFF, v30;
	v49 =	vand.u32 $0x7FFFFFFF, v32;
	v12 =	vadd.f32 v46, v12  }
0x245: {  	v51 =	vld [tilespmem:s4+$0x2E00];
	v50 =	vand.u32 $0x7FFFFFFF, v35;
	v10 =	vadd.f32 v48, v10;
	v11 =	vadd.f32 v49, v11  }
0x246: {  	v52 =	vand.u32 $0x7FFFFFFF, v37;
	v53 =	vand.u32 $0x7FFFFFFF, v40;
	v12 =	vadd.f32 v50, v12  }
0x247: {  	v54 =	vand.u32 $0x7FFFFFFF, v42;
	v10 =	vadd.f32 v52, v10;
	v11 =	vadd.f32 v53, v11  }
0x248: {  	v55 =	vand.u32 $0x7FFFFFFF, v45;
	v56 =	vand.u32 $0x7FFFFFFF, v47;
	v12 =	vadd.f32 v54, v12  }
0x249: {  	v10 =	vadd.f32 v55, v10;
	v11 =	vadd.f32 v56, v11  }
0x24a: {  	v57 =	vand.u32 $0x7FFFFFFF, v51  }
0x24b: {  	v12 =	vadd.f32 v57, v12;
	v10 =	vadd.f32 v11, v10;
	_ =	sdelay $0x1  }
0x24c: {  	v10 =	vadd.f32 v12, v10;
	_ =	sdelay $0x1  }
0x24d: {  	[tilespmem:$0x4870] =	vst v10  }
0x24e: {  	v10 =	vld [tilespmem:s4+$0x3200]  }
0x24f: {  	v11 =	vld [tilespmem:s4+$0x3280]  }
0x250: {  	v58 =	vld [tilespmem:s4+$0x3300]  }
0x251: {  	v59 =	vld [tilespmem:s4+$0x3380]  }
0x252: {  	v60 =	vld [tilespmem:s4+$0x3400]  }
0x253: {  	v61 =	vld [tilespmem:s4+$0x3480]  }
0x254: {  	v62 =	vld [tilespmem:s4+$0x3500]  }
0x255: {  	v63 =	vld [tilespmem:s4+$0x3580]  }
0x256: {  	v28 =	vld [tilespmem:s4+$0x3600]  }
0x257: {  	v29 =	vld [tilespmem:s4+$0x3680]  }
0x258: {  	v30 =	vld [tilespmem:s4+$0x3700]  }
0x259: {  	v31 =	vld [tilespmem:s4+$0x3780]  }
0x25a: {  	v32 =	vld [tilespmem:s4+$0x3800]  }
0x25b: {  	v33 =	vld [tilespmem:s4+$0x3880]  }
0x25c: {  	v34 =	vld [tilespmem:s4+$0x3900];
	v10 =	vand.u32 $0x7FFFFFFF, v10;
	v13 =	vand.u32 $0x7FFFFFFF, v59  }
0x25d: {  	v36 =	vld [tilespmem:s4+$0x3980];
	v11 =	vand.u32 $0x7FFFFFFF, v11;
	v35 =	vand.u32 $0x7FFFFFFF, v60;
	v12 =	vand.u32 $0x7FFFFFFF, v58  }
0x25e: {  	v38 =	vld [tilespmem:s4+$0x3A00];
	v37 =	vand.u32 $0x7FFFFFFF, v61;
	v10 =	vadd.f32 v13, v10;
	v11 =	vadd.f32 v35, v11  }
0x25f: {  	v41 =	vld [tilespmem:s4+$0x3A80];
	v39 =	vand.u32 $0x7FFFFFFF, v62;
	v40 =	vand.u32 $0x7FFFFFFF, v63;
	v12 =	vadd.f32 v37, v12  }
0x260: {  	v43 =	vld [tilespmem:s4+$0x3B00];
	v42 =	vand.u32 $0x7FFFFFFF, v28;
	v10 =	vadd.f32 v39, v10;
	v11 =	vadd.f32 v40, v11  }
0x261: {  	v46 =	vld [tilespmem:s4+$0x3B80];
	v44 =	vand.u32 $0x7FFFFFFF, v29;
	v45 =	vand.u32 $0x7FFFFFFF, v30;
	v12 =	vadd.f32 v42, v12  }
0x262: {  	v48 =	vld [tilespmem:s4+$0x3C00];
	v47 =	vand.u32 $0x7FFFFFFF, v31;
	v10 =	vadd.f32 v44, v10;
	v11 =	vadd.f32 v45, v11  }
0x263: {  	v51 =	vld [tilespmem:s4+$0x3C80];
	v49 =	vand.u32 $0x7FFFFFFF, v32;
	v50 =	vand.u32 $0x7FFFFFFF, v33;
	v12 =	vadd.f32 v47, v12  }
0x264: {  	v53 =	vld [tilespmem:s4+$0x3D00];
	v52 =	vand.u32 $0x7FFFFFFF, v34;
	v10 =	vadd.f32 v49, v10;
	v11 =	vadd.f32 v50, v11  }
0x265: {  	v54 =	vand.u32 $0x7FFFFFFF, v36;
	v55 =	vand.u32 $0x7FFFFFFF, v38;
	v12 =	vadd.f32 v52, v12  }
0x266: {  	v57 =	vld [tilespmem:s4+$0x3D80];
	v56 =	vand.u32 $0x7FFFFFFF, v41;
	v10 =	vadd.f32 v54, v10;
	v11 =	vadd.f32 v55, v11  }
0x267: {  	v58 =	vand.u32 $0x7FFFFFFF, v43;
	v59 =	vand.u32 $0x7FFFFFFF, v46;
	v12 =	vadd.f32 v56, v12  }
0x268: {  	v60 =	vand.u32 $0x7FFFFFFF, v48;
	v10 =	vadd.f32 v58, v10;
	v11 =	vadd.f32 v59, v11  }
0x269: {  	v61 =	vand.u32 $0x7FFFFFFF, v51;
	v62 =	vand.u32 $0x7FFFFFFF, v53;
	v12 =	vadd.f32 v60, v12  }
0x26a: {  	[tilespmem:$0x4890] =	vst v9;
	v10 =	vadd.f32 v61, v10;
	v11 =	vadd.f32 v62, v11  }
0x26b: {  	[tilespmem:$0x48A0] =	vst v9;
	v63 =	vand.u32 $0x7FFFFFFF, v57  }
0x26c: {  	[tilespmem:$0x48B0] =	vst v9;
	v12 =	vadd.f32 v63, v12;
	v10 =	vadd.f32 v11, v10  }
0x26d: {  	[tilespmem:$0x48C0] =	vst v9  }
0x26e: {  	[tilespmem:$0x48D0] =	vst v9;
	v10 =	vadd.f32 v12, v10  }
0x26f: {  	[tilespmem:$0x48E0] =	vst v9  }
0x270: {  	[tilespmem:$0x4880] =	vst v10  }
0x271: {  	v10 =	vld [tilespmem:s4+$0x300];
	_ =	sdelay $0x4  }
0x272: {  	v10 =	vand.u32 $0x7FFFFFFF, v10  }
0x273: {  	[tilespmem:$0x48F0] =	vst v10  }
0x274: {  	v10 =	vld [tilespmem:s4+$0x380];
	_ =	sdelay $0x4  }
0x275: {  	v10 =	vand.u32 $0x7FFFFFFF, v10  }
0x276: {  	[tilespmem:$0x4900] =	vst v10  }
0x277: {  	v10 =	vld [tilespmem:s4+$0x400];
	_ =	sdelay $0x4  }
0x278: {  	v10 =	vand.u32 $0x7FFFFFFF, v10  }
0x279: {  	[tilespmem:$0x4910] =	vst v10  }
0x27a: {  	v10 =	vld [tilespmem:s4+$0x480];
	_ =	sdelay $0x4  }
0x27b: {  	v10 =	vand.u32 $0x7FFFFFFF, v10  }
0x27c: {  	[tilespmem:$0x4920] =	vst v10  }
0x27d: {  	v10 =	vld [tilespmem:s4+$0x1100];
	_ =	sdelay $0x4  }
0x27e: {  	v10 =	vand.u32 $0x7FFFFFFF, v10  }
0x27f: {  	[tilespmem:$0x4930] =	vst v10  }
0x280: {  	v10 =	vld [tilespmem:s4+$0x1180];
	_ =	sdelay $0x4  }
0x281: {  	v10 =	vand.u32 $0x7FFFFFFF, v10  }
0x282: {  	[tilespmem:$0x4940] =	vst v10  }
0x283: {  	v10 =	vld [tilespmem:s4+$0x1200];
	_ =	sdelay $0x4  }
0x284: {  	v10 =	vand.u32 $0x7FFFFFFF, v10  }
0x285: {  	[tilespmem:$0x4950] =	vst v10  }
0x286: {  	v10 =	vld [tilespmem:s4+$0x1280];
	_ =	sdelay $0x4  }
0x287: {  	v10 =	vand.u32 $0x7FFFFFFF, v10  }
0x288: {  	[tilespmem:$0x4960] =	vst v10  }
0x289: {  	v10 =	vld [tilespmem:s4+$0x1300];
	_ =	sdelay $0x4  }
0x28a: {  	v10 =	vand.u32 $0x7FFFFFFF, v10  }
0x28b: {  	[tilespmem:$0x4970] =	vst v10  }
0x28c: {  	v10 =	vld [tilespmem:s4+$0x1F80];
	_ =	sdelay $0x4  }
0x28d: {  	v10 =	vand.u32 $0x7FFFFFFF, v10  }
0x28e: {  	[tilespmem:$0x4980] =	vst v10  }
0x28f: {  	v10 =	vld [tilespmem:s4+$0x2000];
	_ =	sdelay $0x4  }
0x290: {  	v10 =	vand.u32 $0x7FFFFFFF, v10  }
0x291: {  	[tilespmem:$0x4990] =	vst v10  }
0x292: {  	v10 =	vld [tilespmem:s4+$0x2080];
	_ =	sdelay $0x4  }
0x293: {  	v10 =	vand.u32 $0x7FFFFFFF, v10  }
0x294: {  	[tilespmem:$0x49A0] =	vst v10  }
0x295: {  	v10 =	vld [tilespmem:s4+$0x2100];
	_ =	sdelay $0x4  }
0x296: {  	v10 =	vand.u32 $0x7FFFFFFF, v10  }
0x297: {  	[tilespmem:$0x49B0] =	vst v10  }
0x298: {  	v10 =	vld [tilespmem:s4+$0x2180];
	_ =	sdelay $0x4  }
0x299: {  	v10 =	vand.u32 $0x7FFFFFFF, v10  }
0x29a: {  	[tilespmem:$0x49C0] =	vst v10  }
0x29b: {  	v10 =	vld [tilespmem:s4+$0x2200];
	_ =	sdelay $0x4  }
0x29c: {  	v10 =	vand.u32 $0x7FFFFFFF, v10  }
0x29d: {  	[tilespmem:$0x49D0] =	vst v10  }
0x29e: {  	v10 =	vld [tilespmem:s4+$0x2E80];
	_ =	sdelay $0x4  }
0x29f: {  	v10 =	vand.u32 $0x7FFFFFFF, v10  }
0x2a0: {  	[tilespmem:$0x49E0] =	vst v10  }
0x2a1: {  	v10 =	vld [tilespmem:s4+$0x2F00];
	_ =	sdelay $0x4  }
0x2a2: {  	v10 =	vand.u32 $0x7FFFFFFF, v10  }
0x2a3: {  	[tilespmem:$0x49F0] =	vst v10  }
0x2a4: {  	v10 =	vld [tilespmem:s4+$0x2F80];
	_ =	sdelay $0x4  }
0x2a5: {  	v10 =	vand.u32 $0x7FFFFFFF, v10  }
0x2a6: {  	[tilespmem:$0x4A00] =	vst v10  }
0x2a7: {  	v10 =	vld [tilespmem:s4+$0x3000];
	_ =	sdelay $0x4  }
0x2a8: {  	v10 =	vand.u32 $0x7FFFFFFF, v10  }
0x2a9: {  	[tilespmem:$0x4A10] =	vst v10  }
0x2aa: {  	v10 =	vld [tilespmem:s4+$0x3080];
	_ =	sdelay $0x4  }
0x2ab: {  	v10 =	vand.u32 $0x7FFFFFFF, v10  }
0x2ac: {  	[tilespmem:$0x4A20] =	vst v10  }
0x2ad: {  	v10 =	vld [tilespmem:s4+$0x3100];
	_ =	sdelay $0x4  }
0x2ae: {  	v10 =	vand.u32 $0x7FFFFFFF, v10  }
0x2af: {  	[tilespmem:$0x4A30] =	vst v10  }
0x2b0: {  	v10 =	vld [tilespmem:s4+$0x3180];
	_ =	sdelay $0x4  }
0x2b1: {  	v10 =	vand.u32 $0x7FFFFFFF, v10  }
0x2b2: {  	[tilespmem:$0x4A40] =	vst v10  }
0x2b3: {  	v10 =	vld [tilespmem:s4+$0x3E00];
	_ =	sdelay $0x4  }
0x2b4: {  	v10 =	vand.u32 $0x7FFFFFFF, v10  }
0x2b5: {  	[tilespmem:$0x4A50] =	vst v10  }
0x2b6: {  	v10 =	vld [tilespmem:s4+$0x3E80];
	_ =	sdelay $0x4  }
0x2b7: {  	v10 =	vand.u32 $0x7FFFFFFF, v10  }
0x2b8: {  	[tilespmem:$0x4A60] =	vst v10  }
0x2b9: {  	v10 =	vld [tilespmem:s4+$0x3F00];
	_ =	sdelay $0x4  }
0x2ba: {  	v10 =	vand.u32 $0x7FFFFFFF, v10  }
0x2bb: {  	[tilespmem:$0x4A70] =	vst v10  }
0x2bc: {  	v10 =	vld [tilespmem:s4+$0x3F80];
	_ =	sdelay $0x4  }
0x2bd: {  	v10 =	vand.u32 $0x7FFFFFFF, v10  }
0x2be: {  	[tilespmem:$0x4A80] =	vst v10  }
0x2bf: {  	v10 =	vld [tilespmem:s4+$0x4600];
	_ =	sdelay $0x4  }
0x2c0: {  	v10 =	vand.u32 $0x7FFFFFFF, v10  }
0x2c1: {  	[tilespmem:$0x4A90] =	vst v10  }
0x2c2: {  	v10 =	vld [tilespmem:s4+$0x4680];
	_ =	sdelay $0x4  }
0x2c3: {  	v10 =	vand.u32 $0x7FFFFFFF, v10  }
0x2c4: {  	[tilespmem:$0x4AA0] =	vst v10  }
0x2c5: {  	v10 =	vld [tilespmem:s4+$0x4700];
	_ =	sdelay $0x4  }
0x2c6: {  	v10 =	vand.u32 $0x7FFFFFFF, v10  }
0x2c7: {  	[tilespmem:$0x4AB0] =	vst v10  }
0x2c8: {  	v10 =	vld [tilespmem:s4+$0x4780]  }
.Ltmp5:
0x2c9: {  	_ = 	snop;
	(pc) =	sbr.rel .LBB2_6-.Ltmp5, $2  }
0x2ca: {  	_ =	sdelay $0x2  }
0x2cb: {  	v10 =	vand.u32 $0x7FFFFFFF, v10  }
.LBB2_7:
0x2cc: {  	_ =	sfence.sel $0x180000  }
0x2cd: {  	[bflag:$0x0] =	sbarrier.arrive $0xFFFF  }
0x2ce: {  	p0 =	sne.s32 s2, $0x0;
	_ =	strace $0x90000047  }
0x2cf: {  	s0 =	sadd.s32 @!p0 $0x100000, s0;
	[bflag:$0x2] =	sbarrier.arrive $0xFFFF  }
0x2d0: {  	[sflag:s0] =	ssyncadd.tile.s32 @!p0 $0x1;
	_ =	shalt  }
.Lfunc_end2:
_tile_overlayer_lowered:
.L_overlay_start_2:
0x2d1: {  	(tag) =	ssettag $0x2  }
0x2d2: {  	s0 =	rddreg [dreg:$0x0];
	s2 =	stileid.u32  }
0x2d3: {  	s1 =	rddreg [dreg:$0x1];
	p0 =	sne.s32 s2, $0x0  }
0x2d4: {  	s3 =	rddreg [dreg:$0x2];
	[bflag:$0x3] =	sbarrier.arrive $0xFFFF;
	s2 =	simm.s32 @!p0 $0x1C02  }
0x2d5: {  	[timem:s3], [sflag:s2] =	dma.local @!p0 [hbm:s0], s1  }
0x2d6: {  	s0 =	simm.s32 @!p0 $0x2  }
0x2d7: {  	_ =	swait.ge @!p0 [sflag:s0], s1  }
0x2d8: {  	s1 =	ssub.s32 @!p0 $0x0, s1;
	[sflag:s0] =	ssyncset.done @!p0 $0x0  }
0x2d9: {  	[sflag:s0] =	ssyncadd.s32 @!p0 s1  }
0x2da: {  	[bflag:$0x3] =	sbarrier.arrive $0xFFFF  }
0x2db: {  	_ =	shalt  }

</sc_bundles>
